<compile_context>
chip_gen: v7x
topology: tpu7x:2x2x1
jax: 0.10.2.dev20260603
libtpu: 0.0.44.dev20260713+nightly
codegen_flags: <defaults>
</compile_context>

<pallas_src>
import functools
import jax
import jax.numpy as jnp
from jax import lax
from jax.experimental import pallas as pl
from jax.experimental.pallas import tpu as pltpu
from jax.experimental.pallas import tpu_sc as plsc

N = 10000
NP = 10240
E = 160000
D = 256
H = 256
C = 64

CH = 125
WIN = 8
ROWS = E // CH
NPT = NP // 16
RPT = ROWS // 16
RPTH = ROWS // 32

_MESH = plsc.VectorSubcoreMesh(core_axis_name="c", subcore_axis_name="s",
                               num_cores=2, num_subcores=16)



def _deg_body(dst_hbm, ones_hbm, zeros_hbm, out_hbm, dvm, ones_v, hist):
    cid = lax.axis_index("c")
    sid = lax.axis_index("s")
    pltpu.sync_copy(zeros_hbm.at[pl.ds(sid * NPT, NPT)],
                    hist.at[pl.ds(sid * NPT, NPT)])
    pltpu.sync_copy(ones_hbm.at[pl.ds(0, CH)], ones_v)
    base = cid * (16 * RPTH) + sid * RPTH
    pltpu.sync_copy(dst_hbm.at[pl.ds(base, RPTH)], dvm)
    plsc.subcore_barrier()

    def step(j, carry):
        pltpu.sync_copy(ones_v, hist.at[dvm.at[j]], add=True)
        return carry

    lax.fori_loop(0, RPTH, step, 0)
    plsc.subcore_barrier()
    pltpu.sync_copy(hist.at[pl.ds(sid * NPT, NPT)],
                    out_hbm.at[cid, pl.ds(sid * NPT, NPT)])


def _sc_deg(dst2d, ones, zeros_n):
    return pl.kernel(
        _deg_body,
        out_type=jax.ShapeDtypeStruct((2, NP), jnp.float32),
        mesh=_MESH,
        scratch_types=[
            pltpu.VMEM((RPTH, CH), jnp.int32),
            pltpu.VMEM((CH,), jnp.float32),
            pltpu.VMEM_SHARED((NP,), jnp.float32),
        ],
    )(dst2d, ones, zeros_n)


def _spmm_body(half_edges, f, xflat, srcs, dst_hbm, zeros_hbm, out_hbm,
               svm0, dvm0, svm1, dvm1, rows0, rows1, acc,
               sem0, sem1, isem0, isem1):
    cid = lax.axis_index("c")
    sid = lax.axis_index("s")
    pltpu.sync_copy(zeros_hbm.at[pl.ds(sid * NPT, NPT)],
                    acc.at[pl.ds(sid * NPT, NPT)])
    if half_edges:
        rpt = RPTH
        rb = cid * (16 * RPTH) + sid * RPTH
    else:
        rpt = RPT
        rb = sid * RPT
    plsc.subcore_barrier()

    nw = rpt // WIN
    rows = (rows0, rows1)
    sems = (sem0, sem1)
    svm = (svm0, svm1)
    dvm = (dvm0, dvm1)
    isem = (isem0, isem1)

    def stage(w, b):
        wb = rb + WIN * w
        if half_edges:
            pltpu.async_copy(srcs.at[pl.ds(wb, WIN)], svm[b], isem[b])
        else:
            pltpu.async_copy(srcs.at[cid, pl.ds(wb, WIN)], svm[b], isem[b])
        pltpu.async_copy(dst_hbm.at[pl.ds(wb, WIN)], dvm[b], isem[b])

    def wait_stage(b):
        pltpu.make_async_copy(dst_hbm.at[pl.ds(rb, WIN)], svm[b], isem[b]).wait()
        pltpu.make_async_copy(dst_hbm.at[pl.ds(rb, WIN)], dvm[b], isem[b]).wait()

    def do_window(b, next_pred):
        for j in range(WIN):
            p = j % 2
            if j + 1 < WIN:
                pltpu.async_copy(xflat.at[svm[b].at[j + 1]],
                                 rows[1 - p], sems[1 - p])
            else:
                @pl.when(next_pred)
                def _():
                    wait_stage(1 - b)
                    pltpu.async_copy(xflat.at[svm[1 - b].at[0]],
                                     rows[1 - p], sems[1 - p])
            pltpu.make_async_copy(xflat.at[svm[b].at[j]],
                                  rows[p], sems[p]).wait()
            pltpu.sync_copy(rows[p], acc.at[dvm[b].at[j]], add=True)

    stage(0, 0)
    wait_stage(0)
    pltpu.async_copy(xflat.at[svm[0].at[0]], rows0, sem0)

    def pair(k, carry):
        w0 = 2 * k
        stage(w0 + 1, 1)
        do_window(0, w0 + 1 < nw)

        @pl.when(w0 + 2 < nw)
        def _():
            stage(w0 + 2, 0)

        do_window(1, w0 + 2 < nw)
        return carry

    lax.fori_loop(0, nw // 2, pair, 0)
    if nw % 2:
        do_window(0, jnp.bool_(False))
    plsc.subcore_barrier()
    pltpu.sync_copy(acc.at[pl.ds(sid * NPT, NPT)],
                    out_hbm.at[cid, pl.ds(sid * NPT, NPT)])


def _sc_spmm(xflat, srcs, dst2d, zeros, half_edges, f=128, sc_tiling=False):
    params = (pltpu.CompilerParams(use_tc_tiling_on_sc=False)
              if sc_tiling else None)
    return pl.kernel(
        functools.partial(_spmm_body, half_edges, f),
        out_type=jax.ShapeDtypeStruct((2, NP, f), jnp.float32),
        mesh=_MESH,
        compiler_params=params,
        scratch_types=[
            pltpu.VMEM((WIN, CH), jnp.int32),
            pltpu.VMEM((WIN, CH), jnp.int32),
            pltpu.VMEM((WIN, CH), jnp.int32),
            pltpu.VMEM((WIN, CH), jnp.int32),
            pltpu.VMEM((CH, f), jnp.float32),
            pltpu.VMEM((CH, f), jnp.float32),
            pltpu.VMEM_SHARED((NP, f), jnp.float32),
            pltpu.SemaphoreType.DMA,
            pltpu.SemaphoreType.DMA,
            pltpu.SemaphoreType.DMA,
            pltpu.SemaphoreType.DMA,
        ],
    )(xflat, srcs, dst2d, zeros)



def _k2_body(degp_ref, x_ref, rs_ref, xh_ref):
    deg = degp_ref[0] + degp_ref[1]
    rs = lax.rsqrt(jnp.maximum(deg, 1.0))
    rs_ref[...] = rs
    xs = x_ref[...] * rs
    xh_ref[0] = xs[:, :128]
    xh_ref[1] = xs[:, 128:]


def _k2_prescale(deg_parts, x):
    bn = 2000
    return pl.pallas_call(
        _k2_body,
        grid=(N // bn,),
        in_specs=[
            pl.BlockSpec((2, bn, 1), lambda i: (0, i, 0)),
            pl.BlockSpec((bn, D), lambda i: (i, 0)),
        ],
        out_specs=(
            pl.BlockSpec((bn, 1), lambda i: (i, 0)),
            pl.BlockSpec((2, bn, 128), lambda i: (0, i, 0)),
        ),
        out_shape=(
            jax.ShapeDtypeStruct((NP, 1), jnp.float32),
            jax.ShapeDtypeStruct((2, NP, 128), jnp.float32),
        ),
    )(deg_parts, x)


def _k4_body(rh_ref, rs_ref, w1_ref, b1_ref, w2_ref, qh_ref):
    rs = rs_ref[...]
    m = (jnp.dot(rh_ref[0], w1_ref[0, :128, :], preferred_element_type=jnp.float32)
         + jnp.dot(rh_ref[1], w1_ref[0, 128:, :], preferred_element_type=jnp.float32))
    pos_z = jax.nn.relu(rs * m + b1_ref[...])
    q = jnp.dot(pos_z, w2_ref[0], preferred_element_type=jnp.float32)
    qh_ref[...] = rs * q


def _k4_dense(rh, rs, W1, b1, W2):
    bn = 1280
    grid = (NP // bn,)
    return pl.pallas_call(
        _k4_body,
        grid=grid,
        in_specs=[
            pl.BlockSpec((2, bn, 128), lambda i: (0, i, 0)),
            pl.BlockSpec((bn, 1), lambda i: (i, 0)),
            pl.BlockSpec((1, H, H), lambda i: (0, 0, 0)),
            pl.BlockSpec((1, H), lambda i: (0, 0)),
            pl.BlockSpec((1, H, C), lambda i: (0, 0, 0)),
        ],
        out_specs=pl.BlockSpec((bn, C), lambda i: (i, 0)),
        out_shape=jax.ShapeDtypeStruct((NP, C), jnp.float32),
    )(rh, rs, W1.reshape(1, H, H), b1.reshape(1, H), W2.reshape(1, H, C))


def kernel(x, edge_index, perm, W1, b1, W2, b2):
    src, dst = edge_index[0], edge_index[1]
    dst2d = dst.reshape(ROWS, CH)
    src2d = src.reshape(ROWS, CH)
    srcs = jnp.stack([src, src + NP]).reshape(2, ROWS, CH)
    ones = jnp.ones((128,), jnp.float32)
    zeros_n = jnp.zeros((NP,), jnp.float32)
    zeros1 = jnp.zeros((NP, 128), jnp.float32)

    deg_parts = _sc_deg(dst2d, ones, zeros_n)
    rs, xh = _k2_prescale(deg_parts.reshape(2, NP, 1), x)
    r1 = _sc_spmm(xh.reshape(2 * NP, 128), srcs, dst2d, zeros1, False)
    qh = _k4_dense(r1, rs, W1, b1, W2)
    zeros2 = jnp.zeros((NP, C), jnp.float32)
    r2 = _sc_spmm(qh, src2d, dst2d, zeros2, True, f=C, sc_tiling=True)
    return rs[:N] * (r2[0, :N] + r2[1, :N]) + b2[None, :]

# --- scband reference (transcript-rebuilt; emitter-appended) ---
"""Pipeline reference for scband-graph-info-max-47553877902066 (READ-ONLY COPY).

The authoritative reference and input builder live on the scoring server;
editing this copy changes nothing except your own understanding.
"""

import jax, jax.numpy as jnp
import numpy as np

N = 10000
E = 160000
D = 256
H = 256
C = 64


def gcn_conv(x, src, dst, W, b, n):
    # symmetric-normalized GCN aggregation (gather -> scale -> scatter-add -> dense)
    deg = jnp.zeros((n,), x.dtype).at[dst].add(1.0)
    deg = jnp.clip(deg, 1.0)
    norm = jax.lax.rsqrt(deg[src]) * jax.lax.rsqrt(deg[dst])
    msg = x[src] * norm[:, None]
    agg = jnp.zeros((n, x.shape[1]), x.dtype).at[dst].add(msg)
    return agg @ W + b


def setup_inputs(seed: int = 0) -> dict:
    key = jax.random.key(seed)
    ks = jax.random.split(key, 7)
    x = jax.random.normal(ks[0], (N, D), dtype=jnp.float32)
    edge_index = jax.random.randint(ks[1], (2, E), 0, N, dtype=jnp.int32)
    perm = jax.random.permutation(ks[2], N)  # DGI corruption: row-shuffle of x (constant ints)
    W1 = jax.random.normal(ks[3], (D, H), dtype=jnp.float32) * (1.0 / np.sqrt(D))
    b1 = jnp.zeros((H,), dtype=jnp.float32)
    W2 = jax.random.normal(ks[4], (H, C), dtype=jnp.float32) * (1.0 / np.sqrt(H))
    b2 = jnp.zeros((C,), dtype=jnp.float32)
    return {"x": x, "edge_index": edge_index, "perm": perm,
            "W1": W1, "b1": b1, "W2": W2, "b2": b2}


def reference(x, edge_index, perm, W1, b1, W2, b2):
    src, dst = edge_index[0], edge_index[1]
    n = x.shape[0]
    # DeepGraphInfomax forward: pos_z (encoder on x), neg_z (encoder on corrupted x), summary
    pos_z = jax.nn.relu(gcn_conv(x, src, dst, W1, b1, n))
    x_cor = x[perm]  # corruption = feature row permutation
    neg_z = jax.nn.relu(gcn_conv(x_cor, src, dst, W1, b1, n))
    summary = jax.nn.sigmoid(jnp.mean(pos_z, axis=0))
    # cls_model on pos_z: a second GCN layer producing class logits
    out = gcn_conv(pos_z, src, dst, W2, b2, n)
    return out

if __name__ == "__main__":
    import jax
    _d = setup_inputs()
    print(jax.jit(kernel)(*tuple(_d.values())))

</pallas_src>

<mosaic_0001>
#map = affine_map<(d0, d1) -> (0, 0)>
#map1 = affine_map<(d0, d1) -> (0)>
module attributes {stable_mosaic.version = 14 : i64} {
  func.func @_deg_body(%arg0: i32, %arg1: i32, %arg2: memref<1280x125xi32, #tpu.memory_space<hbm>>, %arg3: memref<128xf32, #tpu.memory_space<hbm>>, %arg4: memref<10240xf32, #tpu.memory_space<hbm>>, %arg5: memref<2x10240xf32, #tpu.memory_space<hbm>>, %arg6: memref<40x125xi32, #tpu.memory_space<vmem>>, %arg7: memref<125xf32, #tpu.memory_space<vmem>>, %arg8: memref<10240xf32, #tpu.memory_space<vmem_shared>>) attributes {dimension_semantics = [#tpu.dimension_semantics<core_parallel>, #tpu.dimension_semantics<subcore_parallel>], iteration_bounds = array<i64: 2, 16>, scalar_prefetch = 0 : i64, scratch_operands = 3 : i64, tpu.core_type = #tpu.core_type<sc_vector_subcore>, window_params = [{transform_indices = #map}, {transform_indices = #map1}, {transform_indices = #map1}, {transform_indices = #map}]} {
    %mul3A = arith.constant 640 : i32
    %mul3A_0 = arith.muli %arg1, %mul3A : i32
    %mul3A_1 = arith.constant 640 : i32
    %mul3A_2 = arith.muli %arg1, %mul3A_1 : i32
    "tpu.region"() ({
      %run_scoped3A = tpu.sem_alloc : memref<!tpu.dma_semaphore, #tpu.memory_space<semaphore_mem>>
      %dma_start3A = tpu.memref_slice %arg8[%mul3A_2] : memref<10240xf32, #tpu.memory_space<vmem_shared>> -> memref<640xf32, #tpu.memory_space<vmem_shared>>
      %dma_start3A_17 = tpu.memref_slice %arg4[%mul3A_0] : memref<10240xf32, #tpu.memory_space<hbm>> -> memref<640xf32, #tpu.memory_space<hbm>>
      tpu.enqueue_dma source(%dma_start3A_17 : memref<640xf32, #tpu.memory_space<hbm>>) target(%dma_start3A : memref<640xf32, #tpu.memory_space<vmem_shared>>) target_semaphore(%run_scoped3A : memref<!tpu.dma_semaphore, #tpu.memory_space<semaphore_mem>>)
      %dma_wait3A = tpu.memref_slice %arg8[%mul3A_2] : memref<10240xf32, #tpu.memory_space<vmem_shared>> -> memref<640xf32, #tpu.memory_space<vmem_shared>>
      %dma_wait3A_18 = tpu.memref_slice %arg4[%mul3A_0] : memref<10240xf32, #tpu.memory_space<hbm>> -> memref<640xf32, #tpu.memory_space<hbm>>
      tpu.wait_dma2 semaphore(%run_scoped3A : memref<!tpu.dma_semaphore, #tpu.memory_space<semaphore_mem>>) src(%dma_wait3A_18 : memref<640xf32, #tpu.memory_space<hbm>>) dst(%dma_wait3A : memref<640xf32, #tpu.memory_space<vmem_shared>>)
      tpu.yield
    }) : () -> ()
    "tpu.region"() ({
      %run_scoped3A = tpu.sem_alloc : memref<!tpu.dma_semaphore, #tpu.memory_space<semaphore_mem>>
      %dma_start3A = arith.constant 0 : i32
      %dma_start3A_17 = tpu.memref_slice %arg3[%dma_start3A] : memref<128xf32, #tpu.memory_space<hbm>> -> memref<125xf32, #tpu.memory_space<hbm>>
      %dma_start3A_18 = arith.constant 0 : i32
      %dma_start3A_19 = tpu.memref_slice %arg3[%dma_start3A_18] : memref<128xf32, #tpu.memory_space<hbm>> -> memref<125xf32, #tpu.memory_space<hbm>>
      tpu.enqueue_dma source(%dma_start3A_19 : memref<125xf32, #tpu.memory_space<hbm>>) target(%arg7 : memref<125xf32, #tpu.memory_space<vmem>>) target_semaphore(%run_scoped3A : memref<!tpu.dma_semaphore, #tpu.memory_space<semaphore_mem>>)
      %dma_wait3A = arith.constant 0 : i32
      %dma_wait3A_20 = tpu.memref_slice %arg3[%dma_wait3A] : memref<128xf32, #tpu.memory_space<hbm>> -> memref<125xf32, #tpu.memory_space<hbm>>
      %dma_wait3A_21 = arith.constant 0 : i32
      %dma_wait3A_22 = tpu.memref_slice %arg3[%dma_wait3A_21] : memref<128xf32, #tpu.memory_space<hbm>> -> memref<125xf32, #tpu.memory_space<hbm>>
      tpu.wait_dma2 semaphore(%run_scoped3A : memref<!tpu.dma_semaphore, #tpu.memory_space<semaphore_mem>>) src(%dma_wait3A_22 : memref<125xf32, #tpu.memory_space<hbm>>) dst(%arg7 : memref<125xf32, #tpu.memory_space<vmem>>)
      tpu.yield
    }) : () -> ()
    %mul3A_3 = arith.constant 640 : i32
    %mul3A_4 = arith.muli %arg0, %mul3A_3 : i32
    %mul3A_5 = arith.constant 40 : i32
    %mul3A_6 = arith.muli %arg1, %mul3A_5 : i32
    %add3A = arith.addi %mul3A_4, %mul3A_6 : i32
    "tpu.region"() ({
      %run_scoped3A = tpu.sem_alloc : memref<!tpu.dma_semaphore, #tpu.memory_space<semaphore_mem>>
      %dma_start3A = arith.constant 0 : i32
      %dma_start3A_17 = tpu.memref_slice %arg2[%add3A, %dma_start3A] : memref<1280x125xi32, #tpu.memory_space<hbm>> -> memref<40x125xi32, #tpu.memory_space<hbm>>
      %dma_start3A_18 = arith.constant 0 : i32
      %dma_start3A_19 = tpu.memref_slice %arg2[%add3A, %dma_start3A_18] : memref<1280x125xi32, #tpu.memory_space<hbm>> -> memref<40x125xi32, #tpu.memory_space<hbm>>
      tpu.enqueue_dma source(%dma_start3A_19 : memref<40x125xi32, #tpu.memory_space<hbm>>) target(%arg6 : memref<40x125xi32, #tpu.memory_space<vmem>>) target_semaphore(%run_scoped3A : memref<!tpu.dma_semaphore, #tpu.memory_space<semaphore_mem>>)
      %dma_wait3A = arith.constant 0 : i32
      %dma_wait3A_20 = tpu.memref_slice %arg2[%add3A, %dma_wait3A] : memref<1280x125xi32, #tpu.memory_space<hbm>> -> memref<40x125xi32, #tpu.memory_space<hbm>>
      %dma_wait3A_21 = arith.constant 0 : i32
      %dma_wait3A_22 = tpu.memref_slice %arg2[%add3A, %dma_wait3A_21] : memref<1280x125xi32, #tpu.memory_space<hbm>> -> memref<40x125xi32, #tpu.memory_space<hbm>>
      tpu.wait_dma2 semaphore(%run_scoped3A : memref<!tpu.dma_semaphore, #tpu.memory_space<semaphore_mem>>) src(%dma_wait3A_22 : memref<40x125xi32, #tpu.memory_space<hbm>>) dst(%arg6 : memref<40x125xi32, #tpu.memory_space<vmem>>)
      tpu.yield
    }) : () -> ()
    %barrier3A = arith.constant 0 : index
    tpu.barrier barrier_id(%barrier3A)
    %scan3A = arith.constant 0 : i32
    %scan3A_7 = arith.constant 0 : i32
    %scan3A_8 = arith.constant 40 : i32
    %scan3A_9 = arith.addi %scan3A_7, %scan3A_8 : i32
    %scan3A_10 = arith.constant 1 : i32
    scf.for %scan3A_17 = %scan3A_7 to %scan3A_9 step %scan3A_10  : i32 {
      "tpu.region"() ({
        %run_scoped3A = tpu.sem_alloc : memref<!tpu.dma_semaphore, #tpu.memory_space<semaphore_mem>>
        %dma_start3A = arith.constant 0 : i32
        %dma_start3A_18 = tpu.memref_slice %arg6[%scan3A_17, %dma_start3A] : memref<40x125xi32, #tpu.memory_space<vmem>> -> memref<1x125xi32, #tpu.memory_space<vmem>>
        %dma_start3A_19 = tpu.memref_squeeze %dma_start3A_18 : memref<1x125xi32, #tpu.memory_space<vmem>> -> memref<125xi32, #tpu.memory_space<vmem>>
        %dma_start3A_20 = arith.constant 0 : i32
        %dma_start3A_21 = tpu.memref_slice %arg8[%dma_start3A_20] : memref<10240xf32, #tpu.memory_space<vmem_shared>> -> memref<10240xf32, #tpu.memory_space<vmem_shared>>
        tpu.enqueue_indirect_dma source(%arg7 : memref<125xf32, #tpu.memory_space<vmem>>) target(%dma_start3A_21 : memref<10240xf32, #tpu.memory_space<vmem_shared>>) offsets(%dma_start3A_19 : memref<125xi32, #tpu.memory_space<vmem>>) semaphore(%run_scoped3A : memref<!tpu.dma_semaphore, #tpu.memory_space<semaphore_mem>>) {add = true}
        %dma_wait3A = arith.constant 0 : i32
        %dma_wait3A_22 = tpu.memref_slice %arg6[%scan3A_17, %dma_wait3A] : memref<40x125xi32, #tpu.memory_space<vmem>> -> memref<1x125xi32, #tpu.memory_space<vmem>>
        %dma_wait3A_23 = tpu.memref_squeeze %dma_wait3A_22 : memref<1x125xi32, #tpu.memory_space<vmem>> -> memref<125xi32, #tpu.memory_space<vmem>>
        %dma_wait3A_24 = arith.constant 0 : i32
        %dma_wait3A_25 = tpu.memref_slice %arg8[%dma_wait3A_24] : memref<10240xf32, #tpu.memory_space<vmem_shared>> -> memref<10240xf32, #tpu.memory_space<vmem_shared>>
        tpu.wait_indirect_dma semaphore(%run_scoped3A : memref<!tpu.dma_semaphore, #tpu.memory_space<semaphore_mem>>) src(%arg7 : memref<125xf32, #tpu.memory_space<vmem>>) dst(%dma_wait3A_25 : memref<10240xf32, #tpu.memory_space<vmem_shared>>)
        tpu.yield
      }) : () -> ()
    }
    %scan3A_11 = arith.constant 40 : i32
    %barrier3A_12 = arith.constant 0 : index
    tpu.barrier barrier_id(%barrier3A_12)
    %mul3A_13 = arith.constant 640 : i32
    %mul3A_14 = arith.muli %arg1, %mul3A_13 : i32
    %mul3A_15 = arith.constant 640 : i32
    %mul3A_16 = arith.muli %arg1, %mul3A_15 : i32
    "tpu.region"() ({
      %run_scoped3A = tpu.sem_alloc : memref<!tpu.dma_semaphore, #tpu.memory_space<semaphore_mem>>
      %dma_start3A = tpu.memref_slice %arg5[%arg0, %mul3A_16] : memref<2x10240xf32, #tpu.memory_space<hbm>> -> memref<1x640xf32, #tpu.memory_space<hbm>>
      %dma_start3A_17 = tpu.memref_squeeze %dma_start3A : memref<1x640xf32, #tpu.memory_space<hbm>> -> memref<640xf32, #tpu.memory_space<hbm>>
      %dma_start3A_18 = tpu.memref_slice %arg8[%mul3A_14] : memref<10240xf32, #tpu.memory_space<vmem_shared>> -> memref<640xf32, #tpu.memory_space<vmem_shared>>
      tpu.enqueue_dma source(%dma_start3A_18 : memref<640xf32, #tpu.memory_space<vmem_shared>>) target(%dma_start3A_17 : memref<640xf32, #tpu.memory_space<hbm>>) target_semaphore(%run_scoped3A : memref<!tpu.dma_semaphore, #tpu.memory_space<semaphore_mem>>)
      %dma_wait3A = tpu.memref_slice %arg5[%arg0, %mul3A_16] : memref<2x10240xf32, #tpu.memory_space<hbm>> -> memref<1x640xf32, #tpu.memory_space<hbm>>
      %dma_wait3A_19 = tpu.memref_squeeze %dma_wait3A : memref<1x640xf32, #tpu.memory_space<hbm>> -> memref<640xf32, #tpu.memory_space<hbm>>
      %dma_wait3A_20 = tpu.memref_slice %arg8[%mul3A_14] : memref<10240xf32, #tpu.memory_space<vmem_shared>> -> memref<640xf32, #tpu.memory_space<vmem_shared>>
      tpu.wait_dma2 semaphore(%run_scoped3A : memref<!tpu.dma_semaphore, #tpu.memory_space<semaphore_mem>>) src(%dma_wait3A_20 : memref<640xf32, #tpu.memory_space<vmem_shared>>) dst(%dma_wait3A_19 : memref<640xf32, #tpu.memory_space<hbm>>)
      tpu.yield
    }) : () -> ()
    return
  }
}

#map = affine_map<(d0, d1) -> (0, 0)>
#map1 = affine_map<(d0, d1) -> (0, 0, 0)>
module attributes {stable_mosaic.version = 14 : i64} {
  func.func @_spmm_body(%arg0: i32, %arg1: i32, %arg2: memref<20480x128xf32, #tpu.memory_space<hbm>>, %arg3: memref<2x1280x125xi32, #tpu.memory_space<hbm>>, %arg4: memref<1280x125xi32, #tpu.memory_space<hbm>>, %arg5: memref<10240x128xf32, #tpu.memory_space<hbm>>, %arg6: memref<2x10240x128xf32, #tpu.memory_space<hbm>>, %arg7: memref<8x125xi32, #tpu.memory_space<vmem>>, %arg8: memref<8x125xi32, #tpu.memory_space<vmem>>, %arg9: memref<8x125xi32, #tpu.memory_space<vmem>>, %arg10: memref<8x125xi32, #tpu.memory_space<vmem>>, %arg11: memref<125x128xf32, #tpu.memory_space<vmem>>, %arg12: memref<125x128xf32, #tpu.memory_space<vmem>>, %arg13: memref<10240x128xf32, #tpu.memory_space<vmem_shared>>, %arg14: memref<!tpu.dma_semaphore, #tpu.memory_space<semaphore_mem>>, %arg15: memref<!tpu.dma_semaphore, #tpu.memory_space<semaphore_mem>>, %arg16: memref<!tpu.dma_semaphore, #tpu.memory_space<semaphore_mem>>, %arg17: memref<!tpu.dma_semaphore, #tpu.memory_space<semaphore_mem>>) attributes {dimension_semantics = [#tpu.dimension_semantics<core_parallel>, #tpu.dimension_semantics<subcore_parallel>], iteration_bounds = array<i64: 2, 16>, scalar_prefetch = 0 : i64, scratch_operands = 11 : i64, tpu.core_type = #tpu.core_type<sc_vector_subcore>, window_params = [{transform_indices = #map}, {transform_indices = #map1}, {transform_indices = #map}, {transform_indices = #map}, {transform_indices = #map1}]} {
    %mul3A = arith.constant 640 : i32
    %mul3A_0 = arith.muli %arg1, %mul3A : i32
    %mul3A_1 = arith.constant 640 : i32
    %mul3A_2 = arith.muli %arg1, %mul3A_1 : i32
    "tpu.region"() ({
      %run_scoped3A = tpu.sem_alloc : memref<!tpu.dma_semaphore, #tpu.memory_space<semaphore_mem>>
      %dma_start3A_39 = arith.constant 0 : i32
      %dma_start3A_40 = tpu.memref_slice %arg13[%mul3A_2, %dma_start3A_39] : memref<10240x128xf32, #tpu.memory_space<vmem_shared>> -> memref<640x128xf32, #tpu.memory_space<vmem_shared>>
      %dma_start3A_41 = arith.constant 0 : i32
      %dma_start3A_42 = tpu.memref_slice %arg5[%mul3A_0, %dma_start3A_41] : memref<10240x128xf32, #tpu.memory_space<hbm>> -> memref<640x128xf32, #tpu.memory_space<hbm>>
      tpu.enqueue_dma source(%dma_start3A_42 : memref<640x128xf32, #tpu.memory_space<hbm>>) target(%dma_start3A_40 : memref<640x128xf32, #tpu.memory_space<vmem_shared>>) target_semaphore(%run_scoped3A : memref<!tpu.dma_semaphore, #tpu.memory_space<semaphore_mem>>)
      %dma_wait3A_43 = arith.constant 0 : i32
      %dma_wait3A_44 = tpu.memref_slice %arg13[%mul3A_2, %dma_wait3A_43] : memref<10240x128xf32, #tpu.memory_space<vmem_shared>> -> memref<640x128xf32, #tpu.memory_space<vmem_shared>>
      %dma_wait3A_45 = arith.constant 0 : i32
      %dma_wait3A_46 = tpu.memref_slice %arg5[%mul3A_0, %dma_wait3A_45] : memref<10240x128xf32, #tpu.memory_space<hbm>> -> memref<640x128xf32, #tpu.memory_space<hbm>>
      tpu.wait_dma2 semaphore(%run_scoped3A : memref<!tpu.dma_semaphore, #tpu.memory_space<semaphore_mem>>) src(%dma_wait3A_46 : memref<640x128xf32, #tpu.memory_space<hbm>>) dst(%dma_wait3A_44 : memref<640x128xf32, #tpu.memory_space<vmem_shared>>)
      tpu.yield
    }) : () -> ()
    %mul3A_3 = arith.constant 80 : i32
    %mul3A_4 = arith.muli %arg1, %mul3A_3 : i32
    %barrier3A = arith.constant 0 : index
    tpu.barrier barrier_id(%barrier3A)
    %add3A = arith.constant 0 : i32
    %add3A_5 = arith.addi %mul3A_4, %add3A : i32
    %dma_start3A = arith.constant 0 : i32
    %dma_start3A_6 = tpu.memref_slice %arg3[%arg0, %add3A_5, %dma_start3A] : memref<2x1280x125xi32, #tpu.memory_space<hbm>> -> memref<1x8x125xi32, #tpu.memory_space<hbm>>
    %dma_start3A_7 = tpu.memref_squeeze %dma_start3A_6 : memref<1x8x125xi32, #tpu.memory_space<hbm>> -> memref<8x125xi32, #tpu.memory_space<hbm>>
    %dma_start3A_8 = arith.constant 0 : i32
    %dma_start3A_9 = tpu.memref_slice %arg3[%arg0, %add3A_5, %dma_start3A_8] : memref<2x1280x125xi32, #tpu.memory_space<hbm>> -> memref<1x8x125xi32, #tpu.memory_space<hbm>>
    %dma_start3A_10 = tpu.memref_squeeze %dma_start3A_9 : memref<1x8x125xi32, #tpu.memory_space<hbm>> -> memref<8x125xi32, #tpu.memory_space<hbm>>
    tpu.enqueue_dma source(%dma_start3A_10 : memref<8x125xi32, #tpu.memory_space<hbm>>) target(%arg7 : memref<8x125xi32, #tpu.memory_space<vmem>>) target_semaphore(%arg16 : memref<!tpu.dma_semaphore, #tpu.memory_space<semaphore_mem>>)
    %dma_start3A_11 = arith.constant 0 : i32
    %dma_start3A_12 = tpu.memref_slice %arg4[%add3A_5, %dma_start3A_11] : memref<1280x125xi32, #tpu.memory_space<hbm>> -> memref<8x125xi32, #tpu.memory_space<hbm>>
    %dma_start3A_13 = arith.constant 0 : i32
    %dma_start3A_14 = tpu.memref_slice %arg4[%add3A_5, %dma_start3A_13] : memref<1280x125xi32, #tpu.memory_space<hbm>> -> memref<8x125xi32, #tpu.memory_space<hbm>>
    tpu.enqueue_dma source(%dma_start3A_14 : memref<8x125xi32, #tpu.memory_space<hbm>>) target(%arg8 : memref<8x125xi32, #tpu.memory_space<vmem>>) target_semaphore(%arg16 : memref<!tpu.dma_semaphore, #tpu.memory_space<semaphore_mem>>)
    %dma_wait3A = arith.constant 0 : i32
    %dma_wait3A_15 = tpu.memref_slice %arg4[%mul3A_4, %dma_wait3A] : memref<1280x125xi32, #tpu.memory_space<hbm>> -> memref<8x125xi32, #tpu.memory_space<hbm>>
    %dma_wait3A_16 = arith.constant 0 : i32
    %dma_wait3A_17 = tpu.memref_slice %arg4[%mul3A_4, %dma_wait3A_16] : memref<1280x125xi32, #tpu.memory_space<hbm>> -> memref<8x125xi32, #tpu.memory_space<hbm>>
    tpu.wait_dma2 semaphore(%arg16 : memref<!tpu.dma_semaphore, #tpu.memory_space<semaphore_mem>>) src(%dma_wait3A_17 : memref<8x125xi32, #tpu.memory_space<hbm>>) dst(%arg7 : memref<8x125xi32, #tpu.memory_space<vmem>>)
    %dma_wait3A_18 = arith.constant 0 : i32
    %dma_wait3A_19 = tpu.memref_slice %arg4[%mul3A_4, %dma_wait3A_18] : memref<1280x125xi32, #tpu.memory_space<hbm>> -> memref<8x125xi32, #tpu.memory_space<hbm>>
    %dma_wait3A_20 = arith.constant 0 : i32
    %dma_wait3A_21 = tpu.memref_slice %arg4[%mul3A_4, %dma_wait3A_20] : memref<1280x125xi32, #tpu.memory_space<hbm>> -> memref<8x125xi32, #tpu.memory_space<hbm>>
    tpu.wait_dma2 semaphore(%arg16 : memref<!tpu.dma_semaphore, #tpu.memory_space<semaphore_mem>>) src(%dma_wait3A_21 : memref<8x125xi32, #tpu.memory_space<hbm>>) dst(%arg8 : memref<8x125xi32, #tpu.memory_space<vmem>>)
    %dma_start3A_22 = arith.constant 0 : i32
    %dma_start3A_23 = arith.constant 0 : i32
    %dma_start3A_24 = tpu.memref_slice %arg7[%dma_start3A_22, %dma_start3A_23] : memref<8x125xi32, #tpu.memory_space<vmem>> -> memref<1x125xi32, #tpu.memory_space<vmem>>
    %dma_start3A_25 = tpu.memref_squeeze %dma_start3A_24 : memref<1x125xi32, #tpu.memory_space<vmem>> -> memref<125xi32, #tpu.memory_space<vmem>>
    %dma_start3A_26 = arith.constant 0 : i32
    %dma_start3A_27 = arith.constant 0 : i32
    %dma_start3A_28 = tpu.memref_slice %arg2[%dma_start3A_26, %dma_start3A_27] : memref<20480x128xf32, #tpu.memory_space<hbm>> -> memref<20480x128xf32, #tpu.memory_space<hbm>>
    tpu.enqueue_indirect_dma source(%dma_start3A_28 : memref<20480x128xf32, #tpu.memory_space<hbm>>) target(%arg11 : memref<125x128xf32, #tpu.memory_space<vmem>>) offsets(%dma_start3A_25 : memref<125xi32, #tpu.memory_space<vmem>>) semaphore(%arg14 : memref<!tpu.dma_semaphore, #tpu.memory_space<semaphore_mem>>)
    %scan3A = arith.constant 0 : i32
    %scan3A_29 = arith.constant 0 : i32
    %scan3A_30 = arith.constant 5 : i32
    %scan3A_31 = arith.addi %scan3A_29, %scan3A_30 : i32
    %scan3A_32 = arith.constant 1 : i32
    scf.for %scan3A_39 = %scan3A_29 to %scan3A_31 step %scan3A_32  : i32 {
      %mul3A_40 = arith.constant 2 : i32
      %mul3A_41 = arith.muli %mul3A_40, %scan3A_39 : i32
      %add3A_42 = arith.constant 1 : i32
      %add3A_43 = arith.addi %mul3A_41, %add3A_42 : i32
      %mul3A_44 = arith.constant 8 : i32
      %mul3A_45 = arith.muli %mul3A_44, %add3A_43 : i32
      %add3A_46 = arith.addi %mul3A_4, %mul3A_45 : i32
      %dma_start3A_47 = arith.constant 0 : i32
      %dma_start3A_48 = tpu.memref_slice %arg3[%arg0, %add3A_46, %dma_start3A_47] : memref<2x1280x125xi32, #tpu.memory_space<hbm>> -> memref<1x8x125xi32, #tpu.memory_space<hbm>>
      %dma_start3A_49 = tpu.memref_squeeze %dma_start3A_48 : memref<1x8x125xi32, #tpu.memory_space<hbm>> -> memref<8x125xi32, #tpu.memory_space<hbm>>
      %dma_start3A_50 = arith.constant 0 : i32
      %dma_start3A_51 = tpu.memref_slice %arg3[%arg0, %add3A_46, %dma_start3A_50] : memref<2x1280x125xi32, #tpu.memory_space<hbm>> -> memref<1x8x125xi32, #tpu.memory_space<hbm>>
      %dma_start3A_52 = tpu.memref_squeeze %dma_start3A_51 : memref<1x8x125xi32, #tpu.memory_space<hbm>> -> memref<8x125xi32, #tpu.memory_space<hbm>>
      tpu.enqueue_dma source(%dma_start3A_52 : memref<8x125xi32, #tpu.memory_space<hbm>>) target(%arg9 : memref<8x125xi32, #tpu.memory_space<vmem>>) target_semaphore(%arg17 : memref<!tpu.dma_semaphore, #tpu.memory_space<semaphore_mem>>)
      %dma_start3A_53 = arith.constant 0 : i32
      %dma_start3A_54 = tpu.memref_slice %arg4[%add3A_46, %dma_start3A_53] : memref<1280x125xi32, #tpu.memory_space<hbm>> -> memref<8x125xi32, #tpu.memory_space<hbm>>
      %dma_start3A_55 = arith.constant 0 : i32
      %dma_start3A_56 = tpu.memref_slice %arg4[%add3A_46, %dma_start3A_55] : memref<1280x125xi32, #tpu.memory_space<hbm>> -> memref<8x125xi32, #tpu.memory_space<hbm>>
      tpu.enqueue_dma source(%dma_start3A_56 : memref<8x125xi32, #tpu.memory_space<hbm>>) target(%arg10 : memref<8x125xi32, #tpu.memory_space<vmem>>) target_semaphore(%arg17 : memref<!tpu.dma_semaphore, #tpu.memory_space<semaphore_mem>>)
      %add3A_57 = arith.constant 1 : i32
      %add3A_58 = arith.addi %mul3A_41, %add3A_57 : i32
      %lt3A = arith.constant 10 : i32
      %lt3A_59 = arith.cmpi slt, %add3A_58, %lt3A : i32
      %dma_start3A_60 = arith.constant 1 : i32
      %dma_start3A_61 = arith.constant 0 : i32
      %dma_start3A_62 = tpu.memref_slice %arg7[%dma_start3A_60, %dma_start3A_61] : memref<8x125xi32, #tpu.memory_space<vmem>> -> memref<1x125xi32, #tpu.memory_space<vmem>>
      %dma_start3A_63 = tpu.memref_squeeze %dma_start3A_62 : memref<1x125xi32, #tpu.memory_space<vmem>> -> memref<125xi32, #tpu.memory_space<vmem>>
      %dma_start3A_64 = arith.constant 0 : i32
      %dma_start3A_65 = arith.constant 0 : i32
      %dma_start3A_66 = tpu.memref_slice %arg2[%dma_start3A_64, %dma_start3A_65] : memref<20480x128xf32, #tpu.memory_space<hbm>> -> memref<20480x128xf32, #tpu.memory_space<hbm>>
      tpu.enqueue_indirect_dma source(%dma_start3A_66 : memref<20480x128xf32, #tpu.memory_space<hbm>>) target(%arg12 : memref<125x128xf32, #tpu.memory_space<vmem>>) offsets(%dma_start3A_63 : memref<125xi32, #tpu.memory_space<vmem>>) semaphore(%arg15 : memref<!tpu.dma_semaphore, #tpu.memory_space<semaphore_mem>>)
      %dma_wait3A_67 = arith.constant 0 : i32
      %dma_wait3A_68 = arith.constant 0 : i32
      %dma_wait3A_69 = tpu.memref_slice %arg7[%dma_wait3A_67, %dma_wait3A_68] : memref<8x125xi32, #tpu.memory_space<vmem>> -> memref<1x125xi32, #tpu.memory_space<vmem>>
      %dma_wait3A_70 = tpu.memref_squeeze %dma_wait3A_69 : memref<1x125xi32, #tpu.memory_space<vmem>> -> memref<125xi32, #tpu.memory_space<vmem>>
      %dma_wait3A_71 = arith.constant 0 : i32
      %dma_wait3A_72 = arith.constant 0 : i32
      %dma_wait3A_73 = tpu.memref_slice %arg2[%dma_wait3A_71, %dma_wait3A_72] : memref<20480x128xf32, #tpu.memory_space<hbm>> -> memref<20480x128xf32, #tpu.memory_space<hbm>>
      tpu.wait_indirect_dma semaphore(%arg14 : memref<!tpu.dma_semaphore, #tpu.memory_space<semaphore_mem>>) src(%dma_wait3A_73 : memref<20480x128xf32, #tpu.memory_space<hbm>>) dst(%arg11 : memref<125x128xf32, #tpu.memory_space<vmem>>)
      %run_scoped3A = arith.constant 0 : i32
      "tpu.region"() ({
        %run_scoped3A_300 = tpu.sem_alloc : memref<!tpu.dma_semaphore, #tpu.memory_space<semaphore_mem>>
        %dma_start3A_301 = arith.constant 0 : i32
        %dma_start3A_302 = tpu.memref_slice %arg8[%run_scoped3A, %dma_start3A_301] : memref<8x125xi32, #tpu.memory_space<vmem>> -> memref<1x125xi32, #tpu.memory_space<vmem>>
        %dma_start3A_303 = tpu.memref_squeeze %dma_start3A_302 : memref<1x125xi32, #tpu.memory_space<vmem>> -> memref<125xi32, #tpu.memory_space<vmem>>
        %dma_start3A_304 = arith.constant 0 : i32
        %dma_start3A_305 = arith.constant 0 : i32
        %dma_start3A_306 = tpu.memref_slice %arg13[%dma_start3A_304, %dma_start3A_305] : memref<10240x128xf32, #tpu.memory_space<vmem_shared>> -> memref<10240x128xf32, #tpu.memory_space<vmem_shared>>
        tpu.enqueue_indirect_dma source(%arg11 : memref<125x128xf32, #tpu.memory_space<vmem>>) target(%dma_start3A_306 : memref<10240x128xf32, #tpu.memory_space<vmem_shared>>) offsets(%dma_start3A_303 : memref<125xi32, #tpu.memory_space<vmem>>) semaphore(%run_scoped3A_300 : memref<!tpu.dma_semaphore, #tpu.memory_space<semaphore_mem>>) {add = true}
        %dma_wait3A_307 = arith.constant 0 : i32
        %dma_wait3A_308 = tpu.memref_slice %arg8[%run_scoped3A, %dma_wait3A_307] : memref<8x125xi32, #tpu.memory_space<vmem>> -> memref<1x125xi32, #tpu.memory_space<vmem>>
        %dma_wait3A_309 = tpu.memref_squeeze %dma_wait3A_308 : memref<1x125xi32, #tpu.memory_space<vmem>> -> memref<125xi32, #tpu.memory_space<vmem>>
        %dma_wait3A_310 = arith.constant 0 : i32
        %dma_wait3A_311 = arith.constant 0 : i32
        %dma_wait3A_312 = tpu.memref_slice %arg13[%dma_wait3A_310, %dma_wait3A_311] : memref<10240x128xf32, #tpu.memory_space<vmem_shared>> -> memref<10240x128xf32, #tpu.memory_space<vmem_shared>>
        tpu.wait_indirect_dma semaphore(%run_scoped3A_300 : memref<!tpu.dma_semaphore, #tpu.memory_space<semaphore_mem>>) src(%arg11 : memref<125x128xf32, #tpu.memory_space<vmem>>) dst(%dma_wait3A_312 : memref<10240x128xf32, #tpu.memory_space<vmem_shared>>)
        tpu.yield
      }) : () -> ()
      %dma_start3A_74 = arith.constant 2 : i32
      %dma_start3A_75 = arith.constant 0 : i32
      %dma_start3A_76 = tpu.memref_slice %arg7[%dma_start3A_74, %dma_start3A_75] : memref<8x125xi32, #tpu.memory_space<vmem>> -> memref<1x125xi32, #tpu.memory_space<vmem>>
      %dma_start3A_77 = tpu.memref_squeeze %dma_start3A_76 : memref<1x125xi32, #tpu.memory_space<vmem>> -> memref<125xi32, #tpu.memory_space<vmem>>
      %dma_start3A_78 = arith.constant 0 : i32
      %dma_start3A_79 = arith.constant 0 : i32
      %dma_start3A_80 = tpu.memref_slice %arg2[%dma_start3A_78, %dma_start3A_79] : memref<20480x128xf32, #tpu.memory_space<hbm>> -> memref<20480x128xf32, #tpu.memory_space<hbm>>
      tpu.enqueue_indirect_dma source(%dma_start3A_80 : memref<20480x128xf32, #tpu.memory_space<hbm>>) target(%arg11 : memref<125x128xf32, #tpu.memory_space<vmem>>) offsets(%dma_start3A_77 : memref<125xi32, #tpu.memory_space<vmem>>) semaphore(%arg14 : memref<!tpu.dma_semaphore, #tpu.memory_space<semaphore_mem>>)
      %dma_wait3A_81 = arith.constant 1 : i32
      %dma_wait3A_82 = arith.constant 0 : i32
      %dma_wait3A_83 = tpu.memref_slice %arg7[%dma_wait3A_81, %dma_wait3A_82] : memref<8x125xi32, #tpu.memory_space<vmem>> -> memref<1x125xi32, #tpu.memory_space<vmem>>
      %dma_wait3A_84 = tpu.memref_squeeze %dma_wait3A_83 : memref<1x125xi32, #tpu.memory_space<vmem>> -> memref<125xi32, #tpu.memory_space<vmem>>
      %dma_wait3A_85 = arith.constant 0 : i32
      %dma_wait3A_86 = arith.constant 0 : i32
      %dma_wait3A_87 = tpu.memref_slice %arg2[%dma_wait3A_85, %dma_wait3A_86] : memref<20480x128xf32, #tpu.memory_space<hbm>> -> memref<20480x128xf32, #tpu.memory_space<hbm>>
      tpu.wait_indirect_dma semaphore(%arg15 : memref<!tpu.dma_semaphore, #tpu.memory_space<semaphore_mem>>) src(%dma_wait3A_87 : memref<20480x128xf32, #tpu.memory_space<hbm>>) dst(%arg12 : memref<125x128xf32, #tpu.memory_space<vmem>>)
      %run_scoped3A_88 = arith.constant 1 : i32
      "tpu.region"() ({
        %run_scoped3A_300 = tpu.sem_alloc : memref<!tpu.dma_semaphore, #tpu.memory_space<semaphore_mem>>
        %dma_start3A_301 = arith.constant 0 : i32
        %dma_start3A_302 = tpu.memref_slice %arg8[%run_scoped3A_88, %dma_start3A_301] : memref<8x125xi32, #tpu.memory_space<vmem>> -> memref<1x125xi32, #tpu.memory_space<vmem>>
        %dma_start3A_303 = tpu.memref_squeeze %dma_start3A_302 : memref<1x125xi32, #tpu.memory_space<vmem>> -> memref<125xi32, #tpu.memory_space<vmem>>
        %dma_start3A_304 = arith.constant 0 : i32
        %dma_start3A_305 = arith.constant 0 : i32
        %dma_start3A_306 = tpu.memref_slice %arg13[%dma_start3A_304, %dma_start3A_305] : memref<10240x128xf32, #tpu.memory_space<vmem_shared>> -> memref<10240x128xf32, #tpu.memory_space<vmem_shared>>
        tpu.enqueue_indirect_dma source(%arg12 : memref<125x128xf32, #tpu.memory_space<vmem>>) target(%dma_start3A_306 : memref<10240x128xf32, #tpu.memory_space<vmem_shared>>) offsets(%dma_start3A_303 : memref<125xi32, #tpu.memory_space<vmem>>) semaphore(%run_scoped3A_300 : memref<!tpu.dma_semaphore, #tpu.memory_space<semaphore_mem>>) {add = true}
        %dma_wait3A_307 = arith.constant 0 : i32
        %dma_wait3A_308 = tpu.memref_slice %arg8[%run_scoped3A_88, %dma_wait3A_307] : memref<8x125xi32, #tpu.memory_space<vmem>> -> memref<1x125xi32, #tpu.memory_space<vmem>>
        %dma_wait3A_309 = tpu.memref_squeeze %dma_wait3A_308 : memref<1x125xi32, #tpu.memory_space<vmem>> -> memref<125xi32, #tpu.memory_space<vmem>>
        %dma_wait3A_310 = arith.constant 0 : i32
        %dma_wait3A_311 = arith.constant 0 : i32
        %dma_wait3A_312 = tpu.memref_slice %arg13[%dma_wait3A_310, %dma_wait3A_311] : memref<10240x128xf32, #tpu.memory_space<vmem_shared>> -> memref<10240x128xf32, #tpu.memory_space<vmem_shared>>
        tpu.wait_indirect_dma semaphore(%run_scoped3A_300 : memref<!tpu.dma_semaphore, #tpu.memory_space<semaphore_mem>>) src(%arg12 : memref<125x128xf32, #tpu.memory_space<vmem>>) dst(%dma_wait3A_312 : memref<10240x128xf32, #tpu.memory_space<vmem_shared>>)
        tpu.yield
      }) : () -> ()
      %dma_start3A_89 = arith.constant 3 : i32
      %dma_start3A_90 = arith.constant 0 : i32
      %dma_start3A_91 = tpu.memref_slice %arg7[%dma_start3A_89, %dma_start3A_90] : memref<8x125xi32, #tpu.memory_space<vmem>> -> memref<1x125xi32, #tpu.memory_space<vmem>>
      %dma_start3A_92 = tpu.memref_squeeze %dma_start3A_91 : memref<1x125xi32, #tpu.memory_space<vmem>> -> memref<125xi32, #tpu.memory_space<vmem>>
      %dma_start3A_93 = arith.constant 0 : i32
      %dma_start3A_94 = arith.constant 0 : i32
      %dma_start3A_95 = tpu.memref_slice %arg2[%dma_start3A_93, %dma_start3A_94] : memref<20480x128xf32, #tpu.memory_space<hbm>> -> memref<20480x128xf32, #tpu.memory_space<hbm>>
      tpu.enqueue_indirect_dma source(%dma_start3A_95 : memref<20480x128xf32, #tpu.memory_space<hbm>>) target(%arg12 : memref<125x128xf32, #tpu.memory_space<vmem>>) offsets(%dma_start3A_92 : memref<125xi32, #tpu.memory_space<vmem>>) semaphore(%arg15 : memref<!tpu.dma_semaphore, #tpu.memory_space<semaphore_mem>>)
      %dma_wait3A_96 = arith.constant 2 : i32
      %dma_wait3A_97 = arith.constant 0 : i32
      %dma_wait3A_98 = tpu.memref_slice %arg7[%dma_wait3A_96, %dma_wait3A_97] : memref<8x125xi32, #tpu.memory_space<vmem>> -> memref<1x125xi32, #tpu.memory_space<vmem>>
      %dma_wait3A_99 = tpu.memref_squeeze %dma_wait3A_98 : memref<1x125xi32, #tpu.memory_space<vmem>> -> memref<125xi32, #tpu.memory_space<vmem>>
      %dma_wait3A_100 = arith.constant 0 : i32
      %dma_wait3A_101 = arith.constant 0 : i32
      %dma_wait3A_102 = tpu.memref_slice %arg2[%dma_wait3A_100, %dma_wait3A_101] : memref<20480x128xf32, #tpu.memory_space<hbm>> -> memref<20480x128xf32, #tpu.memory_space<hbm>>
      tpu.wait_indirect_dma semaphore(%arg14 : memref<!tpu.dma_semaphore, #tpu.memory_space<semaphore_mem>>) src(%dma_wait3A_102 : memref<20480x128xf32, #tpu.memory_space<hbm>>) dst(%arg11 : memref<125x128xf32, #tpu.memory_space<vmem>>)
      %run_scoped3A_103 = arith.constant 2 : i32
      "tpu.region"() ({
        %run_scoped3A_300 = tpu.sem_alloc : memref<!tpu.dma_semaphore, #tpu.memory_space<semaphore_mem>>
        %dma_start3A_301 = arith.constant 0 : i32
        %dma_start3A_302 = tpu.memref_slice %arg8[%run_scoped3A_103, %dma_start3A_301] : memref<8x125xi32, #tpu.memory_space<vmem>> -> memref<1x125xi32, #tpu.memory_space<vmem>>
        %dma_start3A_303 = tpu.memref_squeeze %dma_start3A_302 : memref<1x125xi32, #tpu.memory_space<vmem>> -> memref<125xi32, #tpu.memory_space<vmem>>
        %dma_start3A_304 = arith.constant 0 : i32
        %dma_start3A_305 = arith.constant 0 : i32
        %dma_start3A_306 = tpu.memref_slice %arg13[%dma_start3A_304, %dma_start3A_305] : memref<10240x128xf32, #tpu.memory_space<vmem_shared>> -> memref<10240x128xf32, #tpu.memory_space<vmem_shared>>
        tpu.enqueue_indirect_dma source(%arg11 : memref<125x128xf32, #tpu.memory_space<vmem>>) target(%dma_start3A_306 : memref<10240x128xf32, #tpu.memory_space<vmem_shared>>) offsets(%dma_start3A_303 : memref<125xi32, #tpu.memory_space<vmem>>) semaphore(%run_scoped3A_300 : memref<!tpu.dma_semaphore, #tpu.memory_space<semaphore_mem>>) {add = true}
        %dma_wait3A_307 = arith.constant 0 : i32
        %dma_wait3A_308 = tpu.memref_slice %arg8[%run_scoped3A_103, %dma_wait3A_307] : memref<8x125xi32, #tpu.memory_space<vmem>> -> memref<1x125xi32, #tpu.memory_space<vmem>>
        %dma_wait3A_309 = tpu.memref_squeeze %dma_wait3A_308 : memref<1x125xi32, #tpu.memory_space<vmem>> -> memref<125xi32, #tpu.memory_space<vmem>>
        %dma_wait3A_310 = arith.constant 0 : i32
        %dma_wait3A_311 = arith.constant 0 : i32
        %dma_wait3A_312 = tpu.memref_slice %arg13[%dma_wait3A_310, %dma_wait3A_311] : memref<10240x128xf32, #tpu.memory_space<vmem_shared>> -> memref<10240x128xf32, #tpu.memory_space<vmem_shared>>
        tpu.wait_indirect_dma semaphore(%run_scoped3A_300 : memref<!tpu.dma_semaphore, #tpu.memory_space<semaphore_mem>>) src(%arg11 : memref<125x128xf32, #tpu.memory_space<vmem>>) dst(%dma_wait3A_312 : memref<10240x128xf32, #tpu.memory_space<vmem_shared>>)
        tpu.yield
      }) : () -> ()
      %dma_start3A_104 = arith.constant 4 : i32
      %dma_start3A_105 = arith.constant 0 : i32
      %dma_start3A_106 = tpu.memref_slice %arg7[%dma_start3A_104, %dma_start3A_105] : memref<8x125xi32, #tpu.memory_space<vmem>> -> memref<1x125xi32, #tpu.memory_space<vmem>>
      %dma_start3A_107 = tpu.memref_squeeze %dma_start3A_106 : memref<1x125xi32, #tpu.memory_space<vmem>> -> memref<125xi32, #tpu.memory_space<vmem>>
      %dma_start3A_108 = arith.constant 0 : i32
      %dma_start3A_109 = arith.constant 0 : i32
      %dma_start3A_110 = tpu.memref_slice %arg2[%dma_start3A_108, %dma_start3A_109] : memref<20480x128xf32, #tpu.memory_space<hbm>> -> memref<20480x128xf32, #tpu.memory_space<hbm>>
      tpu.enqueue_indirect_dma source(%dma_start3A_110 : memref<20480x128xf32, #tpu.memory_space<hbm>>) target(%arg11 : memref<125x128xf32, #tpu.memory_space<vmem>>) offsets(%dma_start3A_107 : memref<125xi32, #tpu.memory_space<vmem>>) semaphore(%arg14 : memref<!tpu.dma_semaphore, #tpu.memory_space<semaphore_mem>>)
      %dma_wait3A_111 = arith.constant 3 : i32
      %dma_wait3A_112 = arith.constant 0 : i32
      %dma_wait3A_113 = tpu.memref_slice %arg7[%dma_wait3A_111, %dma_wait3A_112] : memref<8x125xi32, #tpu.memory_space<vmem>> -> memref<1x125xi32, #tpu.memory_space<vmem>>
      %dma_wait3A_114 = tpu.memref_squeeze %dma_wait3A_113 : memref<1x125xi32, #tpu.memory_space<vmem>> -> memref<125xi32, #tpu.memory_space<vmem>>
      %dma_wait3A_115 = arith.constant 0 : i32
      %dma_wait3A_116 = arith.constant 0 : i32
      %dma_wait3A_117 = tpu.memref_slice %arg2[%dma_wait3A_115, %dma_wait3A_116] : memref<20480x128xf32, #tpu.memory_space<hbm>> -> memref<20480x128xf32, #tpu.memory_space<hbm>>
      tpu.wait_indirect_dma semaphore(%arg15 : memref<!tpu.dma_semaphore, #tpu.memory_space<semaphore_mem>>) src(%dma_wait3A_117 : memref<20480x128xf32, #tpu.memory_space<hbm>>) dst(%arg12 : memref<125x128xf32, #tpu.memory_space<vmem>>)
      %run_scoped3A_118 = arith.constant 3 : i32
      "tpu.region"() ({
        %run_scoped3A_300 = tpu.sem_alloc : memref<!tpu.dma_semaphore, #tpu.memory_space<semaphore_mem>>
        %dma_start3A_301 = arith.constant 0 : i32
        %dma_start3A_302 = tpu.memref_slice %arg8[%run_scoped3A_118, %dma_start3A_301] : memref<8x125xi32, #tpu.memory_space<vmem>> -> memref<1x125xi32, #tpu.memory_space<vmem>>
        %dma_start3A_303 = tpu.memref_squeeze %dma_start3A_302 : memref<1x125xi32, #tpu.memory_space<vmem>> -> memref<125xi32, #tpu.memory_space<vmem>>
        %dma_start3A_304 = arith.constant 0 : i32
        %dma_start3A_305 = arith.constant 0 : i32
        %dma_start3A_306 = tpu.memref_slice %arg13[%dma_start3A_304, %dma_start3A_305] : memref<10240x128xf32, #tpu.memory_space<vmem_shared>> -> memref<10240x128xf32, #tpu.memory_space<vmem_shared>>
        tpu.enqueue_indirect_dma source(%arg12 : memref<125x128xf32, #tpu.memory_space<vmem>>) target(%dma_start3A_306 : memref<10240x128xf32, #tpu.memory_space<vmem_shared>>) offsets(%dma_start3A_303 : memref<125xi32, #tpu.memory_space<vmem>>) semaphore(%run_scoped3A_300 : memref<!tpu.dma_semaphore, #tpu.memory_space<semaphore_mem>>) {add = true}
        %dma_wait3A_307 = arith.constant 0 : i32
        %dma_wait3A_308 = tpu.memref_slice %arg8[%run_scoped3A_118, %dma_wait3A_307] : memref<8x125xi32, #tpu.memory_space<vmem>> -> memref<1x125xi32, #tpu.memory_space<vmem>>
        %dma_wait3A_309 = tpu.memref_squeeze %dma_wait3A_308 : memref<1x125xi32, #tpu.memory_space<vmem>> -> memref<125xi32, #tpu.memory_space<vmem>>
        %dma_wait3A_310 = arith.constant 0 : i32
        %dma_wait3A_311 = arith.constant 0 : i32
        %dma_wait3A_312 = tpu.memref_slice %arg13[%dma_wait3A_310, %dma_wait3A_311] : memref<10240x128xf32, #tpu.memory_space<vmem_shared>> -> memref<10240x128xf32, #tpu.memory_space<vmem_shared>>
        tpu.wait_indirect_dma semaphore(%run_scoped3A_300 : memref<!tpu.dma_semaphore, #tpu.memory_space<semaphore_mem>>) src(%arg12 : memref<125x128xf32, #tpu.memory_space<vmem>>) dst(%dma_wait3A_312 : memref<10240x128xf32, #tpu.memory_space<vmem_shared>>)
        tpu.yield
      }) : () -> ()
      %dma_start3A_119 = arith.constant 5 : i32
      %dma_start3A_120 = arith.constant 0 : i32
      %dma_start3A_121 = tpu.memref_slice %arg7[%dma_start3A_119, %dma_start3A_120] : memref<8x125xi32, #tpu.memory_space<vmem>> -> memref<1x125xi32, #tpu.memory_space<vmem>>
      %dma_start3A_122 = tpu.memref_squeeze %dma_start3A_121 : memref<1x125xi32, #tpu.memory_space<vmem>> -> memref<125xi32, #tpu.memory_space<vmem>>
      %dma_start3A_123 = arith.constant 0 : i32
      %dma_start3A_124 = arith.constant 0 : i32
      %dma_start3A_125 = tpu.memref_slice %arg2[%dma_start3A_123, %dma_start3A_124] : memref<20480x128xf32, #tpu.memory_space<hbm>> -> memref<20480x128xf32, #tpu.memory_space<hbm>>
      tpu.enqueue_indirect_dma source(%dma_start3A_125 : memref<20480x128xf32, #tpu.memory_space<hbm>>) target(%arg12 : memref<125x128xf32, #tpu.memory_space<vmem>>) offsets(%dma_start3A_122 : memref<125xi32, #tpu.memory_space<vmem>>) semaphore(%arg15 : memref<!tpu.dma_semaphore, #tpu.memory_space<semaphore_mem>>)
      %dma_wait3A_126 = arith.constant 4 : i32
      %dma_wait3A_127 = arith.constant 0 : i32
      %dma_wait3A_128 = tpu.memref_slice %arg7[%dma_wait3A_126, %dma_wait3A_127] : memref<8x125xi32, #tpu.memory_space<vmem>> -> memref<1x125xi32, #tpu.memory_space<vmem>>
      %dma_wait3A_129 = tpu.memref_squeeze %dma_wait3A_128 : memref<1x125xi32, #tpu.memory_space<vmem>> -> memref<125xi32, #tpu.memory_space<vmem>>
      %dma_wait3A_130 = arith.constant 0 : i32
      %dma_wait3A_131 = arith.constant 0 : i32
      %dma_wait3A_132 = tpu.memref_slice %arg2[%dma_wait3A_130, %dma_wait3A_131] : memref<20480x128xf32, #tpu.memory_space<hbm>> -> memref<20480x128xf32, #tpu.memory_space<hbm>>
      tpu.wait_indirect_dma semaphore(%arg14 : memref<!tpu.dma_semaphore, #tpu.memory_space<semaphore_mem>>) src(%dma_wait3A_132 : memref<20480x128xf32, #tpu.memory_space<hbm>>) dst(%arg11 : memref<125x128xf32, #tpu.memory_space<vmem>>)
      %run_scoped3A_133 = arith.constant 4 : i32
      "tpu.region"() ({
        %run_scoped3A_300 = tpu.sem_alloc : memref<!tpu.dma_semaphore, #tpu.memory_space<semaphore_mem>>
        %dma_start3A_301 = arith.constant 0 : i32
        %dma_start3A_302 = tpu.memref_slice %arg8[%run_scoped3A_133, %dma_start3A_301] : memref<8x125xi32, #tpu.memory_space<vmem>> -> memref<1x125xi32, #tpu.memory_space<vmem>>
        %dma_start3A_303 = tpu.memref_squeeze %dma_start3A_302 : memref<1x125xi32, #tpu.memory_space<vmem>> -> memref<125xi32, #tpu.memory_space<vmem>>
        %dma_start3A_304 = arith.constant 0 : i32
        %dma_start3A_305 = arith.constant 0 : i32
        %dma_start3A_306 = tpu.memref_slice %arg13[%dma_start3A_304, %dma_start3A_305] : memref<10240x128xf32, #tpu.memory_space<vmem_shared>> -> memref<10240x128xf32, #tpu.memory_space<vmem_shared>>
        tpu.enqueue_indirect_dma source(%arg11 : memref<125x128xf32, #tpu.memory_space<vmem>>) target(%dma_start3A_306 : memref<10240x128xf32, #tpu.memory_space<vmem_shared>>) offsets(%dma_start3A_303 : memref<125xi32, #tpu.memory_space<vmem>>) semaphore(%run_scoped3A_300 : memref<!tpu.dma_semaphore, #tpu.memory_space<semaphore_mem>>) {add = true}
        %dma_wait3A_307 = arith.constant 0 : i32
        %dma_wait3A_308 = tpu.memref_slice %arg8[%run_scoped3A_133, %dma_wait3A_307] : memref<8x125xi32, #tpu.memory_space<vmem>> -> memref<1x125xi32, #tpu.memory_space<vmem>>
        %dma_wait3A_309 = tpu.memref_squeeze %dma_wait3A_308 : memref<1x125xi32, #tpu.memory_space<vmem>> -> memref<125xi32, #tpu.memory_space<vmem>>
        %dma_wait3A_310 = arith.constant 0 : i32
        %dma_wait3A_311 = arith.constant 0 : i32
        %dma_wait3A_312 = tpu.memref_slice %arg13[%dma_wait3A_310, %dma_wait3A_311] : memref<10240x128xf32, #tpu.memory_space<vmem_shared>> -> memref<10240x128xf32, #tpu.memory_space<vmem_shared>>
        tpu.wait_indirect_dma semaphore(%run_scoped3A_300 : memref<!tpu.dma_semaphore, #tpu.memory_space<semaphore_mem>>) src(%arg11 : memref<125x128xf32, #tpu.memory_space<vmem>>) dst(%dma_wait3A_312 : memref<10240x128xf32, #tpu.memory_space<vmem_shared>>)
        tpu.yield
      }) : () -> ()
      %dma_start3A_134 = arith.constant 6 : i32
      %dma_start3A_135 = arith.constant 0 : i32
      %dma_start3A_136 = tpu.memref_slice %arg7[%dma_start3A_134, %dma_start3A_135] : memref<8x125xi32, #tpu.memory_space<vmem>> -> memref<1x125xi32, #tpu.memory_space<vmem>>
      %dma_start3A_137 = tpu.memref_squeeze %dma_start3A_136 : memref<1x125xi32, #tpu.memory_space<vmem>> -> memref<125xi32, #tpu.memory_space<vmem>>
      %dma_start3A_138 = arith.constant 0 : i32
      %dma_start3A_139 = arith.constant 0 : i32
      %dma_start3A_140 = tpu.memref_slice %arg2[%dma_start3A_138, %dma_start3A_139] : memref<20480x128xf32, #tpu.memory_space<hbm>> -> memref<20480x128xf32, #tpu.memory_space<hbm>>
      tpu.enqueue_indirect_dma source(%dma_start3A_140 : memref<20480x128xf32, #tpu.memory_space<hbm>>) target(%arg11 : memref<125x128xf32, #tpu.memory_space<vmem>>) offsets(%dma_start3A_137 : memref<125xi32, #tpu.memory_space<vmem>>) semaphore(%arg14 : memref<!tpu.dma_semaphore, #tpu.memory_space<semaphore_mem>>)
      %dma_wait3A_141 = arith.constant 5 : i32
      %dma_wait3A_142 = arith.constant 0 : i32
      %dma_wait3A_143 = tpu.memref_slice %arg7[%dma_wait3A_141, %dma_wait3A_142] : memref<8x125xi32, #tpu.memory_space<vmem>> -> memref<1x125xi32, #tpu.memory_space<vmem>>
      %dma_wait3A_144 = tpu.memref_squeeze %dma_wait3A_143 : memref<1x125xi32, #tpu.memory_space<vmem>> -> memref<125xi32, #tpu.memory_space<vmem>>
      %dma_wait3A_145 = arith.constant 0 : i32
      %dma_wait3A_146 = arith.constant 0 : i32
      %dma_wait3A_147 = tpu.memref_slice %arg2[%dma_wait3A_145, %dma_wait3A_146] : memref<20480x128xf32, #tpu.memory_space<hbm>> -> memref<20480x128xf32, #tpu.memory_space<hbm>>
      tpu.wait_indirect_dma semaphore(%arg15 : memref<!tpu.dma_semaphore, #tpu.memory_space<semaphore_mem>>) src(%dma_wait3A_147 : memref<20480x128xf32, #tpu.memory_space<hbm>>) dst(%arg12 : memref<125x128xf32, #tpu.memory_space<vmem>>)
      %run_scoped3A_148 = arith.constant 5 : i32
      "tpu.region"() ({
        %run_scoped3A_300 = tpu.sem_alloc : memref<!tpu.dma_semaphore, #tpu.memory_space<semaphore_mem>>
        %dma_start3A_301 = arith.constant 0 : i32
        %dma_start3A_302 = tpu.memref_slice %arg8[%run_scoped3A_148, %dma_start3A_301] : memref<8x125xi32, #tpu.memory_space<vmem>> -> memref<1x125xi32, #tpu.memory_space<vmem>>
        %dma_start3A_303 = tpu.memref_squeeze %dma_start3A_302 : memref<1x125xi32, #tpu.memory_space<vmem>> -> memref<125xi32, #tpu.memory_space<vmem>>
        %dma_start3A_304 = arith.constant 0 : i32
        %dma_start3A_305 = arith.constant 0 : i32
        %dma_start3A_306 = tpu.memref_slice %arg13[%dma_start3A_304, %dma_start3A_305] : memref<10240x128xf32, #tpu.memory_space<vmem_shared>> -> memref<10240x128xf32, #tpu.memory_space<vmem_shared>>
        tpu.enqueue_indirect_dma source(%arg12 : memref<125x128xf32, #tpu.memory_space<vmem>>) target(%dma_start3A_306 : memref<10240x128xf32, #tpu.memory_space<vmem_shared>>) offsets(%dma_start3A_303 : memref<125xi32, #tpu.memory_space<vmem>>) semaphore(%run_scoped3A_300 : memref<!tpu.dma_semaphore, #tpu.memory_space<semaphore_mem>>) {add = true}
        %dma_wait3A_307 = arith.constant 0 : i32
        %dma_wait3A_308 = tpu.memref_slice %arg8[%run_scoped3A_148, %dma_wait3A_307] : memref<8x125xi32, #tpu.memory_space<vmem>> -> memref<1x125xi32, #tpu.memory_space<vmem>>
        %dma_wait3A_309 = tpu.memref_squeeze %dma_wait3A_308 : memref<1x125xi32, #tpu.memory_space<vmem>> -> memref<125xi32, #tpu.memory_space<vmem>>
        %dma_wait3A_310 = arith.constant 0 : i32
        %dma_wait3A_311 = arith.constant 0 : i32
        %dma_wait3A_312 = tpu.memref_slice %arg13[%dma_wait3A_310, %dma_wait3A_311] : memref<10240x128xf32, #tpu.memory_space<vmem_shared>> -> memref<10240x128xf32, #tpu.memory_space<vmem_shared>>
        tpu.wait_indirect_dma semaphore(%run_scoped3A_300 : memref<!tpu.dma_semaphore, #tpu.memory_space<semaphore_mem>>) src(%arg12 : memref<125x128xf32, #tpu.memory_space<vmem>>) dst(%dma_wait3A_312 : memref<10240x128xf32, #tpu.memory_space<vmem_shared>>)
        tpu.yield
      }) : () -> ()
      %dma_start3A_149 = arith.constant 7 : i32
      %dma_start3A_150 = arith.constant 0 : i32
      %dma_start3A_151 = tpu.memref_slice %arg7[%dma_start3A_149, %dma_start3A_150] : memref<8x125xi32, #tpu.memory_space<vmem>> -> memref<1x125xi32, #tpu.memory_space<vmem>>
      %dma_start3A_152 = tpu.memref_squeeze %dma_start3A_151 : memref<1x125xi32, #tpu.memory_space<vmem>> -> memref<125xi32, #tpu.memory_space<vmem>>
      %dma_start3A_153 = arith.constant 0 : i32
      %dma_start3A_154 = arith.constant 0 : i32
      %dma_start3A_155 = tpu.memref_slice %arg2[%dma_start3A_153, %dma_start3A_154] : memref<20480x128xf32, #tpu.memory_space<hbm>> -> memref<20480x128xf32, #tpu.memory_space<hbm>>
      tpu.enqueue_indirect_dma source(%dma_start3A_155 : memref<20480x128xf32, #tpu.memory_space<hbm>>) target(%arg12 : memref<125x128xf32, #tpu.memory_space<vmem>>) offsets(%dma_start3A_152 : memref<125xi32, #tpu.memory_space<vmem>>) semaphore(%arg15 : memref<!tpu.dma_semaphore, #tpu.memory_space<semaphore_mem>>)
      %dma_wait3A_156 = arith.constant 6 : i32
      %dma_wait3A_157 = arith.constant 0 : i32
      %dma_wait3A_158 = tpu.memref_slice %arg7[%dma_wait3A_156, %dma_wait3A_157] : memref<8x125xi32, #tpu.memory_space<vmem>> -> memref<1x125xi32, #tpu.memory_space<vmem>>
      %dma_wait3A_159 = tpu.memref_squeeze %dma_wait3A_158 : memref<1x125xi32, #tpu.memory_space<vmem>> -> memref<125xi32, #tpu.memory_space<vmem>>
      %dma_wait3A_160 = arith.constant 0 : i32
      %dma_wait3A_161 = arith.constant 0 : i32
      %dma_wait3A_162 = tpu.memref_slice %arg2[%dma_wait3A_160, %dma_wait3A_161] : memref<20480x128xf32, #tpu.memory_space<hbm>> -> memref<20480x128xf32, #tpu.memory_space<hbm>>
      tpu.wait_indirect_dma semaphore(%arg14 : memref<!tpu.dma_semaphore, #tpu.memory_space<semaphore_mem>>) src(%dma_wait3A_162 : memref<20480x128xf32, #tpu.memory_space<hbm>>) dst(%arg11 : memref<125x128xf32, #tpu.memory_space<vmem>>)
      %run_scoped3A_163 = arith.constant 6 : i32
      "tpu.region"() ({
        %run_scoped3A_300 = tpu.sem_alloc : memref<!tpu.dma_semaphore, #tpu.memory_space<semaphore_mem>>
        %dma_start3A_301 = arith.constant 0 : i32
        %dma_start3A_302 = tpu.memref_slice %arg8[%run_scoped3A_163, %dma_start3A_301] : memref<8x125xi32, #tpu.memory_space<vmem>> -> memref<1x125xi32, #tpu.memory_space<vmem>>
        %dma_start3A_303 = tpu.memref_squeeze %dma_start3A_302 : memref<1x125xi32, #tpu.memory_space<vmem>> -> memref<125xi32, #tpu.memory_space<vmem>>
        %dma_start3A_304 = arith.constant 0 : i32
        %dma_start3A_305 = arith.constant 0 : i32
        %dma_start3A_306 = tpu.memref_slice %arg13[%dma_start3A_304, %dma_start3A_305] : memref<10240x128xf32, #tpu.memory_space<vmem_shared>> -> memref<10240x128xf32, #tpu.memory_space<vmem_shared>>
        tpu.enqueue_indirect_dma source(%arg11 : memref<125x128xf32, #tpu.memory_space<vmem>>) target(%dma_start3A_306 : memref<10240x128xf32, #tpu.memory_space<vmem_shared>>) offsets(%dma_start3A_303 : memref<125xi32, #tpu.memory_space<vmem>>) semaphore(%run_scoped3A_300 : memref<!tpu.dma_semaphore, #tpu.memory_space<semaphore_mem>>) {add = true}
        %dma_wait3A_307 = arith.constant 0 : i32
        %dma_wait3A_308 = tpu.memref_slice %arg8[%run_scoped3A_163, %dma_wait3A_307] : memref<8x125xi32, #tpu.memory_space<vmem>> -> memref<1x125xi32, #tpu.memory_space<vmem>>
        %dma_wait3A_309 = tpu.memref_squeeze %dma_wait3A_308 : memref<1x125xi32, #tpu.memory_space<vmem>> -> memref<125xi32, #tpu.memory_space<vmem>>
        %dma_wait3A_310 = arith.constant 0 : i32
        %dma_wait3A_311 = arith.constant 0 : i32
        %dma_wait3A_312 = tpu.memref_slice %arg13[%dma_wait3A_310, %dma_wait3A_311] : memref<10240x128xf32, #tpu.memory_space<vmem_shared>> -> memref<10240x128xf32, #tpu.memory_space<vmem_shared>>
        tpu.wait_indirect_dma semaphore(%run_scoped3A_300 : memref<!tpu.dma_semaphore, #tpu.memory_space<semaphore_mem>>) src(%arg11 : memref<125x128xf32, #tpu.memory_space<vmem>>) dst(%dma_wait3A_312 : memref<10240x128xf32, #tpu.memory_space<vmem_shared>>)
        tpu.yield
      }) : () -> ()
      %convert_element_type3A = arith.extui %lt3A_59 : i1 to i32
      %cond3A = arith.constant 0 : i32
      %cond3A_164 = arith.cmpi ne, %convert_element_type3A, %cond3A : i32
      scf.if %cond3A_164 {
        %dma_wait3A_300 = arith.constant 0 : i32
        %dma_wait3A_301 = tpu.memref_slice %arg4[%mul3A_4, %dma_wait3A_300] : memref<1280x125xi32, #tpu.memory_space<hbm>> -> memref<8x125xi32, #tpu.memory_space<hbm>>
        %dma_wait3A_302 = arith.constant 0 : i32
        %dma_wait3A_303 = tpu.memref_slice %arg4[%mul3A_4, %dma_wait3A_302] : memref<1280x125xi32, #tpu.memory_space<hbm>> -> memref<8x125xi32, #tpu.memory_space<hbm>>
        tpu.wait_dma2 semaphore(%arg17 : memref<!tpu.dma_semaphore, #tpu.memory_space<semaphore_mem>>) src(%dma_wait3A_303 : memref<8x125xi32, #tpu.memory_space<hbm>>) dst(%arg9 : memref<8x125xi32, #tpu.memory_space<vmem>>)
        %dma_wait3A_304 = arith.constant 0 : i32
        %dma_wait3A_305 = tpu.memref_slice %arg4[%mul3A_4, %dma_wait3A_304] : memref<1280x125xi32, #tpu.memory_space<hbm>> -> memref<8x125xi32, #tpu.memory_space<hbm>>
        %dma_wait3A_306 = arith.constant 0 : i32
        %dma_wait3A_307 = tpu.memref_slice %arg4[%mul3A_4, %dma_wait3A_306] : memref<1280x125xi32, #tpu.memory_space<hbm>> -> memref<8x125xi32, #tpu.memory_space<hbm>>
        tpu.wait_dma2 semaphore(%arg17 : memref<!tpu.dma_semaphore, #tpu.memory_space<semaphore_mem>>) src(%dma_wait3A_307 : memref<8x125xi32, #tpu.memory_space<hbm>>) dst(%arg10 : memref<8x125xi32, #tpu.memory_space<vmem>>)
        %dma_start3A_308 = arith.constant 0 : i32
        %dma_start3A_309 = arith.constant 0 : i32
        %dma_start3A_310 = tpu.memref_slice %arg9[%dma_start3A_308, %dma_start3A_309] : memref<8x125xi32, #tpu.memory_space<vmem>> -> memref<1x125xi32, #tpu.memory_space<vmem>>
        %dma_start3A_311 = tpu.memref_squeeze %dma_start3A_310 : memref<1x125xi32, #tpu.memory_space<vmem>> -> memref<125xi32, #tpu.memory_space<vmem>>
        %dma_start3A_312 = arith.constant 0 : i32
        %dma_start3A_313 = arith.constant 0 : i32
        %dma_start3A_314 = tpu.memref_slice %arg2[%dma_start3A_312, %dma_start3A_313] : memref<20480x128xf32, #tpu.memory_space<hbm>> -> memref<20480x128xf32, #tpu.memory_space<hbm>>
        tpu.enqueue_indirect_dma source(%dma_start3A_314 : memref<20480x128xf32, #tpu.memory_space<hbm>>) target(%arg11 : memref<125x128xf32, #tpu.memory_space<vmem>>) offsets(%dma_start3A_311 : memref<125xi32, #tpu.memory_space<vmem>>) semaphore(%arg14 : memref<!tpu.dma_semaphore, #tpu.memory_space<semaphore_mem>>)
      } else {
      }
      %dma_wait3A_165 = arith.constant 7 : i32
      %dma_wait3A_166 = arith.constant 0 : i32
      %dma_wait3A_167 = tpu.memref_slice %arg7[%dma_wait3A_165, %dma_wait3A_166] : memref<8x125xi32, #tpu.memory_space<vmem>> -> memref<1x125xi32, #tpu.memory_space<vmem>>
      %dma_wait3A_168 = tpu.memref_squeeze %dma_wait3A_167 : memref<1x125xi32, #tpu.memory_space<vmem>> -> memref<125xi32, #tpu.memory_space<vmem>>
      %dma_wait3A_169 = arith.constant 0 : i32
      %dma_wait3A_170 = arith.constant 0 : i32
      %dma_wait3A_171 = tpu.memref_slice %arg2[%dma_wait3A_169, %dma_wait3A_170] : memref<20480x128xf32, #tpu.memory_space<hbm>> -> memref<20480x128xf32, #tpu.memory_space<hbm>>
      tpu.wait_indirect_dma semaphore(%arg15 : memref<!tpu.dma_semaphore, #tpu.memory_space<semaphore_mem>>) src(%dma_wait3A_171 : memref<20480x128xf32, #tpu.memory_space<hbm>>) dst(%arg12 : memref<125x128xf32, #tpu.memory_space<vmem>>)
      %run_scoped3A_172 = arith.constant 7 : i32
      "tpu.region"() ({
        %run_scoped3A_300 = tpu.sem_alloc : memref<!tpu.dma_semaphore, #tpu.memory_space<semaphore_mem>>
        %dma_start3A_301 = arith.constant 0 : i32
        %dma_start3A_302 = tpu.memref_slice %arg8[%run_scoped3A_172, %dma_start3A_301] : memref<8x125xi32, #tpu.memory_space<vmem>> -> memref<1x125xi32, #tpu.memory_space<vmem>>
        %dma_start3A_303 = tpu.memref_squeeze %dma_start3A_302 : memref<1x125xi32, #tpu.memory_space<vmem>> -> memref<125xi32, #tpu.memory_space<vmem>>
        %dma_start3A_304 = arith.constant 0 : i32
        %dma_start3A_305 = arith.constant 0 : i32
        %dma_start3A_306 = tpu.memref_slice %arg13[%dma_start3A_304, %dma_start3A_305] : memref<10240x128xf32, #tpu.memory_space<vmem_shared>> -> memref<10240x128xf32, #tpu.memory_space<vmem_shared>>
        tpu.enqueue_indirect_dma source(%arg12 : memref<125x128xf32, #tpu.memory_space<vmem>>) target(%dma_start3A_306 : memref<10240x128xf32, #tpu.memory_space<vmem_shared>>) offsets(%dma_start3A_303 : memref<125xi32, #tpu.memory_space<vmem>>) semaphore(%run_scoped3A_300 : memref<!tpu.dma_semaphore, #tpu.memory_space<semaphore_mem>>) {add = true}
        %dma_wait3A_307 = arith.constant 0 : i32
        %dma_wait3A_308 = tpu.memref_slice %arg8[%run_scoped3A_172, %dma_wait3A_307] : memref<8x125xi32, #tpu.memory_space<vmem>> -> memref<1x125xi32, #tpu.memory_space<vmem>>
        %dma_wait3A_309 = tpu.memref_squeeze %dma_wait3A_308 : memref<1x125xi32, #tpu.memory_space<vmem>> -> memref<125xi32, #tpu.memory_space<vmem>>
        %dma_wait3A_310 = arith.constant 0 : i32
        %dma_wait3A_311 = arith.constant 0 : i32
        %dma_wait3A_312 = tpu.memref_slice %arg13[%dma_wait3A_310, %dma_wait3A_311] : memref<10240x128xf32, #tpu.memory_space<vmem_shared>> -> memref<10240x128xf32, #tpu.memory_space<vmem_shared>>
        tpu.wait_indirect_dma semaphore(%run_scoped3A_300 : memref<!tpu.dma_semaphore, #tpu.memory_space<semaphore_mem>>) src(%arg12 : memref<125x128xf32, #tpu.memory_space<vmem>>) dst(%dma_wait3A_312 : memref<10240x128xf32, #tpu.memory_space<vmem_shared>>)
        tpu.yield
      }) : () -> ()
      %add3A_173 = arith.constant 2 : i32
      %add3A_174 = arith.addi %mul3A_41, %add3A_173 : i32
      %lt3A_175 = arith.constant 10 : i32
      %lt3A_176 = arith.cmpi slt, %add3A_174, %lt3A_175 : i32
      %convert_element_type3A_177 = arith.extui %lt3A_176 : i1 to i32
      %cond3A_178 = arith.constant 0 : i32
      %cond3A_179 = arith.cmpi ne, %convert_element_type3A_177, %cond3A_178 : i32
      scf.if %cond3A_179 {
        %add3A_300 = arith.constant 2 : i32
        %add3A_301 = arith.addi %mul3A_41, %add3A_300 : i32
        %mul3A_302 = arith.constant 8 : i32
        %mul3A_303 = arith.muli %mul3A_302, %add3A_301 : i32
        %add3A_304 = arith.addi %mul3A_4, %mul3A_303 : i32
        %dma_start3A_305 = arith.constant 0 : i32
        %dma_start3A_306 = tpu.memref_slice %arg3[%arg0, %add3A_304, %dma_start3A_305] : memref<2x1280x125xi32, #tpu.memory_space<hbm>> -> memref<1x8x125xi32, #tpu.memory_space<hbm>>
        %dma_start3A_307 = tpu.memref_squeeze %dma_start3A_306 : memref<1x8x125xi32, #tpu.memory_space<hbm>> -> memref<8x125xi32, #tpu.memory_space<hbm>>
        %dma_start3A_308 = arith.constant 0 : i32
        %dma_start3A_309 = tpu.memref_slice %arg3[%arg0, %add3A_304, %dma_start3A_308] : memref<2x1280x125xi32, #tpu.memory_space<hbm>> -> memref<1x8x125xi32, #tpu.memory_space<hbm>>
        %dma_start3A_310 = tpu.memref_squeeze %dma_start3A_309 : memref<1x8x125xi32, #tpu.memory_space<hbm>> -> memref<8x125xi32, #tpu.memory_space<hbm>>
        tpu.enqueue_dma source(%dma_start3A_310 : memref<8x125xi32, #tpu.memory_space<hbm>>) target(%arg7 : memref<8x125xi32, #tpu.memory_space<vmem>>) target_semaphore(%arg16 : memref<!tpu.dma_semaphore, #tpu.memory_space<semaphore_mem>>)
        %dma_start3A_311 = arith.constant 0 : i32
        %dma_start3A_312 = tpu.memref_slice %arg4[%add3A_304, %dma_start3A_311] : memref<1280x125xi32, #tpu.memory_space<hbm>> -> memref<8x125xi32, #tpu.memory_space<hbm>>
        %dma_start3A_313 = arith.constant 0 : i32
        %dma_start3A_314 = tpu.memref_slice %arg4[%add3A_304, %dma_start3A_313] : memref<1280x125xi32, #tpu.memory_space<hbm>> -> memref<8x125xi32, #tpu.memory_space<hbm>>
        tpu.enqueue_dma source(%dma_start3A_314 : memref<8x125xi32, #tpu.memory_space<hbm>>) target(%arg8 : memref<8x125xi32, #tpu.memory_space<vmem>>) target_semaphore(%arg16 : memref<!tpu.dma_semaphore, #tpu.memory_space<semaphore_mem>>)
      } else {
      }
      %add3A_180 = arith.constant 2 : i32
      %add3A_181 = arith.addi %mul3A_41, %add3A_180 : i32
      %lt3A_182 = arith.constant 10 : i32
      %lt3A_183 = arith.cmpi slt, %add3A_181, %lt3A_182 : i32
      %dma_start3A_184 = arith.constant 1 : i32
      %dma_start3A_185 = arith.constant 0 : i32
      %dma_start3A_186 = tpu.memref_slice %arg9[%dma_start3A_184, %dma_start3A_185] : memref<8x125xi32, #tpu.memory_space<vmem>> -> memref<1x125xi32, #tpu.memory_space<vmem>>
      %dma_start3A_187 = tpu.memref_squeeze %dma_start3A_186 : memref<1x125xi32, #tpu.memory_space<vmem>> -> memref<125xi32, #tpu.memory_space<vmem>>
      %dma_start3A_188 = arith.constant 0 : i32
      %dma_start3A_189 = arith.constant 0 : i32
      %dma_start3A_190 = tpu.memref_slice %arg2[%dma_start3A_188, %dma_start3A_189] : memref<20480x128xf32, #tpu.memory_space<hbm>> -> memref<20480x128xf32, #tpu.memory_space<hbm>>
      tpu.enqueue_indirect_dma source(%dma_start3A_190 : memref<20480x128xf32, #tpu.memory_space<hbm>>) target(%arg12 : memref<125x128xf32, #tpu.memory_space<vmem>>) offsets(%dma_start3A_187 : memref<125xi32, #tpu.memory_space<vmem>>) semaphore(%arg15 : memref<!tpu.dma_semaphore, #tpu.memory_space<semaphore_mem>>)
      %dma_wait3A_191 = arith.constant 0 : i32
      %dma_wait3A_192 = arith.constant 0 : i32
      %dma_wait3A_193 = tpu.memref_slice %arg9[%dma_wait3A_191, %dma_wait3A_192] : memref<8x125xi32, #tpu.memory_space<vmem>> -> memref<1x125xi32, #tpu.memory_space<vmem>>
      %dma_wait3A_194 = tpu.memref_squeeze %dma_wait3A_193 : memref<1x125xi32, #tpu.memory_space<vmem>> -> memref<125xi32, #tpu.memory_space<vmem>>
      %dma_wait3A_195 = arith.constant 0 : i32
      %dma_wait3A_196 = arith.constant 0 : i32
      %dma_wait3A_197 = tpu.memref_slice %arg2[%dma_wait3A_195, %dma_wait3A_196] : memref<20480x128xf32, #tpu.memory_space<hbm>> -> memref<20480x128xf32, #tpu.memory_space<hbm>>
      tpu.wait_indirect_dma semaphore(%arg14 : memref<!tpu.dma_semaphore, #tpu.memory_space<semaphore_mem>>) src(%dma_wait3A_197 : memref<20480x128xf32, #tpu.memory_space<hbm>>) dst(%arg11 : memref<125x128xf32, #tpu.memory_space<vmem>>)
      %run_scoped3A_198 = arith.constant 0 : i32
      "tpu.region"() ({
        %run_scoped3A_300 = tpu.sem_alloc : memref<!tpu.dma_semaphore, #tpu.memory_space<semaphore_mem>>
        %dma_start3A_301 = arith.constant 0 : i32
        %dma_start3A_302 = tpu.memref_slice %arg10[%run_scoped3A_198, %dma_start3A_301] : memref<8x125xi32, #tpu.memory_space<vmem>> -> memref<1x125xi32, #tpu.memory_space<vmem>>
        %dma_start3A_303 = tpu.memref_squeeze %dma_start3A_302 : memref<1x125xi32, #tpu.memory_space<vmem>> -> memref<125xi32, #tpu.memory_space<vmem>>
        %dma_start3A_304 = arith.constant 0 : i32
        %dma_start3A_305 = arith.constant 0 : i32
        %dma_start3A_306 = tpu.memref_slice %arg13[%dma_start3A_304, %dma_start3A_305] : memref<10240x128xf32, #tpu.memory_space<vmem_shared>> -> memref<10240x128xf32, #tpu.memory_space<vmem_shared>>
        tpu.enqueue_indirect_dma source(%arg11 : memref<125x128xf32, #tpu.memory_space<vmem>>) target(%dma_start3A_306 : memref<10240x128xf32, #tpu.memory_space<vmem_shared>>) offsets(%dma_start3A_303 : memref<125xi32, #tpu.memory_space<vmem>>) semaphore(%run_scoped3A_300 : memref<!tpu.dma_semaphore, #tpu.memory_space<semaphore_mem>>) {add = true}
        %dma_wait3A_307 = arith.constant 0 : i32
        %dma_wait3A_308 = tpu.memref_slice %arg10[%run_scoped3A_198, %dma_wait3A_307] : memref<8x125xi32, #tpu.memory_space<vmem>> -> memref<1x125xi32, #tpu.memory_space<vmem>>
        %dma_wait3A_309 = tpu.memref_squeeze %dma_wait3A_308 : memref<1x125xi32, #tpu.memory_space<vmem>> -> memref<125xi32, #tpu.memory_space<vmem>>
        %dma_wait3A_310 = arith.constant 0 : i32
        %dma_wait3A_311 = arith.constant 0 : i32
        %dma_wait3A_312 = tpu.memref_slice %arg13[%dma_wait3A_310, %dma_wait3A_311] : memref<10240x128xf32, #tpu.memory_space<vmem_shared>> -> memref<10240x128xf32, #tpu.memory_space<vmem_shared>>
        tpu.wait_indirect_dma semaphore(%run_scoped3A_300 : memref<!tpu.dma_semaphore, #tpu.memory_space<semaphore_mem>>) src(%arg11 : memref<125x128xf32, #tpu.memory_space<vmem>>) dst(%dma_wait3A_312 : memref<10240x128xf32, #tpu.memory_space<vmem_shared>>)
        tpu.yield
      }) : () -> ()
      %dma_start3A_199 = arith.constant 2 : i32
      %dma_start3A_200 = arith.constant 0 : i32
      %dma_start3A_201 = tpu.memref_slice %arg9[%dma_start3A_199, %dma_start3A_200] : memref<8x125xi32, #tpu.memory_space<vmem>> -> memref<1x125xi32, #tpu.memory_space<vmem>>
      %dma_start3A_202 = tpu.memref_squeeze %dma_start3A_201 : memref<1x125xi32, #tpu.memory_space<vmem>> -> memref<125xi32, #tpu.memory_space<vmem>>
      %dma_start3A_203 = arith.constant 0 : i32
      %dma_start3A_204 = arith.constant 0 : i32
      %dma_start3A_205 = tpu.memref_slice %arg2[%dma_start3A_203, %dma_start3A_204] : memref<20480x128xf32, #tpu.memory_space<hbm>> -> memref<20480x128xf32, #tpu.memory_space<hbm>>
      tpu.enqueue_indirect_dma source(%dma_start3A_205 : memref<20480x128xf32, #tpu.memory_space<hbm>>) target(%arg11 : memref<125x128xf32, #tpu.memory_space<vmem>>) offsets(%dma_start3A_202 : memref<125xi32, #tpu.memory_space<vmem>>) semaphore(%arg14 : memref<!tpu.dma_semaphore, #tpu.memory_space<semaphore_mem>>)
      %dma_wait3A_206 = arith.constant 1 : i32
      %dma_wait3A_207 = arith.constant 0 : i32
      %dma_wait3A_208 = tpu.memref_slice %arg9[%dma_wait3A_206, %dma_wait3A_207] : memref<8x125xi32, #tpu.memory_space<vmem>> -> memref<1x125xi32, #tpu.memory_space<vmem>>
      %dma_wait3A_209 = tpu.memref_squeeze %dma_wait3A_208 : memref<1x125xi32, #tpu.memory_space<vmem>> -> memref<125xi32, #tpu.memory_space<vmem>>
      %dma_wait3A_210 = arith.constant 0 : i32
      %dma_wait3A_211 = arith.constant 0 : i32
      %dma_wait3A_212 = tpu.memref_slice %arg2[%dma_wait3A_210, %dma_wait3A_211] : memref<20480x128xf32, #tpu.memory_space<hbm>> -> memref<20480x128xf32, #tpu.memory_space<hbm>>
      tpu.wait_indirect_dma semaphore(%arg15 : memref<!tpu.dma_semaphore, #tpu.memory_space<semaphore_mem>>) src(%dma_wait3A_212 : memref<20480x128xf32, #tpu.memory_space<hbm>>) dst(%arg12 : memref<125x128xf32, #tpu.memory_space<vmem>>)
      %run_scoped3A_213 = arith.constant 1 : i32
      "tpu.region"() ({
        %run_scoped3A_300 = tpu.sem_alloc : memref<!tpu.dma_semaphore, #tpu.memory_space<semaphore_mem>>
        %dma_start3A_301 = arith.constant 0 : i32
        %dma_start3A_302 = tpu.memref_slice %arg10[%run_scoped3A_213, %dma_start3A_301] : memref<8x125xi32, #tpu.memory_space<vmem>> -> memref<1x125xi32, #tpu.memory_space<vmem>>
        %dma_start3A_303 = tpu.memref_squeeze %dma_start3A_302 : memref<1x125xi32, #tpu.memory_space<vmem>> -> memref<125xi32, #tpu.memory_space<vmem>>
        %dma_start3A_304 = arith.constant 0 : i32
        %dma_start3A_305 = arith.constant 0 : i32
        %dma_start3A_306 = tpu.memref_slice %arg13[%dma_start3A_304, %dma_start3A_305] : memref<10240x128xf32, #tpu.memory_space<vmem_shared>> -> memref<10240x128xf32, #tpu.memory_space<vmem_shared>>
        tpu.enqueue_indirect_dma source(%arg12 : memref<125x128xf32, #tpu.memory_space<vmem>>) target(%dma_start3A_306 : memref<10240x128xf32, #tpu.memory_space<vmem_shared>>) offsets(%dma_start3A_303 : memref<125xi32, #tpu.memory_space<vmem>>) semaphore(%run_scoped3A_300 : memref<!tpu.dma_semaphore, #tpu.memory_space<semaphore_mem>>) {add = true}
        %dma_wait3A_307 = arith.constant 0 : i32
        %dma_wait3A_308 = tpu.memref_slice %arg10[%run_scoped3A_213, %dma_wait3A_307] : memref<8x125xi32, #tpu.memory_space<vmem>> -> memref<1x125xi32, #tpu.memory_space<vmem>>
        %dma_wait3A_309 = tpu.memref_squeeze %dma_wait3A_308 : memref<1x125xi32, #tpu.memory_space<vmem>> -> memref<125xi32, #tpu.memory_space<vmem>>
        %dma_wait3A_310 = arith.constant 0 : i32
        %dma_wait3A_311 = arith.constant 0 : i32
        %dma_wait3A_312 = tpu.memref_slice %arg13[%dma_wait3A_310, %dma_wait3A_311] : memref<10240x128xf32, #tpu.memory_space<vmem_shared>> -> memref<10240x128xf32, #tpu.memory_space<vmem_shared>>
        tpu.wait_indirect_dma semaphore(%run_scoped3A_300 : memref<!tpu.dma_semaphore, #tpu.memory_space<semaphore_mem>>) src(%arg12 : memref<125x128xf32, #tpu.memory_space<vmem>>) dst(%dma_wait3A_312 : memref<10240x128xf32, #tpu.memory_space<vmem_shared>>)
        tpu.yield
      }) : () -> ()
      %dma_start3A_214 = arith.constant 3 : i32
      %dma_start3A_215 = arith.constant 0 : i32
      %dma_start3A_216 = tpu.memref_slice %arg9[%dma_start3A_214, %dma_start3A_215] : memref<8x125xi32, #tpu.memory_space<vmem>> -> memref<1x125xi32, #tpu.memory_space<vmem>>
      %dma_start3A_217 = tpu.memref_squeeze %dma_start3A_216 : memref<1x125xi32, #tpu.memory_space<vmem>> -> memref<125xi32, #tpu.memory_space<vmem>>
      %dma_start3A_218 = arith.constant 0 : i32
      %dma_start3A_219 = arith.constant 0 : i32
      %dma_start3A_220 = tpu.memref_slice %arg2[%dma_start3A_218, %dma_start3A_219] : memref<20480x128xf32, #tpu.memory_space<hbm>> -> memref<20480x128xf32, #tpu.memory_space<hbm>>
      tpu.enqueue_indirect_dma source(%dma_start3A_220 : memref<20480x128xf32, #tpu.memory_space<hbm>>) target(%arg12 : memref<125x128xf32, #tpu.memory_space<vmem>>) offsets(%dma_start3A_217 : memref<125xi32, #tpu.memory_space<vmem>>) semaphore(%arg15 : memref<!tpu.dma_semaphore, #tpu.memory_space<semaphore_mem>>)
      %dma_wait3A_221 = arith.constant 2 : i32
      %dma_wait3A_222 = arith.constant 0 : i32
      %dma_wait3A_223 = tpu.memref_slice %arg9[%dma_wait3A_221, %dma_wait3A_222] : memref<8x125xi32, #tpu.memory_space<vmem>> -> memref<1x125xi32, #tpu.memory_space<vmem>>
      %dma_wait3A_224 = tpu.memref_squeeze %dma_wait3A_223 : memref<1x125xi32, #tpu.memory_space<vmem>> -> memref<125xi32, #tpu.memory_space<vmem>>
      %dma_wait3A_225 = arith.constant 0 : i32
      %dma_wait3A_226 = arith.constant 0 : i32
      %dma_wait3A_227 = tpu.memref_slice %arg2[%dma_wait3A_225, %dma_wait3A_226] : memref<20480x128xf32, #tpu.memory_space<hbm>> -> memref<20480x128xf32, #tpu.memory_space<hbm>>
      tpu.wait_indirect_dma semaphore(%arg14 : memref<!tpu.dma_semaphore, #tpu.memory_space<semaphore_mem>>) src(%dma_wait3A_227 : memref<20480x128xf32, #tpu.memory_space<hbm>>) dst(%arg11 : memref<125x128xf32, #tpu.memory_space<vmem>>)
      %run_scoped3A_228 = arith.constant 2 : i32
      "tpu.region"() ({
        %run_scoped3A_300 = tpu.sem_alloc : memref<!tpu.dma_semaphore, #tpu.memory_space<semaphore_mem>>
        %dma_start3A_301 = arith.constant 0 : i32
        %dma_start3A_302 = tpu.memref_slice %arg10[%run_scoped3A_228, %dma_start3A_301] : memref<8x125xi32, #tpu.memory_space<vmem>> -> memref<1x125xi32, #tpu.memory_space<vmem>>
        %dma_start3A_303 = tpu.memref_squeeze %dma_start3A_302 : memref<1x125xi32, #tpu.memory_space<vmem>> -> memref<125xi32, #tpu.memory_space<vmem>>
        %dma_start3A_304 = arith.constant 0 : i32
        %dma_start3A_305 = arith.constant 0 : i32
        %dma_start3A_306 = tpu.memref_slice %arg13[%dma_start3A_304, %dma_start3A_305] : memref<10240x128xf32, #tpu.memory_space<vmem_shared>> -> memref<10240x128xf32, #tpu.memory_space<vmem_shared>>
        tpu.enqueue_indirect_dma source(%arg11 : memref<125x128xf32, #tpu.memory_space<vmem>>) target(%dma_start3A_306 : memref<10240x128xf32, #tpu.memory_space<vmem_shared>>) offsets(%dma_start3A_303 : memref<125xi32, #tpu.memory_space<vmem>>) semaphore(%run_scoped3A_300 : memref<!tpu.dma_semaphore, #tpu.memory_space<semaphore_mem>>) {add = true}
        %dma_wait3A_307 = arith.constant 0 : i32
        %dma_wait3A_308 = tpu.memref_slice %arg10[%run_scoped3A_228, %dma_wait3A_307] : memref<8x125xi32, #tpu.memory_space<vmem>> -> memref<1x125xi32, #tpu.memory_space<vmem>>
        %dma_wait3A_309 = tpu.memref_squeeze %dma_wait3A_308 : memref<1x125xi32, #tpu.memory_space<vmem>> -> memref<125xi32, #tpu.memory_space<vmem>>
        %dma_wait3A_310 = arith.constant 0 : i32
        %dma_wait3A_311 = arith.constant 0 : i32
        %dma_wait3A_312 = tpu.memref_slice %arg13[%dma_wait3A_310, %dma_wait3A_311] : memref<10240x128xf32, #tpu.memory_space<vmem_shared>> -> memref<10240x128xf32, #tpu.memory_space<vmem_shared>>
        tpu.wait_indirect_dma semaphore(%run_scoped3A_300 : memref<!tpu.dma_semaphore, #tpu.memory_space<semaphore_mem>>) src(%arg11 : memref<125x128xf32, #tpu.memory_space<vmem>>) dst(%dma_wait3A_312 : memref<10240x128xf32, #tpu.memory_space<vmem_shared>>)
        tpu.yield
      }) : () -> ()
      %dma_start3A_229 = arith.constant 4 : i32
      %dma_start3A_230 = arith.constant 0 : i32
      %dma_start3A_231 = tpu.memref_slice %arg9[%dma_start3A_229, %dma_start3A_230] : memref<8x125xi32, #tpu.memory_space<vmem>> -> memref<1x125xi32, #tpu.memory_space<vmem>>
      %dma_start3A_232 = tpu.memref_squeeze %dma_start3A_231 : memref<1x125xi32, #tpu.memory_space<vmem>> -> memref<125xi32, #tpu.memory_space<vmem>>
      %dma_start3A_233 = arith.constant 0 : i32
      %dma_start3A_234 = arith.constant 0 : i32
      %dma_start3A_235 = tpu.memref_slice %arg2[%dma_start3A_233, %dma_start3A_234] : memref<20480x128xf32, #tpu.memory_space<hbm>> -> memref<20480x128xf32, #tpu.memory_space<hbm>>
      tpu.enqueue_indirect_dma source(%dma_start3A_235 : memref<20480x128xf32, #tpu.memory_space<hbm>>) target(%arg11 : memref<125x128xf32, #tpu.memory_space<vmem>>) offsets(%dma_start3A_232 : memref<125xi32, #tpu.memory_space<vmem>>) semaphore(%arg14 : memref<!tpu.dma_semaphore, #tpu.memory_space<semaphore_mem>>)
      %dma_wait3A_236 = arith.constant 3 : i32
      %dma_wait3A_237 = arith.constant 0 : i32
      %dma_wait3A_238 = tpu.memref_slice %arg9[%dma_wait3A_236, %dma_wait3A_237] : memref<8x125xi32, #tpu.memory_space<vmem>> -> memref<1x125xi32, #tpu.memory_space<vmem>>
      %dma_wait3A_239 = tpu.memref_squeeze %dma_wait3A_238 : memref<1x125xi32, #tpu.memory_space<vmem>> -> memref<125xi32, #tpu.memory_space<vmem>>
      %dma_wait3A_240 = arith.constant 0 : i32
      %dma_wait3A_241 = arith.constant 0 : i32
      %dma_wait3A_242 = tpu.memref_slice %arg2[%dma_wait3A_240, %dma_wait3A_241] : memref<20480x128xf32, #tpu.memory_space<hbm>> -> memref<20480x128xf32, #tpu.memory_space<hbm>>
      tpu.wait_indirect_dma semaphore(%arg15 : memref<!tpu.dma_semaphore, #tpu.memory_space<semaphore_mem>>) src(%dma_wait3A_242 : memref<20480x128xf32, #tpu.memory_space<hbm>>) dst(%arg12 : memref<125x128xf32, #tpu.memory_space<vmem>>)
      %run_scoped3A_243 = arith.constant 3 : i32
      "tpu.region"() ({
        %run_scoped3A_300 = tpu.sem_alloc : memref<!tpu.dma_semaphore, #tpu.memory_space<semaphore_mem>>
        %dma_start3A_301 = arith.constant 0 : i32
        %dma_start3A_302 = tpu.memref_slice %arg10[%run_scoped3A_243, %dma_start3A_301] : memref<8x125xi32, #tpu.memory_space<vmem>> -> memref<1x125xi32, #tpu.memory_space<vmem>>
        %dma_start3A_303 = tpu.memref_squeeze %dma_start3A_302 : memref<1x125xi32, #tpu.memory_space<vmem>> -> memref<125xi32, #tpu.memory_space<vmem>>
        %dma_start3A_304 = arith.constant 0 : i32
        %dma_start3A_305 = arith.constant 0 : i32
        %dma_start3A_306 = tpu.memref_slice %arg13[%dma_start3A_304, %dma_start3A_305] : memref<10240x128xf32, #tpu.memory_space<vmem_shared>> -> memref<10240x128xf32, #tpu.memory_space<vmem_shared>>
        tpu.enqueue_indirect_dma source(%arg12 : memref<125x128xf32, #tpu.memory_space<vmem>>) target(%dma_start3A_306 : memref<10240x128xf32, #tpu.memory_space<vmem_shared>>) offsets(%dma_start3A_303 : memref<125xi32, #tpu.memory_space<vmem>>) semaphore(%run_scoped3A_300 : memref<!tpu.dma_semaphore, #tpu.memory_space<semaphore_mem>>) {add = true}
        %dma_wait3A_307 = arith.constant 0 : i32
        %dma_wait3A_308 = tpu.memref_slice %arg10[%run_scoped3A_243, %dma_wait3A_307] : memref<8x125xi32, #tpu.memory_space<vmem>> -> memref<1x125xi32, #tpu.memory_space<vmem>>
        %dma_wait3A_309 = tpu.memref_squeeze %dma_wait3A_308 : memref<1x125xi32, #tpu.memory_space<vmem>> -> memref<125xi32, #tpu.memory_space<vmem>>
        %dma_wait3A_310 = arith.constant 0 : i32
        %dma_wait3A_311 = arith.constant 0 : i32
        %dma_wait3A_312 = tpu.memref_slice %arg13[%dma_wait3A_310, %dma_wait3A_311] : memref<10240x128xf32, #tpu.memory_space<vmem_shared>> -> memref<10240x128xf32, #tpu.memory_space<vmem_shared>>
        tpu.wait_indirect_dma semaphore(%run_scoped3A_300 : memref<!tpu.dma_semaphore, #tpu.memory_space<semaphore_mem>>) src(%arg12 : memref<125x128xf32, #tpu.memory_space<vmem>>) dst(%dma_wait3A_312 : memref<10240x128xf32, #tpu.memory_space<vmem_shared>>)
        tpu.yield
      }) : () -> ()
      %dma_start3A_244 = arith.constant 5 : i32
      %dma_start3A_245 = arith.constant 0 : i32
      %dma_start3A_246 = tpu.memref_slice %arg9[%dma_start3A_244, %dma_start3A_245] : memref<8x125xi32, #tpu.memory_space<vmem>> -> memref<1x125xi32, #tpu.memory_space<vmem>>
      %dma_start3A_247 = tpu.memref_squeeze %dma_start3A_246 : memref<1x125xi32, #tpu.memory_space<vmem>> -> memref<125xi32, #tpu.memory_space<vmem>>
      %dma_start3A_248 = arith.constant 0 : i32
      %dma_start3A_249 = arith.constant 0 : i32
      %dma_start3A_250 = tpu.memref_slice %arg2[%dma_start3A_248, %dma_start3A_249] : memref<20480x128xf32, #tpu.memory_space<hbm>> -> memref<20480x128xf32, #tpu.memory_space<hbm>>
      tpu.enqueue_indirect_dma source(%dma_start3A_250 : memref<20480x128xf32, #tpu.memory_space<hbm>>) target(%arg12 : memref<125x128xf32, #tpu.memory_space<vmem>>) offsets(%dma_start3A_247 : memref<125xi32, #tpu.memory_space<vmem>>) semaphore(%arg15 : memref<!tpu.dma_semaphore, #tpu.memory_space<semaphore_mem>>)
      %dma_wait3A_251 = arith.constant 4 : i32
      %dma_wait3A_252 = arith.constant 0 : i32
      %dma_wait3A_253 = tpu.memref_slice %arg9[%dma_wait3A_251, %dma_wait3A_252] : memref<8x125xi32, #tpu.memory_space<vmem>> -> memref<1x125xi32, #tpu.memory_space<vmem>>
      %dma_wait3A_254 = tpu.memref_squeeze %dma_wait3A_253 : memref<1x125xi32, #tpu.memory_space<vmem>> -> memref<125xi32, #tpu.memory_space<vmem>>
      %dma_wait3A_255 = arith.constant 0 : i32
      %dma_wait3A_256 = arith.constant 0 : i32
      %dma_wait3A_257 = tpu.memref_slice %arg2[%dma_wait3A_255, %dma_wait3A_256] : memref<20480x128xf32, #tpu.memory_space<hbm>> -> memref<20480x128xf32, #tpu.memory_space<hbm>>
      tpu.wait_indirect_dma semaphore(%arg14 : memref<!tpu.dma_semaphore, #tpu.memory_space<semaphore_mem>>) src(%dma_wait3A_257 : memref<20480x128xf32, #tpu.memory_space<hbm>>) dst(%arg11 : memref<125x128xf32, #tpu.memory_space<vmem>>)
      %run_scoped3A_258 = arith.constant 4 : i32
      "tpu.region"() ({
        %run_scoped3A_300 = tpu.sem_alloc : memref<!tpu.dma_semaphore, #tpu.memory_space<semaphore_mem>>
        %dma_start3A_301 = arith.constant 0 : i32
        %dma_start3A_302 = tpu.memref_slice %arg10[%run_scoped3A_258, %dma_start3A_301] : memref<8x125xi32, #tpu.memory_space<vmem>> -> memref<1x125xi32, #tpu.memory_space<vmem>>
        %dma_start3A_303 = tpu.memref_squeeze %dma_start3A_302 : memref<1x125xi32, #tpu.memory_space<vmem>> -> memref<125xi32, #tpu.memory_space<vmem>>
        %dma_start3A_304 = arith.constant 0 : i32
        %dma_start3A_305 = arith.constant 0 : i32
        %dma_start3A_306 = tpu.memref_slice %arg13[%dma_start3A_304, %dma_start3A_305] : memref<10240x128xf32, #tpu.memory_space<vmem_shared>> -> memref<10240x128xf32, #tpu.memory_space<vmem_shared>>
        tpu.enqueue_indirect_dma source(%arg11 : memref<125x128xf32, #tpu.memory_space<vmem>>) target(%dma_start3A_306 : memref<10240x128xf32, #tpu.memory_space<vmem_shared>>) offsets(%dma_start3A_303 : memref<125xi32, #tpu.memory_space<vmem>>) semaphore(%run_scoped3A_300 : memref<!tpu.dma_semaphore, #tpu.memory_space<semaphore_mem>>) {add = true}
        %dma_wait3A_307 = arith.constant 0 : i32
        %dma_wait3A_308 = tpu.memref_slice %arg10[%run_scoped3A_258, %dma_wait3A_307] : memref<8x125xi32, #tpu.memory_space<vmem>> -> memref<1x125xi32, #tpu.memory_space<vmem>>
        %dma_wait3A_309 = tpu.memref_squeeze %dma_wait3A_308 : memref<1x125xi32, #tpu.memory_space<vmem>> -> memref<125xi32, #tpu.memory_space<vmem>>
        %dma_wait3A_310 = arith.constant 0 : i32
        %dma_wait3A_311 = arith.constant 0 : i32
        %dma_wait3A_312 = tpu.memref_slice %arg13[%dma_wait3A_310, %dma_wait3A_311] : memref<10240x128xf32, #tpu.memory_space<vmem_shared>> -> memref<10240x128xf32, #tpu.memory_space<vmem_shared>>
        tpu.wait_indirect_dma semaphore(%run_scoped3A_300 : memref<!tpu.dma_semaphore, #tpu.memory_space<semaphore_mem>>) src(%arg11 : memref<125x128xf32, #tpu.memory_space<vmem>>) dst(%dma_wait3A_312 : memref<10240x128xf32, #tpu.memory_space<vmem_shared>>)
        tpu.yield
      }) : () -> ()
      %dma_start3A_259 = arith.constant 6 : i32
      %dma_start3A_260 = arith.constant 0 : i32
      %dma_start3A_261 = tpu.memref_slice %arg9[%dma_start3A_259, %dma_start3A_260] : memref<8x125xi32, #tpu.memory_space<vmem>> -> memref<1x125xi32, #tpu.memory_space<vmem>>
      %dma_start3A_262 = tpu.memref_squeeze %dma_start3A_261 : memref<1x125xi32, #tpu.memory_space<vmem>> -> memref<125xi32, #tpu.memory_space<vmem>>
      %dma_start3A_263 = arith.constant 0 : i32
      %dma_start3A_264 = arith.constant 0 : i32
      %dma_start3A_265 = tpu.memref_slice %arg2[%dma_start3A_263, %dma_start3A_264] : memref<20480x128xf32, #tpu.memory_space<hbm>> -> memref<20480x128xf32, #tpu.memory_space<hbm>>
      tpu.enqueue_indirect_dma source(%dma_start3A_265 : memref<20480x128xf32, #tpu.memory_space<hbm>>) target(%arg11 : memref<125x128xf32, #tpu.memory_space<vmem>>) offsets(%dma_start3A_262 : memref<125xi32, #tpu.memory_space<vmem>>) semaphore(%arg14 : memref<!tpu.dma_semaphore, #tpu.memory_space<semaphore_mem>>)
      %dma_wait3A_266 = arith.constant 5 : i32
      %dma_wait3A_267 = arith.constant 0 : i32
      %dma_wait3A_268 = tpu.memref_slice %arg9[%dma_wait3A_266, %dma_wait3A_267] : memref<8x125xi32, #tpu.memory_space<vmem>> -> memref<1x125xi32, #tpu.memory_space<vmem>>
      %dma_wait3A_269 = tpu.memref_squeeze %dma_wait3A_268 : memref<1x125xi32, #tpu.memory_space<vmem>> -> memref<125xi32, #tpu.memory_space<vmem>>
      %dma_wait3A_270 = arith.constant 0 : i32
      %dma_wait3A_271 = arith.constant 0 : i32
      %dma_wait3A_272 = tpu.memref_slice %arg2[%dma_wait3A_270, %dma_wait3A_271] : memref<20480x128xf32, #tpu.memory_space<hbm>> -> memref<20480x128xf32, #tpu.memory_space<hbm>>
      tpu.wait_indirect_dma semaphore(%arg15 : memref<!tpu.dma_semaphore, #tpu.memory_space<semaphore_mem>>) src(%dma_wait3A_272 : memref<20480x128xf32, #tpu.memory_space<hbm>>) dst(%arg12 : memref<125x128xf32, #tpu.memory_space<vmem>>)
      %run_scoped3A_273 = arith.constant 5 : i32
      "tpu.region"() ({
        %run_scoped3A_300 = tpu.sem_alloc : memref<!tpu.dma_semaphore, #tpu.memory_space<semaphore_mem>>
        %dma_start3A_301 = arith.constant 0 : i32
        %dma_start3A_302 = tpu.memref_slice %arg10[%run_scoped3A_273, %dma_start3A_301] : memref<8x125xi32, #tpu.memory_space<vmem>> -> memref<1x125xi32, #tpu.memory_space<vmem>>
        %dma_start3A_303 = tpu.memref_squeeze %dma_start3A_302 : memref<1x125xi32, #tpu.memory_space<vmem>> -> memref<125xi32, #tpu.memory_space<vmem>>
        %dma_start3A_304 = arith.constant 0 : i32
        %dma_start3A_305 = arith.constant 0 : i32
        %dma_start3A_306 = tpu.memref_slice %arg13[%dma_start3A_304, %dma_start3A_305] : memref<10240x128xf32, #tpu.memory_space<vmem_shared>> -> memref<10240x128xf32, #tpu.memory_space<vmem_shared>>
        tpu.enqueue_indirect_dma source(%arg12 : memref<125x128xf32, #tpu.memory_space<vmem>>) target(%dma_start3A_306 : memref<10240x128xf32, #tpu.memory_space<vmem_shared>>) offsets(%dma_start3A_303 : memref<125xi32, #tpu.memory_space<vmem>>) semaphore(%run_scoped3A_300 : memref<!tpu.dma_semaphore, #tpu.memory_space<semaphore_mem>>) {add = true}
        %dma_wait3A_307 = arith.constant 0 : i32
        %dma_wait3A_308 = tpu.memref_slice %arg10[%run_scoped3A_273, %dma_wait3A_307] : memref<8x125xi32, #tpu.memory_space<vmem>> -> memref<1x125xi32, #tpu.memory_space<vmem>>
        %dma_wait3A_309 = tpu.memref_squeeze %dma_wait3A_308 : memref<1x125xi32, #tpu.memory_space<vmem>> -> memref<125xi32, #tpu.memory_space<vmem>>
        %dma_wait3A_310 = arith.constant 0 : i32
        %dma_wait3A_311 = arith.constant 0 : i32
        %dma_wait3A_312 = tpu.memref_slice %arg13[%dma_wait3A_310, %dma_wait3A_311] : memref<10240x128xf32, #tpu.memory_space<vmem_shared>> -> memref<10240x128xf32, #tpu.memory_space<vmem_shared>>
        tpu.wait_indirect_dma semaphore(%run_scoped3A_300 : memref<!tpu.dma_semaphore, #tpu.memory_space<semaphore_mem>>) src(%arg12 : memref<125x128xf32, #tpu.memory_space<vmem>>) dst(%dma_wait3A_312 : memref<10240x128xf32, #tpu.memory_space<vmem_shared>>)
        tpu.yield
      }) : () -> ()
      %dma_start3A_274 = arith.constant 7 : i32
      %dma_start3A_275 = arith.constant 0 : i32
      %dma_start3A_276 = tpu.memref_slice %arg9[%dma_start3A_274, %dma_start3A_275] : memref<8x125xi32, #tpu.memory_space<vmem>> -> memref<1x125xi32, #tpu.memory_space<vmem>>
      %dma_start3A_277 = tpu.memref_squeeze %dma_start3A_276 : memref<1x125xi32, #tpu.memory_space<vmem>> -> memref<125xi32, #tpu.memory_space<vmem>>
      %dma_start3A_278 = arith.constant 0 : i32
      %dma_start3A_279 = arith.constant 0 : i32
      %dma_start3A_280 = tpu.memref_slice %arg2[%dma_start3A_278, %dma_start3A_279] : memref<20480x128xf32, #tpu.memory_space<hbm>> -> memref<20480x128xf32, #tpu.memory_space<hbm>>
      tpu.enqueue_indirect_dma source(%dma_start3A_280 : memref<20480x128xf32, #tpu.memory_space<hbm>>) target(%arg12 : memref<125x128xf32, #tpu.memory_space<vmem>>) offsets(%dma_start3A_277 : memref<125xi32, #tpu.memory_space<vmem>>) semaphore(%arg15 : memref<!tpu.dma_semaphore, #tpu.memory_space<semaphore_mem>>)
      %dma_wait3A_281 = arith.constant 6 : i32
      %dma_wait3A_282 = arith.constant 0 : i32
      %dma_wait3A_283 = tpu.memref_slice %arg9[%dma_wait3A_281, %dma_wait3A_282] : memref<8x125xi32, #tpu.memory_space<vmem>> -> memref<1x125xi32, #tpu.memory_space<vmem>>
      %dma_wait3A_284 = tpu.memref_squeeze %dma_wait3A_283 : memref<1x125xi32, #tpu.memory_space<vmem>> -> memref<125xi32, #tpu.memory_space<vmem>>
      %dma_wait3A_285 = arith.constant 0 : i32
      %dma_wait3A_286 = arith.constant 0 : i32
      %dma_wait3A_287 = tpu.memref_slice %arg2[%dma_wait3A_285, %dma_wait3A_286] : memref<20480x128xf32, #tpu.memory_space<hbm>> -> memref<20480x128xf32, #tpu.memory_space<hbm>>
      tpu.wait_indirect_dma semaphore(%arg14 : memref<!tpu.dma_semaphore, #tpu.memory_space<semaphore_mem>>) src(%dma_wait3A_287 : memref<20480x128xf32, #tpu.memory_space<hbm>>) dst(%arg11 : memref<125x128xf32, #tpu.memory_space<vmem>>)
      %run_scoped3A_288 = arith.constant 6 : i32
      "tpu.region"() ({
        %run_scoped3A_300 = tpu.sem_alloc : memref<!tpu.dma_semaphore, #tpu.memory_space<semaphore_mem>>
        %dma_start3A_301 = arith.constant 0 : i32
        %dma_start3A_302 = tpu.memref_slice %arg10[%run_scoped3A_288, %dma_start3A_301] : memref<8x125xi32, #tpu.memory_space<vmem>> -> memref<1x125xi32, #tpu.memory_space<vmem>>
        %dma_start3A_303 = tpu.memref_squeeze %dma_start3A_302 : memref<1x125xi32, #tpu.memory_space<vmem>> -> memref<125xi32, #tpu.memory_space<vmem>>
        %dma_start3A_304 = arith.constant 0 : i32
        %dma_start3A_305 = arith.constant 0 : i32
        %dma_start3A_306 = tpu.memref_slice %arg13[%dma_start3A_304, %dma_start3A_305] : memref<10240x128xf32, #tpu.memory_space<vmem_shared>> -> memref<10240x128xf32, #tpu.memory_space<vmem_shared>>
        tpu.enqueue_indirect_dma source(%arg11 : memref<125x128xf32, #tpu.memory_space<vmem>>) target(%dma_start3A_306 : memref<10240x128xf32, #tpu.memory_space<vmem_shared>>) offsets(%dma_start3A_303 : memref<125xi32, #tpu.memory_space<vmem>>) semaphore(%run_scoped3A_300 : memref<!tpu.dma_semaphore, #tpu.memory_space<semaphore_mem>>) {add = true}
        %dma_wait3A_307 = arith.constant 0 : i32
        %dma_wait3A_308 = tpu.memref_slice %arg10[%run_scoped3A_288, %dma_wait3A_307] : memref<8x125xi32, #tpu.memory_space<vmem>> -> memref<1x125xi32, #tpu.memory_space<vmem>>
        %dma_wait3A_309 = tpu.memref_squeeze %dma_wait3A_308 : memref<1x125xi32, #tpu.memory_space<vmem>> -> memref<125xi32, #tpu.memory_space<vmem>>
        %dma_wait3A_310 = arith.constant 0 : i32
        %dma_wait3A_311 = arith.constant 0 : i32
        %dma_wait3A_312 = tpu.memref_slice %arg13[%dma_wait3A_310, %dma_wait3A_311] : memref<10240x128xf32, #tpu.memory_space<vmem_shared>> -> memref<10240x128xf32, #tpu.memory_space<vmem_shared>>
        tpu.wait_indirect_dma semaphore(%run_scoped3A_300 : memref<!tpu.dma_semaphore, #tpu.memory_space<semaphore_mem>>) src(%arg11 : memref<125x128xf32, #tpu.memory_space<vmem>>) dst(%dma_wait3A_312 : memref<10240x128xf32, #tpu.memory_space<vmem_shared>>)
        tpu.yield
      }) : () -> ()
      %convert_element_type3A_289 = arith.extui %lt3A_183 : i1 to i32
      %cond3A_290 = arith.constant 0 : i32
      %cond3A_291 = arith.cmpi ne, %convert_element_type3A_289, %cond3A_290 : i32
      scf.if %cond3A_291 {
        %dma_wait3A_300 = arith.constant 0 : i32
        %dma_wait3A_301 = tpu.memref_slice %arg4[%mul3A_4, %dma_wait3A_300] : memref<1280x125xi32, #tpu.memory_space<hbm>> -> memref<8x125xi32, #tpu.memory_space<hbm>>
        %dma_wait3A_302 = arith.constant 0 : i32
        %dma_wait3A_303 = tpu.memref_slice %arg4[%mul3A_4, %dma_wait3A_302] : memref<1280x125xi32, #tpu.memory_space<hbm>> -> memref<8x125xi32, #tpu.memory_space<hbm>>
        tpu.wait_dma2 semaphore(%arg16 : memref<!tpu.dma_semaphore, #tpu.memory_space<semaphore_mem>>) src(%dma_wait3A_303 : memref<8x125xi32, #tpu.memory_space<hbm>>) dst(%arg7 : memref<8x125xi32, #tpu.memory_space<vmem>>)
        %dma_wait3A_304 = arith.constant 0 : i32
        %dma_wait3A_305 = tpu.memref_slice %arg4[%mul3A_4, %dma_wait3A_304] : memref<1280x125xi32, #tpu.memory_space<hbm>> -> memref<8x125xi32, #tpu.memory_space<hbm>>
        %dma_wait3A_306 = arith.constant 0 : i32
        %dma_wait3A_307 = tpu.memref_slice %arg4[%mul3A_4, %dma_wait3A_306] : memref<1280x125xi32, #tpu.memory_space<hbm>> -> memref<8x125xi32, #tpu.memory_space<hbm>>
        tpu.wait_dma2 semaphore(%arg16 : memref<!tpu.dma_semaphore, #tpu.memory_space<semaphore_mem>>) src(%dma_wait3A_307 : memref<8x125xi32, #tpu.memory_space<hbm>>) dst(%arg8 : memref<8x125xi32, #tpu.memory_space<vmem>>)
        %dma_start3A_308 = arith.constant 0 : i32
        %dma_start3A_309 = arith.constant 0 : i32
        %dma_start3A_310 = tpu.memref_slice %arg7[%dma_start3A_308, %dma_start3A_309] : memref<8x125xi32, #tpu.memory_space<vmem>> -> memref<1x125xi32, #tpu.memory_space<vmem>>
        %dma_start3A_311 = tpu.memref_squeeze %dma_start3A_310 : memref<1x125xi32, #tpu.memory_space<vmem>> -> memref<125xi32, #tpu.memory_space<vmem>>
        %dma_start3A_312 = arith.constant 0 : i32
        %dma_start3A_313 = arith.constant 0 : i32
        %dma_start3A_314 = tpu.memref_slice %arg2[%dma_start3A_312, %dma_start3A_313] : memref<20480x128xf32, #tpu.memory_space<hbm>> -> memref<20480x128xf32, #tpu.memory_space<hbm>>
        tpu.enqueue_indirect_dma source(%dma_start3A_314 : memref<20480x128xf32, #tpu.memory_space<hbm>>) target(%arg11 : memref<125x128xf32, #tpu.memory_space<vmem>>) offsets(%dma_start3A_311 : memref<125xi32, #tpu.memory_space<vmem>>) semaphore(%arg14 : memref<!tpu.dma_semaphore, #tpu.memory_space<semaphore_mem>>)
      } else {
      }
      %dma_wait3A_292 = arith.constant 7 : i32
      %dma_wait3A_293 = arith.constant 0 : i32
      %dma_wait3A_294 = tpu.memref_slice %arg9[%dma_wait3A_292, %dma_wait3A_293] : memref<8x125xi32, #tpu.memory_space<vmem>> -> memref<1x125xi32, #tpu.memory_space<vmem>>
      %dma_wait3A_295 = tpu.memref_squeeze %dma_wait3A_294 : memref<1x125xi32, #tpu.memory_space<vmem>> -> memref<125xi32, #tpu.memory_space<vmem>>
      %dma_wait3A_296 = arith.constant 0 : i32
      %dma_wait3A_297 = arith.constant 0 : i32
      %dma_wait3A_298 = tpu.memref_slice %arg2[%dma_wait3A_296, %dma_wait3A_297] : memref<20480x128xf32, #tpu.memory_space<hbm>> -> memref<20480x128xf32, #tpu.memory_space<hbm>>
      tpu.wait_indirect_dma semaphore(%arg15 : memref<!tpu.dma_semaphore, #tpu.memory_space<semaphore_mem>>) src(%dma_wait3A_298 : memref<20480x128xf32, #tpu.memory_space<hbm>>) dst(%arg12 : memref<125x128xf32, #tpu.memory_space<vmem>>)
      %run_scoped3A_299 = arith.constant 7 : i32
      "tpu.region"() ({
        %run_scoped3A_300 = tpu.sem_alloc : memref<!tpu.dma_semaphore, #tpu.memory_space<semaphore_mem>>
        %dma_start3A_301 = arith.constant 0 : i32
        %dma_start3A_302 = tpu.memref_slice %arg10[%run_scoped3A_299, %dma_start3A_301] : memref<8x125xi32, #tpu.memory_space<vmem>> -> memref<1x125xi32, #tpu.memory_space<vmem>>
        %dma_start3A_303 = tpu.memref_squeeze %dma_start3A_302 : memref<1x125xi32, #tpu.memory_space<vmem>> -> memref<125xi32, #tpu.memory_space<vmem>>
        %dma_start3A_304 = arith.constant 0 : i32
        %dma_start3A_305 = arith.constant 0 : i32
        %dma_start3A_306 = tpu.memref_slice %arg13[%dma_start3A_304, %dma_start3A_305] : memref<10240x128xf32, #tpu.memory_space<vmem_shared>> -> memref<10240x128xf32, #tpu.memory_space<vmem_shared>>
        tpu.enqueue_indirect_dma source(%arg12 : memref<125x128xf32, #tpu.memory_space<vmem>>) target(%dma_start3A_306 : memref<10240x128xf32, #tpu.memory_space<vmem_shared>>) offsets(%dma_start3A_303 : memref<125xi32, #tpu.memory_space<vmem>>) semaphore(%run_scoped3A_300 : memref<!tpu.dma_semaphore, #tpu.memory_space<semaphore_mem>>) {add = true}
        %dma_wait3A_307 = arith.constant 0 : i32
        %dma_wait3A_308 = tpu.memref_slice %arg10[%run_scoped3A_299, %dma_wait3A_307] : memref<8x125xi32, #tpu.memory_space<vmem>> -> memref<1x125xi32, #tpu.memory_space<vmem>>
        %dma_wait3A_309 = tpu.memref_squeeze %dma_wait3A_308 : memref<1x125xi32, #tpu.memory_space<vmem>> -> memref<125xi32, #tpu.memory_space<vmem>>
        %dma_wait3A_310 = arith.constant 0 : i32
        %dma_wait3A_311 = arith.constant 0 : i32
        %dma_wait3A_312 = tpu.memref_slice %arg13[%dma_wait3A_310, %dma_wait3A_311] : memref<10240x128xf32, #tpu.memory_space<vmem_shared>> -> memref<10240x128xf32, #tpu.memory_space<vmem_shared>>
        tpu.wait_indirect_dma semaphore(%run_scoped3A_300 : memref<!tpu.dma_semaphore, #tpu.memory_space<semaphore_mem>>) src(%arg12 : memref<125x128xf32, #tpu.memory_space<vmem>>) dst(%dma_wait3A_312 : memref<10240x128xf32, #tpu.memory_space<vmem_shared>>)
        tpu.yield
      }) : () -> ()
    }
    %scan3A_33 = arith.constant 5 : i32
    %barrier3A_34 = arith.constant 0 : index
    tpu.barrier barrier_id(%barrier3A_34)
    %mul3A_35 = arith.constant 640 : i32
    %mul3A_36 = arith.muli %arg1, %mul3A_35 : i32
    %mul3A_37 = arith.constant 640 : i32
    %mul3A_38 = arith.muli %arg1, %mul3A_37 : i32
    "tpu.region"() ({
      %run_scoped3A = tpu.sem_alloc : memref<!tpu.dma_semaphore, #tpu.memory_space<semaphore_mem>>
      %dma_start3A_39 = arith.constant 0 : i32
      %dma_start3A_40 = tpu.memref_slice %arg6[%arg0, %mul3A_38, %dma_start3A_39] : memref<2x10240x128xf32, #tpu.memory_space<hbm>> -> memref<1x640x128xf32, #tpu.memory_space<hbm>>
      %dma_start3A_41 = tpu.memref_squeeze %dma_start3A_40 : memref<1x640x128xf32, #tpu.memory_space<hbm>> -> memref<640x128xf32, #tpu.memory_space<hbm>>
      %dma_start3A_42 = arith.constant 0 : i32
      %dma_start3A_43 = tpu.memref_slice %arg13[%mul3A_36, %dma_start3A_42] : memref<10240x128xf32, #tpu.memory_space<vmem_shared>> -> memref<640x128xf32, #tpu.memory_space<vmem_shared>>
      tpu.enqueue_dma source(%dma_start3A_43 : memref<640x128xf32, #tpu.memory_space<vmem_shared>>) target(%dma_start3A_41 : memref<640x128xf32, #tpu.memory_space<hbm>>) target_semaphore(%run_scoped3A : memref<!tpu.dma_semaphore, #tpu.memory_space<semaphore_mem>>)
      %dma_wait3A_44 = arith.constant 0 : i32
      %dma_wait3A_45 = tpu.memref_slice %arg6[%arg0, %mul3A_38, %dma_wait3A_44] : memref<2x10240x128xf32, #tpu.memory_space<hbm>> -> memref<1x640x128xf32, #tpu.memory_space<hbm>>
      %dma_wait3A_46 = tpu.memref_squeeze %dma_wait3A_45 : memref<1x640x128xf32, #tpu.memory_space<hbm>> -> memref<640x128xf32, #tpu.memory_space<hbm>>
      %dma_wait3A_47 = arith.constant 0 : i32
      %dma_wait3A_48 = tpu.memref_slice %arg13[%mul3A_36, %dma_wait3A_47] : memref<10240x128xf32, #tpu.memory_space<vmem_shared>> -> memref<640x128xf32, #tpu.memory_space<vmem_shared>>
      tpu.wait_dma2 semaphore(%run_scoped3A : memref<!tpu.dma_semaphore, #tpu.memory_space<semaphore_mem>>) src(%dma_wait3A_48 : memref<640x128xf32, #tpu.memory_space<vmem_shared>>) dst(%dma_wait3A_46 : memref<640x128xf32, #tpu.memory_space<hbm>>)
      tpu.yield
    }) : () -> ()
    return
  }
}

#map = affine_map<(d0, d1) -> (0, 0)>
#map1 = affine_map<(d0, d1) -> (0, 0, 0)>
module attributes {stable_mosaic.version = 14 : i64} {
  func.func @_spmm_body(%arg0: i32, %arg1: i32, %arg2: memref<10240x64xf32, #tpu.memory_space<hbm>>, %arg3: memref<1280x125xi32, #tpu.memory_space<hbm>>, %arg4: memref<1280x125xi32, #tpu.memory_space<hbm>>, %arg5: memref<10240x64xf32, #tpu.memory_space<hbm>>, %arg6: memref<2x10240x64xf32, #tpu.memory_space<hbm>>, %arg7: memref<8x125xi32, #tpu.memory_space<vmem>>, %arg8: memref<8x125xi32, #tpu.memory_space<vmem>>, %arg9: memref<8x125xi32, #tpu.memory_space<vmem>>, %arg10: memref<8x125xi32, #tpu.memory_space<vmem>>, %arg11: memref<125x64xf32, #tpu.memory_space<vmem>>, %arg12: memref<125x64xf32, #tpu.memory_space<vmem>>, %arg13: memref<10240x64xf32, #tpu.memory_space<vmem_shared>>, %arg14: memref<!tpu.dma_semaphore, #tpu.memory_space<semaphore_mem>>, %arg15: memref<!tpu.dma_semaphore, #tpu.memory_space<semaphore_mem>>, %arg16: memref<!tpu.dma_semaphore, #tpu.memory_space<semaphore_mem>>, %arg17: memref<!tpu.dma_semaphore, #tpu.memory_space<semaphore_mem>>) attributes {dimension_semantics = [#tpu.dimension_semantics<core_parallel>, #tpu.dimension_semantics<subcore_parallel>], iteration_bounds = array<i64: 2, 16>, scalar_prefetch = 0 : i64, scratch_operands = 11 : i64, tpu.core_type = #tpu.core_type<sc_vector_subcore>, window_params = [{transform_indices = #map}, {transform_indices = #map}, {transform_indices = #map}, {transform_indices = #map}, {transform_indices = #map1}]} {
    %mul3A = arith.constant 640 : i32
    %mul3A_0 = arith.muli %arg1, %mul3A : i32
    %mul3A_1 = arith.constant 640 : i32
    %mul3A_2 = arith.muli %arg1, %mul3A_1 : i32
    "tpu.region"() ({
      %run_scoped3A_152 = tpu.sem_alloc : memref<!tpu.dma_semaphore, #tpu.memory_space<semaphore_mem>>
      %dma_start3A_153 = arith.constant 0 : i32
      %dma_start3A_154 = tpu.memref_slice %arg13[%mul3A_2, %dma_start3A_153] : memref<10240x64xf32, #tpu.memory_space<vmem_shared>> -> memref<640x64xf32, #tpu.memory_space<vmem_shared>>
      %dma_start3A_155 = arith.constant 0 : i32
      %dma_start3A_156 = tpu.memref_slice %arg5[%mul3A_0, %dma_start3A_155] : memref<10240x64xf32, #tpu.memory_space<hbm>> -> memref<640x64xf32, #tpu.memory_space<hbm>>
      tpu.enqueue_dma source(%dma_start3A_156 : memref<640x64xf32, #tpu.memory_space<hbm>>) target(%dma_start3A_154 : memref<640x64xf32, #tpu.memory_space<vmem_shared>>) target_semaphore(%run_scoped3A_152 : memref<!tpu.dma_semaphore, #tpu.memory_space<semaphore_mem>>)
      %dma_wait3A_157 = arith.constant 0 : i32
      %dma_wait3A_158 = tpu.memref_slice %arg13[%mul3A_2, %dma_wait3A_157] : memref<10240x64xf32, #tpu.memory_space<vmem_shared>> -> memref<640x64xf32, #tpu.memory_space<vmem_shared>>
      %dma_wait3A_159 = arith.constant 0 : i32
      %dma_wait3A_160 = tpu.memref_slice %arg5[%mul3A_0, %dma_wait3A_159] : memref<10240x64xf32, #tpu.memory_space<hbm>> -> memref<640x64xf32, #tpu.memory_space<hbm>>
      tpu.wait_dma2 semaphore(%run_scoped3A_152 : memref<!tpu.dma_semaphore, #tpu.memory_space<semaphore_mem>>) src(%dma_wait3A_160 : memref<640x64xf32, #tpu.memory_space<hbm>>) dst(%dma_wait3A_158 : memref<640x64xf32, #tpu.memory_space<vmem_shared>>)
      tpu.yield
    }) : () -> ()
    %mul3A_3 = arith.constant 640 : i32
    %mul3A_4 = arith.muli %arg0, %mul3A_3 : i32
    %mul3A_5 = arith.constant 40 : i32
    %mul3A_6 = arith.muli %arg1, %mul3A_5 : i32
    %add3A = arith.addi %mul3A_4, %mul3A_6 : i32
    %barrier3A = arith.constant 0 : index
    tpu.barrier barrier_id(%barrier3A)
    %add3A_7 = arith.constant 0 : i32
    %add3A_8 = arith.addi %add3A, %add3A_7 : i32
    %dma_start3A = arith.constant 0 : i32
    %dma_start3A_9 = tpu.memref_slice %arg3[%add3A_8, %dma_start3A] : memref<1280x125xi32, #tpu.memory_space<hbm>> -> memref<8x125xi32, #tpu.memory_space<hbm>>
    %dma_start3A_10 = arith.constant 0 : i32
    %dma_start3A_11 = tpu.memref_slice %arg3[%add3A_8, %dma_start3A_10] : memref<1280x125xi32, #tpu.memory_space<hbm>> -> memref<8x125xi32, #tpu.memory_space<hbm>>
    tpu.enqueue_dma source(%dma_start3A_11 : memref<8x125xi32, #tpu.memory_space<hbm>>) target(%arg7 : memref<8x125xi32, #tpu.memory_space<vmem>>) target_semaphore(%arg16 : memref<!tpu.dma_semaphore, #tpu.memory_space<semaphore_mem>>)
    %dma_start3A_12 = arith.constant 0 : i32
    %dma_start3A_13 = tpu.memref_slice %arg4[%add3A_8, %dma_start3A_12] : memref<1280x125xi32, #tpu.memory_space<hbm>> -> memref<8x125xi32, #tpu.memory_space<hbm>>
    %dma_start3A_14 = arith.constant 0 : i32
    %dma_start3A_15 = tpu.memref_slice %arg4[%add3A_8, %dma_start3A_14] : memref<1280x125xi32, #tpu.memory_space<hbm>> -> memref<8x125xi32, #tpu.memory_space<hbm>>
    tpu.enqueue_dma source(%dma_start3A_15 : memref<8x125xi32, #tpu.memory_space<hbm>>) target(%arg8 : memref<8x125xi32, #tpu.memory_space<vmem>>) target_semaphore(%arg16 : memref<!tpu.dma_semaphore, #tpu.memory_space<semaphore_mem>>)
    %dma_wait3A = arith.constant 0 : i32
    %dma_wait3A_16 = tpu.memref_slice %arg4[%add3A, %dma_wait3A] : memref<1280x125xi32, #tpu.memory_space<hbm>> -> memref<8x125xi32, #tpu.memory_space<hbm>>
    %dma_wait3A_17 = arith.constant 0 : i32
    %dma_wait3A_18 = tpu.memref_slice %arg4[%add3A, %dma_wait3A_17] : memref<1280x125xi32, #tpu.memory_space<hbm>> -> memref<8x125xi32, #tpu.memory_space<hbm>>
    tpu.wait_dma2 semaphore(%arg16 : memref<!tpu.dma_semaphore, #tpu.memory_space<semaphore_mem>>) src(%dma_wait3A_18 : memref<8x125xi32, #tpu.memory_space<hbm>>) dst(%arg7 : memref<8x125xi32, #tpu.memory_space<vmem>>)
    %dma_wait3A_19 = arith.constant 0 : i32
    %dma_wait3A_20 = tpu.memref_slice %arg4[%add3A, %dma_wait3A_19] : memref<1280x125xi32, #tpu.memory_space<hbm>> -> memref<8x125xi32, #tpu.memory_space<hbm>>
    %dma_wait3A_21 = arith.constant 0 : i32
    %dma_wait3A_22 = tpu.memref_slice %arg4[%add3A, %dma_wait3A_21] : memref<1280x125xi32, #tpu.memory_space<hbm>> -> memref<8x125xi32, #tpu.memory_space<hbm>>
    tpu.wait_dma2 semaphore(%arg16 : memref<!tpu.dma_semaphore, #tpu.memory_space<semaphore_mem>>) src(%dma_wait3A_22 : memref<8x125xi32, #tpu.memory_space<hbm>>) dst(%arg8 : memref<8x125xi32, #tpu.memory_space<vmem>>)
    %dma_start3A_23 = arith.constant 0 : i32
    %dma_start3A_24 = arith.constant 0 : i32
    %dma_start3A_25 = tpu.memref_slice %arg7[%dma_start3A_23, %dma_start3A_24] : memref<8x125xi32, #tpu.memory_space<vmem>> -> memref<1x125xi32, #tpu.memory_space<vmem>>
    %dma_start3A_26 = tpu.memref_squeeze %dma_start3A_25 : memref<1x125xi32, #tpu.memory_space<vmem>> -> memref<125xi32, #tpu.memory_space<vmem>>
    %dma_start3A_27 = arith.constant 0 : i32
    %dma_start3A_28 = arith.constant 0 : i32
    %dma_start3A_29 = tpu.memref_slice %arg2[%dma_start3A_27, %dma_start3A_28] : memref<10240x64xf32, #tpu.memory_space<hbm>> -> memref<10240x64xf32, #tpu.memory_space<hbm>>
    tpu.enqueue_indirect_dma source(%dma_start3A_29 : memref<10240x64xf32, #tpu.memory_space<hbm>>) target(%arg11 : memref<125x64xf32, #tpu.memory_space<vmem>>) offsets(%dma_start3A_26 : memref<125xi32, #tpu.memory_space<vmem>>) semaphore(%arg14 : memref<!tpu.dma_semaphore, #tpu.memory_space<semaphore_mem>>)
    %scan3A = arith.constant 0 : i32
    %scan3A_30 = arith.constant 0 : i32
    %scan3A_31 = arith.constant 2 : i32
    %scan3A_32 = arith.addi %scan3A_30, %scan3A_31 : i32
    %scan3A_33 = arith.constant 1 : i32
    scf.for %scan3A_152 = %scan3A_30 to %scan3A_32 step %scan3A_33  : i32 {
      %mul3A_153 = arith.constant 2 : i32
      %mul3A_154 = arith.muli %mul3A_153, %scan3A_152 : i32
      %add3A_155 = arith.constant 1 : i32
      %add3A_156 = arith.addi %mul3A_154, %add3A_155 : i32
      %mul3A_157 = arith.constant 8 : i32
      %mul3A_158 = arith.muli %mul3A_157, %add3A_156 : i32
      %add3A_159 = arith.addi %add3A, %mul3A_158 : i32
      %dma_start3A_160 = arith.constant 0 : i32
      %dma_start3A_161 = tpu.memref_slice %arg3[%add3A_159, %dma_start3A_160] : memref<1280x125xi32, #tpu.memory_space<hbm>> -> memref<8x125xi32, #tpu.memory_space<hbm>>
      %dma_start3A_162 = arith.constant 0 : i32
      %dma_start3A_163 = tpu.memref_slice %arg3[%add3A_159, %dma_start3A_162] : memref<1280x125xi32, #tpu.memory_space<hbm>> -> memref<8x125xi32, #tpu.memory_space<hbm>>
      tpu.enqueue_dma source(%dma_start3A_163 : memref<8x125xi32, #tpu.memory_space<hbm>>) target(%arg9 : memref<8x125xi32, #tpu.memory_space<vmem>>) target_semaphore(%arg17 : memref<!tpu.dma_semaphore, #tpu.memory_space<semaphore_mem>>)
      %dma_start3A_164 = arith.constant 0 : i32
      %dma_start3A_165 = tpu.memref_slice %arg4[%add3A_159, %dma_start3A_164] : memref<1280x125xi32, #tpu.memory_space<hbm>> -> memref<8x125xi32, #tpu.memory_space<hbm>>
      %dma_start3A_166 = arith.constant 0 : i32
      %dma_start3A_167 = tpu.memref_slice %arg4[%add3A_159, %dma_start3A_166] : memref<1280x125xi32, #tpu.memory_space<hbm>> -> memref<8x125xi32, #tpu.memory_space<hbm>>
      tpu.enqueue_dma source(%dma_start3A_167 : memref<8x125xi32, #tpu.memory_space<hbm>>) target(%arg10 : memref<8x125xi32, #tpu.memory_space<vmem>>) target_semaphore(%arg17 : memref<!tpu.dma_semaphore, #tpu.memory_space<semaphore_mem>>)
      %add3A_168 = arith.constant 1 : i32
      %add3A_169 = arith.addi %mul3A_154, %add3A_168 : i32
      %lt3A = arith.constant 5 : i32
      %lt3A_170 = arith.cmpi slt, %add3A_169, %lt3A : i32
      %dma_start3A_171 = arith.constant 1 : i32
      %dma_start3A_172 = arith.constant 0 : i32
      %dma_start3A_173 = tpu.memref_slice %arg7[%dma_start3A_171, %dma_start3A_172] : memref<8x125xi32, #tpu.memory_space<vmem>> -> memref<1x125xi32, #tpu.memory_space<vmem>>
      %dma_start3A_174 = tpu.memref_squeeze %dma_start3A_173 : memref<1x125xi32, #tpu.memory_space<vmem>> -> memref<125xi32, #tpu.memory_space<vmem>>
      %dma_start3A_175 = arith.constant 0 : i32
      %dma_start3A_176 = arith.constant 0 : i32
      %dma_start3A_177 = tpu.memref_slice %arg2[%dma_start3A_175, %dma_start3A_176] : memref<10240x64xf32, #tpu.memory_space<hbm>> -> memref<10240x64xf32, #tpu.memory_space<hbm>>
      tpu.enqueue_indirect_dma source(%dma_start3A_177 : memref<10240x64xf32, #tpu.memory_space<hbm>>) target(%arg12 : memref<125x64xf32, #tpu.memory_space<vmem>>) offsets(%dma_start3A_174 : memref<125xi32, #tpu.memory_space<vmem>>) semaphore(%arg15 : memref<!tpu.dma_semaphore, #tpu.memory_space<semaphore_mem>>)
      %dma_wait3A_178 = arith.constant 0 : i32
      %dma_wait3A_179 = arith.constant 0 : i32
      %dma_wait3A_180 = tpu.memref_slice %arg7[%dma_wait3A_178, %dma_wait3A_179] : memref<8x125xi32, #tpu.memory_space<vmem>> -> memref<1x125xi32, #tpu.memory_space<vmem>>
      %dma_wait3A_181 = tpu.memref_squeeze %dma_wait3A_180 : memref<1x125xi32, #tpu.memory_space<vmem>> -> memref<125xi32, #tpu.memory_space<vmem>>
      %dma_wait3A_182 = arith.constant 0 : i32
      %dma_wait3A_183 = arith.constant 0 : i32
      %dma_wait3A_184 = tpu.memref_slice %arg2[%dma_wait3A_182, %dma_wait3A_183] : memref<10240x64xf32, #tpu.memory_space<hbm>> -> memref<10240x64xf32, #tpu.memory_space<hbm>>
      tpu.wait_indirect_dma semaphore(%arg14 : memref<!tpu.dma_semaphore, #tpu.memory_space<semaphore_mem>>) src(%dma_wait3A_184 : memref<10240x64xf32, #tpu.memory_space<hbm>>) dst(%arg11 : memref<125x64xf32, #tpu.memory_space<vmem>>)
      %run_scoped3A_185 = arith.constant 0 : i32
      "tpu.region"() ({
        %run_scoped3A_413 = tpu.sem_alloc : memref<!tpu.dma_semaphore, #tpu.memory_space<semaphore_mem>>
        %dma_start3A_414 = arith.constant 0 : i32
        %dma_start3A_415 = tpu.memref_slice %arg8[%run_scoped3A_185, %dma_start3A_414] : memref<8x125xi32, #tpu.memory_space<vmem>> -> memref<1x125xi32, #tpu.memory_space<vmem>>
        %dma_start3A_416 = tpu.memref_squeeze %dma_start3A_415 : memref<1x125xi32, #tpu.memory_space<vmem>> -> memref<125xi32, #tpu.memory_space<vmem>>
        %dma_start3A_417 = arith.constant 0 : i32
        %dma_start3A_418 = arith.constant 0 : i32
        %dma_start3A_419 = tpu.memref_slice %arg13[%dma_start3A_417, %dma_start3A_418] : memref<10240x64xf32, #tpu.memory_space<vmem_shared>> -> memref<10240x64xf32, #tpu.memory_space<vmem_shared>>
        tpu.enqueue_indirect_dma source(%arg11 : memref<125x64xf32, #tpu.memory_space<vmem>>) target(%dma_start3A_419 : memref<10240x64xf32, #tpu.memory_space<vmem_shared>>) offsets(%dma_start3A_416 : memref<125xi32, #tpu.memory_space<vmem>>) semaphore(%run_scoped3A_413 : memref<!tpu.dma_semaphore, #tpu.memory_space<semaphore_mem>>) {add = true}
        %dma_wait3A_420 = arith.constant 0 : i32
        %dma_wait3A_421 = tpu.memref_slice %arg8[%run_scoped3A_185, %dma_wait3A_420] : memref<8x125xi32, #tpu.memory_space<vmem>> -> memref<1x125xi32, #tpu.memory_space<vmem>>
        %dma_wait3A_422 = tpu.memref_squeeze %dma_wait3A_421 : memref<1x125xi32, #tpu.memory_space<vmem>> -> memref<125xi32, #tpu.memory_space<vmem>>
        %dma_wait3A_423 = arith.constant 0 : i32
        %dma_wait3A_424 = arith.constant 0 : i32
        %dma_wait3A_425 = tpu.memref_slice %arg13[%dma_wait3A_423, %dma_wait3A_424] : memref<10240x64xf32, #tpu.memory_space<vmem_shared>> -> memref<10240x64xf32, #tpu.memory_space<vmem_shared>>
        tpu.wait_indirect_dma semaphore(%run_scoped3A_413 : memref<!tpu.dma_semaphore, #tpu.memory_space<semaphore_mem>>) src(%arg11 : memref<125x64xf32, #tpu.memory_space<vmem>>) dst(%dma_wait3A_425 : memref<10240x64xf32, #tpu.memory_space<vmem_shared>>)
        tpu.yield
      }) : () -> ()
      %dma_start3A_186 = arith.constant 2 : i32
      %dma_start3A_187 = arith.constant 0 : i32
      %dma_start3A_188 = tpu.memref_slice %arg7[%dma_start3A_186, %dma_start3A_187] : memref<8x125xi32, #tpu.memory_space<vmem>> -> memref<1x125xi32, #tpu.memory_space<vmem>>
      %dma_start3A_189 = tpu.memref_squeeze %dma_start3A_188 : memref<1x125xi32, #tpu.memory_space<vmem>> -> memref<125xi32, #tpu.memory_space<vmem>>
      %dma_start3A_190 = arith.constant 0 : i32
      %dma_start3A_191 = arith.constant 0 : i32
      %dma_start3A_192 = tpu.memref_slice %arg2[%dma_start3A_190, %dma_start3A_191] : memref<10240x64xf32, #tpu.memory_space<hbm>> -> memref<10240x64xf32, #tpu.memory_space<hbm>>
      tpu.enqueue_indirect_dma source(%dma_start3A_192 : memref<10240x64xf32, #tpu.memory_space<hbm>>) target(%arg11 : memref<125x64xf32, #tpu.memory_space<vmem>>) offsets(%dma_start3A_189 : memref<125xi32, #tpu.memory_space<vmem>>) semaphore(%arg14 : memref<!tpu.dma_semaphore, #tpu.memory_space<semaphore_mem>>)
      %dma_wait3A_193 = arith.constant 1 : i32
      %dma_wait3A_194 = arith.constant 0 : i32
      %dma_wait3A_195 = tpu.memref_slice %arg7[%dma_wait3A_193, %dma_wait3A_194] : memref<8x125xi32, #tpu.memory_space<vmem>> -> memref<1x125xi32, #tpu.memory_space<vmem>>
      %dma_wait3A_196 = tpu.memref_squeeze %dma_wait3A_195 : memref<1x125xi32, #tpu.memory_space<vmem>> -> memref<125xi32, #tpu.memory_space<vmem>>
      %dma_wait3A_197 = arith.constant 0 : i32
      %dma_wait3A_198 = arith.constant 0 : i32
      %dma_wait3A_199 = tpu.memref_slice %arg2[%dma_wait3A_197, %dma_wait3A_198] : memref<10240x64xf32, #tpu.memory_space<hbm>> -> memref<10240x64xf32, #tpu.memory_space<hbm>>
      tpu.wait_indirect_dma semaphore(%arg15 : memref<!tpu.dma_semaphore, #tpu.memory_space<semaphore_mem>>) src(%dma_wait3A_199 : memref<10240x64xf32, #tpu.memory_space<hbm>>) dst(%arg12 : memref<125x64xf32, #tpu.memory_space<vmem>>)
      %run_scoped3A_200 = arith.constant 1 : i32
      "tpu.region"() ({
        %run_scoped3A_413 = tpu.sem_alloc : memref<!tpu.dma_semaphore, #tpu.memory_space<semaphore_mem>>
        %dma_start3A_414 = arith.constant 0 : i32
        %dma_start3A_415 = tpu.memref_slice %arg8[%run_scoped3A_200, %dma_start3A_414] : memref<8x125xi32, #tpu.memory_space<vmem>> -> memref<1x125xi32, #tpu.memory_space<vmem>>
        %dma_start3A_416 = tpu.memref_squeeze %dma_start3A_415 : memref<1x125xi32, #tpu.memory_space<vmem>> -> memref<125xi32, #tpu.memory_space<vmem>>
        %dma_start3A_417 = arith.constant 0 : i32
        %dma_start3A_418 = arith.constant 0 : i32
        %dma_start3A_419 = tpu.memref_slice %arg13[%dma_start3A_417, %dma_start3A_418] : memref<10240x64xf32, #tpu.memory_space<vmem_shared>> -> memref<10240x64xf32, #tpu.memory_space<vmem_shared>>
        tpu.enqueue_indirect_dma source(%arg12 : memref<125x64xf32, #tpu.memory_space<vmem>>) target(%dma_start3A_419 : memref<10240x64xf32, #tpu.memory_space<vmem_shared>>) offsets(%dma_start3A_416 : memref<125xi32, #tpu.memory_space<vmem>>) semaphore(%run_scoped3A_413 : memref<!tpu.dma_semaphore, #tpu.memory_space<semaphore_mem>>) {add = true}
        %dma_wait3A_420 = arith.constant 0 : i32
        %dma_wait3A_421 = tpu.memref_slice %arg8[%run_scoped3A_200, %dma_wait3A_420] : memref<8x125xi32, #tpu.memory_space<vmem>> -> memref<1x125xi32, #tpu.memory_space<vmem>>
        %dma_wait3A_422 = tpu.memref_squeeze %dma_wait3A_421 : memref<1x125xi32, #tpu.memory_space<vmem>> -> memref<125xi32, #tpu.memory_space<vmem>>
        %dma_wait3A_423 = arith.constant 0 : i32
        %dma_wait3A_424 = arith.constant 0 : i32
        %dma_wait3A_425 = tpu.memref_slice %arg13[%dma_wait3A_423, %dma_wait3A_424] : memref<10240x64xf32, #tpu.memory_space<vmem_shared>> -> memref<10240x64xf32, #tpu.memory_space<vmem_shared>>
        tpu.wait_indirect_dma semaphore(%run_scoped3A_413 : memref<!tpu.dma_semaphore, #tpu.memory_space<semaphore_mem>>) src(%arg12 : memref<125x64xf32, #tpu.memory_space<vmem>>) dst(%dma_wait3A_425 : memref<10240x64xf32, #tpu.memory_space<vmem_shared>>)
        tpu.yield
      }) : () -> ()
      %dma_start3A_201 = arith.constant 3 : i32
      %dma_start3A_202 = arith.constant 0 : i32
      %dma_start3A_203 = tpu.memref_slice %arg7[%dma_start3A_201, %dma_start3A_202] : memref<8x125xi32, #tpu.memory_space<vmem>> -> memref<1x125xi32, #tpu.memory_space<vmem>>
      %dma_start3A_204 = tpu.memref_squeeze %dma_start3A_203 : memref<1x125xi32, #tpu.memory_space<vmem>> -> memref<125xi32, #tpu.memory_space<vmem>>
      %dma_start3A_205 = arith.constant 0 : i32
      %dma_start3A_206 = arith.constant 0 : i32
      %dma_start3A_207 = tpu.memref_slice %arg2[%dma_start3A_205, %dma_start3A_206] : memref<10240x64xf32, #tpu.memory_space<hbm>> -> memref<10240x64xf32, #tpu.memory_space<hbm>>
      tpu.enqueue_indirect_dma source(%dma_start3A_207 : memref<10240x64xf32, #tpu.memory_space<hbm>>) target(%arg12 : memref<125x64xf32, #tpu.memory_space<vmem>>) offsets(%dma_start3A_204 : memref<125xi32, #tpu.memory_space<vmem>>) semaphore(%arg15 : memref<!tpu.dma_semaphore, #tpu.memory_space<semaphore_mem>>)
      %dma_wait3A_208 = arith.constant 2 : i32
      %dma_wait3A_209 = arith.constant 0 : i32
      %dma_wait3A_210 = tpu.memref_slice %arg7[%dma_wait3A_208, %dma_wait3A_209] : memref<8x125xi32, #tpu.memory_space<vmem>> -> memref<1x125xi32, #tpu.memory_space<vmem>>
      %dma_wait3A_211 = tpu.memref_squeeze %dma_wait3A_210 : memref<1x125xi32, #tpu.memory_space<vmem>> -> memref<125xi32, #tpu.memory_space<vmem>>
      %dma_wait3A_212 = arith.constant 0 : i32
      %dma_wait3A_213 = arith.constant 0 : i32
      %dma_wait3A_214 = tpu.memref_slice %arg2[%dma_wait3A_212, %dma_wait3A_213] : memref<10240x64xf32, #tpu.memory_space<hbm>> -> memref<10240x64xf32, #tpu.memory_space<hbm>>
      tpu.wait_indirect_dma semaphore(%arg14 : memref<!tpu.dma_semaphore, #tpu.memory_space<semaphore_mem>>) src(%dma_wait3A_214 : memref<10240x64xf32, #tpu.memory_space<hbm>>) dst(%arg11 : memref<125x64xf32, #tpu.memory_space<vmem>>)
      %run_scoped3A_215 = arith.constant 2 : i32
      "tpu.region"() ({
        %run_scoped3A_413 = tpu.sem_alloc : memref<!tpu.dma_semaphore, #tpu.memory_space<semaphore_mem>>
        %dma_start3A_414 = arith.constant 0 : i32
        %dma_start3A_415 = tpu.memref_slice %arg8[%run_scoped3A_215, %dma_start3A_414] : memref<8x125xi32, #tpu.memory_space<vmem>> -> memref<1x125xi32, #tpu.memory_space<vmem>>
        %dma_start3A_416 = tpu.memref_squeeze %dma_start3A_415 : memref<1x125xi32, #tpu.memory_space<vmem>> -> memref<125xi32, #tpu.memory_space<vmem>>
        %dma_start3A_417 = arith.constant 0 : i32
        %dma_start3A_418 = arith.constant 0 : i32
        %dma_start3A_419 = tpu.memref_slice %arg13[%dma_start3A_417, %dma_start3A_418] : memref<10240x64xf32, #tpu.memory_space<vmem_shared>> -> memref<10240x64xf32, #tpu.memory_space<vmem_shared>>
        tpu.enqueue_indirect_dma source(%arg11 : memref<125x64xf32, #tpu.memory_space<vmem>>) target(%dma_start3A_419 : memref<10240x64xf32, #tpu.memory_space<vmem_shared>>) offsets(%dma_start3A_416 : memref<125xi32, #tpu.memory_space<vmem>>) semaphore(%run_scoped3A_413 : memref<!tpu.dma_semaphore, #tpu.memory_space<semaphore_mem>>) {add = true}
        %dma_wait3A_420 = arith.constant 0 : i32
        %dma_wait3A_421 = tpu.memref_slice %arg8[%run_scoped3A_215, %dma_wait3A_420] : memref<8x125xi32, #tpu.memory_space<vmem>> -> memref<1x125xi32, #tpu.memory_space<vmem>>
        %dma_wait3A_422 = tpu.memref_squeeze %dma_wait3A_421 : memref<1x125xi32, #tpu.memory_space<vmem>> -> memref<125xi32, #tpu.memory_space<vmem>>
        %dma_wait3A_423 = arith.constant 0 : i32
        %dma_wait3A_424 = arith.constant 0 : i32
        %dma_wait3A_425 = tpu.memref_slice %arg13[%dma_wait3A_423, %dma_wait3A_424] : memref<10240x64xf32, #tpu.memory_space<vmem_shared>> -> memref<10240x64xf32, #tpu.memory_space<vmem_shared>>
        tpu.wait_indirect_dma semaphore(%run_scoped3A_413 : memref<!tpu.dma_semaphore, #tpu.memory_space<semaphore_mem>>) src(%arg11 : memref<125x64xf32, #tpu.memory_space<vmem>>) dst(%dma_wait3A_425 : memref<10240x64xf32, #tpu.memory_space<vmem_shared>>)
        tpu.yield
      }) : () -> ()
      %dma_start3A_216 = arith.constant 4 : i32
      %dma_start3A_217 = arith.constant 0 : i32
      %dma_start3A_218 = tpu.memref_slice %arg7[%dma_start3A_216, %dma_start3A_217] : memref<8x125xi32, #tpu.memory_space<vmem>> -> memref<1x125xi32, #tpu.memory_space<vmem>>
      %dma_start3A_219 = tpu.memref_squeeze %dma_start3A_218 : memref<1x125xi32, #tpu.memory_space<vmem>> -> memref<125xi32, #tpu.memory_space<vmem>>
      %dma_start3A_220 = arith.constant 0 : i32
      %dma_start3A_221 = arith.constant 0 : i32
      %dma_start3A_222 = tpu.memref_slice %arg2[%dma_start3A_220, %dma_start3A_221] : memref<10240x64xf32, #tpu.memory_space<hbm>> -> memref<10240x64xf32, #tpu.memory_space<hbm>>
      tpu.enqueue_indirect_dma source(%dma_start3A_222 : memref<10240x64xf32, #tpu.memory_space<hbm>>) target(%arg11 : memref<125x64xf32, #tpu.memory_space<vmem>>) offsets(%dma_start3A_219 : memref<125xi32, #tpu.memory_space<vmem>>) semaphore(%arg14 : memref<!tpu.dma_semaphore, #tpu.memory_space<semaphore_mem>>)
      %dma_wait3A_223 = arith.constant 3 : i32
      %dma_wait3A_224 = arith.constant 0 : i32
      %dma_wait3A_225 = tpu.memref_slice %arg7[%dma_wait3A_223, %dma_wait3A_224] : memref<8x125xi32, #tpu.memory_space<vmem>> -> memref<1x125xi32, #tpu.memory_space<vmem>>
      %dma_wait3A_226 = tpu.memref_squeeze %dma_wait3A_225 : memref<1x125xi32, #tpu.memory_space<vmem>> -> memref<125xi32, #tpu.memory_space<vmem>>
      %dma_wait3A_227 = arith.constant 0 : i32
      %dma_wait3A_228 = arith.constant 0 : i32
      %dma_wait3A_229 = tpu.memref_slice %arg2[%dma_wait3A_227, %dma_wait3A_228] : memref<10240x64xf32, #tpu.memory_space<hbm>> -> memref<10240x64xf32, #tpu.memory_space<hbm>>
      tpu.wait_indirect_dma semaphore(%arg15 : memref<!tpu.dma_semaphore, #tpu.memory_space<semaphore_mem>>) src(%dma_wait3A_229 : memref<10240x64xf32, #tpu.memory_space<hbm>>) dst(%arg12 : memref<125x64xf32, #tpu.memory_space<vmem>>)
      %run_scoped3A_230 = arith.constant 3 : i32
      "tpu.region"() ({
        %run_scoped3A_413 = tpu.sem_alloc : memref<!tpu.dma_semaphore, #tpu.memory_space<semaphore_mem>>
        %dma_start3A_414 = arith.constant 0 : i32
        %dma_start3A_415 = tpu.memref_slice %arg8[%run_scoped3A_230, %dma_start3A_414] : memref<8x125xi32, #tpu.memory_space<vmem>> -> memref<1x125xi32, #tpu.memory_space<vmem>>
        %dma_start3A_416 = tpu.memref_squeeze %dma_start3A_415 : memref<1x125xi32, #tpu.memory_space<vmem>> -> memref<125xi32, #tpu.memory_space<vmem>>
        %dma_start3A_417 = arith.constant 0 : i32
        %dma_start3A_418 = arith.constant 0 : i32
        %dma_start3A_419 = tpu.memref_slice %arg13[%dma_start3A_417, %dma_start3A_418] : memref<10240x64xf32, #tpu.memory_space<vmem_shared>> -> memref<10240x64xf32, #tpu.memory_space<vmem_shared>>
        tpu.enqueue_indirect_dma source(%arg12 : memref<125x64xf32, #tpu.memory_space<vmem>>) target(%dma_start3A_419 : memref<10240x64xf32, #tpu.memory_space<vmem_shared>>) offsets(%dma_start3A_416 : memref<125xi32, #tpu.memory_space<vmem>>) semaphore(%run_scoped3A_413 : memref<!tpu.dma_semaphore, #tpu.memory_space<semaphore_mem>>) {add = true}
        %dma_wait3A_420 = arith.constant 0 : i32
        %dma_wait3A_421 = tpu.memref_slice %arg8[%run_scoped3A_230, %dma_wait3A_420] : memref<8x125xi32, #tpu.memory_space<vmem>> -> memref<1x125xi32, #tpu.memory_space<vmem>>
        %dma_wait3A_422 = tpu.memref_squeeze %dma_wait3A_421 : memref<1x125xi32, #tpu.memory_space<vmem>> -> memref<125xi32, #tpu.memory_space<vmem>>
        %dma_wait3A_423 = arith.constant 0 : i32
        %dma_wait3A_424 = arith.constant 0 : i32
        %dma_wait3A_425 = tpu.memref_slice %arg13[%dma_wait3A_423, %dma_wait3A_424] : memref<10240x64xf32, #tpu.memory_space<vmem_shared>> -> memref<10240x64xf32, #tpu.memory_space<vmem_shared>>
        tpu.wait_indirect_dma semaphore(%run_scoped3A_413 : memref<!tpu.dma_semaphore, #tpu.memory_space<semaphore_mem>>) src(%arg12 : memref<125x64xf32, #tpu.memory_space<vmem>>) dst(%dma_wait3A_425 : memref<10240x64xf32, #tpu.memory_space<vmem_shared>>)
        tpu.yield
      }) : () -> ()
      %dma_start3A_231 = arith.constant 5 : i32
      %dma_start3A_232 = arith.constant 0 : i32
      %dma_start3A_233 = tpu.memref_slice %arg7[%dma_start3A_231, %dma_start3A_232] : memref<8x125xi32, #tpu.memory_space<vmem>> -> memref<1x125xi32, #tpu.memory_space<vmem>>
      %dma_start3A_234 = tpu.memref_squeeze %dma_start3A_233 : memref<1x125xi32, #tpu.memory_space<vmem>> -> memref<125xi32, #tpu.memory_space<vmem>>
      %dma_start3A_235 = arith.constant 0 : i32
      %dma_start3A_236 = arith.constant 0 : i32
      %dma_start3A_237 = tpu.memref_slice %arg2[%dma_start3A_235, %dma_start3A_236] : memref<10240x64xf32, #tpu.memory_space<hbm>> -> memref<10240x64xf32, #tpu.memory_space<hbm>>
      tpu.enqueue_indirect_dma source(%dma_start3A_237 : memref<10240x64xf32, #tpu.memory_space<hbm>>) target(%arg12 : memref<125x64xf32, #tpu.memory_space<vmem>>) offsets(%dma_start3A_234 : memref<125xi32, #tpu.memory_space<vmem>>) semaphore(%arg15 : memref<!tpu.dma_semaphore, #tpu.memory_space<semaphore_mem>>)
      %dma_wait3A_238 = arith.constant 4 : i32
      %dma_wait3A_239 = arith.constant 0 : i32
      %dma_wait3A_240 = tpu.memref_slice %arg7[%dma_wait3A_238, %dma_wait3A_239] : memref<8x125xi32, #tpu.memory_space<vmem>> -> memref<1x125xi32, #tpu.memory_space<vmem>>
      %dma_wait3A_241 = tpu.memref_squeeze %dma_wait3A_240 : memref<1x125xi32, #tpu.memory_space<vmem>> -> memref<125xi32, #tpu.memory_space<vmem>>
      %dma_wait3A_242 = arith.constant 0 : i32
      %dma_wait3A_243 = arith.constant 0 : i32
      %dma_wait3A_244 = tpu.memref_slice %arg2[%dma_wait3A_242, %dma_wait3A_243] : memref<10240x64xf32, #tpu.memory_space<hbm>> -> memref<10240x64xf32, #tpu.memory_space<hbm>>
      tpu.wait_indirect_dma semaphore(%arg14 : memref<!tpu.dma_semaphore, #tpu.memory_space<semaphore_mem>>) src(%dma_wait3A_244 : memref<10240x64xf32, #tpu.memory_space<hbm>>) dst(%arg11 : memref<125x64xf32, #tpu.memory_space<vmem>>)
      %run_scoped3A_245 = arith.constant 4 : i32
      "tpu.region"() ({
        %run_scoped3A_413 = tpu.sem_alloc : memref<!tpu.dma_semaphore, #tpu.memory_space<semaphore_mem>>
        %dma_start3A_414 = arith.constant 0 : i32
        %dma_start3A_415 = tpu.memref_slice %arg8[%run_scoped3A_245, %dma_start3A_414] : memref<8x125xi32, #tpu.memory_space<vmem>> -> memref<1x125xi32, #tpu.memory_space<vmem>>
        %dma_start3A_416 = tpu.memref_squeeze %dma_start3A_415 : memref<1x125xi32, #tpu.memory_space<vmem>> -> memref<125xi32, #tpu.memory_space<vmem>>
        %dma_start3A_417 = arith.constant 0 : i32
        %dma_start3A_418 = arith.constant 0 : i32
        %dma_start3A_419 = tpu.memref_slice %arg13[%dma_start3A_417, %dma_start3A_418] : memref<10240x64xf32, #tpu.memory_space<vmem_shared>> -> memref<10240x64xf32, #tpu.memory_space<vmem_shared>>
        tpu.enqueue_indirect_dma source(%arg11 : memref<125x64xf32, #tpu.memory_space<vmem>>) target(%dma_start3A_419 : memref<10240x64xf32, #tpu.memory_space<vmem_shared>>) offsets(%dma_start3A_416 : memref<125xi32, #tpu.memory_space<vmem>>) semaphore(%run_scoped3A_413 : memref<!tpu.dma_semaphore, #tpu.memory_space<semaphore_mem>>) {add = true}
        %dma_wait3A_420 = arith.constant 0 : i32
        %dma_wait3A_421 = tpu.memref_slice %arg8[%run_scoped3A_245, %dma_wait3A_420] : memref<8x125xi32, #tpu.memory_space<vmem>> -> memref<1x125xi32, #tpu.memory_space<vmem>>
        %dma_wait3A_422 = tpu.memref_squeeze %dma_wait3A_421 : memref<1x125xi32, #tpu.memory_space<vmem>> -> memref<125xi32, #tpu.memory_space<vmem>>
        %dma_wait3A_423 = arith.constant 0 : i32
        %dma_wait3A_424 = arith.constant 0 : i32
        %dma_wait3A_425 = tpu.memref_slice %arg13[%dma_wait3A_423, %dma_wait3A_424] : memref<10240x64xf32, #tpu.memory_space<vmem_shared>> -> memref<10240x64xf32, #tpu.memory_space<vmem_shared>>
        tpu.wait_indirect_dma semaphore(%run_scoped3A_413 : memref<!tpu.dma_semaphore, #tpu.memory_space<semaphore_mem>>) src(%arg11 : memref<125x64xf32, #tpu.memory_space<vmem>>) dst(%dma_wait3A_425 : memref<10240x64xf32, #tpu.memory_space<vmem_shared>>)
        tpu.yield
      }) : () -> ()
      %dma_start3A_246 = arith.constant 6 : i32
      %dma_start3A_247 = arith.constant 0 : i32
      %dma_start3A_248 = tpu.memref_slice %arg7[%dma_start3A_246, %dma_start3A_247] : memref<8x125xi32, #tpu.memory_space<vmem>> -> memref<1x125xi32, #tpu.memory_space<vmem>>
      %dma_start3A_249 = tpu.memref_squeeze %dma_start3A_248 : memref<1x125xi32, #tpu.memory_space<vmem>> -> memref<125xi32, #tpu.memory_space<vmem>>
      %dma_start3A_250 = arith.constant 0 : i32
      %dma_start3A_251 = arith.constant 0 : i32
      %dma_start3A_252 = tpu.memref_slice %arg2[%dma_start3A_250, %dma_start3A_251] : memref<10240x64xf32, #tpu.memory_space<hbm>> -> memref<10240x64xf32, #tpu.memory_space<hbm>>
      tpu.enqueue_indirect_dma source(%dma_start3A_252 : memref<10240x64xf32, #tpu.memory_space<hbm>>) target(%arg11 : memref<125x64xf32, #tpu.memory_space<vmem>>) offsets(%dma_start3A_249 : memref<125xi32, #tpu.memory_space<vmem>>) semaphore(%arg14 : memref<!tpu.dma_semaphore, #tpu.memory_space<semaphore_mem>>)
      %dma_wait3A_253 = arith.constant 5 : i32
      %dma_wait3A_254 = arith.constant 0 : i32
      %dma_wait3A_255 = tpu.memref_slice %arg7[%dma_wait3A_253, %dma_wait3A_254] : memref<8x125xi32, #tpu.memory_space<vmem>> -> memref<1x125xi32, #tpu.memory_space<vmem>>
      %dma_wait3A_256 = tpu.memref_squeeze %dma_wait3A_255 : memref<1x125xi32, #tpu.memory_space<vmem>> -> memref<125xi32, #tpu.memory_space<vmem>>
      %dma_wait3A_257 = arith.constant 0 : i32
      %dma_wait3A_258 = arith.constant 0 : i32
      %dma_wait3A_259 = tpu.memref_slice %arg2[%dma_wait3A_257, %dma_wait3A_258] : memref<10240x64xf32, #tpu.memory_space<hbm>> -> memref<10240x64xf32, #tpu.memory_space<hbm>>
      tpu.wait_indirect_dma semaphore(%arg15 : memref<!tpu.dma_semaphore, #tpu.memory_space<semaphore_mem>>) src(%dma_wait3A_259 : memref<10240x64xf32, #tpu.memory_space<hbm>>) dst(%arg12 : memref<125x64xf32, #tpu.memory_space<vmem>>)
      %run_scoped3A_260 = arith.constant 5 : i32
      "tpu.region"() ({
        %run_scoped3A_413 = tpu.sem_alloc : memref<!tpu.dma_semaphore, #tpu.memory_space<semaphore_mem>>
        %dma_start3A_414 = arith.constant 0 : i32
        %dma_start3A_415 = tpu.memref_slice %arg8[%run_scoped3A_260, %dma_start3A_414] : memref<8x125xi32, #tpu.memory_space<vmem>> -> memref<1x125xi32, #tpu.memory_space<vmem>>
        %dma_start3A_416 = tpu.memref_squeeze %dma_start3A_415 : memref<1x125xi32, #tpu.memory_space<vmem>> -> memref<125xi32, #tpu.memory_space<vmem>>
        %dma_start3A_417 = arith.constant 0 : i32
        %dma_start3A_418 = arith.constant 0 : i32
        %dma_start3A_419 = tpu.memref_slice %arg13[%dma_start3A_417, %dma_start3A_418] : memref<10240x64xf32, #tpu.memory_space<vmem_shared>> -> memref<10240x64xf32, #tpu.memory_space<vmem_shared>>
        tpu.enqueue_indirect_dma source(%arg12 : memref<125x64xf32, #tpu.memory_space<vmem>>) target(%dma_start3A_419 : memref<10240x64xf32, #tpu.memory_space<vmem_shared>>) offsets(%dma_start3A_416 : memref<125xi32, #tpu.memory_space<vmem>>) semaphore(%run_scoped3A_413 : memref<!tpu.dma_semaphore, #tpu.memory_space<semaphore_mem>>) {add = true}
        %dma_wait3A_420 = arith.constant 0 : i32
        %dma_wait3A_421 = tpu.memref_slice %arg8[%run_scoped3A_260, %dma_wait3A_420] : memref<8x125xi32, #tpu.memory_space<vmem>> -> memref<1x125xi32, #tpu.memory_space<vmem>>
        %dma_wait3A_422 = tpu.memref_squeeze %dma_wait3A_421 : memref<1x125xi32, #tpu.memory_space<vmem>> -> memref<125xi32, #tpu.memory_space<vmem>>
        %dma_wait3A_423 = arith.constant 0 : i32
        %dma_wait3A_424 = arith.constant 0 : i32
        %dma_wait3A_425 = tpu.memref_slice %arg13[%dma_wait3A_423, %dma_wait3A_424] : memref<10240x64xf32, #tpu.memory_space<vmem_shared>> -> memref<10240x64xf32, #tpu.memory_space<vmem_shared>>
        tpu.wait_indirect_dma semaphore(%run_scoped3A_413 : memref<!tpu.dma_semaphore, #tpu.memory_space<semaphore_mem>>) src(%arg12 : memref<125x64xf32, #tpu.memory_space<vmem>>) dst(%dma_wait3A_425 : memref<10240x64xf32, #tpu.memory_space<vmem_shared>>)
        tpu.yield
      }) : () -> ()
      %dma_start3A_261 = arith.constant 7 : i32
      %dma_start3A_262 = arith.constant 0 : i32
      %dma_start3A_263 = tpu.memref_slice %arg7[%dma_start3A_261, %dma_start3A_262] : memref<8x125xi32, #tpu.memory_space<vmem>> -> memref<1x125xi32, #tpu.memory_space<vmem>>
      %dma_start3A_264 = tpu.memref_squeeze %dma_start3A_263 : memref<1x125xi32, #tpu.memory_space<vmem>> -> memref<125xi32, #tpu.memory_space<vmem>>
      %dma_start3A_265 = arith.constant 0 : i32
      %dma_start3A_266 = arith.constant 0 : i32
      %dma_start3A_267 = tpu.memref_slice %arg2[%dma_start3A_265, %dma_start3A_266] : memref<10240x64xf32, #tpu.memory_space<hbm>> -> memref<10240x64xf32, #tpu.memory_space<hbm>>
      tpu.enqueue_indirect_dma source(%dma_start3A_267 : memref<10240x64xf32, #tpu.memory_space<hbm>>) target(%arg12 : memref<125x64xf32, #tpu.memory_space<vmem>>) offsets(%dma_start3A_264 : memref<125xi32, #tpu.memory_space<vmem>>) semaphore(%arg15 : memref<!tpu.dma_semaphore, #tpu.memory_space<semaphore_mem>>)
      %dma_wait3A_268 = arith.constant 6 : i32
      %dma_wait3A_269 = arith.constant 0 : i32
      %dma_wait3A_270 = tpu.memref_slice %arg7[%dma_wait3A_268, %dma_wait3A_269] : memref<8x125xi32, #tpu.memory_space<vmem>> -> memref<1x125xi32, #tpu.memory_space<vmem>>
      %dma_wait3A_271 = tpu.memref_squeeze %dma_wait3A_270 : memref<1x125xi32, #tpu.memory_space<vmem>> -> memref<125xi32, #tpu.memory_space<vmem>>
      %dma_wait3A_272 = arith.constant 0 : i32
      %dma_wait3A_273 = arith.constant 0 : i32
      %dma_wait3A_274 = tpu.memref_slice %arg2[%dma_wait3A_272, %dma_wait3A_273] : memref<10240x64xf32, #tpu.memory_space<hbm>> -> memref<10240x64xf32, #tpu.memory_space<hbm>>
      tpu.wait_indirect_dma semaphore(%arg14 : memref<!tpu.dma_semaphore, #tpu.memory_space<semaphore_mem>>) src(%dma_wait3A_274 : memref<10240x64xf32, #tpu.memory_space<hbm>>) dst(%arg11 : memref<125x64xf32, #tpu.memory_space<vmem>>)
      %run_scoped3A_275 = arith.constant 6 : i32
      "tpu.region"() ({
        %run_scoped3A_413 = tpu.sem_alloc : memref<!tpu.dma_semaphore, #tpu.memory_space<semaphore_mem>>
        %dma_start3A_414 = arith.constant 0 : i32
        %dma_start3A_415 = tpu.memref_slice %arg8[%run_scoped3A_275, %dma_start3A_414] : memref<8x125xi32, #tpu.memory_space<vmem>> -> memref<1x125xi32, #tpu.memory_space<vmem>>
        %dma_start3A_416 = tpu.memref_squeeze %dma_start3A_415 : memref<1x125xi32, #tpu.memory_space<vmem>> -> memref<125xi32, #tpu.memory_space<vmem>>
        %dma_start3A_417 = arith.constant 0 : i32
        %dma_start3A_418 = arith.constant 0 : i32
        %dma_start3A_419 = tpu.memref_slice %arg13[%dma_start3A_417, %dma_start3A_418] : memref<10240x64xf32, #tpu.memory_space<vmem_shared>> -> memref<10240x64xf32, #tpu.memory_space<vmem_shared>>
        tpu.enqueue_indirect_dma source(%arg11 : memref<125x64xf32, #tpu.memory_space<vmem>>) target(%dma_start3A_419 : memref<10240x64xf32, #tpu.memory_space<vmem_shared>>) offsets(%dma_start3A_416 : memref<125xi32, #tpu.memory_space<vmem>>) semaphore(%run_scoped3A_413 : memref<!tpu.dma_semaphore, #tpu.memory_space<semaphore_mem>>) {add = true}
        %dma_wait3A_420 = arith.constant 0 : i32
        %dma_wait3A_421 = tpu.memref_slice %arg8[%run_scoped3A_275, %dma_wait3A_420] : memref<8x125xi32, #tpu.memory_space<vmem>> -> memref<1x125xi32, #tpu.memory_space<vmem>>
        %dma_wait3A_422 = tpu.memref_squeeze %dma_wait3A_421 : memref<1x125xi32, #tpu.memory_space<vmem>> -> memref<125xi32, #tpu.memory_space<vmem>>
        %dma_wait3A_423 = arith.constant 0 : i32
        %dma_wait3A_424 = arith.constant 0 : i32
        %dma_wait3A_425 = tpu.memref_slice %arg13[%dma_wait3A_423, %dma_wait3A_424] : memref<10240x64xf32, #tpu.memory_space<vmem_shared>> -> memref<10240x64xf32, #tpu.memory_space<vmem_shared>>
        tpu.wait_indirect_dma semaphore(%run_scoped3A_413 : memref<!tpu.dma_semaphore, #tpu.memory_space<semaphore_mem>>) src(%arg11 : memref<125x64xf32, #tpu.memory_space<vmem>>) dst(%dma_wait3A_425 : memref<10240x64xf32, #tpu.memory_space<vmem_shared>>)
        tpu.yield
      }) : () -> ()
      %convert_element_type3A = arith.extui %lt3A_170 : i1 to i32
      %cond3A_276 = arith.constant 0 : i32
      %cond3A_277 = arith.cmpi ne, %convert_element_type3A, %cond3A_276 : i32
      scf.if %cond3A_277 {
        %dma_wait3A_413 = arith.constant 0 : i32
        %dma_wait3A_414 = tpu.memref_slice %arg4[%add3A, %dma_wait3A_413] : memref<1280x125xi32, #tpu.memory_space<hbm>> -> memref<8x125xi32, #tpu.memory_space<hbm>>
        %dma_wait3A_415 = arith.constant 0 : i32
        %dma_wait3A_416 = tpu.memref_slice %arg4[%add3A, %dma_wait3A_415] : memref<1280x125xi32, #tpu.memory_space<hbm>> -> memref<8x125xi32, #tpu.memory_space<hbm>>
        tpu.wait_dma2 semaphore(%arg17 : memref<!tpu.dma_semaphore, #tpu.memory_space<semaphore_mem>>) src(%dma_wait3A_416 : memref<8x125xi32, #tpu.memory_space<hbm>>) dst(%arg9 : memref<8x125xi32, #tpu.memory_space<vmem>>)
        %dma_wait3A_417 = arith.constant 0 : i32
        %dma_wait3A_418 = tpu.memref_slice %arg4[%add3A, %dma_wait3A_417] : memref<1280x125xi32, #tpu.memory_space<hbm>> -> memref<8x125xi32, #tpu.memory_space<hbm>>
        %dma_wait3A_419 = arith.constant 0 : i32
        %dma_wait3A_420 = tpu.memref_slice %arg4[%add3A, %dma_wait3A_419] : memref<1280x125xi32, #tpu.memory_space<hbm>> -> memref<8x125xi32, #tpu.memory_space<hbm>>
        tpu.wait_dma2 semaphore(%arg17 : memref<!tpu.dma_semaphore, #tpu.memory_space<semaphore_mem>>) src(%dma_wait3A_420 : memref<8x125xi32, #tpu.memory_space<hbm>>) dst(%arg10 : memref<8x125xi32, #tpu.memory_space<vmem>>)
        %dma_start3A_421 = arith.constant 0 : i32
        %dma_start3A_422 = arith.constant 0 : i32
        %dma_start3A_423 = tpu.memref_slice %arg9[%dma_start3A_421, %dma_start3A_422] : memref<8x125xi32, #tpu.memory_space<vmem>> -> memref<1x125xi32, #tpu.memory_space<vmem>>
        %dma_start3A_424 = tpu.memref_squeeze %dma_start3A_423 : memref<1x125xi32, #tpu.memory_space<vmem>> -> memref<125xi32, #tpu.memory_space<vmem>>
        %dma_start3A_425 = arith.constant 0 : i32
        %dma_start3A_426 = arith.constant 0 : i32
        %dma_start3A_427 = tpu.memref_slice %arg2[%dma_start3A_425, %dma_start3A_426] : memref<10240x64xf32, #tpu.memory_space<hbm>> -> memref<10240x64xf32, #tpu.memory_space<hbm>>
        tpu.enqueue_indirect_dma source(%dma_start3A_427 : memref<10240x64xf32, #tpu.memory_space<hbm>>) target(%arg11 : memref<125x64xf32, #tpu.memory_space<vmem>>) offsets(%dma_start3A_424 : memref<125xi32, #tpu.memory_space<vmem>>) semaphore(%arg14 : memref<!tpu.dma_semaphore, #tpu.memory_space<semaphore_mem>>)
      } else {
      }
      %dma_wait3A_278 = arith.constant 7 : i32
      %dma_wait3A_279 = arith.constant 0 : i32
      %dma_wait3A_280 = tpu.memref_slice %arg7[%dma_wait3A_278, %dma_wait3A_279] : memref<8x125xi32, #tpu.memory_space<vmem>> -> memref<1x125xi32, #tpu.memory_space<vmem>>
      %dma_wait3A_281 = tpu.memref_squeeze %dma_wait3A_280 : memref<1x125xi32, #tpu.memory_space<vmem>> -> memref<125xi32, #tpu.memory_space<vmem>>
      %dma_wait3A_282 = arith.constant 0 : i32
      %dma_wait3A_283 = arith.constant 0 : i32
      %dma_wait3A_284 = tpu.memref_slice %arg2[%dma_wait3A_282, %dma_wait3A_283] : memref<10240x64xf32, #tpu.memory_space<hbm>> -> memref<10240x64xf32, #tpu.memory_space<hbm>>
      tpu.wait_indirect_dma semaphore(%arg15 : memref<!tpu.dma_semaphore, #tpu.memory_space<semaphore_mem>>) src(%dma_wait3A_284 : memref<10240x64xf32, #tpu.memory_space<hbm>>) dst(%arg12 : memref<125x64xf32, #tpu.memory_space<vmem>>)
      %run_scoped3A_285 = arith.constant 7 : i32
      "tpu.region"() ({
        %run_scoped3A_413 = tpu.sem_alloc : memref<!tpu.dma_semaphore, #tpu.memory_space<semaphore_mem>>
        %dma_start3A_414 = arith.constant 0 : i32
        %dma_start3A_415 = tpu.memref_slice %arg8[%run_scoped3A_285, %dma_start3A_414] : memref<8x125xi32, #tpu.memory_space<vmem>> -> memref<1x125xi32, #tpu.memory_space<vmem>>
        %dma_start3A_416 = tpu.memref_squeeze %dma_start3A_415 : memref<1x125xi32, #tpu.memory_space<vmem>> -> memref<125xi32, #tpu.memory_space<vmem>>
        %dma_start3A_417 = arith.constant 0 : i32
        %dma_start3A_418 = arith.constant 0 : i32
        %dma_start3A_419 = tpu.memref_slice %arg13[%dma_start3A_417, %dma_start3A_418] : memref<10240x64xf32, #tpu.memory_space<vmem_shared>> -> memref<10240x64xf32, #tpu.memory_space<vmem_shared>>
        tpu.enqueue_indirect_dma source(%arg12 : memref<125x64xf32, #tpu.memory_space<vmem>>) target(%dma_start3A_419 : memref<10240x64xf32, #tpu.memory_space<vmem_shared>>) offsets(%dma_start3A_416 : memref<125xi32, #tpu.memory_space<vmem>>) semaphore(%run_scoped3A_413 : memref<!tpu.dma_semaphore, #tpu.memory_space<semaphore_mem>>) {add = true}
        %dma_wait3A_420 = arith.constant 0 : i32
        %dma_wait3A_421 = tpu.memref_slice %arg8[%run_scoped3A_285, %dma_wait3A_420] : memref<8x125xi32, #tpu.memory_space<vmem>> -> memref<1x125xi32, #tpu.memory_space<vmem>>
        %dma_wait3A_422 = tpu.memref_squeeze %dma_wait3A_421 : memref<1x125xi32, #tpu.memory_space<vmem>> -> memref<125xi32, #tpu.memory_space<vmem>>
        %dma_wait3A_423 = arith.constant 0 : i32
        %dma_wait3A_424 = arith.constant 0 : i32
        %dma_wait3A_425 = tpu.memref_slice %arg13[%dma_wait3A_423, %dma_wait3A_424] : memref<10240x64xf32, #tpu.memory_space<vmem_shared>> -> memref<10240x64xf32, #tpu.memory_space<vmem_shared>>
        tpu.wait_indirect_dma semaphore(%run_scoped3A_413 : memref<!tpu.dma_semaphore, #tpu.memory_space<semaphore_mem>>) src(%arg12 : memref<125x64xf32, #tpu.memory_space<vmem>>) dst(%dma_wait3A_425 : memref<10240x64xf32, #tpu.memory_space<vmem_shared>>)
        tpu.yield
      }) : () -> ()
      %add3A_286 = arith.constant 2 : i32
      %add3A_287 = arith.addi %mul3A_154, %add3A_286 : i32
      %lt3A_288 = arith.constant 5 : i32
      %lt3A_289 = arith.cmpi slt, %add3A_287, %lt3A_288 : i32
      %convert_element_type3A_290 = arith.extui %lt3A_289 : i1 to i32
      %cond3A_291 = arith.constant 0 : i32
      %cond3A_292 = arith.cmpi ne, %convert_element_type3A_290, %cond3A_291 : i32
      scf.if %cond3A_292 {
        %add3A_413 = arith.constant 2 : i32
        %add3A_414 = arith.addi %mul3A_154, %add3A_413 : i32
        %mul3A_415 = arith.constant 8 : i32
        %mul3A_416 = arith.muli %mul3A_415, %add3A_414 : i32
        %add3A_417 = arith.addi %add3A, %mul3A_416 : i32
        %dma_start3A_418 = arith.constant 0 : i32
        %dma_start3A_419 = tpu.memref_slice %arg3[%add3A_417, %dma_start3A_418] : memref<1280x125xi32, #tpu.memory_space<hbm>> -> memref<8x125xi32, #tpu.memory_space<hbm>>
        %dma_start3A_420 = arith.constant 0 : i32
        %dma_start3A_421 = tpu.memref_slice %arg3[%add3A_417, %dma_start3A_420] : memref<1280x125xi32, #tpu.memory_space<hbm>> -> memref<8x125xi32, #tpu.memory_space<hbm>>
        tpu.enqueue_dma source(%dma_start3A_421 : memref<8x125xi32, #tpu.memory_space<hbm>>) target(%arg7 : memref<8x125xi32, #tpu.memory_space<vmem>>) target_semaphore(%arg16 : memref<!tpu.dma_semaphore, #tpu.memory_space<semaphore_mem>>)
        %dma_start3A_422 = arith.constant 0 : i32
        %dma_start3A_423 = tpu.memref_slice %arg4[%add3A_417, %dma_start3A_422] : memref<1280x125xi32, #tpu.memory_space<hbm>> -> memref<8x125xi32, #tpu.memory_space<hbm>>
        %dma_start3A_424 = arith.constant 0 : i32
        %dma_start3A_425 = tpu.memref_slice %arg4[%add3A_417, %dma_start3A_424] : memref<1280x125xi32, #tpu.memory_space<hbm>> -> memref<8x125xi32, #tpu.memory_space<hbm>>
        tpu.enqueue_dma source(%dma_start3A_425 : memref<8x125xi32, #tpu.memory_space<hbm>>) target(%arg8 : memref<8x125xi32, #tpu.memory_space<vmem>>) target_semaphore(%arg16 : memref<!tpu.dma_semaphore, #tpu.memory_space<semaphore_mem>>)
      } else {
      }
      %add3A_293 = arith.constant 2 : i32
      %add3A_294 = arith.addi %mul3A_154, %add3A_293 : i32
      %lt3A_295 = arith.constant 5 : i32
      %lt3A_296 = arith.cmpi slt, %add3A_294, %lt3A_295 : i32
      %dma_start3A_297 = arith.constant 1 : i32
      %dma_start3A_298 = arith.constant 0 : i32
      %dma_start3A_299 = tpu.memref_slice %arg9[%dma_start3A_297, %dma_start3A_298] : memref<8x125xi32, #tpu.memory_space<vmem>> -> memref<1x125xi32, #tpu.memory_space<vmem>>
      %dma_start3A_300 = tpu.memref_squeeze %dma_start3A_299 : memref<1x125xi32, #tpu.memory_space<vmem>> -> memref<125xi32, #tpu.memory_space<vmem>>
      %dma_start3A_301 = arith.constant 0 : i32
      %dma_start3A_302 = arith.constant 0 : i32
      %dma_start3A_303 = tpu.memref_slice %arg2[%dma_start3A_301, %dma_start3A_302] : memref<10240x64xf32, #tpu.memory_space<hbm>> -> memref<10240x64xf32, #tpu.memory_space<hbm>>
      tpu.enqueue_indirect_dma source(%dma_start3A_303 : memref<10240x64xf32, #tpu.memory_space<hbm>>) target(%arg12 : memref<125x64xf32, #tpu.memory_space<vmem>>) offsets(%dma_start3A_300 : memref<125xi32, #tpu.memory_space<vmem>>) semaphore(%arg15 : memref<!tpu.dma_semaphore, #tpu.memory_space<semaphore_mem>>)
      %dma_wait3A_304 = arith.constant 0 : i32
      %dma_wait3A_305 = arith.constant 0 : i32
      %dma_wait3A_306 = tpu.memref_slice %arg9[%dma_wait3A_304, %dma_wait3A_305] : memref<8x125xi32, #tpu.memory_space<vmem>> -> memref<1x125xi32, #tpu.memory_space<vmem>>
      %dma_wait3A_307 = tpu.memref_squeeze %dma_wait3A_306 : memref<1x125xi32, #tpu.memory_space<vmem>> -> memref<125xi32, #tpu.memory_space<vmem>>
      %dma_wait3A_308 = arith.constant 0 : i32
      %dma_wait3A_309 = arith.constant 0 : i32
      %dma_wait3A_310 = tpu.memref_slice %arg2[%dma_wait3A_308, %dma_wait3A_309] : memref<10240x64xf32, #tpu.memory_space<hbm>> -> memref<10240x64xf32, #tpu.memory_space<hbm>>
      tpu.wait_indirect_dma semaphore(%arg14 : memref<!tpu.dma_semaphore, #tpu.memory_space<semaphore_mem>>) src(%dma_wait3A_310 : memref<10240x64xf32, #tpu.memory_space<hbm>>) dst(%arg11 : memref<125x64xf32, #tpu.memory_space<vmem>>)
      %run_scoped3A_311 = arith.constant 0 : i32
      "tpu.region"() ({
        %run_scoped3A_413 = tpu.sem_alloc : memref<!tpu.dma_semaphore, #tpu.memory_space<semaphore_mem>>
        %dma_start3A_414 = arith.constant 0 : i32
        %dma_start3A_415 = tpu.memref_slice %arg10[%run_scoped3A_311, %dma_start3A_414] : memref<8x125xi32, #tpu.memory_space<vmem>> -> memref<1x125xi32, #tpu.memory_space<vmem>>
        %dma_start3A_416 = tpu.memref_squeeze %dma_start3A_415 : memref<1x125xi32, #tpu.memory_space<vmem>> -> memref<125xi32, #tpu.memory_space<vmem>>
        %dma_start3A_417 = arith.constant 0 : i32
        %dma_start3A_418 = arith.constant 0 : i32
        %dma_start3A_419 = tpu.memref_slice %arg13[%dma_start3A_417, %dma_start3A_418] : memref<10240x64xf32, #tpu.memory_space<vmem_shared>> -> memref<10240x64xf32, #tpu.memory_space<vmem_shared>>
        tpu.enqueue_indirect_dma source(%arg11 : memref<125x64xf32, #tpu.memory_space<vmem>>) target(%dma_start3A_419 : memref<10240x64xf32, #tpu.memory_space<vmem_shared>>) offsets(%dma_start3A_416 : memref<125xi32, #tpu.memory_space<vmem>>) semaphore(%run_scoped3A_413 : memref<!tpu.dma_semaphore, #tpu.memory_space<semaphore_mem>>) {add = true}
        %dma_wait3A_420 = arith.constant 0 : i32
        %dma_wait3A_421 = tpu.memref_slice %arg10[%run_scoped3A_311, %dma_wait3A_420] : memref<8x125xi32, #tpu.memory_space<vmem>> -> memref<1x125xi32, #tpu.memory_space<vmem>>
        %dma_wait3A_422 = tpu.memref_squeeze %dma_wait3A_421 : memref<1x125xi32, #tpu.memory_space<vmem>> -> memref<125xi32, #tpu.memory_space<vmem>>
        %dma_wait3A_423 = arith.constant 0 : i32
        %dma_wait3A_424 = arith.constant 0 : i32
        %dma_wait3A_425 = tpu.memref_slice %arg13[%dma_wait3A_423, %dma_wait3A_424] : memref<10240x64xf32, #tpu.memory_space<vmem_shared>> -> memref<10240x64xf32, #tpu.memory_space<vmem_shared>>
        tpu.wait_indirect_dma semaphore(%run_scoped3A_413 : memref<!tpu.dma_semaphore, #tpu.memory_space<semaphore_mem>>) src(%arg11 : memref<125x64xf32, #tpu.memory_space<vmem>>) dst(%dma_wait3A_425 : memref<10240x64xf32, #tpu.memory_space<vmem_shared>>)
        tpu.yield
      }) : () -> ()
      %dma_start3A_312 = arith.constant 2 : i32
      %dma_start3A_313 = arith.constant 0 : i32
      %dma_start3A_314 = tpu.memref_slice %arg9[%dma_start3A_312, %dma_start3A_313] : memref<8x125xi32, #tpu.memory_space<vmem>> -> memref<1x125xi32, #tpu.memory_space<vmem>>
      %dma_start3A_315 = tpu.memref_squeeze %dma_start3A_314 : memref<1x125xi32, #tpu.memory_space<vmem>> -> memref<125xi32, #tpu.memory_space<vmem>>
      %dma_start3A_316 = arith.constant 0 : i32
      %dma_start3A_317 = arith.constant 0 : i32
      %dma_start3A_318 = tpu.memref_slice %arg2[%dma_start3A_316, %dma_start3A_317] : memref<10240x64xf32, #tpu.memory_space<hbm>> -> memref<10240x64xf32, #tpu.memory_space<hbm>>
      tpu.enqueue_indirect_dma source(%dma_start3A_318 : memref<10240x64xf32, #tpu.memory_space<hbm>>) target(%arg11 : memref<125x64xf32, #tpu.memory_space<vmem>>) offsets(%dma_start3A_315 : memref<125xi32, #tpu.memory_space<vmem>>) semaphore(%arg14 : memref<!tpu.dma_semaphore, #tpu.memory_space<semaphore_mem>>)
      %dma_wait3A_319 = arith.constant 1 : i32
      %dma_wait3A_320 = arith.constant 0 : i32
      %dma_wait3A_321 = tpu.memref_slice %arg9[%dma_wait3A_319, %dma_wait3A_320] : memref<8x125xi32, #tpu.memory_space<vmem>> -> memref<1x125xi32, #tpu.memory_space<vmem>>
      %dma_wait3A_322 = tpu.memref_squeeze %dma_wait3A_321 : memref<1x125xi32, #tpu.memory_space<vmem>> -> memref<125xi32, #tpu.memory_space<vmem>>
      %dma_wait3A_323 = arith.constant 0 : i32
      %dma_wait3A_324 = arith.constant 0 : i32
      %dma_wait3A_325 = tpu.memref_slice %arg2[%dma_wait3A_323, %dma_wait3A_324] : memref<10240x64xf32, #tpu.memory_space<hbm>> -> memref<10240x64xf32, #tpu.memory_space<hbm>>
      tpu.wait_indirect_dma semaphore(%arg15 : memref<!tpu.dma_semaphore, #tpu.memory_space<semaphore_mem>>) src(%dma_wait3A_325 : memref<10240x64xf32, #tpu.memory_space<hbm>>) dst(%arg12 : memref<125x64xf32, #tpu.memory_space<vmem>>)
      %run_scoped3A_326 = arith.constant 1 : i32
      "tpu.region"() ({
        %run_scoped3A_413 = tpu.sem_alloc : memref<!tpu.dma_semaphore, #tpu.memory_space<semaphore_mem>>
        %dma_start3A_414 = arith.constant 0 : i32
        %dma_start3A_415 = tpu.memref_slice %arg10[%run_scoped3A_326, %dma_start3A_414] : memref<8x125xi32, #tpu.memory_space<vmem>> -> memref<1x125xi32, #tpu.memory_space<vmem>>
        %dma_start3A_416 = tpu.memref_squeeze %dma_start3A_415 : memref<1x125xi32, #tpu.memory_space<vmem>> -> memref<125xi32, #tpu.memory_space<vmem>>
        %dma_start3A_417 = arith.constant 0 : i32
        %dma_start3A_418 = arith.constant 0 : i32
        %dma_start3A_419 = tpu.memref_slice %arg13[%dma_start3A_417, %dma_start3A_418] : memref<10240x64xf32, #tpu.memory_space<vmem_shared>> -> memref<10240x64xf32, #tpu.memory_space<vmem_shared>>
        tpu.enqueue_indirect_dma source(%arg12 : memref<125x64xf32, #tpu.memory_space<vmem>>) target(%dma_start3A_419 : memref<10240x64xf32, #tpu.memory_space<vmem_shared>>) offsets(%dma_start3A_416 : memref<125xi32, #tpu.memory_space<vmem>>) semaphore(%run_scoped3A_413 : memref<!tpu.dma_semaphore, #tpu.memory_space<semaphore_mem>>) {add = true}
        %dma_wait3A_420 = arith.constant 0 : i32
        %dma_wait3A_421 = tpu.memref_slice %arg10[%run_scoped3A_326, %dma_wait3A_420] : memref<8x125xi32, #tpu.memory_space<vmem>> -> memref<1x125xi32, #tpu.memory_space<vmem>>
        %dma_wait3A_422 = tpu.memref_squeeze %dma_wait3A_421 : memref<1x125xi32, #tpu.memory_space<vmem>> -> memref<125xi32, #tpu.memory_space<vmem>>
        %dma_wait3A_423 = arith.constant 0 : i32
        %dma_wait3A_424 = arith.constant 0 : i32
        %dma_wait3A_425 = tpu.memref_slice %arg13[%dma_wait3A_423, %dma_wait3A_424] : memref<10240x64xf32, #tpu.memory_space<vmem_shared>> -> memref<10240x64xf32, #tpu.memory_space<vmem_shared>>
        tpu.wait_indirect_dma semaphore(%run_scoped3A_413 : memref<!tpu.dma_semaphore, #tpu.memory_space<semaphore_mem>>) src(%arg12 : memref<125x64xf32, #tpu.memory_space<vmem>>) dst(%dma_wait3A_425 : memref<10240x64xf32, #tpu.memory_space<vmem_shared>>)
        tpu.yield
      }) : () -> ()
      %dma_start3A_327 = arith.constant 3 : i32
      %dma_start3A_328 = arith.constant 0 : i32
      %dma_start3A_329 = tpu.memref_slice %arg9[%dma_start3A_327, %dma_start3A_328] : memref<8x125xi32, #tpu.memory_space<vmem>> -> memref<1x125xi32, #tpu.memory_space<vmem>>
      %dma_start3A_330 = tpu.memref_squeeze %dma_start3A_329 : memref<1x125xi32, #tpu.memory_space<vmem>> -> memref<125xi32, #tpu.memory_space<vmem>>
      %dma_start3A_331 = arith.constant 0 : i32
      %dma_start3A_332 = arith.constant 0 : i32
      %dma_start3A_333 = tpu.memref_slice %arg2[%dma_start3A_331, %dma_start3A_332] : memref<10240x64xf32, #tpu.memory_space<hbm>> -> memref<10240x64xf32, #tpu.memory_space<hbm>>
      tpu.enqueue_indirect_dma source(%dma_start3A_333 : memref<10240x64xf32, #tpu.memory_space<hbm>>) target(%arg12 : memref<125x64xf32, #tpu.memory_space<vmem>>) offsets(%dma_start3A_330 : memref<125xi32, #tpu.memory_space<vmem>>) semaphore(%arg15 : memref<!tpu.dma_semaphore, #tpu.memory_space<semaphore_mem>>)
      %dma_wait3A_334 = arith.constant 2 : i32
      %dma_wait3A_335 = arith.constant 0 : i32
      %dma_wait3A_336 = tpu.memref_slice %arg9[%dma_wait3A_334, %dma_wait3A_335] : memref<8x125xi32, #tpu.memory_space<vmem>> -> memref<1x125xi32, #tpu.memory_space<vmem>>
      %dma_wait3A_337 = tpu.memref_squeeze %dma_wait3A_336 : memref<1x125xi32, #tpu.memory_space<vmem>> -> memref<125xi32, #tpu.memory_space<vmem>>
      %dma_wait3A_338 = arith.constant 0 : i32
      %dma_wait3A_339 = arith.constant 0 : i32
      %dma_wait3A_340 = tpu.memref_slice %arg2[%dma_wait3A_338, %dma_wait3A_339] : memref<10240x64xf32, #tpu.memory_space<hbm>> -> memref<10240x64xf32, #tpu.memory_space<hbm>>
      tpu.wait_indirect_dma semaphore(%arg14 : memref<!tpu.dma_semaphore, #tpu.memory_space<semaphore_mem>>) src(%dma_wait3A_340 : memref<10240x64xf32, #tpu.memory_space<hbm>>) dst(%arg11 : memref<125x64xf32, #tpu.memory_space<vmem>>)
      %run_scoped3A_341 = arith.constant 2 : i32
      "tpu.region"() ({
        %run_scoped3A_413 = tpu.sem_alloc : memref<!tpu.dma_semaphore, #tpu.memory_space<semaphore_mem>>
        %dma_start3A_414 = arith.constant 0 : i32
        %dma_start3A_415 = tpu.memref_slice %arg10[%run_scoped3A_341, %dma_start3A_414] : memref<8x125xi32, #tpu.memory_space<vmem>> -> memref<1x125xi32, #tpu.memory_space<vmem>>
        %dma_start3A_416 = tpu.memref_squeeze %dma_start3A_415 : memref<1x125xi32, #tpu.memory_space<vmem>> -> memref<125xi32, #tpu.memory_space<vmem>>
        %dma_start3A_417 = arith.constant 0 : i32
        %dma_start3A_418 = arith.constant 0 : i32
        %dma_start3A_419 = tpu.memref_slice %arg13[%dma_start3A_417, %dma_start3A_418] : memref<10240x64xf32, #tpu.memory_space<vmem_shared>> -> memref<10240x64xf32, #tpu.memory_space<vmem_shared>>
        tpu.enqueue_indirect_dma source(%arg11 : memref<125x64xf32, #tpu.memory_space<vmem>>) target(%dma_start3A_419 : memref<10240x64xf32, #tpu.memory_space<vmem_shared>>) offsets(%dma_start3A_416 : memref<125xi32, #tpu.memory_space<vmem>>) semaphore(%run_scoped3A_413 : memref<!tpu.dma_semaphore, #tpu.memory_space<semaphore_mem>>) {add = true}
        %dma_wait3A_420 = arith.constant 0 : i32
        %dma_wait3A_421 = tpu.memref_slice %arg10[%run_scoped3A_341, %dma_wait3A_420] : memref<8x125xi32, #tpu.memory_space<vmem>> -> memref<1x125xi32, #tpu.memory_space<vmem>>
        %dma_wait3A_422 = tpu.memref_squeeze %dma_wait3A_421 : memref<1x125xi32, #tpu.memory_space<vmem>> -> memref<125xi32, #tpu.memory_space<vmem>>
        %dma_wait3A_423 = arith.constant 0 : i32
        %dma_wait3A_424 = arith.constant 0 : i32
        %dma_wait3A_425 = tpu.memref_slice %arg13[%dma_wait3A_423, %dma_wait3A_424] : memref<10240x64xf32, #tpu.memory_space<vmem_shared>> -> memref<10240x64xf32, #tpu.memory_space<vmem_shared>>
        tpu.wait_indirect_dma semaphore(%run_scoped3A_413 : memref<!tpu.dma_semaphore, #tpu.memory_space<semaphore_mem>>) src(%arg11 : memref<125x64xf32, #tpu.memory_space<vmem>>) dst(%dma_wait3A_425 : memref<10240x64xf32, #tpu.memory_space<vmem_shared>>)
        tpu.yield
      }) : () -> ()
      %dma_start3A_342 = arith.constant 4 : i32
      %dma_start3A_343 = arith.constant 0 : i32
      %dma_start3A_344 = tpu.memref_slice %arg9[%dma_start3A_342, %dma_start3A_343] : memref<8x125xi32, #tpu.memory_space<vmem>> -> memref<1x125xi32, #tpu.memory_space<vmem>>
      %dma_start3A_345 = tpu.memref_squeeze %dma_start3A_344 : memref<1x125xi32, #tpu.memory_space<vmem>> -> memref<125xi32, #tpu.memory_space<vmem>>
      %dma_start3A_346 = arith.constant 0 : i32
      %dma_start3A_347 = arith.constant 0 : i32
      %dma_start3A_348 = tpu.memref_slice %arg2[%dma_start3A_346, %dma_start3A_347] : memref<10240x64xf32, #tpu.memory_space<hbm>> -> memref<10240x64xf32, #tpu.memory_space<hbm>>
      tpu.enqueue_indirect_dma source(%dma_start3A_348 : memref<10240x64xf32, #tpu.memory_space<hbm>>) target(%arg11 : memref<125x64xf32, #tpu.memory_space<vmem>>) offsets(%dma_start3A_345 : memref<125xi32, #tpu.memory_space<vmem>>) semaphore(%arg14 : memref<!tpu.dma_semaphore, #tpu.memory_space<semaphore_mem>>)
      %dma_wait3A_349 = arith.constant 3 : i32
      %dma_wait3A_350 = arith.constant 0 : i32
      %dma_wait3A_351 = tpu.memref_slice %arg9[%dma_wait3A_349, %dma_wait3A_350] : memref<8x125xi32, #tpu.memory_space<vmem>> -> memref<1x125xi32, #tpu.memory_space<vmem>>
      %dma_wait3A_352 = tpu.memref_squeeze %dma_wait3A_351 : memref<1x125xi32, #tpu.memory_space<vmem>> -> memref<125xi32, #tpu.memory_space<vmem>>
      %dma_wait3A_353 = arith.constant 0 : i32
      %dma_wait3A_354 = arith.constant 0 : i32
      %dma_wait3A_355 = tpu.memref_slice %arg2[%dma_wait3A_353, %dma_wait3A_354] : memref<10240x64xf32, #tpu.memory_space<hbm>> -> memref<10240x64xf32, #tpu.memory_space<hbm>>
      tpu.wait_indirect_dma semaphore(%arg15 : memref<!tpu.dma_semaphore, #tpu.memory_space<semaphore_mem>>) src(%dma_wait3A_355 : memref<10240x64xf32, #tpu.memory_space<hbm>>) dst(%arg12 : memref<125x64xf32, #tpu.memory_space<vmem>>)
      %run_scoped3A_356 = arith.constant 3 : i32
      "tpu.region"() ({
        %run_scoped3A_413 = tpu.sem_alloc : memref<!tpu.dma_semaphore, #tpu.memory_space<semaphore_mem>>
        %dma_start3A_414 = arith.constant 0 : i32
        %dma_start3A_415 = tpu.memref_slice %arg10[%run_scoped3A_356, %dma_start3A_414] : memref<8x125xi32, #tpu.memory_space<vmem>> -> memref<1x125xi32, #tpu.memory_space<vmem>>
        %dma_start3A_416 = tpu.memref_squeeze %dma_start3A_415 : memref<1x125xi32, #tpu.memory_space<vmem>> -> memref<125xi32, #tpu.memory_space<vmem>>
        %dma_start3A_417 = arith.constant 0 : i32
        %dma_start3A_418 = arith.constant 0 : i32
        %dma_start3A_419 = tpu.memref_slice %arg13[%dma_start3A_417, %dma_start3A_418] : memref<10240x64xf32, #tpu.memory_space<vmem_shared>> -> memref<10240x64xf32, #tpu.memory_space<vmem_shared>>
        tpu.enqueue_indirect_dma source(%arg12 : memref<125x64xf32, #tpu.memory_space<vmem>>) target(%dma_start3A_419 : memref<10240x64xf32, #tpu.memory_space<vmem_shared>>) offsets(%dma_start3A_416 : memref<125xi32, #tpu.memory_space<vmem>>) semaphore(%run_scoped3A_413 : memref<!tpu.dma_semaphore, #tpu.memory_space<semaphore_mem>>) {add = true}
        %dma_wait3A_420 = arith.constant 0 : i32
        %dma_wait3A_421 = tpu.memref_slice %arg10[%run_scoped3A_356, %dma_wait3A_420] : memref<8x125xi32, #tpu.memory_space<vmem>> -> memref<1x125xi32, #tpu.memory_space<vmem>>
        %dma_wait3A_422 = tpu.memref_squeeze %dma_wait3A_421 : memref<1x125xi32, #tpu.memory_space<vmem>> -> memref<125xi32, #tpu.memory_space<vmem>>
        %dma_wait3A_423 = arith.constant 0 : i32
        %dma_wait3A_424 = arith.constant 0 : i32
        %dma_wait3A_425 = tpu.memref_slice %arg13[%dma_wait3A_423, %dma_wait3A_424] : memref<10240x64xf32, #tpu.memory_space<vmem_shared>> -> memref<10240x64xf32, #tpu.memory_space<vmem_shared>>
        tpu.wait_indirect_dma semaphore(%run_scoped3A_413 : memref<!tpu.dma_semaphore, #tpu.memory_space<semaphore_mem>>) src(%arg12 : memref<125x64xf32, #tpu.memory_space<vmem>>) dst(%dma_wait3A_425 : memref<10240x64xf32, #tpu.memory_space<vmem_shared>>)
        tpu.yield
      }) : () -> ()
      %dma_start3A_357 = arith.constant 5 : i32
      %dma_start3A_358 = arith.constant 0 : i32
      %dma_start3A_359 = tpu.memref_slice %arg9[%dma_start3A_357, %dma_start3A_358] : memref<8x125xi32, #tpu.memory_space<vmem>> -> memref<1x125xi32, #tpu.memory_space<vmem>>
      %dma_start3A_360 = tpu.memref_squeeze %dma_start3A_359 : memref<1x125xi32, #tpu.memory_space<vmem>> -> memref<125xi32, #tpu.memory_space<vmem>>
      %dma_start3A_361 = arith.constant 0 : i32
      %dma_start3A_362 = arith.constant 0 : i32
      %dma_start3A_363 = tpu.memref_slice %arg2[%dma_start3A_361, %dma_start3A_362] : memref<10240x64xf32, #tpu.memory_space<hbm>> -> memref<10240x64xf32, #tpu.memory_space<hbm>>
      tpu.enqueue_indirect_dma source(%dma_start3A_363 : memref<10240x64xf32, #tpu.memory_space<hbm>>) target(%arg12 : memref<125x64xf32, #tpu.memory_space<vmem>>) offsets(%dma_start3A_360 : memref<125xi32, #tpu.memory_space<vmem>>) semaphore(%arg15 : memref<!tpu.dma_semaphore, #tpu.memory_space<semaphore_mem>>)
      %dma_wait3A_364 = arith.constant 4 : i32
      %dma_wait3A_365 = arith.constant 0 : i32
      %dma_wait3A_366 = tpu.memref_slice %arg9[%dma_wait3A_364, %dma_wait3A_365] : memref<8x125xi32, #tpu.memory_space<vmem>> -> memref<1x125xi32, #tpu.memory_space<vmem>>
      %dma_wait3A_367 = tpu.memref_squeeze %dma_wait3A_366 : memref<1x125xi32, #tpu.memory_space<vmem>> -> memref<125xi32, #tpu.memory_space<vmem>>
      %dma_wait3A_368 = arith.constant 0 : i32
      %dma_wait3A_369 = arith.constant 0 : i32
      %dma_wait3A_370 = tpu.memref_slice %arg2[%dma_wait3A_368, %dma_wait3A_369] : memref<10240x64xf32, #tpu.memory_space<hbm>> -> memref<10240x64xf32, #tpu.memory_space<hbm>>
      tpu.wait_indirect_dma semaphore(%arg14 : memref<!tpu.dma_semaphore, #tpu.memory_space<semaphore_mem>>) src(%dma_wait3A_370 : memref<10240x64xf32, #tpu.memory_space<hbm>>) dst(%arg11 : memref<125x64xf32, #tpu.memory_space<vmem>>)
      %run_scoped3A_371 = arith.constant 4 : i32
      "tpu.region"() ({
        %run_scoped3A_413 = tpu.sem_alloc : memref<!tpu.dma_semaphore, #tpu.memory_space<semaphore_mem>>
        %dma_start3A_414 = arith.constant 0 : i32
        %dma_start3A_415 = tpu.memref_slice %arg10[%run_scoped3A_371, %dma_start3A_414] : memref<8x125xi32, #tpu.memory_space<vmem>> -> memref<1x125xi32, #tpu.memory_space<vmem>>
        %dma_start3A_416 = tpu.memref_squeeze %dma_start3A_415 : memref<1x125xi32, #tpu.memory_space<vmem>> -> memref<125xi32, #tpu.memory_space<vmem>>
        %dma_start3A_417 = arith.constant 0 : i32
        %dma_start3A_418 = arith.constant 0 : i32
        %dma_start3A_419 = tpu.memref_slice %arg13[%dma_start3A_417, %dma_start3A_418] : memref<10240x64xf32, #tpu.memory_space<vmem_shared>> -> memref<10240x64xf32, #tpu.memory_space<vmem_shared>>
        tpu.enqueue_indirect_dma source(%arg11 : memref<125x64xf32, #tpu.memory_space<vmem>>) target(%dma_start3A_419 : memref<10240x64xf32, #tpu.memory_space<vmem_shared>>) offsets(%dma_start3A_416 : memref<125xi32, #tpu.memory_space<vmem>>) semaphore(%run_scoped3A_413 : memref<!tpu.dma_semaphore, #tpu.memory_space<semaphore_mem>>) {add = true}
        %dma_wait3A_420 = arith.constant 0 : i32
        %dma_wait3A_421 = tpu.memref_slice %arg10[%run_scoped3A_371, %dma_wait3A_420] : memref<8x125xi32, #tpu.memory_space<vmem>> -> memref<1x125xi32, #tpu.memory_space<vmem>>
        %dma_wait3A_422 = tpu.memref_squeeze %dma_wait3A_421 : memref<1x125xi32, #tpu.memory_space<vmem>> -> memref<125xi32, #tpu.memory_space<vmem>>
        %dma_wait3A_423 = arith.constant 0 : i32
        %dma_wait3A_424 = arith.constant 0 : i32
        %dma_wait3A_425 = tpu.memref_slice %arg13[%dma_wait3A_423, %dma_wait3A_424] : memref<10240x64xf32, #tpu.memory_space<vmem_shared>> -> memref<10240x64xf32, #tpu.memory_space<vmem_shared>>
        tpu.wait_indirect_dma semaphore(%run_scoped3A_413 : memref<!tpu.dma_semaphore, #tpu.memory_space<semaphore_mem>>) src(%arg11 : memref<125x64xf32, #tpu.memory_space<vmem>>) dst(%dma_wait3A_425 : memref<10240x64xf32, #tpu.memory_space<vmem_shared>>)
        tpu.yield
      }) : () -> ()
      %dma_start3A_372 = arith.constant 6 : i32
      %dma_start3A_373 = arith.constant 0 : i32
      %dma_start3A_374 = tpu.memref_slice %arg9[%dma_start3A_372, %dma_start3A_373] : memref<8x125xi32, #tpu.memory_space<vmem>> -> memref<1x125xi32, #tpu.memory_space<vmem>>
      %dma_start3A_375 = tpu.memref_squeeze %dma_start3A_374 : memref<1x125xi32, #tpu.memory_space<vmem>> -> memref<125xi32, #tpu.memory_space<vmem>>
      %dma_start3A_376 = arith.constant 0 : i32
      %dma_start3A_377 = arith.constant 0 : i32
      %dma_start3A_378 = tpu.memref_slice %arg2[%dma_start3A_376, %dma_start3A_377] : memref<10240x64xf32, #tpu.memory_space<hbm>> -> memref<10240x64xf32, #tpu.memory_space<hbm>>
      tpu.enqueue_indirect_dma source(%dma_start3A_378 : memref<10240x64xf32, #tpu.memory_space<hbm>>) target(%arg11 : memref<125x64xf32, #tpu.memory_space<vmem>>) offsets(%dma_start3A_375 : memref<125xi32, #tpu.memory_space<vmem>>) semaphore(%arg14 : memref<!tpu.dma_semaphore, #tpu.memory_space<semaphore_mem>>)
      %dma_wait3A_379 = arith.constant 5 : i32
      %dma_wait3A_380 = arith.constant 0 : i32
      %dma_wait3A_381 = tpu.memref_slice %arg9[%dma_wait3A_379, %dma_wait3A_380] : memref<8x125xi32, #tpu.memory_space<vmem>> -> memref<1x125xi32, #tpu.memory_space<vmem>>
      %dma_wait3A_382 = tpu.memref_squeeze %dma_wait3A_381 : memref<1x125xi32, #tpu.memory_space<vmem>> -> memref<125xi32, #tpu.memory_space<vmem>>
      %dma_wait3A_383 = arith.constant 0 : i32
      %dma_wait3A_384 = arith.constant 0 : i32
      %dma_wait3A_385 = tpu.memref_slice %arg2[%dma_wait3A_383, %dma_wait3A_384] : memref<10240x64xf32, #tpu.memory_space<hbm>> -> memref<10240x64xf32, #tpu.memory_space<hbm>>
      tpu.wait_indirect_dma semaphore(%arg15 : memref<!tpu.dma_semaphore, #tpu.memory_space<semaphore_mem>>) src(%dma_wait3A_385 : memref<10240x64xf32, #tpu.memory_space<hbm>>) dst(%arg12 : memref<125x64xf32, #tpu.memory_space<vmem>>)
      %run_scoped3A_386 = arith.constant 5 : i32
      "tpu.region"() ({
        %run_scoped3A_413 = tpu.sem_alloc : memref<!tpu.dma_semaphore, #tpu.memory_space<semaphore_mem>>
        %dma_start3A_414 = arith.constant 0 : i32
        %dma_start3A_415 = tpu.memref_slice %arg10[%run_scoped3A_386, %dma_start3A_414] : memref<8x125xi32, #tpu.memory_space<vmem>> -> memref<1x125xi32, #tpu.memory_space<vmem>>
        %dma_start3A_416 = tpu.memref_squeeze %dma_start3A_415 : memref<1x125xi32, #tpu.memory_space<vmem>> -> memref<125xi32, #tpu.memory_space<vmem>>
        %dma_start3A_417 = arith.constant 0 : i32
        %dma_start3A_418 = arith.constant 0 : i32
        %dma_start3A_419 = tpu.memref_slice %arg13[%dma_start3A_417, %dma_start3A_418] : memref<10240x64xf32, #tpu.memory_space<vmem_shared>> -> memref<10240x64xf32, #tpu.memory_space<vmem_shared>>
        tpu.enqueue_indirect_dma source(%arg12 : memref<125x64xf32, #tpu.memory_space<vmem>>) target(%dma_start3A_419 : memref<10240x64xf32, #tpu.memory_space<vmem_shared>>) offsets(%dma_start3A_416 : memref<125xi32, #tpu.memory_space<vmem>>) semaphore(%run_scoped3A_413 : memref<!tpu.dma_semaphore, #tpu.memory_space<semaphore_mem>>) {add = true}
        %dma_wait3A_420 = arith.constant 0 : i32
        %dma_wait3A_421 = tpu.memref_slice %arg10[%run_scoped3A_386, %dma_wait3A_420] : memref<8x125xi32, #tpu.memory_space<vmem>> -> memref<1x125xi32, #tpu.memory_space<vmem>>
        %dma_wait3A_422 = tpu.memref_squeeze %dma_wait3A_421 : memref<1x125xi32, #tpu.memory_space<vmem>> -> memref<125xi32, #tpu.memory_space<vmem>>
        %dma_wait3A_423 = arith.constant 0 : i32
        %dma_wait3A_424 = arith.constant 0 : i32
        %dma_wait3A_425 = tpu.memref_slice %arg13[%dma_wait3A_423, %dma_wait3A_424] : memref<10240x64xf32, #tpu.memory_space<vmem_shared>> -> memref<10240x64xf32, #tpu.memory_space<vmem_shared>>
        tpu.wait_indirect_dma semaphore(%run_scoped3A_413 : memref<!tpu.dma_semaphore, #tpu.memory_space<semaphore_mem>>) src(%arg12 : memref<125x64xf32, #tpu.memory_space<vmem>>) dst(%dma_wait3A_425 : memref<10240x64xf32, #tpu.memory_space<vmem_shared>>)
        tpu.yield
      }) : () -> ()
      %dma_start3A_387 = arith.constant 7 : i32
      %dma_start3A_388 = arith.constant 0 : i32
      %dma_start3A_389 = tpu.memref_slice %arg9[%dma_start3A_387, %dma_start3A_388] : memref<8x125xi32, #tpu.memory_space<vmem>> -> memref<1x125xi32, #tpu.memory_space<vmem>>
      %dma_start3A_390 = tpu.memref_squeeze %dma_start3A_389 : memref<1x125xi32, #tpu.memory_space<vmem>> -> memref<125xi32, #tpu.memory_space<vmem>>
      %dma_start3A_391 = arith.constant 0 : i32
      %dma_start3A_392 = arith.constant 0 : i32
      %dma_start3A_393 = tpu.memref_slice %arg2[%dma_start3A_391, %dma_start3A_392] : memref<10240x64xf32, #tpu.memory_space<hbm>> -> memref<10240x64xf32, #tpu.memory_space<hbm>>
      tpu.enqueue_indirect_dma source(%dma_start3A_393 : memref<10240x64xf32, #tpu.memory_space<hbm>>) target(%arg12 : memref<125x64xf32, #tpu.memory_space<vmem>>) offsets(%dma_start3A_390 : memref<125xi32, #tpu.memory_space<vmem>>) semaphore(%arg15 : memref<!tpu.dma_semaphore, #tpu.memory_space<semaphore_mem>>)
      %dma_wait3A_394 = arith.constant 6 : i32
      %dma_wait3A_395 = arith.constant 0 : i32
      %dma_wait3A_396 = tpu.memref_slice %arg9[%dma_wait3A_394, %dma_wait3A_395] : memref<8x125xi32, #tpu.memory_space<vmem>> -> memref<1x125xi32, #tpu.memory_space<vmem>>
      %dma_wait3A_397 = tpu.memref_squeeze %dma_wait3A_396 : memref<1x125xi32, #tpu.memory_space<vmem>> -> memref<125xi32, #tpu.memory_space<vmem>>
      %dma_wait3A_398 = arith.constant 0 : i32
      %dma_wait3A_399 = arith.constant 0 : i32
      %dma_wait3A_400 = tpu.memref_slice %arg2[%dma_wait3A_398, %dma_wait3A_399] : memref<10240x64xf32, #tpu.memory_space<hbm>> -> memref<10240x64xf32, #tpu.memory_space<hbm>>
      tpu.wait_indirect_dma semaphore(%arg14 : memref<!tpu.dma_semaphore, #tpu.memory_space<semaphore_mem>>) src(%dma_wait3A_400 : memref<10240x64xf32, #tpu.memory_space<hbm>>) dst(%arg11 : memref<125x64xf32, #tpu.memory_space<vmem>>)
      %run_scoped3A_401 = arith.constant 6 : i32
      "tpu.region"() ({
        %run_scoped3A_413 = tpu.sem_alloc : memref<!tpu.dma_semaphore, #tpu.memory_space<semaphore_mem>>
        %dma_start3A_414 = arith.constant 0 : i32
        %dma_start3A_415 = tpu.memref_slice %arg10[%run_scoped3A_401, %dma_start3A_414] : memref<8x125xi32, #tpu.memory_space<vmem>> -> memref<1x125xi32, #tpu.memory_space<vmem>>
        %dma_start3A_416 = tpu.memref_squeeze %dma_start3A_415 : memref<1x125xi32, #tpu.memory_space<vmem>> -> memref<125xi32, #tpu.memory_space<vmem>>
        %dma_start3A_417 = arith.constant 0 : i32
        %dma_start3A_418 = arith.constant 0 : i32
        %dma_start3A_419 = tpu.memref_slice %arg13[%dma_start3A_417, %dma_start3A_418] : memref<10240x64xf32, #tpu.memory_space<vmem_shared>> -> memref<10240x64xf32, #tpu.memory_space<vmem_shared>>
        tpu.enqueue_indirect_dma source(%arg11 : memref<125x64xf32, #tpu.memory_space<vmem>>) target(%dma_start3A_419 : memref<10240x64xf32, #tpu.memory_space<vmem_shared>>) offsets(%dma_start3A_416 : memref<125xi32, #tpu.memory_space<vmem>>) semaphore(%run_scoped3A_413 : memref<!tpu.dma_semaphore, #tpu.memory_space<semaphore_mem>>) {add = true}
        %dma_wait3A_420 = arith.constant 0 : i32
        %dma_wait3A_421 = tpu.memref_slice %arg10[%run_scoped3A_401, %dma_wait3A_420] : memref<8x125xi32, #tpu.memory_space<vmem>> -> memref<1x125xi32, #tpu.memory_space<vmem>>
        %dma_wait3A_422 = tpu.memref_squeeze %dma_wait3A_421 : memref<1x125xi32, #tpu.memory_space<vmem>> -> memref<125xi32, #tpu.memory_space<vmem>>
        %dma_wait3A_423 = arith.constant 0 : i32
        %dma_wait3A_424 = arith.constant 0 : i32
        %dma_wait3A_425 = tpu.memref_slice %arg13[%dma_wait3A_423, %dma_wait3A_424] : memref<10240x64xf32, #tpu.memory_space<vmem_shared>> -> memref<10240x64xf32, #tpu.memory_space<vmem_shared>>
        tpu.wait_indirect_dma semaphore(%run_scoped3A_413 : memref<!tpu.dma_semaphore, #tpu.memory_space<semaphore_mem>>) src(%arg11 : memref<125x64xf32, #tpu.memory_space<vmem>>) dst(%dma_wait3A_425 : memref<10240x64xf32, #tpu.memory_space<vmem_shared>>)
        tpu.yield
      }) : () -> ()
      %convert_element_type3A_402 = arith.extui %lt3A_296 : i1 to i32
      %cond3A_403 = arith.constant 0 : i32
      %cond3A_404 = arith.cmpi ne, %convert_element_type3A_402, %cond3A_403 : i32
      scf.if %cond3A_404 {
        %dma_wait3A_413 = arith.constant 0 : i32
        %dma_wait3A_414 = tpu.memref_slice %arg4[%add3A, %dma_wait3A_413] : memref<1280x125xi32, #tpu.memory_space<hbm>> -> memref<8x125xi32, #tpu.memory_space<hbm>>
        %dma_wait3A_415 = arith.constant 0 : i32
        %dma_wait3A_416 = tpu.memref_slice %arg4[%add3A, %dma_wait3A_415] : memref<1280x125xi32, #tpu.memory_space<hbm>> -> memref<8x125xi32, #tpu.memory_space<hbm>>
        tpu.wait_dma2 semaphore(%arg16 : memref<!tpu.dma_semaphore, #tpu.memory_space<semaphore_mem>>) src(%dma_wait3A_416 : memref<8x125xi32, #tpu.memory_space<hbm>>) dst(%arg7 : memref<8x125xi32, #tpu.memory_space<vmem>>)
        %dma_wait3A_417 = arith.constant 0 : i32
        %dma_wait3A_418 = tpu.memref_slice %arg4[%add3A, %dma_wait3A_417] : memref<1280x125xi32, #tpu.memory_space<hbm>> -> memref<8x125xi32, #tpu.memory_space<hbm>>
        %dma_wait3A_419 = arith.constant 0 : i32
        %dma_wait3A_420 = tpu.memref_slice %arg4[%add3A, %dma_wait3A_419] : memref<1280x125xi32, #tpu.memory_space<hbm>> -> memref<8x125xi32, #tpu.memory_space<hbm>>
        tpu.wait_dma2 semaphore(%arg16 : memref<!tpu.dma_semaphore, #tpu.memory_space<semaphore_mem>>) src(%dma_wait3A_420 : memref<8x125xi32, #tpu.memory_space<hbm>>) dst(%arg8 : memref<8x125xi32, #tpu.memory_space<vmem>>)
        %dma_start3A_421 = arith.constant 0 : i32
        %dma_start3A_422 = arith.constant 0 : i32
        %dma_start3A_423 = tpu.memref_slice %arg7[%dma_start3A_421, %dma_start3A_422] : memref<8x125xi32, #tpu.memory_space<vmem>> -> memref<1x125xi32, #tpu.memory_space<vmem>>
        %dma_start3A_424 = tpu.memref_squeeze %dma_start3A_423 : memref<1x125xi32, #tpu.memory_space<vmem>> -> memref<125xi32, #tpu.memory_space<vmem>>
        %dma_start3A_425 = arith.constant 0 : i32
        %dma_start3A_426 = arith.constant 0 : i32
        %dma_start3A_427 = tpu.memref_slice %arg2[%dma_start3A_425, %dma_start3A_426] : memref<10240x64xf32, #tpu.memory_space<hbm>> -> memref<10240x64xf32, #tpu.memory_space<hbm>>
        tpu.enqueue_indirect_dma source(%dma_start3A_427 : memref<10240x64xf32, #tpu.memory_space<hbm>>) target(%arg11 : memref<125x64xf32, #tpu.memory_space<vmem>>) offsets(%dma_start3A_424 : memref<125xi32, #tpu.memory_space<vmem>>) semaphore(%arg14 : memref<!tpu.dma_semaphore, #tpu.memory_space<semaphore_mem>>)
      } else {
      }
      %dma_wait3A_405 = arith.constant 7 : i32
      %dma_wait3A_406 = arith.constant 0 : i32
      %dma_wait3A_407 = tpu.memref_slice %arg9[%dma_wait3A_405, %dma_wait3A_406] : memref<8x125xi32, #tpu.memory_space<vmem>> -> memref<1x125xi32, #tpu.memory_space<vmem>>
      %dma_wait3A_408 = tpu.memref_squeeze %dma_wait3A_407 : memref<1x125xi32, #tpu.memory_space<vmem>> -> memref<125xi32, #tpu.memory_space<vmem>>
      %dma_wait3A_409 = arith.constant 0 : i32
      %dma_wait3A_410 = arith.constant 0 : i32
      %dma_wait3A_411 = tpu.memref_slice %arg2[%dma_wait3A_409, %dma_wait3A_410] : memref<10240x64xf32, #tpu.memory_space<hbm>> -> memref<10240x64xf32, #tpu.memory_space<hbm>>
      tpu.wait_indirect_dma semaphore(%arg15 : memref<!tpu.dma_semaphore, #tpu.memory_space<semaphore_mem>>) src(%dma_wait3A_411 : memref<10240x64xf32, #tpu.memory_space<hbm>>) dst(%arg12 : memref<125x64xf32, #tpu.memory_space<vmem>>)
      %run_scoped3A_412 = arith.constant 7 : i32
      "tpu.region"() ({
        %run_scoped3A_413 = tpu.sem_alloc : memref<!tpu.dma_semaphore, #tpu.memory_space<semaphore_mem>>
        %dma_start3A_414 = arith.constant 0 : i32
        %dma_start3A_415 = tpu.memref_slice %arg10[%run_scoped3A_412, %dma_start3A_414] : memref<8x125xi32, #tpu.memory_space<vmem>> -> memref<1x125xi32, #tpu.memory_space<vmem>>
        %dma_start3A_416 = tpu.memref_squeeze %dma_start3A_415 : memref<1x125xi32, #tpu.memory_space<vmem>> -> memref<125xi32, #tpu.memory_space<vmem>>
        %dma_start3A_417 = arith.constant 0 : i32
        %dma_start3A_418 = arith.constant 0 : i32
        %dma_start3A_419 = tpu.memref_slice %arg13[%dma_start3A_417, %dma_start3A_418] : memref<10240x64xf32, #tpu.memory_space<vmem_shared>> -> memref<10240x64xf32, #tpu.memory_space<vmem_shared>>
        tpu.enqueue_indirect_dma source(%arg12 : memref<125x64xf32, #tpu.memory_space<vmem>>) target(%dma_start3A_419 : memref<10240x64xf32, #tpu.memory_space<vmem_shared>>) offsets(%dma_start3A_416 : memref<125xi32, #tpu.memory_space<vmem>>) semaphore(%run_scoped3A_413 : memref<!tpu.dma_semaphore, #tpu.memory_space<semaphore_mem>>) {add = true}
        %dma_wait3A_420 = arith.constant 0 : i32
        %dma_wait3A_421 = tpu.memref_slice %arg10[%run_scoped3A_412, %dma_wait3A_420] : memref<8x125xi32, #tpu.memory_space<vmem>> -> memref<1x125xi32, #tpu.memory_space<vmem>>
        %dma_wait3A_422 = tpu.memref_squeeze %dma_wait3A_421 : memref<1x125xi32, #tpu.memory_space<vmem>> -> memref<125xi32, #tpu.memory_space<vmem>>
        %dma_wait3A_423 = arith.constant 0 : i32
        %dma_wait3A_424 = arith.constant 0 : i32
        %dma_wait3A_425 = tpu.memref_slice %arg13[%dma_wait3A_423, %dma_wait3A_424] : memref<10240x64xf32, #tpu.memory_space<vmem_shared>> -> memref<10240x64xf32, #tpu.memory_space<vmem_shared>>
        tpu.wait_indirect_dma semaphore(%run_scoped3A_413 : memref<!tpu.dma_semaphore, #tpu.memory_space<semaphore_mem>>) src(%arg12 : memref<125x64xf32, #tpu.memory_space<vmem>>) dst(%dma_wait3A_425 : memref<10240x64xf32, #tpu.memory_space<vmem_shared>>)
        tpu.yield
      }) : () -> ()
    }
    %scan3A_34 = arith.constant 2 : i32
    %dma_start3A_35 = arith.constant 1 : i32
    %dma_start3A_36 = arith.constant 0 : i32
    %dma_start3A_37 = tpu.memref_slice %arg7[%dma_start3A_35, %dma_start3A_36] : memref<8x125xi32, #tpu.memory_space<vmem>> -> memref<1x125xi32, #tpu.memory_space<vmem>>
    %dma_start3A_38 = tpu.memref_squeeze %dma_start3A_37 : memref<1x125xi32, #tpu.memory_space<vmem>> -> memref<125xi32, #tpu.memory_space<vmem>>
    %dma_start3A_39 = arith.constant 0 : i32
    %dma_start3A_40 = arith.constant 0 : i32
    %dma_start3A_41 = tpu.memref_slice %arg2[%dma_start3A_39, %dma_start3A_40] : memref<10240x64xf32, #tpu.memory_space<hbm>> -> memref<10240x64xf32, #tpu.memory_space<hbm>>
    tpu.enqueue_indirect_dma source(%dma_start3A_41 : memref<10240x64xf32, #tpu.memory_space<hbm>>) target(%arg12 : memref<125x64xf32, #tpu.memory_space<vmem>>) offsets(%dma_start3A_38 : memref<125xi32, #tpu.memory_space<vmem>>) semaphore(%arg15 : memref<!tpu.dma_semaphore, #tpu.memory_space<semaphore_mem>>)
    %dma_wait3A_42 = arith.constant 0 : i32
    %dma_wait3A_43 = arith.constant 0 : i32
    %dma_wait3A_44 = tpu.memref_slice %arg7[%dma_wait3A_42, %dma_wait3A_43] : memref<8x125xi32, #tpu.memory_space<vmem>> -> memref<1x125xi32, #tpu.memory_space<vmem>>
    %dma_wait3A_45 = tpu.memref_squeeze %dma_wait3A_44 : memref<1x125xi32, #tpu.memory_space<vmem>> -> memref<125xi32, #tpu.memory_space<vmem>>
    %dma_wait3A_46 = arith.constant 0 : i32
    %dma_wait3A_47 = arith.constant 0 : i32
    %dma_wait3A_48 = tpu.memref_slice %arg2[%dma_wait3A_46, %dma_wait3A_47] : memref<10240x64xf32, #tpu.memory_space<hbm>> -> memref<10240x64xf32, #tpu.memory_space<hbm>>
    tpu.wait_indirect_dma semaphore(%arg14 : memref<!tpu.dma_semaphore, #tpu.memory_space<semaphore_mem>>) src(%dma_wait3A_48 : memref<10240x64xf32, #tpu.memory_space<hbm>>) dst(%arg11 : memref<125x64xf32, #tpu.memory_space<vmem>>)
    %run_scoped3A = arith.constant 0 : i32
    "tpu.region"() ({
      %run_scoped3A_152 = tpu.sem_alloc : memref<!tpu.dma_semaphore, #tpu.memory_space<semaphore_mem>>
      %dma_start3A_153 = arith.constant 0 : i32
      %dma_start3A_154 = tpu.memref_slice %arg8[%run_scoped3A, %dma_start3A_153] : memref<8x125xi32, #tpu.memory_space<vmem>> -> memref<1x125xi32, #tpu.memory_space<vmem>>
      %dma_start3A_155 = tpu.memref_squeeze %dma_start3A_154 : memref<1x125xi32, #tpu.memory_space<vmem>> -> memref<125xi32, #tpu.memory_space<vmem>>
      %dma_start3A_156 = arith.constant 0 : i32
      %dma_start3A_157 = arith.constant 0 : i32
      %dma_start3A_158 = tpu.memref_slice %arg13[%dma_start3A_156, %dma_start3A_157] : memref<10240x64xf32, #tpu.memory_space<vmem_shared>> -> memref<10240x64xf32, #tpu.memory_space<vmem_shared>>
      tpu.enqueue_indirect_dma source(%arg11 : memref<125x64xf32, #tpu.memory_space<vmem>>) target(%dma_start3A_158 : memref<10240x64xf32, #tpu.memory_space<vmem_shared>>) offsets(%dma_start3A_155 : memref<125xi32, #tpu.memory_space<vmem>>) semaphore(%run_scoped3A_152 : memref<!tpu.dma_semaphore, #tpu.memory_space<semaphore_mem>>) {add = true}
      %dma_wait3A_159 = arith.constant 0 : i32
      %dma_wait3A_160 = tpu.memref_slice %arg8[%run_scoped3A, %dma_wait3A_159] : memref<8x125xi32, #tpu.memory_space<vmem>> -> memref<1x125xi32, #tpu.memory_space<vmem>>
      %dma_wait3A_161 = tpu.memref_squeeze %dma_wait3A_160 : memref<1x125xi32, #tpu.memory_space<vmem>> -> memref<125xi32, #tpu.memory_space<vmem>>
      %dma_wait3A_162 = arith.constant 0 : i32
      %dma_wait3A_163 = arith.constant 0 : i32
      %dma_wait3A_164 = tpu.memref_slice %arg13[%dma_wait3A_162, %dma_wait3A_163] : memref<10240x64xf32, #tpu.memory_space<vmem_shared>> -> memref<10240x64xf32, #tpu.memory_space<vmem_shared>>
      tpu.wait_indirect_dma semaphore(%run_scoped3A_152 : memref<!tpu.dma_semaphore, #tpu.memory_space<semaphore_mem>>) src(%arg11 : memref<125x64xf32, #tpu.memory_space<vmem>>) dst(%dma_wait3A_164 : memref<10240x64xf32, #tpu.memory_space<vmem_shared>>)
      tpu.yield
    }) : () -> ()
    %dma_start3A_49 = arith.constant 2 : i32
    %dma_start3A_50 = arith.constant 0 : i32
    %dma_start3A_51 = tpu.memref_slice %arg7[%dma_start3A_49, %dma_start3A_50] : memref<8x125xi32, #tpu.memory_space<vmem>> -> memref<1x125xi32, #tpu.memory_space<vmem>>
    %dma_start3A_52 = tpu.memref_squeeze %dma_start3A_51 : memref<1x125xi32, #tpu.memory_space<vmem>> -> memref<125xi32, #tpu.memory_space<vmem>>
    %dma_start3A_53 = arith.constant 0 : i32
    %dma_start3A_54 = arith.constant 0 : i32
    %dma_start3A_55 = tpu.memref_slice %arg2[%dma_start3A_53, %dma_start3A_54] : memref<10240x64xf32, #tpu.memory_space<hbm>> -> memref<10240x64xf32, #tpu.memory_space<hbm>>
    tpu.enqueue_indirect_dma source(%dma_start3A_55 : memref<10240x64xf32, #tpu.memory_space<hbm>>) target(%arg11 : memref<125x64xf32, #tpu.memory_space<vmem>>) offsets(%dma_start3A_52 : memref<125xi32, #tpu.memory_space<vmem>>) semaphore(%arg14 : memref<!tpu.dma_semaphore, #tpu.memory_space<semaphore_mem>>)
    %dma_wait3A_56 = arith.constant 1 : i32
    %dma_wait3A_57 = arith.constant 0 : i32
    %dma_wait3A_58 = tpu.memref_slice %arg7[%dma_wait3A_56, %dma_wait3A_57] : memref<8x125xi32, #tpu.memory_space<vmem>> -> memref<1x125xi32, #tpu.memory_space<vmem>>
    %dma_wait3A_59 = tpu.memref_squeeze %dma_wait3A_58 : memref<1x125xi32, #tpu.memory_space<vmem>> -> memref<125xi32, #tpu.memory_space<vmem>>
    %dma_wait3A_60 = arith.constant 0 : i32
    %dma_wait3A_61 = arith.constant 0 : i32
    %dma_wait3A_62 = tpu.memref_slice %arg2[%dma_wait3A_60, %dma_wait3A_61] : memref<10240x64xf32, #tpu.memory_space<hbm>> -> memref<10240x64xf32, #tpu.memory_space<hbm>>
    tpu.wait_indirect_dma semaphore(%arg15 : memref<!tpu.dma_semaphore, #tpu.memory_space<semaphore_mem>>) src(%dma_wait3A_62 : memref<10240x64xf32, #tpu.memory_space<hbm>>) dst(%arg12 : memref<125x64xf32, #tpu.memory_space<vmem>>)
    %run_scoped3A_63 = arith.constant 1 : i32
    "tpu.region"() ({
      %run_scoped3A_152 = tpu.sem_alloc : memref<!tpu.dma_semaphore, #tpu.memory_space<semaphore_mem>>
      %dma_start3A_153 = arith.constant 0 : i32
      %dma_start3A_154 = tpu.memref_slice %arg8[%run_scoped3A_63, %dma_start3A_153] : memref<8x125xi32, #tpu.memory_space<vmem>> -> memref<1x125xi32, #tpu.memory_space<vmem>>
      %dma_start3A_155 = tpu.memref_squeeze %dma_start3A_154 : memref<1x125xi32, #tpu.memory_space<vmem>> -> memref<125xi32, #tpu.memory_space<vmem>>
      %dma_start3A_156 = arith.constant 0 : i32
      %dma_start3A_157 = arith.constant 0 : i32
      %dma_start3A_158 = tpu.memref_slice %arg13[%dma_start3A_156, %dma_start3A_157] : memref<10240x64xf32, #tpu.memory_space<vmem_shared>> -> memref<10240x64xf32, #tpu.memory_space<vmem_shared>>
      tpu.enqueue_indirect_dma source(%arg12 : memref<125x64xf32, #tpu.memory_space<vmem>>) target(%dma_start3A_158 : memref<10240x64xf32, #tpu.memory_space<vmem_shared>>) offsets(%dma_start3A_155 : memref<125xi32, #tpu.memory_space<vmem>>) semaphore(%run_scoped3A_152 : memref<!tpu.dma_semaphore, #tpu.memory_space<semaphore_mem>>) {add = true}
      %dma_wait3A_159 = arith.constant 0 : i32
      %dma_wait3A_160 = tpu.memref_slice %arg8[%run_scoped3A_63, %dma_wait3A_159] : memref<8x125xi32, #tpu.memory_space<vmem>> -> memref<1x125xi32, #tpu.memory_space<vmem>>
      %dma_wait3A_161 = tpu.memref_squeeze %dma_wait3A_160 : memref<1x125xi32, #tpu.memory_space<vmem>> -> memref<125xi32, #tpu.memory_space<vmem>>
      %dma_wait3A_162 = arith.constant 0 : i32
      %dma_wait3A_163 = arith.constant 0 : i32
      %dma_wait3A_164 = tpu.memref_slice %arg13[%dma_wait3A_162, %dma_wait3A_163] : memref<10240x64xf32, #tpu.memory_space<vmem_shared>> -> memref<10240x64xf32, #tpu.memory_space<vmem_shared>>
      tpu.wait_indirect_dma semaphore(%run_scoped3A_152 : memref<!tpu.dma_semaphore, #tpu.memory_space<semaphore_mem>>) src(%arg12 : memref<125x64xf32, #tpu.memory_space<vmem>>) dst(%dma_wait3A_164 : memref<10240x64xf32, #tpu.memory_space<vmem_shared>>)
      tpu.yield
    }) : () -> ()
    %dma_start3A_64 = arith.constant 3 : i32
    %dma_start3A_65 = arith.constant 0 : i32
    %dma_start3A_66 = tpu.memref_slice %arg7[%dma_start3A_64, %dma_start3A_65] : memref<8x125xi32, #tpu.memory_space<vmem>> -> memref<1x125xi32, #tpu.memory_space<vmem>>
    %dma_start3A_67 = tpu.memref_squeeze %dma_start3A_66 : memref<1x125xi32, #tpu.memory_space<vmem>> -> memref<125xi32, #tpu.memory_space<vmem>>
    %dma_start3A_68 = arith.constant 0 : i32
    %dma_start3A_69 = arith.constant 0 : i32
    %dma_start3A_70 = tpu.memref_slice %arg2[%dma_start3A_68, %dma_start3A_69] : memref<10240x64xf32, #tpu.memory_space<hbm>> -> memref<10240x64xf32, #tpu.memory_space<hbm>>
    tpu.enqueue_indirect_dma source(%dma_start3A_70 : memref<10240x64xf32, #tpu.memory_space<hbm>>) target(%arg12 : memref<125x64xf32, #tpu.memory_space<vmem>>) offsets(%dma_start3A_67 : memref<125xi32, #tpu.memory_space<vmem>>) semaphore(%arg15 : memref<!tpu.dma_semaphore, #tpu.memory_space<semaphore_mem>>)
    %dma_wait3A_71 = arith.constant 2 : i32
    %dma_wait3A_72 = arith.constant 0 : i32
    %dma_wait3A_73 = tpu.memref_slice %arg7[%dma_wait3A_71, %dma_wait3A_72] : memref<8x125xi32, #tpu.memory_space<vmem>> -> memref<1x125xi32, #tpu.memory_space<vmem>>
    %dma_wait3A_74 = tpu.memref_squeeze %dma_wait3A_73 : memref<1x125xi32, #tpu.memory_space<vmem>> -> memref<125xi32, #tpu.memory_space<vmem>>
    %dma_wait3A_75 = arith.constant 0 : i32
    %dma_wait3A_76 = arith.constant 0 : i32
    %dma_wait3A_77 = tpu.memref_slice %arg2[%dma_wait3A_75, %dma_wait3A_76] : memref<10240x64xf32, #tpu.memory_space<hbm>> -> memref<10240x64xf32, #tpu.memory_space<hbm>>
    tpu.wait_indirect_dma semaphore(%arg14 : memref<!tpu.dma_semaphore, #tpu.memory_space<semaphore_mem>>) src(%dma_wait3A_77 : memref<10240x64xf32, #tpu.memory_space<hbm>>) dst(%arg11 : memref<125x64xf32, #tpu.memory_space<vmem>>)
    %run_scoped3A_78 = arith.constant 2 : i32
    "tpu.region"() ({
      %run_scoped3A_152 = tpu.sem_alloc : memref<!tpu.dma_semaphore, #tpu.memory_space<semaphore_mem>>
      %dma_start3A_153 = arith.constant 0 : i32
      %dma_start3A_154 = tpu.memref_slice %arg8[%run_scoped3A_78, %dma_start3A_153] : memref<8x125xi32, #tpu.memory_space<vmem>> -> memref<1x125xi32, #tpu.memory_space<vmem>>
      %dma_start3A_155 = tpu.memref_squeeze %dma_start3A_154 : memref<1x125xi32, #tpu.memory_space<vmem>> -> memref<125xi32, #tpu.memory_space<vmem>>
      %dma_start3A_156 = arith.constant 0 : i32
      %dma_start3A_157 = arith.constant 0 : i32
      %dma_start3A_158 = tpu.memref_slice %arg13[%dma_start3A_156, %dma_start3A_157] : memref<10240x64xf32, #tpu.memory_space<vmem_shared>> -> memref<10240x64xf32, #tpu.memory_space<vmem_shared>>
      tpu.enqueue_indirect_dma source(%arg11 : memref<125x64xf32, #tpu.memory_space<vmem>>) target(%dma_start3A_158 : memref<10240x64xf32, #tpu.memory_space<vmem_shared>>) offsets(%dma_start3A_155 : memref<125xi32, #tpu.memory_space<vmem>>) semaphore(%run_scoped3A_152 : memref<!tpu.dma_semaphore, #tpu.memory_space<semaphore_mem>>) {add = true}
      %dma_wait3A_159 = arith.constant 0 : i32
      %dma_wait3A_160 = tpu.memref_slice %arg8[%run_scoped3A_78, %dma_wait3A_159] : memref<8x125xi32, #tpu.memory_space<vmem>> -> memref<1x125xi32, #tpu.memory_space<vmem>>
      %dma_wait3A_161 = tpu.memref_squeeze %dma_wait3A_160 : memref<1x125xi32, #tpu.memory_space<vmem>> -> memref<125xi32, #tpu.memory_space<vmem>>
      %dma_wait3A_162 = arith.constant 0 : i32
      %dma_wait3A_163 = arith.constant 0 : i32
      %dma_wait3A_164 = tpu.memref_slice %arg13[%dma_wait3A_162, %dma_wait3A_163] : memref<10240x64xf32, #tpu.memory_space<vmem_shared>> -> memref<10240x64xf32, #tpu.memory_space<vmem_shared>>
      tpu.wait_indirect_dma semaphore(%run_scoped3A_152 : memref<!tpu.dma_semaphore, #tpu.memory_space<semaphore_mem>>) src(%arg11 : memref<125x64xf32, #tpu.memory_space<vmem>>) dst(%dma_wait3A_164 : memref<10240x64xf32, #tpu.memory_space<vmem_shared>>)
      tpu.yield
    }) : () -> ()
    %dma_start3A_79 = arith.constant 4 : i32
    %dma_start3A_80 = arith.constant 0 : i32
    %dma_start3A_81 = tpu.memref_slice %arg7[%dma_start3A_79, %dma_start3A_80] : memref<8x125xi32, #tpu.memory_space<vmem>> -> memref<1x125xi32, #tpu.memory_space<vmem>>
    %dma_start3A_82 = tpu.memref_squeeze %dma_start3A_81 : memref<1x125xi32, #tpu.memory_space<vmem>> -> memref<125xi32, #tpu.memory_space<vmem>>
    %dma_start3A_83 = arith.constant 0 : i32
    %dma_start3A_84 = arith.constant 0 : i32
    %dma_start3A_85 = tpu.memref_slice %arg2[%dma_start3A_83, %dma_start3A_84] : memref<10240x64xf32, #tpu.memory_space<hbm>> -> memref<10240x64xf32, #tpu.memory_space<hbm>>
    tpu.enqueue_indirect_dma source(%dma_start3A_85 : memref<10240x64xf32, #tpu.memory_space<hbm>>) target(%arg11 : memref<125x64xf32, #tpu.memory_space<vmem>>) offsets(%dma_start3A_82 : memref<125xi32, #tpu.memory_space<vmem>>) semaphore(%arg14 : memref<!tpu.dma_semaphore, #tpu.memory_space<semaphore_mem>>)
    %dma_wait3A_86 = arith.constant 3 : i32
    %dma_wait3A_87 = arith.constant 0 : i32
    %dma_wait3A_88 = tpu.memref_slice %arg7[%dma_wait3A_86, %dma_wait3A_87] : memref<8x125xi32, #tpu.memory_space<vmem>> -> memref<1x125xi32, #tpu.memory_space<vmem>>
    %dma_wait3A_89 = tpu.memref_squeeze %dma_wait3A_88 : memref<1x125xi32, #tpu.memory_space<vmem>> -> memref<125xi32, #tpu.memory_space<vmem>>
    %dma_wait3A_90 = arith.constant 0 : i32
    %dma_wait3A_91 = arith.constant 0 : i32
    %dma_wait3A_92 = tpu.memref_slice %arg2[%dma_wait3A_90, %dma_wait3A_91] : memref<10240x64xf32, #tpu.memory_space<hbm>> -> memref<10240x64xf32, #tpu.memory_space<hbm>>
    tpu.wait_indirect_dma semaphore(%arg15 : memref<!tpu.dma_semaphore, #tpu.memory_space<semaphore_mem>>) src(%dma_wait3A_92 : memref<10240x64xf32, #tpu.memory_space<hbm>>) dst(%arg12 : memref<125x64xf32, #tpu.memory_space<vmem>>)
    %run_scoped3A_93 = arith.constant 3 : i32
    "tpu.region"() ({
      %run_scoped3A_152 = tpu.sem_alloc : memref<!tpu.dma_semaphore, #tpu.memory_space<semaphore_mem>>
      %dma_start3A_153 = arith.constant 0 : i32
      %dma_start3A_154 = tpu.memref_slice %arg8[%run_scoped3A_93, %dma_start3A_153] : memref<8x125xi32, #tpu.memory_space<vmem>> -> memref<1x125xi32, #tpu.memory_space<vmem>>
      %dma_start3A_155 = tpu.memref_squeeze %dma_start3A_154 : memref<1x125xi32, #tpu.memory_space<vmem>> -> memref<125xi32, #tpu.memory_space<vmem>>
      %dma_start3A_156 = arith.constant 0 : i32
      %dma_start3A_157 = arith.constant 0 : i32
      %dma_start3A_158 = tpu.memref_slice %arg13[%dma_start3A_156, %dma_start3A_157] : memref<10240x64xf32, #tpu.memory_space<vmem_shared>> -> memref<10240x64xf32, #tpu.memory_space<vmem_shared>>
      tpu.enqueue_indirect_dma source(%arg12 : memref<125x64xf32, #tpu.memory_space<vmem>>) target(%dma_start3A_158 : memref<10240x64xf32, #tpu.memory_space<vmem_shared>>) offsets(%dma_start3A_155 : memref<125xi32, #tpu.memory_space<vmem>>) semaphore(%run_scoped3A_152 : memref<!tpu.dma_semaphore, #tpu.memory_space<semaphore_mem>>) {add = true}
      %dma_wait3A_159 = arith.constant 0 : i32
      %dma_wait3A_160 = tpu.memref_slice %arg8[%run_scoped3A_93, %dma_wait3A_159] : memref<8x125xi32, #tpu.memory_space<vmem>> -> memref<1x125xi32, #tpu.memory_space<vmem>>
      %dma_wait3A_161 = tpu.memref_squeeze %dma_wait3A_160 : memref<1x125xi32, #tpu.memory_space<vmem>> -> memref<125xi32, #tpu.memory_space<vmem>>
      %dma_wait3A_162 = arith.constant 0 : i32
      %dma_wait3A_163 = arith.constant 0 : i32
      %dma_wait3A_164 = tpu.memref_slice %arg13[%dma_wait3A_162, %dma_wait3A_163] : memref<10240x64xf32, #tpu.memory_space<vmem_shared>> -> memref<10240x64xf32, #tpu.memory_space<vmem_shared>>
      tpu.wait_indirect_dma semaphore(%run_scoped3A_152 : memref<!tpu.dma_semaphore, #tpu.memory_space<semaphore_mem>>) src(%arg12 : memref<125x64xf32, #tpu.memory_space<vmem>>) dst(%dma_wait3A_164 : memref<10240x64xf32, #tpu.memory_space<vmem_shared>>)
      tpu.yield
    }) : () -> ()
    %dma_start3A_94 = arith.constant 5 : i32
    %dma_start3A_95 = arith.constant 0 : i32
    %dma_start3A_96 = tpu.memref_slice %arg7[%dma_start3A_94, %dma_start3A_95] : memref<8x125xi32, #tpu.memory_space<vmem>> -> memref<1x125xi32, #tpu.memory_space<vmem>>
    %dma_start3A_97 = tpu.memref_squeeze %dma_start3A_96 : memref<1x125xi32, #tpu.memory_space<vmem>> -> memref<125xi32, #tpu.memory_space<vmem>>
    %dma_start3A_98 = arith.constant 0 : i32
    %dma_start3A_99 = arith.constant 0 : i32
    %dma_start3A_100 = tpu.memref_slice %arg2[%dma_start3A_98, %dma_start3A_99] : memref<10240x64xf32, #tpu.memory_space<hbm>> -> memref<10240x64xf32, #tpu.memory_space<hbm>>
    tpu.enqueue_indirect_dma source(%dma_start3A_100 : memref<10240x64xf32, #tpu.memory_space<hbm>>) target(%arg12 : memref<125x64xf32, #tpu.memory_space<vmem>>) offsets(%dma_start3A_97 : memref<125xi32, #tpu.memory_space<vmem>>) semaphore(%arg15 : memref<!tpu.dma_semaphore, #tpu.memory_space<semaphore_mem>>)
    %dma_wait3A_101 = arith.constant 4 : i32
    %dma_wait3A_102 = arith.constant 0 : i32
    %dma_wait3A_103 = tpu.memref_slice %arg7[%dma_wait3A_101, %dma_wait3A_102] : memref<8x125xi32, #tpu.memory_space<vmem>> -> memref<1x125xi32, #tpu.memory_space<vmem>>
    %dma_wait3A_104 = tpu.memref_squeeze %dma_wait3A_103 : memref<1x125xi32, #tpu.memory_space<vmem>> -> memref<125xi32, #tpu.memory_space<vmem>>
    %dma_wait3A_105 = arith.constant 0 : i32
    %dma_wait3A_106 = arith.constant 0 : i32
    %dma_wait3A_107 = tpu.memref_slice %arg2[%dma_wait3A_105, %dma_wait3A_106] : memref<10240x64xf32, #tpu.memory_space<hbm>> -> memref<10240x64xf32, #tpu.memory_space<hbm>>
    tpu.wait_indirect_dma semaphore(%arg14 : memref<!tpu.dma_semaphore, #tpu.memory_space<semaphore_mem>>) src(%dma_wait3A_107 : memref<10240x64xf32, #tpu.memory_space<hbm>>) dst(%arg11 : memref<125x64xf32, #tpu.memory_space<vmem>>)
    %run_scoped3A_108 = arith.constant 4 : i32
    "tpu.region"() ({
      %run_scoped3A_152 = tpu.sem_alloc : memref<!tpu.dma_semaphore, #tpu.memory_space<semaphore_mem>>
      %dma_start3A_153 = arith.constant 0 : i32
      %dma_start3A_154 = tpu.memref_slice %arg8[%run_scoped3A_108, %dma_start3A_153] : memref<8x125xi32, #tpu.memory_space<vmem>> -> memref<1x125xi32, #tpu.memory_space<vmem>>
      %dma_start3A_155 = tpu.memref_squeeze %dma_start3A_154 : memref<1x125xi32, #tpu.memory_space<vmem>> -> memref<125xi32, #tpu.memory_space<vmem>>
      %dma_start3A_156 = arith.constant 0 : i32
      %dma_start3A_157 = arith.constant 0 : i32
      %dma_start3A_158 = tpu.memref_slice %arg13[%dma_start3A_156, %dma_start3A_157] : memref<10240x64xf32, #tpu.memory_space<vmem_shared>> -> memref<10240x64xf32, #tpu.memory_space<vmem_shared>>
      tpu.enqueue_indirect_dma source(%arg11 : memref<125x64xf32, #tpu.memory_space<vmem>>) target(%dma_start3A_158 : memref<10240x64xf32, #tpu.memory_space<vmem_shared>>) offsets(%dma_start3A_155 : memref<125xi32, #tpu.memory_space<vmem>>) semaphore(%run_scoped3A_152 : memref<!tpu.dma_semaphore, #tpu.memory_space<semaphore_mem>>) {add = true}
      %dma_wait3A_159 = arith.constant 0 : i32
      %dma_wait3A_160 = tpu.memref_slice %arg8[%run_scoped3A_108, %dma_wait3A_159] : memref<8x125xi32, #tpu.memory_space<vmem>> -> memref<1x125xi32, #tpu.memory_space<vmem>>
      %dma_wait3A_161 = tpu.memref_squeeze %dma_wait3A_160 : memref<1x125xi32, #tpu.memory_space<vmem>> -> memref<125xi32, #tpu.memory_space<vmem>>
      %dma_wait3A_162 = arith.constant 0 : i32
      %dma_wait3A_163 = arith.constant 0 : i32
      %dma_wait3A_164 = tpu.memref_slice %arg13[%dma_wait3A_162, %dma_wait3A_163] : memref<10240x64xf32, #tpu.memory_space<vmem_shared>> -> memref<10240x64xf32, #tpu.memory_space<vmem_shared>>
      tpu.wait_indirect_dma semaphore(%run_scoped3A_152 : memref<!tpu.dma_semaphore, #tpu.memory_space<semaphore_mem>>) src(%arg11 : memref<125x64xf32, #tpu.memory_space<vmem>>) dst(%dma_wait3A_164 : memref<10240x64xf32, #tpu.memory_space<vmem_shared>>)
      tpu.yield
    }) : () -> ()
    %dma_start3A_109 = arith.constant 6 : i32
    %dma_start3A_110 = arith.constant 0 : i32
    %dma_start3A_111 = tpu.memref_slice %arg7[%dma_start3A_109, %dma_start3A_110] : memref<8x125xi32, #tpu.memory_space<vmem>> -> memref<1x125xi32, #tpu.memory_space<vmem>>
    %dma_start3A_112 = tpu.memref_squeeze %dma_start3A_111 : memref<1x125xi32, #tpu.memory_space<vmem>> -> memref<125xi32, #tpu.memory_space<vmem>>
    %dma_start3A_113 = arith.constant 0 : i32
    %dma_start3A_114 = arith.constant 0 : i32
    %dma_start3A_115 = tpu.memref_slice %arg2[%dma_start3A_113, %dma_start3A_114] : memref<10240x64xf32, #tpu.memory_space<hbm>> -> memref<10240x64xf32, #tpu.memory_space<hbm>>
    tpu.enqueue_indirect_dma source(%dma_start3A_115 : memref<10240x64xf32, #tpu.memory_space<hbm>>) target(%arg11 : memref<125x64xf32, #tpu.memory_space<vmem>>) offsets(%dma_start3A_112 : memref<125xi32, #tpu.memory_space<vmem>>) semaphore(%arg14 : memref<!tpu.dma_semaphore, #tpu.memory_space<semaphore_mem>>)
    %dma_wait3A_116 = arith.constant 5 : i32
    %dma_wait3A_117 = arith.constant 0 : i32
    %dma_wait3A_118 = tpu.memref_slice %arg7[%dma_wait3A_116, %dma_wait3A_117] : memref<8x125xi32, #tpu.memory_space<vmem>> -> memref<1x125xi32, #tpu.memory_space<vmem>>
    %dma_wait3A_119 = tpu.memref_squeeze %dma_wait3A_118 : memref<1x125xi32, #tpu.memory_space<vmem>> -> memref<125xi32, #tpu.memory_space<vmem>>
    %dma_wait3A_120 = arith.constant 0 : i32
    %dma_wait3A_121 = arith.constant 0 : i32
    %dma_wait3A_122 = tpu.memref_slice %arg2[%dma_wait3A_120, %dma_wait3A_121] : memref<10240x64xf32, #tpu.memory_space<hbm>> -> memref<10240x64xf32, #tpu.memory_space<hbm>>
    tpu.wait_indirect_dma semaphore(%arg15 : memref<!tpu.dma_semaphore, #tpu.memory_space<semaphore_mem>>) src(%dma_wait3A_122 : memref<10240x64xf32, #tpu.memory_space<hbm>>) dst(%arg12 : memref<125x64xf32, #tpu.memory_space<vmem>>)
    %run_scoped3A_123 = arith.constant 5 : i32
    "tpu.region"() ({
      %run_scoped3A_152 = tpu.sem_alloc : memref<!tpu.dma_semaphore, #tpu.memory_space<semaphore_mem>>
      %dma_start3A_153 = arith.constant 0 : i32
      %dma_start3A_154 = tpu.memref_slice %arg8[%run_scoped3A_123, %dma_start3A_153] : memref<8x125xi32, #tpu.memory_space<vmem>> -> memref<1x125xi32, #tpu.memory_space<vmem>>
      %dma_start3A_155 = tpu.memref_squeeze %dma_start3A_154 : memref<1x125xi32, #tpu.memory_space<vmem>> -> memref<125xi32, #tpu.memory_space<vmem>>
      %dma_start3A_156 = arith.constant 0 : i32
      %dma_start3A_157 = arith.constant 0 : i32
      %dma_start3A_158 = tpu.memref_slice %arg13[%dma_start3A_156, %dma_start3A_157] : memref<10240x64xf32, #tpu.memory_space<vmem_shared>> -> memref<10240x64xf32, #tpu.memory_space<vmem_shared>>
      tpu.enqueue_indirect_dma source(%arg12 : memref<125x64xf32, #tpu.memory_space<vmem>>) target(%dma_start3A_158 : memref<10240x64xf32, #tpu.memory_space<vmem_shared>>) offsets(%dma_start3A_155 : memref<125xi32, #tpu.memory_space<vmem>>) semaphore(%run_scoped3A_152 : memref<!tpu.dma_semaphore, #tpu.memory_space<semaphore_mem>>) {add = true}
      %dma_wait3A_159 = arith.constant 0 : i32
      %dma_wait3A_160 = tpu.memref_slice %arg8[%run_scoped3A_123, %dma_wait3A_159] : memref<8x125xi32, #tpu.memory_space<vmem>> -> memref<1x125xi32, #tpu.memory_space<vmem>>
      %dma_wait3A_161 = tpu.memref_squeeze %dma_wait3A_160 : memref<1x125xi32, #tpu.memory_space<vmem>> -> memref<125xi32, #tpu.memory_space<vmem>>
      %dma_wait3A_162 = arith.constant 0 : i32
      %dma_wait3A_163 = arith.constant 0 : i32
      %dma_wait3A_164 = tpu.memref_slice %arg13[%dma_wait3A_162, %dma_wait3A_163] : memref<10240x64xf32, #tpu.memory_space<vmem_shared>> -> memref<10240x64xf32, #tpu.memory_space<vmem_shared>>
      tpu.wait_indirect_dma semaphore(%run_scoped3A_152 : memref<!tpu.dma_semaphore, #tpu.memory_space<semaphore_mem>>) src(%arg12 : memref<125x64xf32, #tpu.memory_space<vmem>>) dst(%dma_wait3A_164 : memref<10240x64xf32, #tpu.memory_space<vmem_shared>>)
      tpu.yield
    }) : () -> ()
    %dma_start3A_124 = arith.constant 7 : i32
    %dma_start3A_125 = arith.constant 0 : i32
    %dma_start3A_126 = tpu.memref_slice %arg7[%dma_start3A_124, %dma_start3A_125] : memref<8x125xi32, #tpu.memory_space<vmem>> -> memref<1x125xi32, #tpu.memory_space<vmem>>
    %dma_start3A_127 = tpu.memref_squeeze %dma_start3A_126 : memref<1x125xi32, #tpu.memory_space<vmem>> -> memref<125xi32, #tpu.memory_space<vmem>>
    %dma_start3A_128 = arith.constant 0 : i32
    %dma_start3A_129 = arith.constant 0 : i32
    %dma_start3A_130 = tpu.memref_slice %arg2[%dma_start3A_128, %dma_start3A_129] : memref<10240x64xf32, #tpu.memory_space<hbm>> -> memref<10240x64xf32, #tpu.memory_space<hbm>>
    tpu.enqueue_indirect_dma source(%dma_start3A_130 : memref<10240x64xf32, #tpu.memory_space<hbm>>) target(%arg12 : memref<125x64xf32, #tpu.memory_space<vmem>>) offsets(%dma_start3A_127 : memref<125xi32, #tpu.memory_space<vmem>>) semaphore(%arg15 : memref<!tpu.dma_semaphore, #tpu.memory_space<semaphore_mem>>)
    %dma_wait3A_131 = arith.constant 6 : i32
    %dma_wait3A_132 = arith.constant 0 : i32
    %dma_wait3A_133 = tpu.memref_slice %arg7[%dma_wait3A_131, %dma_wait3A_132] : memref<8x125xi32, #tpu.memory_space<vmem>> -> memref<1x125xi32, #tpu.memory_space<vmem>>
    %dma_wait3A_134 = tpu.memref_squeeze %dma_wait3A_133 : memref<1x125xi32, #tpu.memory_space<vmem>> -> memref<125xi32, #tpu.memory_space<vmem>>
    %dma_wait3A_135 = arith.constant 0 : i32
    %dma_wait3A_136 = arith.constant 0 : i32
    %dma_wait3A_137 = tpu.memref_slice %arg2[%dma_wait3A_135, %dma_wait3A_136] : memref<10240x64xf32, #tpu.memory_space<hbm>> -> memref<10240x64xf32, #tpu.memory_space<hbm>>
    tpu.wait_indirect_dma semaphore(%arg14 : memref<!tpu.dma_semaphore, #tpu.memory_space<semaphore_mem>>) src(%dma_wait3A_137 : memref<10240x64xf32, #tpu.memory_space<hbm>>) dst(%arg11 : memref<125x64xf32, #tpu.memory_space<vmem>>)
    %run_scoped3A_138 = arith.constant 6 : i32
    "tpu.region"() ({
      %run_scoped3A_152 = tpu.sem_alloc : memref<!tpu.dma_semaphore, #tpu.memory_space<semaphore_mem>>
      %dma_start3A_153 = arith.constant 0 : i32
      %dma_start3A_154 = tpu.memref_slice %arg8[%run_scoped3A_138, %dma_start3A_153] : memref<8x125xi32, #tpu.memory_space<vmem>> -> memref<1x125xi32, #tpu.memory_space<vmem>>
      %dma_start3A_155 = tpu.memref_squeeze %dma_start3A_154 : memref<1x125xi32, #tpu.memory_space<vmem>> -> memref<125xi32, #tpu.memory_space<vmem>>
      %dma_start3A_156 = arith.constant 0 : i32
      %dma_start3A_157 = arith.constant 0 : i32
      %dma_start3A_158 = tpu.memref_slice %arg13[%dma_start3A_156, %dma_start3A_157] : memref<10240x64xf32, #tpu.memory_space<vmem_shared>> -> memref<10240x64xf32, #tpu.memory_space<vmem_shared>>
      tpu.enqueue_indirect_dma source(%arg11 : memref<125x64xf32, #tpu.memory_space<vmem>>) target(%dma_start3A_158 : memref<10240x64xf32, #tpu.memory_space<vmem_shared>>) offsets(%dma_start3A_155 : memref<125xi32, #tpu.memory_space<vmem>>) semaphore(%run_scoped3A_152 : memref<!tpu.dma_semaphore, #tpu.memory_space<semaphore_mem>>) {add = true}
      %dma_wait3A_159 = arith.constant 0 : i32
      %dma_wait3A_160 = tpu.memref_slice %arg8[%run_scoped3A_138, %dma_wait3A_159] : memref<8x125xi32, #tpu.memory_space<vmem>> -> memref<1x125xi32, #tpu.memory_space<vmem>>
      %dma_wait3A_161 = tpu.memref_squeeze %dma_wait3A_160 : memref<1x125xi32, #tpu.memory_space<vmem>> -> memref<125xi32, #tpu.memory_space<vmem>>
      %dma_wait3A_162 = arith.constant 0 : i32
      %dma_wait3A_163 = arith.constant 0 : i32
      %dma_wait3A_164 = tpu.memref_slice %arg13[%dma_wait3A_162, %dma_wait3A_163] : memref<10240x64xf32, #tpu.memory_space<vmem_shared>> -> memref<10240x64xf32, #tpu.memory_space<vmem_shared>>
      tpu.wait_indirect_dma semaphore(%run_scoped3A_152 : memref<!tpu.dma_semaphore, #tpu.memory_space<semaphore_mem>>) src(%arg11 : memref<125x64xf32, #tpu.memory_space<vmem>>) dst(%dma_wait3A_164 : memref<10240x64xf32, #tpu.memory_space<vmem_shared>>)
      tpu.yield
    }) : () -> ()
    %cond3A = arith.constant 0 : i32
    %dma_wait3A_139 = arith.constant 7 : i32
    %dma_wait3A_140 = arith.constant 0 : i32
    %dma_wait3A_141 = tpu.memref_slice %arg7[%dma_wait3A_139, %dma_wait3A_140] : memref<8x125xi32, #tpu.memory_space<vmem>> -> memref<1x125xi32, #tpu.memory_space<vmem>>
    %dma_wait3A_142 = tpu.memref_squeeze %dma_wait3A_141 : memref<1x125xi32, #tpu.memory_space<vmem>> -> memref<125xi32, #tpu.memory_space<vmem>>
    %dma_wait3A_143 = arith.constant 0 : i32
    %dma_wait3A_144 = arith.constant 0 : i32
    %dma_wait3A_145 = tpu.memref_slice %arg2[%dma_wait3A_143, %dma_wait3A_144] : memref<10240x64xf32, #tpu.memory_space<hbm>> -> memref<10240x64xf32, #tpu.memory_space<hbm>>
    tpu.wait_indirect_dma semaphore(%arg15 : memref<!tpu.dma_semaphore, #tpu.memory_space<semaphore_mem>>) src(%dma_wait3A_145 : memref<10240x64xf32, #tpu.memory_space<hbm>>) dst(%arg12 : memref<125x64xf32, #tpu.memory_space<vmem>>)
    %run_scoped3A_146 = arith.constant 7 : i32
    "tpu.region"() ({
      %run_scoped3A_152 = tpu.sem_alloc : memref<!tpu.dma_semaphore, #tpu.memory_space<semaphore_mem>>
      %dma_start3A_153 = arith.constant 0 : i32
      %dma_start3A_154 = tpu.memref_slice %arg8[%run_scoped3A_146, %dma_start3A_153] : memref<8x125xi32, #tpu.memory_space<vmem>> -> memref<1x125xi32, #tpu.memory_space<vmem>>
      %dma_start3A_155 = tpu.memref_squeeze %dma_start3A_154 : memref<1x125xi32, #tpu.memory_space<vmem>> -> memref<125xi32, #tpu.memory_space<vmem>>
      %dma_start3A_156 = arith.constant 0 : i32
      %dma_start3A_157 = arith.constant 0 : i32
      %dma_start3A_158 = tpu.memref_slice %arg13[%dma_start3A_156, %dma_start3A_157] : memref<10240x64xf32, #tpu.memory_space<vmem_shared>> -> memref<10240x64xf32, #tpu.memory_space<vmem_shared>>
      tpu.enqueue_indirect_dma source(%arg12 : memref<125x64xf32, #tpu.memory_space<vmem>>) target(%dma_start3A_158 : memref<10240x64xf32, #tpu.memory_space<vmem_shared>>) offsets(%dma_start3A_155 : memref<125xi32, #tpu.memory_space<vmem>>) semaphore(%run_scoped3A_152 : memref<!tpu.dma_semaphore, #tpu.memory_space<semaphore_mem>>) {add = true}
      %dma_wait3A_159 = arith.constant 0 : i32
      %dma_wait3A_160 = tpu.memref_slice %arg8[%run_scoped3A_146, %dma_wait3A_159] : memref<8x125xi32, #tpu.memory_space<vmem>> -> memref<1x125xi32, #tpu.memory_space<vmem>>
      %dma_wait3A_161 = tpu.memref_squeeze %dma_wait3A_160 : memref<1x125xi32, #tpu.memory_space<vmem>> -> memref<125xi32, #tpu.memory_space<vmem>>
      %dma_wait3A_162 = arith.constant 0 : i32
      %dma_wait3A_163 = arith.constant 0 : i32
      %dma_wait3A_164 = tpu.memref_slice %arg13[%dma_wait3A_162, %dma_wait3A_163] : memref<10240x64xf32, #tpu.memory_space<vmem_shared>> -> memref<10240x64xf32, #tpu.memory_space<vmem_shared>>
      tpu.wait_indirect_dma semaphore(%run_scoped3A_152 : memref<!tpu.dma_semaphore, #tpu.memory_space<semaphore_mem>>) src(%arg12 : memref<125x64xf32, #tpu.memory_space<vmem>>) dst(%dma_wait3A_164 : memref<10240x64xf32, #tpu.memory_space<vmem_shared>>)
      tpu.yield
    }) : () -> ()
    %barrier3A_147 = arith.constant 0 : index
    tpu.barrier barrier_id(%barrier3A_147)
    %mul3A_148 = arith.constant 640 : i32
    %mul3A_149 = arith.muli %arg1, %mul3A_148 : i32
    %mul3A_150 = arith.constant 640 : i32
    %mul3A_151 = arith.muli %arg1, %mul3A_150 : i32
    "tpu.region"() ({
      %run_scoped3A_152 = tpu.sem_alloc : memref<!tpu.dma_semaphore, #tpu.memory_space<semaphore_mem>>
      %dma_start3A_153 = arith.constant 0 : i32
      %dma_start3A_154 = tpu.memref_slice %arg6[%arg0, %mul3A_151, %dma_start3A_153] : memref<2x10240x64xf32, #tpu.memory_space<hbm>> -> memref<1x640x64xf32, #tpu.memory_space<hbm>>
      %dma_start3A_155 = tpu.memref_squeeze %dma_start3A_154 : memref<1x640x64xf32, #tpu.memory_space<hbm>> -> memref<640x64xf32, #tpu.memory_space<hbm>>
      %dma_start3A_156 = arith.constant 0 : i32
      %dma_start3A_157 = tpu.memref_slice %arg13[%mul3A_149, %dma_start3A_156] : memref<10240x64xf32, #tpu.memory_space<vmem_shared>> -> memref<640x64xf32, #tpu.memory_space<vmem_shared>>
      tpu.enqueue_dma source(%dma_start3A_157 : memref<640x64xf32, #tpu.memory_space<vmem_shared>>) target(%dma_start3A_155 : memref<640x64xf32, #tpu.memory_space<hbm>>) target_semaphore(%run_scoped3A_152 : memref<!tpu.dma_semaphore, #tpu.memory_space<semaphore_mem>>)
      %dma_wait3A_158 = arith.constant 0 : i32
      %dma_wait3A_159 = tpu.memref_slice %arg6[%arg0, %mul3A_151, %dma_wait3A_158] : memref<2x10240x64xf32, #tpu.memory_space<hbm>> -> memref<1x640x64xf32, #tpu.memory_space<hbm>>
      %dma_wait3A_160 = tpu.memref_squeeze %dma_wait3A_159 : memref<1x640x64xf32, #tpu.memory_space<hbm>> -> memref<640x64xf32, #tpu.memory_space<hbm>>
      %dma_wait3A_161 = arith.constant 0 : i32
      %dma_wait3A_162 = tpu.memref_slice %arg13[%mul3A_149, %dma_wait3A_161] : memref<10240x64xf32, #tpu.memory_space<vmem_shared>> -> memref<640x64xf32, #tpu.memory_space<vmem_shared>>
      tpu.wait_dma2 semaphore(%run_scoped3A_152 : memref<!tpu.dma_semaphore, #tpu.memory_space<semaphore_mem>>) src(%dma_wait3A_162 : memref<640x64xf32, #tpu.memory_space<vmem_shared>>) dst(%dma_wait3A_160 : memref<640x64xf32, #tpu.memory_space<hbm>>)
      tpu.yield
    }) : () -> ()
    return
  }
}

module attributes {stable_mosaic.version = 14 : i64} {
  func.func @_k2_body(%arg0: i32, %arg1: memref<2x2000x1xf32, #tpu.memory_space<vmem>>, %arg2: memref<2000x256xf32, #tpu.memory_space<vmem>>, %arg3: memref<2000x1xf32, #tpu.memory_space<vmem>>, %arg4: memref<2x2000x128xf32, #tpu.memory_space<vmem>>) attributes {dimension_semantics = [#tpu.dimension_semantics<arbitrary>], iteration_bounds = array<i64: 5>, scalar_prefetch = 0 : i64, scratch_operands = 0 : i64, tpu.core_type = #tpu.core_type<tc>, window_params = [{transform_indices = @transform_0, window_bounds = array<i64: 2, 2000, 1>}, {transform_indices = @transform_1, window_bounds = array<i64: 2000, 256>}, {transform_indices = @transform_2, window_bounds = array<i64: 2000, 1>}, {transform_indices = @transform_3, window_bounds = array<i64: 2, 2000, 128>}]} {
    %get3A = arith.constant 0 : index
    %get3A_0 = arith.constant 0 : index
    %get3A_1 = arith.constant 0 : index
    %get3A_2 = vector.load %arg1[%get3A, %get3A_0, %get3A_1] : memref<2x2000x1xf32, #tpu.memory_space<vmem>>, vector<1x2000x1xf32>
    %get3A_3 = vector.shape_cast %get3A_2 : vector<1x2000x1xf32> to vector<2000x1xf32>
    %get3A_4 = arith.constant 1 : index
    %get3A_5 = arith.constant 0 : index
    %get3A_6 = arith.constant 0 : index
    %get3A_7 = vector.load %arg1[%get3A_4, %get3A_5, %get3A_6] : memref<2x2000x1xf32, #tpu.memory_space<vmem>>, vector<1x2000x1xf32>
    %get3A_8 = vector.shape_cast %get3A_7 : vector<1x2000x1xf32> to vector<2000x1xf32>
    %add3A = arith.addf %get3A_3, %get3A_8 : vector<2000x1xf32>
    %max3A = arith.constant 1.000000e+00 : f32
    %max3A_9 = vector.broadcast %max3A : f32 to vector<2000x1xf32>
    %max3A_10 = arith.maximumf %add3A, %max3A_9 : vector<2000x1xf32>
    %rsqrt3A = math.rsqrt %max3A_10 : vector<2000x1xf32>
    %swap3A = arith.constant 0 : index
    %swap3A_11 = arith.constant 0 : index
    %swap3A_12 = vector.load %arg3[%swap3A, %swap3A_11] : memref<2000x1xf32, #tpu.memory_space<vmem>>, vector<2000x1xf32>
    tpu.vector_store %arg3[%swap3A, %swap3A_11], %rsqrt3A {strides = array<i32>} : memref<2000x1xf32, #tpu.memory_space<vmem>>, vector<2000x1xf32>,
    %get3A_13 = arith.constant 0 : index
    %get3A_14 = arith.constant 0 : index
    %get3A_15 = vector.load %arg2[%get3A_13, %get3A_14] : memref<2000x256xf32, #tpu.memory_space<vmem>>, vector<2000x256xf32>
    %mul3A = vector.broadcast %rsqrt3A : vector<2000x1xf32> to vector<2000x256xf32>
    %mul3A_16 = arith.mulf %get3A_15, %mul3A : vector<2000x256xf32>
    %slice3A = vector.extract_strided_slice %mul3A_16 {offsets = [0, 0], sizes = [2000, 128], strides = [1, 1]} : vector<2000x256xf32> to vector<2000x128xf32>
    %swap3A_17 = arith.constant 0 : index
    %swap3A_18 = arith.constant 0 : index
    %swap3A_19 = arith.constant 0 : index
    %swap3A_20 = vector.load %arg4[%swap3A_17, %swap3A_18, %swap3A_19] : memref<2x2000x128xf32, #tpu.memory_space<vmem>>, vector<1x2000x128xf32>
    %swap3A_21 = vector.shape_cast %swap3A_20 : vector<1x2000x128xf32> to vector<2000x128xf32>
    %swap3A_22 = vector.shape_cast %slice3A : vector<2000x128xf32> to vector<1x2000x128xf32>
    tpu.vector_store %arg4[%swap3A_17, %swap3A_18, %swap3A_19], %swap3A_22 {strides = array<i32>} : memref<2x2000x128xf32, #tpu.memory_space<vmem>>, vector<1x2000x128xf32>,
    %slice3A_23 = vector.extract_strided_slice %mul3A_16 {offsets = [0, 128], sizes = [2000, 128], strides = [1, 1]} : vector<2000x256xf32> to vector<2000x128xf32>
    %swap3A_24 = arith.constant 1 : index
    %swap3A_25 = arith.constant 0 : index
    %swap3A_26 = arith.constant 0 : index
    %swap3A_27 = vector.load %arg4[%swap3A_24, %swap3A_25, %swap3A_26] : memref<2x2000x128xf32, #tpu.memory_space<vmem>>, vector<1x2000x128xf32>
    %swap3A_28 = vector.shape_cast %swap3A_27 : vector<1x2000x128xf32> to vector<2000x128xf32>
    %swap3A_29 = vector.shape_cast %slice3A_23 : vector<2000x128xf32> to vector<1x2000x128xf32>
    tpu.vector_store %arg4[%swap3A_24, %swap3A_25, %swap3A_26], %swap3A_29 {strides = array<i32>} : memref<2x2000x128xf32, #tpu.memory_space<vmem>>, vector<1x2000x128xf32>,
    return
  }
  func.func @transform_0(%arg0: i32) -> (i32, i32, i32) {
    %c0_i32 = arith.constant 0 : i32
    %c0_i32_0 = arith.constant 0 : i32
    %c0_i32_1 = arith.constant 0 : i32
    return %c0_i32, %arg0, %c0_i32_0 : i32, i32, i32
  }
  func.func @transform_1(%arg0: i32) -> (i32, i32) {
    %c0_i32 = arith.constant 0 : i32
    %c0_i32_0 = arith.constant 0 : i32
    return %arg0, %c0_i32 : i32, i32
  }
  func.func @transform_2(%arg0: i32) -> (i32, i32) {
    %c0_i32 = arith.constant 0 : i32
    %c0_i32_0 = arith.constant 0 : i32
    return %arg0, %c0_i32 : i32, i32
  }
  func.func @transform_3(%arg0: i32) -> (i32, i32, i32) {
    %c0_i32 = arith.constant 0 : i32
    %c0_i32_0 = arith.constant 0 : i32
    %c0_i32_1 = arith.constant 0 : i32
    return %c0_i32, %arg0, %c0_i32_0 : i32, i32, i32
  }
}

module attributes {stable_mosaic.version = 14 : i64} {
  func.func @_k4_body(%arg0: i32, %arg1: memref<2x1280x128xf32, #tpu.memory_space<vmem>>, %arg2: memref<1280x1xf32, #tpu.memory_space<vmem>>, %arg3: memref<1x256x256xf32, #tpu.memory_space<vmem>>, %arg4: memref<1x256xf32, #tpu.memory_space<vmem>>, %arg5: memref<1x256x64xf32, #tpu.memory_space<vmem>>, %arg6: memref<1280x64xf32, #tpu.memory_space<vmem>>) attributes {dimension_semantics = [#tpu.dimension_semantics<arbitrary>], iteration_bounds = array<i64: 8>, scalar_prefetch = 0 : i64, scratch_operands = 0 : i64, tpu.core_type = #tpu.core_type<tc>, window_params = [{transform_indices = @transform_0, window_bounds = array<i64: 2, 1280, 128>}, {transform_indices = @transform_1, window_bounds = array<i64: 1280, 1>}, {pipeline_mode = #tpu.pipeline_mode<synchronous>, transform_indices = @transform_2, window_bounds = array<i64: 1, 256, 256>}, {pipeline_mode = #tpu.pipeline_mode<synchronous>, transform_indices = @transform_3, window_bounds = array<i64: 1, 256>}, {pipeline_mode = #tpu.pipeline_mode<synchronous>, transform_indices = @transform_4, window_bounds = array<i64: 1, 256, 64>}, {transform_indices = @transform_5, window_bounds = array<i64: 1280, 64>}]} {
    %get3A = arith.constant 0 : index
    %get3A_0 = arith.constant 0 : index
    %get3A_1 = vector.load %arg2[%get3A, %get3A_0] : memref<1280x1xf32, #tpu.memory_space<vmem>>, vector<1280x1xf32>
    %get3A_2 = arith.constant 0 : index
    %get3A_3 = arith.constant 0 : index
    %get3A_4 = arith.constant 0 : index
    %get3A_5 = vector.load %arg1[%get3A_2, %get3A_3, %get3A_4] : memref<2x1280x128xf32, #tpu.memory_space<vmem>>, vector<1x1280x128xf32>
    %get3A_6 = vector.shape_cast %get3A_5 : vector<1x1280x128xf32> to vector<1280x128xf32>
    %get3A_7 = arith.constant 0 : index
    %get3A_8 = arith.constant 0 : index
    %get3A_9 = arith.constant 0 : index
    %get3A_10 = vector.load %arg3[%get3A_7, %get3A_8, %get3A_9] : memref<1x256x256xf32, #tpu.memory_space<vmem>>, vector<1x128x256xf32>
    %get3A_11 = vector.shape_cast %get3A_10 : vector<1x128x256xf32> to vector<128x256xf32>
    %dot_general3A = arith.constant dense<0.000000e+00> : vector<1280x256xf32>
    %dot_general3A_12 = tpu.matmul %get3A_6, %get3A_11, %dot_general3A {dimension_numbers = #tpu.dot_dimension_numbers<[1], [0], [0], [1], [0, 0, 1, 1], [], []>, transpose_lhs_hint = false} : vector<1280x128xf32>, vector<128x256xf32>, vector<1280x256xf32> -> vector<1280x256xf32>
    %get3A_13 = arith.constant 1 : index
    %get3A_14 = arith.constant 0 : index
    %get3A_15 = arith.constant 0 : index
    %get3A_16 = vector.load %arg1[%get3A_13, %get3A_14, %get3A_15] : memref<2x1280x128xf32, #tpu.memory_space<vmem>>, vector<1x1280x128xf32>
    %get3A_17 = vector.shape_cast %get3A_16 : vector<1x1280x128xf32> to vector<1280x128xf32>
    %get3A_18 = arith.constant 0 : index
    %get3A_19 = arith.constant 128 : index
    %get3A_20 = arith.constant 0 : index
    %get3A_21 = vector.load %arg3[%get3A_18, %get3A_19, %get3A_20] : memref<1x256x256xf32, #tpu.memory_space<vmem>>, vector<1x128x256xf32>
    %get3A_22 = vector.shape_cast %get3A_21 : vector<1x128x256xf32> to vector<128x256xf32>
    %dot_general3A_23 = arith.constant dense<0.000000e+00> : vector<1280x256xf32>
    %dot_general3A_24 = tpu.matmul %get3A_17, %get3A_22, %dot_general3A_23 {dimension_numbers = #tpu.dot_dimension_numbers<[1], [0], [0], [1], [0, 0, 1, 1], [], []>, transpose_lhs_hint = false} : vector<1280x128xf32>, vector<128x256xf32>, vector<1280x256xf32> -> vector<1280x256xf32>
    %add3A = arith.addf %dot_general3A_12, %dot_general3A_24 : vector<1280x256xf32>
    %mul3A = vector.broadcast %get3A_1 : vector<1280x1xf32> to vector<1280x256xf32>
    %mul3A_25 = arith.mulf %mul3A, %add3A : vector<1280x256xf32>
    %get3A_26 = arith.constant 0 : index
    %get3A_27 = arith.constant 0 : index
    %get3A_28 = vector.load %arg4[%get3A_26, %get3A_27] : memref<1x256xf32, #tpu.memory_space<vmem>>, vector<1x256xf32>
    %add3A_29 = vector.broadcast %get3A_28 : vector<1x256xf32> to vector<1280x256xf32>
    %add3A_30 = arith.addf %mul3A_25, %add3A_29 : vector<1280x256xf32>
    %max3A = arith.constant 0.000000e+00 : f32
    %max3A_31 = vector.broadcast %max3A : f32 to vector<1280x256xf32>
    %max3A_32 = arith.maximumf %add3A_30, %max3A_31 : vector<1280x256xf32>
    %get3A_33 = arith.constant 0 : index
    %get3A_34 = arith.constant 0 : index
    %get3A_35 = arith.constant 0 : index
    %get3A_36 = vector.load %arg5[%get3A_33, %get3A_34, %get3A_35] : memref<1x256x64xf32, #tpu.memory_space<vmem>>, vector<1x256x64xf32>
    %get3A_37 = vector.shape_cast %get3A_36 : vector<1x256x64xf32> to vector<256x64xf32>
    %dot_general3A_38 = arith.constant dense<0.000000e+00> : vector<1280x64xf32>
    %dot_general3A_39 = tpu.matmul %max3A_32, %get3A_37, %dot_general3A_38 {dimension_numbers = #tpu.dot_dimension_numbers<[1], [0], [0], [1], [0, 0, 1, 1], [], []>, transpose_lhs_hint = false} : vector<1280x256xf32>, vector<256x64xf32>, vector<1280x64xf32> -> vector<1280x64xf32>
    %mul3A_40 = vector.broadcast %get3A_1 : vector<1280x1xf32> to vector<1280x64xf32>
    %mul3A_41 = arith.mulf %mul3A_40, %dot_general3A_39 : vector<1280x64xf32>
    %swap3A = arith.constant 0 : index
    %swap3A_42 = arith.constant 0 : index
    %swap3A_43 = vector.load %arg6[%swap3A, %swap3A_42] : memref<1280x64xf32, #tpu.memory_space<vmem>>, vector<1280x64xf32>
    tpu.vector_store %arg6[%swap3A, %swap3A_42], %mul3A_41 {strides = array<i32>} : memref<1280x64xf32, #tpu.memory_space<vmem>>, vector<1280x64xf32>,
    return
  }
  func.func @transform_0(%arg0: i32) -> (i32, i32, i32) {
    %c0_i32 = arith.constant 0 : i32
    %c0_i32_0 = arith.constant 0 : i32
    %c0_i32_1 = arith.constant 0 : i32
    return %c0_i32, %arg0, %c0_i32_0 : i32, i32, i32
  }
  func.func @transform_1(%arg0: i32) -> (i32, i32) {
    %c0_i32 = arith.constant 0 : i32
    %c0_i32_0 = arith.constant 0 : i32
    return %arg0, %c0_i32 : i32, i32
  }
  func.func @transform_2(%arg0: i32) -> (i32, i32, i32) {
    %c0_i32 = arith.constant 0 : i32
    %c0_i32_0 = arith.constant 0 : i32
    %c0_i32_1 = arith.constant 0 : i32
    %c0_i32_2 = arith.constant 0 : i32
    return %c0_i32, %c0_i32_0, %c0_i32_1 : i32, i32, i32
  }
  func.func @transform_3(%arg0: i32) -> (i32, i32) {
    %c0_i32 = arith.constant 0 : i32
    %c0_i32_0 = arith.constant 0 : i32
    %c0_i32_1 = arith.constant 0 : i32
    return %c0_i32, %c0_i32_0 : i32, i32
  }
  func.func @transform_4(%arg0: i32) -> (i32, i32, i32) {
    %c0_i32 = arith.constant 0 : i32
    %c0_i32_0 = arith.constant 0 : i32
    %c0_i32_1 = arith.constant 0 : i32
    %c0_i32_2 = arith.constant 0 : i32
    return %c0_i32, %c0_i32_0, %c0_i32_1 : i32, i32, i32
  }
  func.func @transform_5(%arg0: i32) -> (i32, i32) {
    %c0_i32 = arith.constant 0 : i32
    %c0_i32_0 = arith.constant 0 : i32
    return %arg0, %c0_i32 : i32, i32
  }
}

</mosaic_0001>

<sc_bundles>
// kernel: kernel.10.cloned.1.call-start
scs
__scs_entry_jumppad:
0x0: {  	(pc) =	sbr.rel $0x88, $3  }
0x1: {  	(tag) =	ssettag $0x0;
	lr =	simm.s32 $0x1  }
0x2: {  	[smem:$0x3F9B] =	sst lr;
	_ =	strace $0xD0000000  }
0x3: {  	_ = 	snop  }
0x4: {  	_ = 	snop  }
0x5: {  	_ = 	snop  }
0x6: {  	_ = 	snop  }
0x7: {  	_ = 	snop  }
__scs_overlays_trampoline_lowered:
0x8: {  	[smem:$0x3FAA] =	sst s0  }
0x9: {  	[smem:$0x3FAB] =	sst s1  }
0xa: {  	[smem:$0x3FAC] =	sst s2  }
0xb: {  	[smem:$0x3FAD] =	sst s3  }
0xc: {  	[smem:$0x3FAE] =	sst s4  }
0xd: {  	[smem:$0x3FAF] =	sst s5  }
0xe: {  	[smem:$0x3FB0] =	sst s6  }
0xf: {  	[smem:$0x3FB1] =	sst s7  }
0x10: {  	[smem:$0x3FB2] =	sst s8  }
0x11: {  	[smem:$0x3FB3] =	sst s9;
	s0 =	simm.s32 @!p0 $0x0  }
0x12: {  	s1 =	sld [smem:$0x3F99];
	s0 =	simm.s32 @p0 $0x1  }
0x13: {  	[smem:$0x3FB4] =	sst s0;
	s0 =	simm.s32 @!p1 $0x0  }
0x14: {  	s2 =	sld [smem:$0x3F98];
	s0 =	simm.s32 @p1 $0x1  }
0x15: {  	[smem:$0x3FB5] =	sst s0;
	s0 =	simm.s32 @!p2 $0x0  }
0x16: {  	s3 =	sld [smem:$0x3FDB];
	s0 =	simm.s32 @p2 $0x1  }
0x17: {  	s4 =	simm.s32 $0x1BF5;
	[smem:$0x3FB7] =	sst s0  }
0x18: {  	s0 =	sld [smem:$0x3F9A];
	_ =	swait.ge [sflag:s4], $0x0  }
0x19: {  	s7 =	sld [smem:$0x3F9B]  }
0x1a: {  	s8 =	sadd.s32 $0xFFFFE003, lr  }
0x1b: {  	s9 =	sadd.s32 $0xFFFFFEF7, lr;
	s5 =	simm.s32 $0xFFFFFFFF;
	p2 =	slt.u32 s8, $0xFFFFF086  }
0x1c: {  	p1 =	slt.u32 s9, $0xF7A;
	s5 =	simm.s32 @!p2 $0x0  }
0x1d: {  	s5 =	simm.s32 @p1 $0x1;
	p0 =	seq.s32 s7, s2  }
0x1e: {  	s7 =	smul.u32 @!p0 $0xF7A, s2;
	p2 =	seq.s32 @!p0 s5, $0x0  }
0x1f: {  	s9 =	smul.u32 $0xF7A, s1;
	s8 =	simm.s32 @!p0 $0x1BF5;
	p2 =	por !p2, p0  }
0x20: {  	[sflag:s8] =	ssyncset.s32 @!p0 $0xFFFFF086;
	s6 =	sadd.s32 @!p0 s3, s7;
	s7 =	simm.s32 @!p0 $0x108  }
0x21: {  	s3 =	sadd.s32 s3, s9;
	s6 =	sadd.s32 @!p0 $0x88, s6;
	s7 =	simm.s32 @p2 $0x1082  }
0x22: {  	[simem:s7], [sflag:s8] =	dma.local @!p0 [hbm:s6], $0xF7A  }
0x23: {  	s9 =	sor.u32 $0xD0000000, s2;
	s6 =	simm.s32 $0x108;
	_ =	swait.ge @!p0 [sflag:s8], $0x0  }
0x24: {  	s3 =	sadd.s32 $0x88, s3;
	s6 =	simm.s32 @!p1 $0x1082;
	[sflag:s4] =	ssyncset.s32 $0xFFFFF086  }
0x25: {  	[simem:s6], [sflag:s4] =	dma.local [hbm:s3], $0xF7A  }
0x26: {  	[smem:$0x3F9B] =	sst s1;
	(tag) =	ssettag s2;
	_ =	strace s9  }
0x27: {  	s1 =	sld [smem:$0x3FAB]  }
0x28: {  	s2 =	sld [smem:$0x3FAC]  }
0x29: {  	s4 =	sld [smem:$0x3FAE]  }
0x2a: {  	p0 =	seq.s32 s5, $0x0;
	s5 =	sld [smem:$0x3FAF]  }
0x2b: {  	s6 =	sld [smem:$0x3FB0]  }
0x2c: {  	s7 =	sld [smem:$0x3FB1]  }
0x2d: {  	s3 =	simm.s32 $0x108;
	s8 =	sld [smem:$0x3FB2]  }
0x2e: {  	s3 =	simm.s32 @!p0 $0x1082;
	s9 =	sld [smem:$0x3FB3]  }
0x2f: {  	lr =	sadd.s32 s0, s3;
	s0 =	sld [smem:$0x3FAA]  }
0x30: {  	s3 =	sld [smem:$0x3FAD]  }
0x31: {  	[smem:$0x3FB6] =	sst s10  }
0x32: {  	s10 =	sld [smem:$0x3FB4];
	_ =	sdelay $0x3  }
0x33: {  	p0 =	seq.s32 s10, $0x1;
	s10 =	sld [smem:$0x3FB6];
	_ =	sdelay $0x3  }
0x34: {  	[smem:$0x3FB6] =	sst s10  }
0x35: {  	s10 =	sld [smem:$0x3FB5];
	_ =	sdelay $0x3  }
0x36: {  	p1 =	seq.s32 s10, $0x1;
	s10 =	sld [smem:$0x3FB6];
	_ =	sdelay $0x3  }
0x37: {  	[smem:$0x3FB6] =	sst s10  }
0x38: {  	s10 =	sld [smem:$0x3FB7]  }
0x39: {  	_ = 	snop;
	(pc) =	sbr.ind lr, $3  }
0x3a: {  	_ = 	snop  }
0x3b: {  	_ = 	snop  }
0x3c: {  	p2 =	seq.s32 s10, $0x1;
	s10 =	sld [smem:$0x3FB6]  }
0x3d: {  	_ =	shalt  }
0x3e: {  	_ =	shalt  }
0x3f: {  	_ =	shalt  }
0x40: {  	_ =	shalt  }
0x41: {  	_ =	shalt  }
0x42: {  	_ =	shalt  }
0x43: {  	_ =	shalt  }
0x44: {  	_ =	shalt  }
0x45: {  	_ =	shalt  }
0x46: {  	_ =	shalt  }
0x47: {  	_ =	shalt  }
0x48: {  	_ =	shalt  }
0x49: {  	_ =	shalt  }
0x4a: {  	_ =	shalt  }
0x4b: {  	_ =	shalt  }
0x4c: {  	_ =	shalt  }
0x4d: {  	_ =	shalt  }
0x4e: {  	_ =	shalt  }
0x4f: {  	_ =	shalt  }
0x50: {  	_ =	shalt  }
0x51: {  	_ =	shalt  }
0x52: {  	_ =	shalt  }
0x53: {  	_ =	shalt  }
0x54: {  	_ =	shalt  }
0x55: {  	_ =	shalt  }
0x56: {  	_ =	shalt  }
0x57: {  	_ =	shalt  }
0x58: {  	_ =	shalt  }
0x59: {  	_ =	shalt  }
0x5a: {  	_ =	shalt  }
0x5b: {  	_ =	shalt  }
0x5c: {  	_ =	shalt  }
0x5d: {  	_ =	shalt  }
0x5e: {  	_ =	shalt  }
0x5f: {  	_ =	shalt  }
0x60: {  	_ =	shalt  }
0x61: {  	_ =	shalt  }
0x62: {  	_ =	shalt  }
0x63: {  	_ =	shalt  }
0x64: {  	_ =	shalt  }
0x65: {  	_ =	shalt  }
0x66: {  	_ =	shalt  }
0x67: {  	_ =	shalt  }
0x68: {  	_ =	shalt  }
0x69: {  	_ =	shalt  }
0x6a: {  	_ =	shalt  }
0x6b: {  	_ =	shalt  }
0x6c: {  	_ =	shalt  }
0x6d: {  	_ =	shalt  }
0x6e: {  	_ =	shalt  }
0x6f: {  	_ =	shalt  }
0x70: {  	_ =	shalt  }
0x71: {  	_ =	shalt  }
0x72: {  	_ =	shalt  }
0x73: {  	_ =	shalt  }
0x74: {  	_ =	shalt  }
0x75: {  	_ =	shalt  }
0x76: {  	_ =	shalt  }
0x77: {  	_ =	shalt  }
0x78: {  	_ =	shalt  }
0x79: {  	_ =	shalt  }
0x7a: {  	_ =	shalt  }
0x7b: {  	_ =	shalt  }
0x7c: {  	_ =	shalt  }
0x7d: {  	_ =	shalt  }
0x7e: {  	_ =	shalt  }
0x7f: {  	_ =	shalt  }
0x80: {  	_ =	shalt  }
0x81: {  	_ =	shalt  }
0x82: {  	_ =	shalt  }
0x83: {  	_ =	shalt  }
0x84: {  	_ =	shalt  }
0x85: {  	_ =	shalt  }
0x86: {  	_ =	shalt  }
0x87: {  	_ =	shalt  }
.Lfunc_end0:
.L_simem_size_0:
called_computation.1_lowered:
.L_overlay_start_0:
0x88: {  	s2 =	sld [smem:$0x3FD9]  }
0x89: {  	s3 =	sld [smem:$0x3FFE];
	_ =	sdelay $0x1  }
0x8a: {  	s1 =	srdreg.scid  }
0x8b: {  	s0 =	sand.u32 $0x1, s1  }
0x8c: {  	s17 =	sshll.u32 s0, $0xA;
	s2 =	sadd.s32 s3, s2  }
0x8d: {  	s2 =	sadd.s32 s2, s17  }
0x8e: {  	[smem:$0x3FC2] =	sst s2  }
0x8f: {  	_ = 	snop  }
0x90: {  	s2 =	sld [smem:$0x3FD0];
	(tm) =	ssettm $0x1  }
0x91: {  	s18 =	sld [smem:$0x3FFB];
	_ =	sdelay $0x3  }
0x92: {  	_ =	strace s18  }
0x93: {  	s3 =	sld [smem:$0x3FFC];
	_ =	sdelay $0x3  }
0x94: {  	_ =	strace s3  }
0x95: {  	s3 =	sld [smem:$0x3FFD];
	_ =	sdelay $0x3  }
0x96: {  	_ =	strace s3  }
0x97: {  	_ =	strace $0x8FFFFFFF  }
0x98: {  	s19 =	sld [smem:$0x3FDB];
	_ =	sdelay $0x1  }
0x99: {  	s4 =	simm.s32 $_scs_section_size  }
0x9a: {  	s5 =	simm.s32 $_size__tile_overlayer_lowered;
	s6 =	simm.s32 $_tile_overlayer_lowered  }
0x9b: {  	s22 =	simm.s32 $0x1BFF;
	s21 =	sshll.u32 s6, $0x1;
	s3 =	sadd.s32 s4, s19  }
0x9c: {  	s7 =	simm.s32 $0x0;
	s20 =	sshll.u32 s5, $0x1;
	s5 =	sadd.s32 s21, s3  }
0x9d: {  	[timem:s7], [sflag:s22] =	dma.local [hbm:s5], s20  }
0x9e: {  	_ =	swait.ge [sflag:s22], s20  }
0x9f: {  	s4 =	ssub.s32 $0x0, s20;
	[sflag:s22] =	ssyncset.done $0x0  }
0xa0: {  	[sflag:s22] =	ssyncadd.s32 s4;
	_ =	sdelay $0x1  }
0xa1: {  	s23 =	simm.s32 $0x1B8B  }
0xa2: {  	_ =	swait.ge [sflag:s23], $0x1  }
0xa3: {  	[sflag:s23] =	ssyncset.done $0x0  }
0xa4: {  	s25 =	simm.s32 $0x1B8E;
	s24 =	sld [smem:$0x3FFE];
	[sflag:s23] =	ssyncadd.s32 $0xFFFFFFFF  }
0xa5: {  	s26 =	simm.s32 $execute0_lowered;
	[smem:$0x3FD2] =	sst s25  }
0xa6: {  	s5 =	sshll.u32 s26, $0x1;
	_ =	strace $0x80000049;
	[dreg:$0x1] =	wrdreg $0xFFFFFFFF  }
0xa7: {  	s28 =	simm.s32 $_size_execute0_lowered;
	s3 =	sadd.s32 s3, s5;
	[dreg:$0x0] =	wrdreg $0x0  }
0xa8: {  	s5 =	sshll.u32 s28, $0x1;
	[dreg:$0x2] =	wrdreg s3  }
0xa9: {  	[dreg:$0x3] =	wrdreg s5  }
0xaa: {  	[dreg:$0x4] =	wrdreg $0xC0  }
0xab: {  	_ =	task [dreg:s7], $0x5FFFF  }
0xac: {  	[dreg:$0x1] =	wrdreg $0xFFFFFFFF  }
0xad: {  	[dreg:$0x0] =	wrdreg $0x60  }
0xae: {  	[dreg:$0x2] =	wrdreg s24  }
0xaf: {  	[dreg:$0x3] =	wrdreg s2  }
0xb0: {  	[dreg:$0x4] =	wrdreg $0x90000  }
0xb1: {  	[dreg:$0x5] =	wrdreg $0x9  }
0xb2: {  	_ =	task.clear_ibuf [dreg:s7], $0x6FFFF;
	_ =	strace $0x90000049  }
0xb3: {  	s29 =	simm.s32 $0x9;
	_ =	strace $0x8000004B  }
0xb4: {  	_ =	swait.ge [sflag:s29], $0x1  }
0xb5: {  	[sflag:s29] =	ssyncadd.s32 $0xFFFFFFFF  }
0xb6: {  	_ =	strace $0x9000004B  }
0xb7: {  	_ =	sfence  }
0xb8: {  	s30 =	sld [smem:$0x0];
	_ =	sdelay $0x2  }
0xb9: {  	s31 =	sshll.u32 s1, $0xD;
	s1 =	sshrl.u32 s1, $0x2  }
0xba: {  	s3 =	sand.u32 $0x4000, s31;
	s1 =	sadd.s32 s1, s30  }
0xbb: {  	s0 =	sor.u32 s3, s0;
	s1 =	sshll.u32 s1, $0x11  }
0xbc: {  	s0 =	sor.u32 s1, s0  }
0xbd: {  	s0 =	sadd.s32 $0x8F2B, s0  }
0xbe: {  	[sflag:s0] =	ssyncadd.remote.s32 $0x1  }
0xbf: {  	_ =	sfence.sel $0xFFFF  }
0xc0: {  	[dreg:$0x0] =	wrdreg $0xFFFFFFFF;
	(pc) =	sbr.abs _section_cstart, $3  }
0xc1: {  	[dreg:$0x1] =	wrdreg $0xFFFFFFFF  }
0xc2: {  	_ =	task.clear_ibuf [dreg:s7], $0x2FFFF;
	_ =	strace $0x9FFFFFFF  }
0xc3: {  	(tm) =	ssettm $0x7FFFFFFF  }
tec
execute0_lowered:
.L_overlay_start_1:
0x0: {  	(tag) =	ssettag $0x1  }
0x1: {  	s0 =	rddreg [dreg:$0x0]  }
0x2: {  	s2 =	rddreg [dreg:$0x1];
	s11 =	stileid.u32  }
0x3: {  	s1 =	srdreg.scid;
	s3 =	rddreg [dreg:$0x2]  }
0x4: {  	s4 =	simm.s32 $0x0;
	s14 =	simm.s32 $0x80;
	s15 =	simm.s32 $0x100  }
0x5: {  	s17 =	simm.s32 $0x480;
	s18 =	simm.s32 $0x180;
	s19 =	simm.s32 $0x500  }
0x6: {  	s21 =	simm.s32 $0x200;
	s22 =	simm.s32 $0x580;
	[smem:$0x7FF] =	sst s4  }
0x7: {  	s24 =	simm.s32 $0x280;
	_ =	strace $0x8000004A;
	[dreg:$0x5] =	wrdreg s14  }
0x8: {  	s28 =	simm.s32 $0xF80;
	s29 =	simm.s32 $0x0;
	[dreg:$0x6] =	wrdreg s15  }
0x9: {  	s6 =	smul.u32 $0x14000, s11;
	s1 =	sand.u32 $0x1, s1;
	[dreg:$0x7] =	wrdreg s17  }
0xa: {  	s9 =	smul.u32 $0x2800, s11;
	s5 =	sadd.s32 $0x57400, s0;
	[dreg:$0x8] =	wrdreg s18  }
0xb: {  	s12 =	sadd.s32 $0x1200, s0;
	s31 =	smul.u32 $0x50000, s11;
	[dreg:$0x9] =	wrdreg s19  }
0xc: {  	s20 =	sshll.u32 s11, $0x6;
	s7 =	smul.u32 $0x28000, s1;
	[dreg:$0xa] =	wrdreg s21  }
0xd: {  	s8 =	smul.u32 $0x140000, s1;
	s1 =	ssub.s32 $0x2, s1;
	[dreg:$0xb] =	wrdreg s22  }
0xe: {  	[dreg:$0xc] =	wrdreg s24;
	s15 =	simm.s32 $0x700;
	s17 =	simm.s32 $0x880  }
0xf: {  	s18 =	simm.s32 $0x900;
	s19 =	simm.s32 $0xC80;
	[dreg:$0x11] =	wrdreg s15  }
0x10: {  	s21 =	simm.s32 $0xD00;
	s22 =	simm.s32 $0xA00;
	[dreg:$0x13] =	wrdreg s17  }
0x11: {  	s24 =	simm.s32 $0xA80;
	s10 =	sshrl.u32 s6, $0x3;
	[dreg:$0x14] =	wrdreg s18  }
0x12: {  	s30 =	sshrl.u32 s1, $0x1;
	s16 =	sshrl.u32 s31, $0x2;
	[dreg:$0x15] =	wrdreg s19  }
0x13: {  	s31 =	simm.s32 $0x680;
	s15 =	simm.s32 $0x5;
	[dreg:$0x17] =	wrdreg s21  }
0x14: {  	s17 =	simm.s32 $0x3;
	s18 =	simm.s32 $0x7D;
	[dreg:$0x18] =	wrdreg s22  }
0x15: {  	s19 =	simm.s32 $0x1000;
	[dreg:$0x1a] =	wrdreg s24;
	s21 =	simm.s32 $0xC00  }
0x16: {  	s22 =	simm.s32 $0x5000;
	s24 =	simm.s32 $0x2;
	s13 =	sadd.s32 s9, s7  }
0x17: {  	s25 =	sadd.s32 s10, s0;
	s6 =	sadd.s32 s6, s8;
	s1 =	ssub.s32 s1, s30  }
0x18: {  	s14 =	sadd.s32 s16, s3;
	s9 =	sshrl.u32 s9, $0x3;
	[dreg:$0xf] =	wrdreg s31  }
0x19: {  	s16 =	simm.s32 $0x780;
	s31 =	simm.s32 $0xB80;
	s26 =	sor.u32 $0x400, s13  }
0x1a: {  	s6 =	sshrl.u32 s6, $0x3;
	s7 =	sadd.s32 $0x6200, s25;
	[dreg:$0x12] =	wrdreg s16  }
0x1b: {  	s23 =	sshrl.u32 s13, $0x3;
	s25 =	simm.s32 $0x600;
	[dreg:$0x1e] =	wrdreg s31  }
0x1c: {  	s30 =	sadd.s32 s12, s9;
	s9 =	smul.u32 $0x500, s11;
	[dreg:$0x1f] =	wrdreg s7  }
0x1d: {  	s11 =	smax.u32 s1, $0x1;
	s13 =	sadd.s32 $0x800, s13;
	[dreg:$0xd] =	wrdreg s25  }
0x1e: {  	s8 =	sshrl.u32 s26, $0x3;
	s26 =	simm.s32 $0x300;
	[smem:$0x7FD] =	sst s30  }
0x1f: {  	s7 =	sor.u32 $0x1C05, s20;
	s20 =	simm.s32 $0x980;
	[dreg:$0xe] =	wrdreg s26  }
0x20: {  	s14 =	sshrl.u32 s14, $0x3;
	s25 =	simm.s32 $0xE00;
	[dreg:$0x16] =	wrdreg s20  }
0x21: {  	s16 =	simm.s32 $0x400;
	s30 =	simm.s32 $0xE80;
	[dreg:$0x1b] =	wrdreg s25  }
0x22: {  	s0 =	sadd.s32 s6, s0;
	s8 =	sadd.s32 s8, s2;
	[dreg:$0x1d] =	wrdreg s30  }
0x23: {  	s10 =	sadd.s32 $0xA7400, s0;
	s26 =	simm.s32 $0xB00;
	[dreg:$0x4] =	wrdreg s8  }
0x24: {  	s12 =	sadd.s32 s9, s12;
	s8 =	sadd.s32 s2, s23;
	[dreg:$0x1c] =	wrdreg s26  }
0x25: {  	s20 =	simm.s32 $0x800;
	s23 =	simm.s32 $0xD80;
	[smem:$0x7FC] =	sst s8  }
0x26: {  	s25 =	simm.s32 $0x4;
	s8 =	simm.s32 $0x380;
	[dreg:$0x19] =	wrdreg s23  }
0x27: {  	s26 =	simm.s32 $0xF00;
	s23 =	simm.s32 $0x1;
	[dreg:$0x10] =	wrdreg s8  }
.LBB2_1:
0x28: {  	s0 =	rddreg [dreg:$0x1f]  }
0x29: {  	[spmem:s14], [sflag:s7] =	dma.local [hbm:s0], $0x2800  }
0x2a: {  	_ =	swait.ge [sflag:s15], $0x2800  }
0x2b: {  	[sflag:s15] =	ssyncset.done $0x0  }
0x2c: {  	[sflag:s15] =	ssyncadd.s32 $0xFFFFD800  }
0x2d: {  	[bflag:$0x0] =	sbarrier.arrive $0xFFFF  }
0x2e: {  	s9 =	sld [smem:$0x7FC];
	_ =	sdelay $0x1  }
0x2f: {  	s1 =	sld [smem:$0x7FD]  }
0x30: {  	[tilespmem:s4], [sflag:$0x3] =	stream.linear.gather [hbm4b:s9+s4], $0x400, $0x38;
	[tilespmem:$0x1D000] =	vst v63  }
0x31: {  	_ = 	snop  }
0x32: {  	[tilespmem:s16], [sflag:$0x3] =	stream.linear.gather [hbm4b:s1+s4], $0x400, $0x38;
	[tilespmem:$0x1D000] =	vst v63  }
0x33: {  	_ =	swait.ge [sflag:s17], $0x400  }
0x34: {  	[sflag:s17] =	ssyncset.done $0x0  }
0x35: {  	[sflag:s17] =	ssyncadd.s32 $0xFFFFFC00  }
0x36: {  	_ =	swait.ge [sflag:s17], $0x400  }
0x37: {  	[sflag:s17] =	ssyncset.done $0x0  }
0x38: {  	s6 =	rddreg [dreg:$0x4];
	[sflag:s17] =	ssyncadd.s32 $0xFFFFFC00  }
0x39: {  	[tilespmem:s19], [sflag:$0x1] =	stream.indirect.gather [hbm4b:s5+s18], $0x80, s4, s18, $0xb8;
	[tilespmem:$0x1D000] =	vst v63  }
0x3a: {  	s1 =	sadd.s32 $0x0, s12;
	s0 =	sadd.s32 $0x0, s6  }
0x3b: {  	[tilespmem:s20], [sflag:$0x4] =	stream.linear.gather [hbm4b:s0+s4], $0x400, $0x38;
	[tilespmem:$0x1D000] =	vst v63  }
0x3c: {  	s8 =	sadd.s32 $0x80, s1  }
0x3d: {  	[tilespmem:s21], [sflag:$0x4] =	stream.linear.gather [hbm4b:s8+s4], $0x400, $0x38;
	[tilespmem:$0x1D000] =	vst v63  }
0x3e: {  	s9 =	rddreg [dreg:$0x5]  }
0x3f: {  	[tilespmem:s22], [sflag:$0x2] =	stream.indirect.gather [hbm4b:s5+s18], $0x80, s9, s18, $0xb8;
	[tilespmem:$0x1D000] =	vst v63  }
0x40: {  	_ =	swait.ge [sflag:s23], $0x3E80  }
0x41: {  	[sflag:s23] =	ssyncset.done $0x0  }
0x42: {  	[sflag:s23] =	ssyncadd.s32 $0xFFFFC180  }
0x43: {  	[spmem:s3] =	stream.indirect.scatter.add.f32 [tilespmem:s19], [sflag:$0x5], $0x80, s16, s18, $0xb8;
	[tilespmem:$0x1D000] =	vst v63  }
0x44: {  	_ =	swait.ge [sflag:s15], $0x3E80  }
0x45: {  	[sflag:s15] =	ssyncset.done $0x0  }
0x46: {  	s6 =	rddreg [dreg:$0x6];
	[sflag:s15] =	ssyncadd.s32 $0xFFFFC180  }
0x47: {  	[tilespmem:s19], [sflag:$0x1] =	stream.indirect.gather [hbm4b:s5+s18], $0x80, s6, s18, $0xb8;
	[tilespmem:$0x1D000] =	vst v63  }
0x48: {  	_ =	swait.ge [sflag:s24], $0x3E80  }
0x49: {  	[sflag:s24] =	ssyncset.done $0x0  }
0x4a: {  	s8 =	rddreg [dreg:$0x7];
	[sflag:s24] =	ssyncadd.s32 $0xFFFFC180  }
0x4b: {  	[spmem:s3] =	stream.indirect.scatter.add.f32 [tilespmem:s22], [sflag:$0x5], $0x80, s8, s18, $0xb8;
	[tilespmem:$0x1D000] =	vst v63  }
0x4c: {  	_ =	swait.ge [sflag:s15], $0x3E80  }
0x4d: {  	[sflag:s15] =	ssyncset.done $0x0  }
0x4e: {  	s9 =	rddreg [dreg:$0x8];
	[sflag:s15] =	ssyncadd.s32 $0xFFFFC180  }
0x4f: {  	[tilespmem:s22], [sflag:$0x2] =	stream.indirect.gather [hbm4b:s5+s18], $0x80, s9, s18, $0xb8;
	[tilespmem:$0x1D000] =	vst v63  }
0x50: {  	_ =	swait.ge [sflag:s23], $0x3E80  }
0x51: {  	[sflag:s23] =	ssyncset.done $0x0  }
0x52: {  	s1 =	rddreg [dreg:$0x9];
	[sflag:s23] =	ssyncadd.s32 $0xFFFFC180  }
0x53: {  	[spmem:s3] =	stream.indirect.scatter.add.f32 [tilespmem:s19], [sflag:$0x5], $0x80, s1, s18, $0xb8;
	[tilespmem:$0x1D000] =	vst v63  }
0x54: {  	_ =	swait.ge [sflag:s15], $0x3E80  }
0x55: {  	[sflag:s15] =	ssyncset.done $0x0  }
0x56: {  	s6 =	rddreg [dreg:$0xa];
	[sflag:s15] =	ssyncadd.s32 $0xFFFFC180  }
0x57: {  	[tilespmem:s19], [sflag:$0x1] =	stream.indirect.gather [hbm4b:s5+s18], $0x80, s6, s18, $0xb8;
	[tilespmem:$0x1D000] =	vst v63  }
0x58: {  	_ =	swait.ge [sflag:s24], $0x3E80  }
0x59: {  	[sflag:s24] =	ssyncset.done $0x0  }
0x5a: {  	s8 =	rddreg [dreg:$0xb];
	[sflag:s24] =	ssyncadd.s32 $0xFFFFC180  }
0x5b: {  	[spmem:s3] =	stream.indirect.scatter.add.f32 [tilespmem:s22], [sflag:$0x5], $0x80, s8, s18, $0xb8;
	[tilespmem:$0x1D000] =	vst v63  }
0x5c: {  	_ =	swait.ge [sflag:s15], $0x3E80  }
0x5d: {  	[sflag:s15] =	ssyncset.done $0x0  }
0x5e: {  	s9 =	rddreg [dreg:$0xc];
	[sflag:s15] =	ssyncadd.s32 $0xFFFFC180  }
0x5f: {  	[tilespmem:s22], [sflag:$0x2] =	stream.indirect.gather [hbm4b:s5+s18], $0x80, s9, s18, $0xb8;
	[tilespmem:$0x1D000] =	vst v63  }
0x60: {  	_ =	swait.ge [sflag:s23], $0x3E80  }
0x61: {  	[sflag:s23] =	ssyncset.done $0x0  }
0x62: {  	s1 =	rddreg [dreg:$0xd];
	[sflag:s23] =	ssyncadd.s32 $0xFFFFC180  }
0x63: {  	[spmem:s3] =	stream.indirect.scatter.add.f32 [tilespmem:s19], [sflag:$0x5], $0x80, s1, s18, $0xb8;
	[tilespmem:$0x1D000] =	vst v63  }
0x64: {  	_ =	swait.ge [sflag:s15], $0x3E80  }
0x65: {  	[sflag:s15] =	ssyncset.done $0x0  }
0x66: {  	s6 =	rddreg [dreg:$0xe];
	[sflag:s15] =	ssyncadd.s32 $0xFFFFC180  }
0x67: {  	[tilespmem:s19], [sflag:$0x1] =	stream.indirect.gather [hbm4b:s5+s18], $0x80, s6, s18, $0xb8;
	[tilespmem:$0x1D000] =	vst v63  }
0x68: {  	_ =	swait.ge [sflag:s24], $0x3E80  }
0x69: {  	[sflag:s24] =	ssyncset.done $0x0  }
0x6a: {  	s8 =	rddreg [dreg:$0xf];
	[sflag:s24] =	ssyncadd.s32 $0xFFFFC180  }
0x6b: {  	[spmem:s3] =	stream.indirect.scatter.add.f32 [tilespmem:s22], [sflag:$0x5], $0x80, s8, s18, $0xb8;
	[tilespmem:$0x1D000] =	vst v63  }
0x6c: {  	_ =	swait.ge [sflag:s15], $0x3E80  }
0x6d: {  	[sflag:s15] =	ssyncset.done $0x0  }
0x6e: {  	s9 =	rddreg [dreg:$0x10];
	[sflag:s15] =	ssyncadd.s32 $0xFFFFC180  }
0x6f: {  	[tilespmem:s22], [sflag:$0x2] =	stream.indirect.gather [hbm4b:s5+s18], $0x80, s9, s18, $0xb8;
	[tilespmem:$0x1D000] =	vst v63  }
0x70: {  	_ =	swait.ge [sflag:s23], $0x3E80  }
0x71: {  	[sflag:s23] =	ssyncset.done $0x0  }
0x72: {  	s1 =	rddreg [dreg:$0x11];
	[sflag:s23] =	ssyncadd.s32 $0xFFFFC180  }
0x73: {  	[spmem:s3] =	stream.indirect.scatter.add.f32 [tilespmem:s19], [sflag:$0x5], $0x80, s1, s18, $0xb8;
	[tilespmem:$0x1D000] =	vst v63  }
0x74: {  	_ =	swait.ge [sflag:s15], $0x3E80  }
0x75: {  	[sflag:s15] =	ssyncset.done $0x0  }
0x76: {  	[sflag:s15] =	ssyncadd.s32 $0xFFFFC180  }
0x77: {  	_ =	swait.ge [sflag:s25], $0x400  }
0x78: {  	[sflag:s25] =	ssyncset.done $0x0  }
0x79: {  	[sflag:s25] =	ssyncadd.s32 $0xFFFFFC00  }
0x7a: {  	_ =	swait.ge [sflag:s25], $0x400  }
0x7b: {  	[sflag:s25] =	ssyncset.done $0x0  }
0x7c: {  	[sflag:s25] =	ssyncadd.s32 $0xFFFFFC00  }
0x7d: {  	[tilespmem:s19], [sflag:$0x1] =	stream.indirect.gather [hbm4b:s5+s18], $0x80, s20, s18, $0xb8;
	[tilespmem:$0x1D000] =	vst v63  }
0x7e: {  	_ =	swait.ge [sflag:s24], $0x3E80  }
0x7f: {  	[sflag:s24] =	ssyncset.done $0x0  }
0x80: {  	s6 =	rddreg [dreg:$0x12];
	[sflag:s24] =	ssyncadd.s32 $0xFFFFC180  }
0x81: {  	[spmem:s3] =	stream.indirect.scatter.add.f32 [tilespmem:s22], [sflag:$0x5], $0x80, s6, s18, $0xb8;
	[tilespmem:$0x1D000] =	vst v63  }
0x82: {  	p0 =	por $0x0, $0x0;
	_ =	swait.ge [sflag:s15], $0x3E80  }
0x83: {  	s0 =	sshrl.u32 @!p0 s13, $0x3;
	s1 =	sadd.s32 @!p0 $0x0, s12;
	[sflag:s15] =	ssyncset.done $0x0  }
0x84: {  	s6 =	sadd.s32 @!p0 s2, s0;
	s0 =	simm.s32 @!p0 $0x0;
	[sflag:s15] =	ssyncadd.s32 $0xFFFFC180  }
0x85: {  	[tilespmem:s0], [sflag:$0x3] =	stream.linear.gather @!p0 [hbm4b:s6+s0], $0x400, $0x38;
	[tilespmem:$0x1D000] =	vst v63  }
0x86: {  	s1 =	sadd.s32 @!p0 $0x100, s1;
	s6 =	simm.s32 @!p0 $0x400  }
0x87: {  	[tilespmem:s6], [sflag:$0x3] =	stream.linear.gather @!p0 [hbm4b:s1+s0], $0x400, $0x38;
	[tilespmem:$0x1D000] =	vst v63  }
0x88: {  	s30 =	rddreg [dreg:$0x13]  }
0x89: {  	[tilespmem:s22], [sflag:$0x2] =	stream.indirect.gather [hbm4b:s5+s18], $0x80, s30, s18, $0xb8;
	[tilespmem:$0x1D000] =	vst v63  }
0x8a: {  	_ =	swait.ge [sflag:s23], $0x3E80  }
0x8b: {  	[sflag:s23] =	ssyncset.done $0x0  }
0x8c: {  	[sflag:s23] =	ssyncadd.s32 $0xFFFFC180  }
0x8d: {  	[spmem:s3] =	stream.indirect.scatter.add.f32 [tilespmem:s19], [sflag:$0x5], $0x80, s21, s18, $0xb8;
	[tilespmem:$0x1D000] =	vst v63  }
0x8e: {  	_ =	swait.ge [sflag:s15], $0x3E80  }
0x8f: {  	[sflag:s15] =	ssyncset.done $0x0  }
0x90: {  	s8 =	rddreg [dreg:$0x14];
	[sflag:s15] =	ssyncadd.s32 $0xFFFFC180  }
0x91: {  	[tilespmem:s19], [sflag:$0x1] =	stream.indirect.gather [hbm4b:s5+s18], $0x80, s8, s18, $0xb8;
	[tilespmem:$0x1D000] =	vst v63  }
0x92: {  	_ =	swait.ge [sflag:s24], $0x3E80  }
0x93: {  	[sflag:s24] =	ssyncset.done $0x0  }
0x94: {  	s9 =	rddreg [dreg:$0x15];
	[sflag:s24] =	ssyncadd.s32 $0xFFFFC180  }
0x95: {  	[spmem:s3] =	stream.indirect.scatter.add.f32 [tilespmem:s22], [sflag:$0x5], $0x80, s9, s18, $0xb8;
	[tilespmem:$0x1D000] =	vst v63  }
0x96: {  	_ =	swait.ge [sflag:s15], $0x3E80  }
0x97: {  	[sflag:s15] =	ssyncset.done $0x0  }
0x98: {  	s6 =	rddreg [dreg:$0x16];
	[sflag:s15] =	ssyncadd.s32 $0xFFFFC180  }
0x99: {  	[tilespmem:s22], [sflag:$0x2] =	stream.indirect.gather [hbm4b:s5+s18], $0x80, s6, s18, $0xb8;
	[tilespmem:$0x1D000] =	vst v63  }
0x9a: {  	_ =	swait.ge [sflag:s23], $0x3E80  }
0x9b: {  	[sflag:s23] =	ssyncset.done $0x0  }
0x9c: {  	s8 =	rddreg [dreg:$0x17];
	[sflag:s23] =	ssyncadd.s32 $0xFFFFC180  }
0x9d: {  	[spmem:s3] =	stream.indirect.scatter.add.f32 [tilespmem:s19], [sflag:$0x5], $0x80, s8, s18, $0xb8;
	[tilespmem:$0x1D000] =	vst v63  }
0x9e: {  	_ =	swait.ge [sflag:s15], $0x3E80  }
0x9f: {  	[sflag:s15] =	ssyncset.done $0x0  }
0xa0: {  	s9 =	rddreg [dreg:$0x18];
	[sflag:s15] =	ssyncadd.s32 $0xFFFFC180  }
0xa1: {  	[tilespmem:s19], [sflag:$0x1] =	stream.indirect.gather [hbm4b:s5+s18], $0x80, s9, s18, $0xb8;
	[tilespmem:$0x1D000] =	vst v63  }
0xa2: {  	_ =	swait.ge [sflag:s24], $0x3E80  }
0xa3: {  	[sflag:s24] =	ssyncset.done $0x0  }
0xa4: {  	s6 =	rddreg [dreg:$0x19];
	[sflag:s24] =	ssyncadd.s32 $0xFFFFC180  }
0xa5: {  	[spmem:s3] =	stream.indirect.scatter.add.f32 [tilespmem:s22], [sflag:$0x5], $0x80, s6, s18, $0xb8;
	[tilespmem:$0x1D000] =	vst v63  }
0xa6: {  	_ =	swait.ge [sflag:s15], $0x3E80  }
0xa7: {  	[sflag:s15] =	ssyncset.done $0x0  }
0xa8: {  	s8 =	rddreg [dreg:$0x1a];
	[sflag:s15] =	ssyncadd.s32 $0xFFFFC180  }
0xa9: {  	[tilespmem:s22], [sflag:$0x2] =	stream.indirect.gather [hbm4b:s5+s18], $0x80, s8, s18, $0xb8;
	[tilespmem:$0x1D000] =	vst v63  }
0xaa: {  	_ =	swait.ge [sflag:s23], $0x3E80  }
0xab: {  	[sflag:s23] =	ssyncset.done $0x0  }
0xac: {  	s9 =	rddreg [dreg:$0x1b];
	[sflag:s23] =	ssyncadd.s32 $0xFFFFC180  }
0xad: {  	[spmem:s3] =	stream.indirect.scatter.add.f32 [tilespmem:s19], [sflag:$0x5], $0x80, s9, s18, $0xb8;
	[tilespmem:$0x1D000] =	vst v63  }
0xae: {  	_ =	swait.ge [sflag:s15], $0x3E80  }
0xaf: {  	[sflag:s15] =	ssyncset.done $0x0  }
0xb0: {  	s6 =	rddreg [dreg:$0x1c];
	[sflag:s15] =	ssyncadd.s32 $0xFFFFC180  }
0xb1: {  	[tilespmem:s19], [sflag:$0x1] =	stream.indirect.gather [hbm4b:s5+s18], $0x80, s6, s18, $0xb8;
	[tilespmem:$0x1D000] =	vst v63  }
0xb2: {  	_ =	swait.ge [sflag:s24], $0x3E80  }
0xb3: {  	[sflag:s24] =	ssyncset.done $0x0  }
0xb4: {  	s8 =	rddreg [dreg:$0x1d];
	[sflag:s24] =	ssyncadd.s32 $0xFFFFC180  }
0xb5: {  	[spmem:s3] =	stream.indirect.scatter.add.f32 [tilespmem:s22], [sflag:$0x5], $0x80, s8, s18, $0xb8;
	[tilespmem:$0x1D000] =	vst v63  }
0xb6: {  	_ =	swait.ge [sflag:s15], $0x3E80  }
0xb7: {  	[sflag:s15] =	ssyncset.done $0x0  }
0xb8: {  	s9 =	rddreg [dreg:$0x1e];
	[sflag:s15] =	ssyncadd.s32 $0xFFFFC180  }
0xb9: {  	[tilespmem:s22], [sflag:$0x2] =	stream.indirect.gather [hbm4b:s5+s18], $0x80, s9, s18, $0xb8;
	[tilespmem:$0x1D000] =	vst v63  }
0xba: {  	_ =	swait.ge [sflag:s23], $0x3E80  }
0xbb: {  	[sflag:s23] =	ssyncset.done $0x0  }
0xbc: {  	[sflag:s23] =	ssyncadd.s32 $0xFFFFC180  }
0xbd: {  	[spmem:s3] =	stream.indirect.scatter.add.f32 [tilespmem:s19], [sflag:$0x5], $0x80, s26, s18, $0xb8;
	[tilespmem:$0x1D000] =	vst v63  }
0xbe: {  	_ =	swait.ge [sflag:s15], $0x3E80  }
0xbf: {  	[sflag:s15] =	ssyncset.done $0x0  }
0xc0: {  	s1 =	simm.s32 @!p0 $0x3;
	[sflag:s15] =	ssyncadd.s32 $0xFFFFC180  }
0xc1: {  	_ =	swait.ge @!p0 [sflag:s1], $0x400  }
0xc2: {  	[sflag:s1] =	ssyncset.done @!p0 $0x0  }
0xc3: {  	[sflag:s1] =	ssyncadd.s32 @!p0 $0xFFFFFC00  }
0xc4: {  	_ =	swait.ge @!p0 [sflag:s1], $0x400  }
0xc5: {  	[sflag:s1] =	ssyncset.done @!p0 $0x0  }
0xc6: {  	s6 =	simm.s32 @!p0 $0x1000;
	[sflag:s1] =	ssyncadd.s32 @!p0 $0xFFFFFC00;
	s1 =	simm.s32 @!p0 $0x7D  }
0xc7: {  	[tilespmem:s6], [sflag:$0x1] =	stream.indirect.gather @!p0 [hbm4b:s5+s1], $0x80, s0, s1, $0xb8;
	[tilespmem:$0x1D000] =	vst v63  }
0xc8: {  	_ =	swait.ge [sflag:s24], $0x3E80  }
0xc9: {  	[sflag:s24] =	ssyncset.done $0x0  }
0xca: {  	[sflag:s24] =	ssyncadd.s32 $0xFFFFC180  }
0xcb: {  	[spmem:s3] =	stream.indirect.scatter.add.f32 [tilespmem:s22], [sflag:$0x5], $0x80, s28, s18, $0xb8;
	[tilespmem:$0x1D000] =	vst v63  }
0xcc: {  	s31 =	simm.s32 $0x100;
	s30 =	smov.u32 s13;
	_ =	swait.ge [sflag:s15], $0x3E80  }
0xcd: {  	s1 =	simm.s32 $0x200;
	s6 =	rddreg [dreg:$0x4];
	[sflag:s15] =	ssyncset.done $0x0  }
.LBB2_2:
0xce: {  	[sflag:s15] =	ssyncadd.s32 $0xFFFFC180;
	s6 =	sadd.s32 s31, s6;
	s8 =	sadd.s32 s31, s12  }
0xcf: {  	[tilespmem:s20], [sflag:$0x4] =	stream.linear.gather [hbm4b:s6+s4], $0x400, $0x38;
	[tilespmem:$0x1D000] =	vst v63  }
0xd0: {  	s8 =	sadd.s32 $0x80, s8  }
0xd1: {  	[tilespmem:s21], [sflag:$0x4] =	stream.linear.gather [hbm4b:s8+s4], $0x400, $0x38;
	[tilespmem:$0x1D000] =	vst v63  }
0xd2: {  	s9 =	rddreg [dreg:$0x5]  }
0xd3: {  	[tilespmem:s22], [sflag:$0x2] =	stream.indirect.gather [hbm4b:s5+s18], $0x80, s9, s18, $0xb8;
	[tilespmem:$0x1D000] =	vst v63  }
0xd4: {  	_ =	swait.ge [sflag:s23], $0x3E80  }
0xd5: {  	[sflag:s23] =	ssyncset.done $0x0  }
0xd6: {  	[sflag:s23] =	ssyncadd.s32 $0xFFFFC180  }
0xd7: {  	[spmem:s3] =	stream.indirect.scatter.add.f32 [tilespmem:s19], [sflag:$0x5], $0x80, s16, s18, $0xb8;
	[tilespmem:$0x1D000] =	vst v63  }
0xd8: {  	_ =	swait.ge [sflag:s15], $0x3E80  }
0xd9: {  	[sflag:s15] =	ssyncset.done $0x0  }
0xda: {  	s8 =	rddreg [dreg:$0x6];
	[sflag:s15] =	ssyncadd.s32 $0xFFFFC180  }
0xdb: {  	[tilespmem:s19], [sflag:$0x1] =	stream.indirect.gather [hbm4b:s5+s18], $0x80, s8, s18, $0xb8;
	[tilespmem:$0x1D000] =	vst v63  }
0xdc: {  	_ =	swait.ge [sflag:s24], $0x3E80  }
0xdd: {  	[sflag:s24] =	ssyncset.done $0x0  }
0xde: {  	s9 =	rddreg [dreg:$0x7];
	[sflag:s24] =	ssyncadd.s32 $0xFFFFC180  }
0xdf: {  	[spmem:s3] =	stream.indirect.scatter.add.f32 [tilespmem:s22], [sflag:$0x5], $0x80, s9, s18, $0xb8;
	[tilespmem:$0x1D000] =	vst v63  }
0xe0: {  	_ =	swait.ge [sflag:s15], $0x3E80  }
0xe1: {  	[sflag:s15] =	ssyncset.done $0x0  }
0xe2: {  	s8 =	rddreg [dreg:$0x8];
	[sflag:s15] =	ssyncadd.s32 $0xFFFFC180  }
0xe3: {  	[tilespmem:s22], [sflag:$0x2] =	stream.indirect.gather [hbm4b:s5+s18], $0x80, s8, s18, $0xb8;
	[tilespmem:$0x1D000] =	vst v63  }
0xe4: {  	_ =	swait.ge [sflag:s23], $0x3E80  }
0xe5: {  	[sflag:s23] =	ssyncset.done $0x0  }
0xe6: {  	s9 =	rddreg [dreg:$0x9];
	[sflag:s23] =	ssyncadd.s32 $0xFFFFC180  }
0xe7: {  	[spmem:s3] =	stream.indirect.scatter.add.f32 [tilespmem:s19], [sflag:$0x5], $0x80, s9, s18, $0xb8;
	[tilespmem:$0x1D000] =	vst v63  }
0xe8: {  	_ =	swait.ge [sflag:s15], $0x3E80  }
0xe9: {  	[sflag:s15] =	ssyncset.done $0x0  }
0xea: {  	s8 =	rddreg [dreg:$0xa];
	[sflag:s15] =	ssyncadd.s32 $0xFFFFC180  }
0xeb: {  	[tilespmem:s19], [sflag:$0x1] =	stream.indirect.gather [hbm4b:s5+s18], $0x80, s8, s18, $0xb8;
	[tilespmem:$0x1D000] =	vst v63  }
0xec: {  	_ =	swait.ge [sflag:s24], $0x3E80  }
0xed: {  	[sflag:s24] =	ssyncset.done $0x0  }
0xee: {  	s9 =	rddreg [dreg:$0xb];
	[sflag:s24] =	ssyncadd.s32 $0xFFFFC180  }
0xef: {  	[spmem:s3] =	stream.indirect.scatter.add.f32 [tilespmem:s22], [sflag:$0x5], $0x80, s9, s18, $0xb8;
	[tilespmem:$0x1D000] =	vst v63  }
0xf0: {  	_ =	swait.ge [sflag:s15], $0x3E80  }
0xf1: {  	[sflag:s15] =	ssyncset.done $0x0  }
0xf2: {  	s8 =	rddreg [dreg:$0xc];
	[sflag:s15] =	ssyncadd.s32 $0xFFFFC180  }
0xf3: {  	[tilespmem:s22], [sflag:$0x2] =	stream.indirect.gather [hbm4b:s5+s18], $0x80, s8, s18, $0xb8;
	[tilespmem:$0x1D000] =	vst v63  }
0xf4: {  	_ =	swait.ge [sflag:s23], $0x3E80  }
0xf5: {  	[sflag:s23] =	ssyncset.done $0x0  }
0xf6: {  	s9 =	rddreg [dreg:$0xd];
	[sflag:s23] =	ssyncadd.s32 $0xFFFFC180  }
0xf7: {  	[spmem:s3] =	stream.indirect.scatter.add.f32 [tilespmem:s19], [sflag:$0x5], $0x80, s9, s18, $0xb8;
	[tilespmem:$0x1D000] =	vst v63  }
0xf8: {  	_ =	swait.ge [sflag:s15], $0x3E80  }
0xf9: {  	[sflag:s15] =	ssyncset.done $0x0  }
0xfa: {  	s8 =	rddreg [dreg:$0xe];
	[sflag:s15] =	ssyncadd.s32 $0xFFFFC180  }
0xfb: {  	[tilespmem:s19], [sflag:$0x1] =	stream.indirect.gather [hbm4b:s5+s18], $0x80, s8, s18, $0xb8;
	[tilespmem:$0x1D000] =	vst v63  }
0xfc: {  	_ =	swait.ge [sflag:s24], $0x3E80  }
0xfd: {  	[sflag:s24] =	ssyncset.done $0x0  }
0xfe: {  	s9 =	rddreg [dreg:$0xf];
	[sflag:s24] =	ssyncadd.s32 $0xFFFFC180  }
0xff: {  	[spmem:s3] =	stream.indirect.scatter.add.f32 [tilespmem:s22], [sflag:$0x5], $0x80, s9, s18, $0xb8;
	[tilespmem:$0x1D000] =	vst v63  }
0x100: {  	_ =	swait.ge [sflag:s15], $0x3E80  }
0x101: {  	[sflag:s15] =	ssyncset.done $0x0  }
0x102: {  	s8 =	rddreg [dreg:$0x10];
	[sflag:s15] =	ssyncadd.s32 $0xFFFFC180  }
0x103: {  	[tilespmem:s22], [sflag:$0x2] =	stream.indirect.gather [hbm4b:s5+s18], $0x80, s8, s18, $0xb8;
	[tilespmem:$0x1D000] =	vst v63  }
0x104: {  	_ =	swait.ge [sflag:s23], $0x3E80  }
0x105: {  	[sflag:s23] =	ssyncset.done $0x0  }
0x106: {  	s9 =	rddreg [dreg:$0x11];
	[sflag:s23] =	ssyncadd.s32 $0xFFFFC180  }
0x107: {  	[spmem:s3] =	stream.indirect.scatter.add.f32 [tilespmem:s19], [sflag:$0x5], $0x80, s9, s18, $0xb8;
	[tilespmem:$0x1D000] =	vst v63  }
0x108: {  	_ =	swait.ge [sflag:s15], $0x3E80  }
0x109: {  	[sflag:s15] =	ssyncset.done $0x0  }
0x10a: {  	[sflag:s15] =	ssyncadd.s32 $0xFFFFC180  }
0x10b: {  	_ =	swait.ge [sflag:s25], $0x400  }
0x10c: {  	[sflag:s25] =	ssyncset.done $0x0  }
0x10d: {  	[sflag:s25] =	ssyncadd.s32 $0xFFFFFC00  }
0x10e: {  	_ =	swait.ge [sflag:s25], $0x400  }
0x10f: {  	[sflag:s25] =	ssyncset.done $0x0  }
0x110: {  	[sflag:s25] =	ssyncadd.s32 $0xFFFFFC00  }
0x111: {  	[tilespmem:s19], [sflag:$0x1] =	stream.indirect.gather [hbm4b:s5+s18], $0x80, s20, s18, $0xb8;
	[tilespmem:$0x1D000] =	vst v63  }
0x112: {  	_ =	swait.ge [sflag:s24], $0x3E80  }
0x113: {  	[sflag:s24] =	ssyncset.done $0x0  }
0x114: {  	s8 =	rddreg [dreg:$0x12];
	[sflag:s24] =	ssyncadd.s32 $0xFFFFC180  }
0x115: {  	[spmem:s3] =	stream.indirect.scatter.add.f32 [tilespmem:s22], [sflag:$0x5], $0x80, s8, s18, $0xb8;
	[tilespmem:$0x1D000] =	vst v63  }
0x116: {  	s30 =	sadd.s32 $0x800, s30;
	p1 =	seq.s32 s31, $0x400;
	_ =	swait.ge [sflag:s15], $0x3E80  }
0x117: {  	s6 =	sshrl.u32 @!p1 s30, $0x3;
	s8 =	sadd.s32 @!p1 s31, s12;
	[sflag:s15] =	ssyncset.done $0x0  }
0x118: {  	s31 =	sadd.s32 @!p1 s2, s6;
	s6 =	simm.s32 @!p1 $0x0;
	[sflag:s15] =	ssyncadd.s32 $0xFFFFC180  }
0x119: {  	[tilespmem:s6], [sflag:$0x3] =	stream.linear.gather @!p1 [hbm4b:s31+s6], $0x400, $0x38;
	[tilespmem:$0x1D000] =	vst v63  }
0x11a: {  	s8 =	sadd.s32 @!p1 $0x100, s8;
	s31 =	simm.s32 @!p1 $0x400  }
0x11b: {  	[tilespmem:s31], [sflag:$0x3] =	stream.linear.gather @!p1 [hbm4b:s8+s6], $0x400, $0x38;
	[tilespmem:$0x1D000] =	vst v63  }
0x11c: {  	s9 =	rddreg [dreg:$0x13]  }
0x11d: {  	[tilespmem:s22], [sflag:$0x2] =	stream.indirect.gather [hbm4b:s5+s18], $0x80, s9, s18, $0xb8;
	[tilespmem:$0x1D000] =	vst v63  }
0x11e: {  	_ =	swait.ge [sflag:s23], $0x3E80  }
0x11f: {  	[sflag:s23] =	ssyncset.done $0x0  }
0x120: {  	[sflag:s23] =	ssyncadd.s32 $0xFFFFC180  }
0x121: {  	[spmem:s3] =	stream.indirect.scatter.add.f32 [tilespmem:s19], [sflag:$0x5], $0x80, s21, s18, $0xb8;
	[tilespmem:$0x1D000] =	vst v63  }
0x122: {  	_ =	swait.ge [sflag:s15], $0x3E80  }
0x123: {  	[sflag:s15] =	ssyncset.done $0x0  }
0x124: {  	s9 =	rddreg [dreg:$0x14];
	[sflag:s15] =	ssyncadd.s32 $0xFFFFC180  }
0x125: {  	[tilespmem:s19], [sflag:$0x1] =	stream.indirect.gather [hbm4b:s5+s18], $0x80, s9, s18, $0xb8;
	[tilespmem:$0x1D000] =	vst v63  }
0x126: {  	_ =	swait.ge [sflag:s24], $0x3E80  }
0x127: {  	[sflag:s24] =	ssyncset.done $0x0  }
0x128: {  	s8 =	rddreg [dreg:$0x15];
	[sflag:s24] =	ssyncadd.s32 $0xFFFFC180  }
0x129: {  	[spmem:s3] =	stream.indirect.scatter.add.f32 [tilespmem:s22], [sflag:$0x5], $0x80, s8, s18, $0xb8;
	[tilespmem:$0x1D000] =	vst v63  }
0x12a: {  	_ =	swait.ge [sflag:s15], $0x3E80  }
0x12b: {  	[sflag:s15] =	ssyncset.done $0x0  }
0x12c: {  	s9 =	rddreg [dreg:$0x16];
	[sflag:s15] =	ssyncadd.s32 $0xFFFFC180  }
0x12d: {  	[tilespmem:s22], [sflag:$0x2] =	stream.indirect.gather [hbm4b:s5+s18], $0x80, s9, s18, $0xb8;
	[tilespmem:$0x1D000] =	vst v63  }
0x12e: {  	_ =	swait.ge [sflag:s23], $0x3E80  }
0x12f: {  	[sflag:s23] =	ssyncset.done $0x0  }
0x130: {  	s8 =	rddreg [dreg:$0x17];
	[sflag:s23] =	ssyncadd.s32 $0xFFFFC180  }
0x131: {  	[spmem:s3] =	stream.indirect.scatter.add.f32 [tilespmem:s19], [sflag:$0x5], $0x80, s8, s18, $0xb8;
	[tilespmem:$0x1D000] =	vst v63  }
0x132: {  	_ =	swait.ge [sflag:s15], $0x3E80  }
0x133: {  	[sflag:s15] =	ssyncset.done $0x0  }
0x134: {  	s9 =	rddreg [dreg:$0x18];
	[sflag:s15] =	ssyncadd.s32 $0xFFFFC180  }
0x135: {  	[tilespmem:s19], [sflag:$0x1] =	stream.indirect.gather [hbm4b:s5+s18], $0x80, s9, s18, $0xb8;
	[tilespmem:$0x1D000] =	vst v63  }
0x136: {  	_ =	swait.ge [sflag:s24], $0x3E80  }
0x137: {  	[sflag:s24] =	ssyncset.done $0x0  }
0x138: {  	s8 =	rddreg [dreg:$0x19];
	[sflag:s24] =	ssyncadd.s32 $0xFFFFC180  }
0x139: {  	[spmem:s3] =	stream.indirect.scatter.add.f32 [tilespmem:s22], [sflag:$0x5], $0x80, s8, s18, $0xb8;
	[tilespmem:$0x1D000] =	vst v63  }
0x13a: {  	_ =	swait.ge [sflag:s15], $0x3E80  }
0x13b: {  	[sflag:s15] =	ssyncset.done $0x0  }
0x13c: {  	s9 =	rddreg [dreg:$0x1a];
	[sflag:s15] =	ssyncadd.s32 $0xFFFFC180  }
0x13d: {  	[tilespmem:s22], [sflag:$0x2] =	stream.indirect.gather [hbm4b:s5+s18], $0x80, s9, s18, $0xb8;
	[tilespmem:$0x1D000] =	vst v63  }
0x13e: {  	_ =	swait.ge [sflag:s23], $0x3E80  }
0x13f: {  	[sflag:s23] =	ssyncset.done $0x0  }
0x140: {  	s8 =	rddreg [dreg:$0x1b];
	[sflag:s23] =	ssyncadd.s32 $0xFFFFC180  }
0x141: {  	[spmem:s3] =	stream.indirect.scatter.add.f32 [tilespmem:s19], [sflag:$0x5], $0x80, s8, s18, $0xb8;
	[tilespmem:$0x1D000] =	vst v63  }
0x142: {  	_ =	swait.ge [sflag:s15], $0x3E80  }
0x143: {  	[sflag:s15] =	ssyncset.done $0x0  }
0x144: {  	s9 =	rddreg [dreg:$0x1c];
	[sflag:s15] =	ssyncadd.s32 $0xFFFFC180  }
0x145: {  	[tilespmem:s19], [sflag:$0x1] =	stream.indirect.gather [hbm4b:s5+s18], $0x80, s9, s18, $0xb8;
	[tilespmem:$0x1D000] =	vst v63  }
0x146: {  	_ =	swait.ge [sflag:s24], $0x3E80  }
0x147: {  	[sflag:s24] =	ssyncset.done $0x0  }
0x148: {  	s8 =	rddreg [dreg:$0x1d];
	[sflag:s24] =	ssyncadd.s32 $0xFFFFC180  }
0x149: {  	[spmem:s3] =	stream.indirect.scatter.add.f32 [tilespmem:s22], [sflag:$0x5], $0x80, s8, s18, $0xb8;
	[tilespmem:$0x1D000] =	vst v63  }
0x14a: {  	_ =	swait.ge [sflag:s15], $0x3E80  }
0x14b: {  	[sflag:s15] =	ssyncset.done $0x0  }
0x14c: {  	s9 =	rddreg [dreg:$0x1e];
	[sflag:s15] =	ssyncadd.s32 $0xFFFFC180  }
0x14d: {  	[tilespmem:s22], [sflag:$0x2] =	stream.indirect.gather [hbm4b:s5+s18], $0x80, s9, s18, $0xb8;
	[tilespmem:$0x1D000] =	vst v63  }
0x14e: {  	_ =	swait.ge [sflag:s23], $0x3E80  }
0x14f: {  	[sflag:s23] =	ssyncset.done $0x0  }
0x150: {  	[sflag:s23] =	ssyncadd.s32 $0xFFFFC180  }
0x151: {  	[spmem:s3] =	stream.indirect.scatter.add.f32 [tilespmem:s19], [sflag:$0x5], $0x80, s26, s18, $0xb8;
	[tilespmem:$0x1D000] =	vst v63  }
0x152: {  	_ =	swait.ge [sflag:s15], $0x3E80  }
0x153: {  	s0 =	smov.u32 s1;
	[sflag:s15] =	ssyncset.done $0x0  }
0x154: {  	s31 =	smov.u32 s0;
	s0 =	simm.s32 @!p1 $0x3;
	[sflag:s15] =	ssyncadd.s32 $0xFFFFC180  }
0x155: {  	_ =	swait.ge @!p1 [sflag:s0], $0x400  }
0x156: {  	[sflag:s0] =	ssyncset.done @!p1 $0x0  }
0x157: {  	[sflag:s0] =	ssyncadd.s32 @!p1 $0xFFFFFC00  }
0x158: {  	_ =	swait.ge @!p1 [sflag:s0], $0x400  }
0x159: {  	s1 =	sadd.s32 $0x100, s1;
	[sflag:s0] =	ssyncset.done @!p1 $0x0  }
0x15a: {  	s8 =	simm.s32 @!p1 $0x1000;
	[sflag:s0] =	ssyncadd.s32 @!p1 $0xFFFFFC00;
	s0 =	simm.s32 @!p1 $0x7D  }
0x15b: {  	[tilespmem:s8], [sflag:$0x1] =	stream.indirect.gather @!p1 [hbm4b:s5+s0], $0x80, s6, s0, $0xb8;
	[tilespmem:$0x1D000] =	vst v63  }
0x15c: {  	p0 =	sne.s32 s1, $0x500;
	_ =	swait.ge [sflag:s24], $0x3E80  }
.Ltmp0:
0x15d: {  	[sflag:s24] =	ssyncset.done $0x0;
	(pc) =	sbr.rel @p0 .LBB2_2-.Ltmp0, $4  }
0x15e: {  	[sflag:s24] =	ssyncadd.s32 $0xFFFFC180  }
0x15f: {  	[spmem:s3] =	stream.indirect.scatter.add.f32 [tilespmem:s22], [sflag:$0x5], $0x80, s28, s18, $0xb8;
	[tilespmem:$0x1D000] =	vst v63  }
0x160: {  	_ =	swait.ge [sflag:s15], $0x3E80  }
0x161: {  	s6 =	rddreg [dreg:$0x4];
	[sflag:s15] =	ssyncset.done $0x0  }
0x162: {  	[sflag:s15] =	ssyncadd.s32 $0xFFFFC180;
	s0 =	sadd.s32 s31, s6;
	s1 =	sadd.s32 s31, s12  }
0x163: {  	[tilespmem:s20], [sflag:$0x4] =	stream.linear.gather [hbm4b:s0+s4], $0x400, $0x38;
	[tilespmem:$0x1D000] =	vst v63  }
0x164: {  	s6 =	sadd.s32 $0x80, s1  }
0x165: {  	[tilespmem:s21], [sflag:$0x4] =	stream.linear.gather [hbm4b:s6+s4], $0x400, $0x38;
	[tilespmem:$0x1D000] =	vst v63  }
0x166: {  	s8 =	rddreg [dreg:$0x5]  }
0x167: {  	[tilespmem:s22], [sflag:$0x2] =	stream.indirect.gather [hbm4b:s5+s18], $0x80, s8, s18, $0xb8;
	[tilespmem:$0x1D000] =	vst v63  }
0x168: {  	_ =	swait.ge [sflag:s23], $0x3E80  }
0x169: {  	[sflag:s23] =	ssyncset.done $0x0  }
0x16a: {  	[sflag:s23] =	ssyncadd.s32 $0xFFFFC180  }
0x16b: {  	[spmem:s3] =	stream.indirect.scatter.add.f32 [tilespmem:s19], [sflag:$0x5], $0x80, s16, s18, $0xb8;
	[tilespmem:$0x1D000] =	vst v63  }
0x16c: {  	_ =	swait.ge [sflag:s15], $0x3E80  }
0x16d: {  	[sflag:s15] =	ssyncset.done $0x0  }
0x16e: {  	s9 =	rddreg [dreg:$0x6];
	[sflag:s15] =	ssyncadd.s32 $0xFFFFC180  }
0x16f: {  	[tilespmem:s19], [sflag:$0x1] =	stream.indirect.gather [hbm4b:s5+s18], $0x80, s9, s18, $0xb8;
	[tilespmem:$0x1D000] =	vst v63  }
0x170: {  	_ =	swait.ge [sflag:s24], $0x3E80  }
0x171: {  	[sflag:s24] =	ssyncset.done $0x0  }
0x172: {  	s1 =	rddreg [dreg:$0x7];
	[sflag:s24] =	ssyncadd.s32 $0xFFFFC180  }
0x173: {  	[spmem:s3] =	stream.indirect.scatter.add.f32 [tilespmem:s22], [sflag:$0x5], $0x80, s1, s18, $0xb8;
	[tilespmem:$0x1D000] =	vst v63  }
0x174: {  	_ =	swait.ge [sflag:s15], $0x3E80  }
0x175: {  	[sflag:s15] =	ssyncset.done $0x0  }
0x176: {  	s6 =	rddreg [dreg:$0x8];
	[sflag:s15] =	ssyncadd.s32 $0xFFFFC180  }
0x177: {  	[tilespmem:s22], [sflag:$0x2] =	stream.indirect.gather [hbm4b:s5+s18], $0x80, s6, s18, $0xb8;
	[tilespmem:$0x1D000] =	vst v63  }
0x178: {  	_ =	swait.ge [sflag:s23], $0x3E80  }
0x179: {  	[sflag:s23] =	ssyncset.done $0x0  }
0x17a: {  	s8 =	rddreg [dreg:$0x9];
	[sflag:s23] =	ssyncadd.s32 $0xFFFFC180  }
0x17b: {  	[spmem:s3] =	stream.indirect.scatter.add.f32 [tilespmem:s19], [sflag:$0x5], $0x80, s8, s18, $0xb8;
	[tilespmem:$0x1D000] =	vst v63  }
0x17c: {  	_ =	swait.ge [sflag:s15], $0x3E80  }
0x17d: {  	[sflag:s15] =	ssyncset.done $0x0  }
0x17e: {  	s9 =	rddreg [dreg:$0xa];
	[sflag:s15] =	ssyncadd.s32 $0xFFFFC180  }
0x17f: {  	[tilespmem:s19], [sflag:$0x1] =	stream.indirect.gather [hbm4b:s5+s18], $0x80, s9, s18, $0xb8;
	[tilespmem:$0x1D000] =	vst v63  }
0x180: {  	_ =	swait.ge [sflag:s24], $0x3E80  }
0x181: {  	[sflag:s24] =	ssyncset.done $0x0  }
0x182: {  	s1 =	rddreg [dreg:$0xb];
	[sflag:s24] =	ssyncadd.s32 $0xFFFFC180  }
0x183: {  	[spmem:s3] =	stream.indirect.scatter.add.f32 [tilespmem:s22], [sflag:$0x5], $0x80, s1, s18, $0xb8;
	[tilespmem:$0x1D000] =	vst v63  }
0x184: {  	_ =	swait.ge [sflag:s15], $0x3E80  }
0x185: {  	[sflag:s15] =	ssyncset.done $0x0  }
0x186: {  	s6 =	rddreg [dreg:$0xc];
	[sflag:s15] =	ssyncadd.s32 $0xFFFFC180  }
0x187: {  	[tilespmem:s22], [sflag:$0x2] =	stream.indirect.gather [hbm4b:s5+s18], $0x80, s6, s18, $0xb8;
	[tilespmem:$0x1D000] =	vst v63  }
0x188: {  	_ =	swait.ge [sflag:s23], $0x3E80  }
0x189: {  	[sflag:s23] =	ssyncset.done $0x0  }
0x18a: {  	s8 =	rddreg [dreg:$0xd];
	[sflag:s23] =	ssyncadd.s32 $0xFFFFC180  }
0x18b: {  	[spmem:s3] =	stream.indirect.scatter.add.f32 [tilespmem:s19], [sflag:$0x5], $0x80, s8, s18, $0xb8;
	[tilespmem:$0x1D000] =	vst v63  }
0x18c: {  	_ =	swait.ge [sflag:s15], $0x3E80  }
0x18d: {  	[sflag:s15] =	ssyncset.done $0x0  }
0x18e: {  	s9 =	rddreg [dreg:$0xe];
	[sflag:s15] =	ssyncadd.s32 $0xFFFFC180  }
0x18f: {  	[tilespmem:s19], [sflag:$0x1] =	stream.indirect.gather [hbm4b:s5+s18], $0x80, s9, s18, $0xb8;
	[tilespmem:$0x1D000] =	vst v63  }
0x190: {  	_ =	swait.ge [sflag:s24], $0x3E80  }
0x191: {  	[sflag:s24] =	ssyncset.done $0x0  }
0x192: {  	s1 =	rddreg [dreg:$0xf];
	[sflag:s24] =	ssyncadd.s32 $0xFFFFC180  }
0x193: {  	[spmem:s3] =	stream.indirect.scatter.add.f32 [tilespmem:s22], [sflag:$0x5], $0x80, s1, s18, $0xb8;
	[tilespmem:$0x1D000] =	vst v63  }
0x194: {  	_ =	swait.ge [sflag:s15], $0x3E80  }
0x195: {  	[sflag:s15] =	ssyncset.done $0x0  }
0x196: {  	s6 =	rddreg [dreg:$0x10];
	[sflag:s15] =	ssyncadd.s32 $0xFFFFC180  }
0x197: {  	[tilespmem:s22], [sflag:$0x2] =	stream.indirect.gather [hbm4b:s5+s18], $0x80, s6, s18, $0xb8;
	[tilespmem:$0x1D000] =	vst v63  }
0x198: {  	_ =	swait.ge [sflag:s23], $0x3E80  }
0x199: {  	[sflag:s23] =	ssyncset.done $0x0  }
0x19a: {  	s8 =	rddreg [dreg:$0x11];
	[sflag:s23] =	ssyncadd.s32 $0xFFFFC180  }
0x19b: {  	[spmem:s3] =	stream.indirect.scatter.add.f32 [tilespmem:s19], [sflag:$0x5], $0x80, s8, s18, $0xb8;
	[tilespmem:$0x1D000] =	vst v63  }
0x19c: {  	_ =	swait.ge [sflag:s15], $0x3E80  }
0x19d: {  	[sflag:s15] =	ssyncset.done $0x0  }
0x19e: {  	[sflag:s15] =	ssyncadd.s32 $0xFFFFC180  }
0x19f: {  	_ =	swait.ge [sflag:s25], $0x400  }
0x1a0: {  	[sflag:s25] =	ssyncset.done $0x0  }
0x1a1: {  	[sflag:s25] =	ssyncadd.s32 $0xFFFFFC00  }
0x1a2: {  	_ =	swait.ge [sflag:s25], $0x400  }
0x1a3: {  	[sflag:s25] =	ssyncset.done $0x0  }
0x1a4: {  	[sflag:s25] =	ssyncadd.s32 $0xFFFFFC00  }
0x1a5: {  	[tilespmem:s19], [sflag:$0x1] =	stream.indirect.gather [hbm4b:s5+s18], $0x80, s20, s18, $0xb8;
	[tilespmem:$0x1D000] =	vst v63  }
0x1a6: {  	_ =	swait.ge [sflag:s24], $0x3E80  }
0x1a7: {  	[sflag:s24] =	ssyncset.done $0x0  }
0x1a8: {  	s9 =	rddreg [dreg:$0x12];
	[sflag:s24] =	ssyncadd.s32 $0xFFFFC180  }
0x1a9: {  	[spmem:s3] =	stream.indirect.scatter.add.f32 [tilespmem:s22], [sflag:$0x5], $0x80, s9, s18, $0xb8;
	[tilespmem:$0x1D000] =	vst v63  }
0x1aa: {  	p0 =	seq.s32 s31, $0x400;
	s0 =	sadd.s32 $0x800, s30;
	_ =	swait.ge [sflag:s15], $0x3E80  }
0x1ab: {  	s0 =	sshrl.u32 @!p0 s0, $0x3;
	s1 =	sadd.s32 @!p0 s31, s12;
	[sflag:s15] =	ssyncset.done $0x0  }
0x1ac: {  	s6 =	sadd.s32 @!p0 s2, s0;
	s0 =	simm.s32 @!p0 $0x0;
	[sflag:s15] =	ssyncadd.s32 $0xFFFFC180  }
0x1ad: {  	[tilespmem:s0], [sflag:$0x3] =	stream.linear.gather @!p0 [hbm4b:s6+s0], $0x400, $0x38;
	[tilespmem:$0x1D000] =	vst v63  }
0x1ae: {  	s1 =	sadd.s32 @!p0 $0x100, s1;
	s6 =	simm.s32 @!p0 $0x400  }
0x1af: {  	[tilespmem:s6], [sflag:$0x3] =	stream.linear.gather @!p0 [hbm4b:s1+s0], $0x400, $0x38;
	[tilespmem:$0x1D000] =	vst v63  }
0x1b0: {  	s8 =	rddreg [dreg:$0x13]  }
0x1b1: {  	[tilespmem:s22], [sflag:$0x2] =	stream.indirect.gather [hbm4b:s5+s18], $0x80, s8, s18, $0xb8;
	[tilespmem:$0x1D000] =	vst v63  }
0x1b2: {  	_ =	swait.ge [sflag:s23], $0x3E80  }
0x1b3: {  	[sflag:s23] =	ssyncset.done $0x0  }
0x1b4: {  	[sflag:s23] =	ssyncadd.s32 $0xFFFFC180  }
0x1b5: {  	[spmem:s3] =	stream.indirect.scatter.add.f32 [tilespmem:s19], [sflag:$0x5], $0x80, s21, s18, $0xb8;
	[tilespmem:$0x1D000] =	vst v63  }
0x1b6: {  	_ =	swait.ge [sflag:s15], $0x3E80  }
0x1b7: {  	[sflag:s15] =	ssyncset.done $0x0  }
0x1b8: {  	s31 =	rddreg [dreg:$0x14];
	[sflag:s15] =	ssyncadd.s32 $0xFFFFC180  }
0x1b9: {  	[tilespmem:s19], [sflag:$0x1] =	stream.indirect.gather [hbm4b:s5+s18], $0x80, s31, s18, $0xb8;
	[tilespmem:$0x1D000] =	vst v63  }
0x1ba: {  	_ =	swait.ge [sflag:s24], $0x3E80  }
0x1bb: {  	[sflag:s24] =	ssyncset.done $0x0  }
0x1bc: {  	s6 =	rddreg [dreg:$0x15];
	[sflag:s24] =	ssyncadd.s32 $0xFFFFC180  }
0x1bd: {  	[spmem:s3] =	stream.indirect.scatter.add.f32 [tilespmem:s22], [sflag:$0x5], $0x80, s6, s18, $0xb8;
	[tilespmem:$0x1D000] =	vst v63  }
0x1be: {  	_ =	swait.ge [sflag:s15], $0x3E80  }
0x1bf: {  	[sflag:s15] =	ssyncset.done $0x0  }
0x1c0: {  	s8 =	rddreg [dreg:$0x16];
	[sflag:s15] =	ssyncadd.s32 $0xFFFFC180  }
0x1c1: {  	[tilespmem:s22], [sflag:$0x2] =	stream.indirect.gather [hbm4b:s5+s18], $0x80, s8, s18, $0xb8;
	[tilespmem:$0x1D000] =	vst v63  }
0x1c2: {  	_ =	swait.ge [sflag:s23], $0x3E80  }
0x1c3: {  	[sflag:s23] =	ssyncset.done $0x0  }
0x1c4: {  	s9 =	rddreg [dreg:$0x17];
	[sflag:s23] =	ssyncadd.s32 $0xFFFFC180  }
0x1c5: {  	[spmem:s3] =	stream.indirect.scatter.add.f32 [tilespmem:s19], [sflag:$0x5], $0x80, s9, s18, $0xb8;
	[tilespmem:$0x1D000] =	vst v63  }
0x1c6: {  	_ =	swait.ge [sflag:s15], $0x3E80  }
0x1c7: {  	[sflag:s15] =	ssyncset.done $0x0  }
0x1c8: {  	s30 =	rddreg [dreg:$0x18];
	[sflag:s15] =	ssyncadd.s32 $0xFFFFC180  }
0x1c9: {  	[tilespmem:s19], [sflag:$0x1] =	stream.indirect.gather [hbm4b:s5+s18], $0x80, s30, s18, $0xb8;
	[tilespmem:$0x1D000] =	vst v63  }
0x1ca: {  	_ =	swait.ge [sflag:s24], $0x3E80  }
0x1cb: {  	[sflag:s24] =	ssyncset.done $0x0  }
0x1cc: {  	s31 =	rddreg [dreg:$0x19];
	[sflag:s24] =	ssyncadd.s32 $0xFFFFC180  }
0x1cd: {  	[spmem:s3] =	stream.indirect.scatter.add.f32 [tilespmem:s22], [sflag:$0x5], $0x80, s31, s18, $0xb8;
	[tilespmem:$0x1D000] =	vst v63  }
0x1ce: {  	_ =	swait.ge [sflag:s15], $0x3E80  }
0x1cf: {  	[sflag:s15] =	ssyncset.done $0x0  }
0x1d0: {  	s6 =	rddreg [dreg:$0x1a];
	[sflag:s15] =	ssyncadd.s32 $0xFFFFC180  }
0x1d1: {  	[tilespmem:s22], [sflag:$0x2] =	stream.indirect.gather [hbm4b:s5+s18], $0x80, s6, s18, $0xb8;
	[tilespmem:$0x1D000] =	vst v63  }
0x1d2: {  	_ =	swait.ge [sflag:s23], $0x3E80  }
0x1d3: {  	[sflag:s23] =	ssyncset.done $0x0  }
0x1d4: {  	s8 =	rddreg [dreg:$0x1b];
	[sflag:s23] =	ssyncadd.s32 $0xFFFFC180  }
0x1d5: {  	[spmem:s3] =	stream.indirect.scatter.add.f32 [tilespmem:s19], [sflag:$0x5], $0x80, s8, s18, $0xb8;
	[tilespmem:$0x1D000] =	vst v63  }
0x1d6: {  	_ =	swait.ge [sflag:s15], $0x3E80  }
0x1d7: {  	[sflag:s15] =	ssyncset.done $0x0  }
0x1d8: {  	s9 =	rddreg [dreg:$0x1c];
	[sflag:s15] =	ssyncadd.s32 $0xFFFFC180  }
0x1d9: {  	[tilespmem:s19], [sflag:$0x1] =	stream.indirect.gather [hbm4b:s5+s18], $0x80, s9, s18, $0xb8;
	[tilespmem:$0x1D000] =	vst v63  }
0x1da: {  	_ =	swait.ge [sflag:s24], $0x3E80  }
0x1db: {  	[sflag:s24] =	ssyncset.done $0x0  }
0x1dc: {  	s30 =	rddreg [dreg:$0x1d];
	[sflag:s24] =	ssyncadd.s32 $0xFFFFC180  }
0x1dd: {  	[spmem:s3] =	stream.indirect.scatter.add.f32 [tilespmem:s22], [sflag:$0x5], $0x80, s30, s18, $0xb8;
	[tilespmem:$0x1D000] =	vst v63  }
0x1de: {  	_ =	swait.ge [sflag:s15], $0x3E80  }
0x1df: {  	[sflag:s15] =	ssyncset.done $0x0  }
0x1e0: {  	s31 =	rddreg [dreg:$0x1e];
	[sflag:s15] =	ssyncadd.s32 $0xFFFFC180  }
0x1e1: {  	[tilespmem:s22], [sflag:$0x2] =	stream.indirect.gather [hbm4b:s5+s18], $0x80, s31, s18, $0xb8;
	[tilespmem:$0x1D000] =	vst v63  }
0x1e2: {  	_ =	swait.ge [sflag:s23], $0x3E80  }
0x1e3: {  	[sflag:s23] =	ssyncset.done $0x0  }
0x1e4: {  	[sflag:s23] =	ssyncadd.s32 $0xFFFFC180  }
0x1e5: {  	[spmem:s3] =	stream.indirect.scatter.add.f32 [tilespmem:s19], [sflag:$0x5], $0x80, s26, s18, $0xb8;
	[tilespmem:$0x1D000] =	vst v63  }
0x1e6: {  	_ =	swait.ge [sflag:s15], $0x3E80  }
0x1e7: {  	[sflag:s15] =	ssyncset.done $0x0  }
0x1e8: {  	s1 =	simm.s32 @!p0 $0x3;
	[sflag:s15] =	ssyncadd.s32 $0xFFFFC180  }
0x1e9: {  	_ =	swait.ge @!p0 [sflag:s1], $0x400  }
0x1ea: {  	[sflag:s1] =	ssyncset.done @!p0 $0x0  }
0x1eb: {  	[sflag:s1] =	ssyncadd.s32 @!p0 $0xFFFFFC00  }
0x1ec: {  	_ =	swait.ge @!p0 [sflag:s1], $0x400  }
0x1ed: {  	[sflag:s1] =	ssyncset.done @!p0 $0x0  }
0x1ee: {  	s6 =	simm.s32 @!p0 $0x1000;
	[sflag:s1] =	ssyncadd.s32 @!p0 $0xFFFFFC00;
	s1 =	simm.s32 @!p0 $0x7D  }
0x1ef: {  	[tilespmem:s6], [sflag:$0x1] =	stream.indirect.gather @!p0 [hbm4b:s5+s1], $0x80, s0, s1, $0xb8;
	[tilespmem:$0x1D000] =	vst v63  }
0x1f0: {  	_ =	swait.ge [sflag:s24], $0x3E80  }
0x1f1: {  	[sflag:s24] =	ssyncset.done $0x0  }
0x1f2: {  	[sflag:s24] =	ssyncadd.s32 $0xFFFFC180  }
0x1f3: {  	[spmem:s3] =	stream.indirect.scatter.add.f32 [tilespmem:s22], [sflag:$0x5], $0x80, s28, s18, $0xb8;
	[tilespmem:$0x1D000] =	vst v63  }
0x1f4: {  	_ =	swait.ge [sflag:s15], $0x3E80  }
0x1f5: {  	s29 =	sadd.s32 $0x1, s29;
	[sflag:s15] =	ssyncset.done $0x0  }
0x1f6: {  	p0 =	sne.s32 s29, s11;
	[sflag:s15] =	ssyncadd.s32 $0xFFFFC180  }
.Ltmp1:
0x1f7: {  	[bflag:$0x0] =	sbarrier.arrive $0xFFFF;
	(pc) =	sbr.rel @p0 .LBB2_1-.Ltmp1, $4  }
0x1f8: {  	[hbm:s10], [sflag:s7] =	dma.local [spmem:s14], $0x2800  }
0x1f9: {  	_ =	swait.ge [sflag:s15], $0x2800  }
0x1fa: {  	[sflag:s15] =	ssyncset.done $0x0  }
0x1fb: {  	[sflag:s15] =	ssyncadd.s32 $0xFFFFD800  }
0x1fc: {  	_ =	sfence.sel $0x180000  }
0x1fd: {  	[bflag:$0x0] =	sbarrier.arrive $0xFFFF  }
0x1fe: {  	_ =	strace $0x9000004A  }
0x1ff: {  	s0 =	stileid.u32;
	[bflag:$0x2] =	sbarrier.arrive $0xFFFF  }
0x200: {  	p0 =	sne.s32 s0, $0x0;
	s0 =	rddreg [dreg:$0x3]  }
0x201: {  	s0 =	sadd.s32 @!p0 $0x100000, s0  }
0x202: {  	[sflag:s0] =	ssyncadd.tile.s32 @!p0 $0x1;
	_ =	shalt  }
.Lfunc_end2:
_tile_overlayer_lowered:
.L_overlay_start_2:
0x203: {  	(tag) =	ssettag $0x2  }
0x204: {  	s0 =	rddreg [dreg:$0x0];
	s2 =	stileid.u32  }
0x205: {  	s1 =	rddreg [dreg:$0x1];
	p0 =	sne.s32 s2, $0x0  }
0x206: {  	s3 =	rddreg [dreg:$0x2];
	[bflag:$0x3] =	sbarrier.arrive $0xFFFF;
	s2 =	simm.s32 @!p0 $0x1C05  }
0x207: {  	[timem:s3], [sflag:s2] =	dma.local @!p0 [hbm:s0], s1  }
0x208: {  	s0 =	simm.s32 @!p0 $0x5  }
0x209: {  	_ =	swait.ge @!p0 [sflag:s0], s1  }
0x20a: {  	s1 =	ssub.s32 @!p0 $0x0, s1;
	[sflag:s0] =	ssyncset.done @!p0 $0x0  }
0x20b: {  	[sflag:s0] =	ssyncadd.s32 @!p0 s1  }
0x20c: {  	[bflag:$0x3] =	sbarrier.arrive $0xFFFF  }
0x20d: {  	_ =	shalt  }

// kernel: kernel.13.cloned.1.call-start
scs
__scs_entry_jumppad:
0x0: {  	(pc) =	sbr.rel $0x88, $3  }
0x1: {  	(tag) =	ssettag $0x0;
	lr =	simm.s32 $0x1  }
0x2: {  	[smem:$0x3F9B] =	sst lr;
	_ =	strace $0xD0000000  }
0x3: {  	_ = 	snop  }
0x4: {  	_ = 	snop  }
0x5: {  	_ = 	snop  }
0x6: {  	_ = 	snop  }
0x7: {  	_ = 	snop  }
__scs_overlays_trampoline_lowered:
0x8: {  	[smem:$0x3FAA] =	sst s0  }
0x9: {  	[smem:$0x3FAB] =	sst s1  }
0xa: {  	[smem:$0x3FAC] =	sst s2  }
0xb: {  	[smem:$0x3FAD] =	sst s3  }
0xc: {  	[smem:$0x3FAE] =	sst s4  }
0xd: {  	[smem:$0x3FAF] =	sst s5  }
0xe: {  	[smem:$0x3FB0] =	sst s6  }
0xf: {  	[smem:$0x3FB1] =	sst s7  }
0x10: {  	[smem:$0x3FB2] =	sst s8  }
0x11: {  	[smem:$0x3FB3] =	sst s9;
	s0 =	simm.s32 @!p0 $0x0  }
0x12: {  	s1 =	sld [smem:$0x3F99];
	s0 =	simm.s32 @p0 $0x1  }
0x13: {  	[smem:$0x3FB4] =	sst s0;
	s0 =	simm.s32 @!p1 $0x0  }
0x14: {  	s2 =	sld [smem:$0x3F98];
	s0 =	simm.s32 @p1 $0x1  }
0x15: {  	[smem:$0x3FB5] =	sst s0;
	s0 =	simm.s32 @!p2 $0x0  }
0x16: {  	s3 =	sld [smem:$0x3FDB];
	s0 =	simm.s32 @p2 $0x1  }
0x17: {  	s4 =	simm.s32 $0x1BF5;
	[smem:$0x3FB7] =	sst s0  }
0x18: {  	s0 =	sld [smem:$0x3F9A];
	_ =	swait.ge [sflag:s4], $0x0  }
0x19: {  	s7 =	sld [smem:$0x3F9B]  }
0x1a: {  	s8 =	sadd.s32 $0xFFFFE003, lr  }
0x1b: {  	s9 =	sadd.s32 $0xFFFFFEF7, lr;
	s5 =	simm.s32 $0xFFFFFFFF;
	p2 =	slt.u32 s8, $0xFFFFF086  }
0x1c: {  	p1 =	slt.u32 s9, $0xF7A;
	s5 =	simm.s32 @!p2 $0x0  }
0x1d: {  	s5 =	simm.s32 @p1 $0x1;
	p0 =	seq.s32 s7, s2  }
0x1e: {  	s7 =	smul.u32 @!p0 $0xF7A, s2;
	p2 =	seq.s32 @!p0 s5, $0x0  }
0x1f: {  	s9 =	smul.u32 $0xF7A, s1;
	s8 =	simm.s32 @!p0 $0x1BF5;
	p2 =	por !p2, p0  }
0x20: {  	[sflag:s8] =	ssyncset.s32 @!p0 $0xFFFFF086;
	s6 =	sadd.s32 @!p0 s3, s7;
	s7 =	simm.s32 @!p0 $0x108  }
0x21: {  	s3 =	sadd.s32 s3, s9;
	s6 =	sadd.s32 @!p0 $0x88, s6;
	s7 =	simm.s32 @p2 $0x1082  }
0x22: {  	[simem:s7], [sflag:s8] =	dma.local @!p0 [hbm:s6], $0xF7A  }
0x23: {  	s9 =	sor.u32 $0xD0000000, s2;
	s6 =	simm.s32 $0x108;
	_ =	swait.ge @!p0 [sflag:s8], $0x0  }
0x24: {  	s3 =	sadd.s32 $0x88, s3;
	s6 =	simm.s32 @!p1 $0x1082;
	[sflag:s4] =	ssyncset.s32 $0xFFFFF086  }
0x25: {  	[simem:s6], [sflag:s4] =	dma.local [hbm:s3], $0xF7A  }
0x26: {  	[smem:$0x3F9B] =	sst s1;
	(tag) =	ssettag s2;
	_ =	strace s9  }
0x27: {  	s1 =	sld [smem:$0x3FAB]  }
0x28: {  	s2 =	sld [smem:$0x3FAC]  }
0x29: {  	s4 =	sld [smem:$0x3FAE]  }
0x2a: {  	p0 =	seq.s32 s5, $0x0;
	s5 =	sld [smem:$0x3FAF]  }
0x2b: {  	s6 =	sld [smem:$0x3FB0]  }
0x2c: {  	s7 =	sld [smem:$0x3FB1]  }
0x2d: {  	s3 =	simm.s32 $0x108;
	s8 =	sld [smem:$0x3FB2]  }
0x2e: {  	s3 =	simm.s32 @!p0 $0x1082;
	s9 =	sld [smem:$0x3FB3]  }
0x2f: {  	lr =	sadd.s32 s0, s3;
	s0 =	sld [smem:$0x3FAA]  }
0x30: {  	s3 =	sld [smem:$0x3FAD]  }
0x31: {  	[smem:$0x3FB6] =	sst s10  }
0x32: {  	s10 =	sld [smem:$0x3FB4];
	_ =	sdelay $0x3  }
0x33: {  	p0 =	seq.s32 s10, $0x1;
	s10 =	sld [smem:$0x3FB6];
	_ =	sdelay $0x3  }
0x34: {  	[smem:$0x3FB6] =	sst s10  }
0x35: {  	s10 =	sld [smem:$0x3FB5];
	_ =	sdelay $0x3  }
0x36: {  	p1 =	seq.s32 s10, $0x1;
	s10 =	sld [smem:$0x3FB6];
	_ =	sdelay $0x3  }
0x37: {  	[smem:$0x3FB6] =	sst s10  }
0x38: {  	s10 =	sld [smem:$0x3FB7]  }
0x39: {  	_ = 	snop;
	(pc) =	sbr.ind lr, $3  }
0x3a: {  	_ = 	snop  }
0x3b: {  	_ = 	snop  }
0x3c: {  	p2 =	seq.s32 s10, $0x1;
	s10 =	sld [smem:$0x3FB6]  }
0x3d: {  	_ =	shalt  }
0x3e: {  	_ =	shalt  }
0x3f: {  	_ =	shalt  }
0x40: {  	_ =	shalt  }
0x41: {  	_ =	shalt  }
0x42: {  	_ =	shalt  }
0x43: {  	_ =	shalt  }
0x44: {  	_ =	shalt  }
0x45: {  	_ =	shalt  }
0x46: {  	_ =	shalt  }
0x47: {  	_ =	shalt  }
0x48: {  	_ =	shalt  }
0x49: {  	_ =	shalt  }
0x4a: {  	_ =	shalt  }
0x4b: {  	_ =	shalt  }
0x4c: {  	_ =	shalt  }
0x4d: {  	_ =	shalt  }
0x4e: {  	_ =	shalt  }
0x4f: {  	_ =	shalt  }
0x50: {  	_ =	shalt  }
0x51: {  	_ =	shalt  }
0x52: {  	_ =	shalt  }
0x53: {  	_ =	shalt  }
0x54: {  	_ =	shalt  }
0x55: {  	_ =	shalt  }
0x56: {  	_ =	shalt  }
0x57: {  	_ =	shalt  }
0x58: {  	_ =	shalt  }
0x59: {  	_ =	shalt  }
0x5a: {  	_ =	shalt  }
0x5b: {  	_ =	shalt  }
0x5c: {  	_ =	shalt  }
0x5d: {  	_ =	shalt  }
0x5e: {  	_ =	shalt  }
0x5f: {  	_ =	shalt  }
0x60: {  	_ =	shalt  }
0x61: {  	_ =	shalt  }
0x62: {  	_ =	shalt  }
0x63: {  	_ =	shalt  }
0x64: {  	_ =	shalt  }
0x65: {  	_ =	shalt  }
0x66: {  	_ =	shalt  }
0x67: {  	_ =	shalt  }
0x68: {  	_ =	shalt  }
0x69: {  	_ =	shalt  }
0x6a: {  	_ =	shalt  }
0x6b: {  	_ =	shalt  }
0x6c: {  	_ =	shalt  }
0x6d: {  	_ =	shalt  }
0x6e: {  	_ =	shalt  }
0x6f: {  	_ =	shalt  }
0x70: {  	_ =	shalt  }
0x71: {  	_ =	shalt  }
0x72: {  	_ =	shalt  }
0x73: {  	_ =	shalt  }
0x74: {  	_ =	shalt  }
0x75: {  	_ =	shalt  }
0x76: {  	_ =	shalt  }
0x77: {  	_ =	shalt  }
0x78: {  	_ =	shalt  }
0x79: {  	_ =	shalt  }
0x7a: {  	_ =	shalt  }
0x7b: {  	_ =	shalt  }
0x7c: {  	_ =	shalt  }
0x7d: {  	_ =	shalt  }
0x7e: {  	_ =	shalt  }
0x7f: {  	_ =	shalt  }
0x80: {  	_ =	shalt  }
0x81: {  	_ =	shalt  }
0x82: {  	_ =	shalt  }
0x83: {  	_ =	shalt  }
0x84: {  	_ =	shalt  }
0x85: {  	_ =	shalt  }
0x86: {  	_ =	shalt  }
0x87: {  	_ =	shalt  }
.Lfunc_end0:
.L_simem_size_0:
called_computation.2_lowered:
.L_overlay_start_0:
0x88: {  	s2 =	sld [smem:$0x3FD9]  }
0x89: {  	s3 =	sld [smem:$0x3FFE];
	_ =	sdelay $0x1  }
0x8a: {  	s1 =	srdreg.scid  }
0x8b: {  	s0 =	sand.u32 $0x1, s1  }
0x8c: {  	s16 =	sshll.u32 s0, $0xA;
	s2 =	sadd.s32 s3, s2  }
0x8d: {  	s2 =	sadd.s32 s2, s16  }
0x8e: {  	[smem:$0x3FC2] =	sst s2  }
0x8f: {  	_ = 	snop  }
0x90: {  	(tm) =	ssettm $0x1  }
0x91: {  	s17 =	sld [smem:$0x3FFB];
	_ =	sdelay $0x3  }
0x92: {  	_ =	strace s17  }
0x93: {  	s2 =	sld [smem:$0x3FFC];
	_ =	sdelay $0x3  }
0x94: {  	_ =	strace s2  }
0x95: {  	s2 =	sld [smem:$0x3FFD];
	_ =	sdelay $0x3  }
0x96: {  	_ =	strace s2  }
0x97: {  	_ =	strace $0x8FFFFFFF  }
0x98: {  	s18 =	sld [smem:$0x3FDB];
	_ =	sdelay $0x1  }
0x99: {  	s19 =	simm.s32 $_scs_section_size  }
0x9a: {  	s4 =	simm.s32 $_size__tile_overlayer_lowered;
	s5 =	simm.s32 $_tile_overlayer_lowered  }
0x9b: {  	s22 =	simm.s32 $0x1BFF;
	s21 =	sshll.u32 s5, $0x1;
	s2 =	sadd.s32 s19, s18  }
0x9c: {  	s6 =	simm.s32 $0x0;
	s20 =	sshll.u32 s4, $0x1;
	s4 =	sadd.s32 s21, s2  }
0x9d: {  	[timem:s6], [sflag:s22] =	dma.local [hbm:s4], s20  }
0x9e: {  	_ =	swait.ge [sflag:s22], s20  }
0x9f: {  	s3 =	ssub.s32 $0x0, s20;
	[sflag:s22] =	ssyncset.done $0x0  }
0xa0: {  	[sflag:s22] =	ssyncadd.s32 s3;
	_ =	sdelay $0x1  }
0xa1: {  	s23 =	simm.s32 $0x1B8B  }
0xa2: {  	_ =	swait.ge [sflag:s23], $0x1  }
0xa3: {  	[sflag:s23] =	ssyncset.done $0x0  }
0xa4: {  	s25 =	simm.s32 $0x1B8E;
	s24 =	sld [smem:$0x3FFE];
	[sflag:s23] =	ssyncadd.s32 $0xFFFFFFFF  }
0xa5: {  	s26 =	simm.s32 $execute0_lowered;
	[smem:$0x3FD2] =	sst s25  }
0xa6: {  	s4 =	sshll.u32 s26, $0x1;
	_ =	strace $0x8000004C;
	[dreg:$0x1] =	wrdreg $0xFFFFFFFF  }
0xa7: {  	s28 =	simm.s32 $_size_execute0_lowered;
	s2 =	sadd.s32 s2, s4;
	[dreg:$0x0] =	wrdreg $0x0  }
0xa8: {  	s4 =	sshll.u32 s28, $0x1;
	[dreg:$0x2] =	wrdreg s2  }
0xa9: {  	[dreg:$0x3] =	wrdreg s4  }
0xaa: {  	[dreg:$0x4] =	wrdreg $0xC0  }
0xab: {  	_ =	task [dreg:s6], $0x5FFFF  }
0xac: {  	[dreg:$0x1] =	wrdreg $0xFFFFFFFF  }
0xad: {  	[dreg:$0x0] =	wrdreg $0x60  }
0xae: {  	[dreg:$0x2] =	wrdreg s24  }
0xaf: {  	[dreg:$0x3] =	wrdreg $0x4E800  }
0xb0: {  	[dreg:$0x4] =	wrdreg $0x9  }
0xb1: {  	_ =	task.clear_ibuf [dreg:s6], $0x5FFFF;
	_ =	strace $0x9000004C  }
0xb2: {  	s29 =	simm.s32 $0x9;
	_ =	strace $0x8000004E  }
0xb3: {  	_ =	swait.ge [sflag:s29], $0x1  }
0xb4: {  	[sflag:s29] =	ssyncadd.s32 $0xFFFFFFFF  }
0xb5: {  	_ =	strace $0x9000004E  }
0xb6: {  	_ =	sfence  }
0xb7: {  	s30 =	sld [smem:$0x0];
	_ =	sdelay $0x2  }
0xb8: {  	s31 =	sshll.u32 s1, $0xD;
	s1 =	sshrl.u32 s1, $0x2  }
0xb9: {  	s3 =	sand.u32 $0x4000, s31;
	s1 =	sadd.s32 s1, s30  }
0xba: {  	s0 =	sor.u32 s3, s0;
	s1 =	sshll.u32 s1, $0x11  }
0xbb: {  	s0 =	sor.u32 s1, s0  }
0xbc: {  	s0 =	sadd.s32 $0x8F2B, s0  }
0xbd: {  	[sflag:s0] =	ssyncadd.remote.s32 $0x1  }
0xbe: {  	_ =	sfence.sel $0xFFFF  }
0xbf: {  	[dreg:$0x0] =	wrdreg $0xFFFFFFFF;
	(pc) =	sbr.abs _section_cstart, $3  }
0xc0: {  	[dreg:$0x1] =	wrdreg $0xFFFFFFFF  }
0xc1: {  	_ =	task.clear_ibuf [dreg:s6], $0x2FFFF;
	_ =	strace $0x9FFFFFFF  }
0xc2: {  	(tm) =	ssettm $0x7FFFFFFF  }
0xc3: {  	_ =	shalt  }
tec
execute0_lowered:
.L_overlay_start_1:
0x0: {  	(tag) =	ssettag $0x1  }
0x1: {  	s0 =	rddreg [dreg:$0x0]  }
0x2: {  	s2 =	rddreg [dreg:$0x1];
	s3 =	simm.s32 $0x0  }
0x3: {  	s13 =	stileid.u32;
	s1 =	srdreg.scid;
	s16 =	simm.s32 $0x5  }
0x4: {  	s17 =	simm.s32 $0x400;
	s18 =	simm.s32 $0x3;
	s19 =	simm.s32 $0x7D  }
0x5: {  	s28 =	simm.s32 $0xA00;
	s15 =	simm.s32 $0xD80;
	s14 =	simm.s32 $0xB00  }
0x6: {  	s30 =	simm.s32 $0xB80;
	s29 =	simm.s32 $0xF80;
	[smem:$0x7FF] =	sst s3  }
0x7: {  	s7 =	smul.u32 $0xA000, s13;
	s1 =	sand.u32 $0x1, s1;
	s4 =	sadd.s32 $0x1200, s0  }
0x8: {  	s5 =	sadd.s32 $0x33200, s0;
	s6 =	sadd.s32 $0x2E200, s0;
	s11 =	smul.u32 $0x28, s13  }
0x9: {  	s22 =	sshll.u32 s13, $0x6;
	_ =	strace $0x8000004D;
	s8 =	smul.u32 $0xA0000, s1  }
0xa: {  	s10 =	smul.u32 $0x280, s1;
	s1 =	ssub.s32 $0x2, s1;
	s9 =	sshrl.u32 s7, $0x3  }
0xb: {  	s12 =	sshrl.u32 s1, $0x1;
	s21 =	sadd.s32 s7, s2;
	s8 =	sadd.s32 s7, s8  }
0xc: {  	s9 =	sadd.s32 s9, s0;
	s1 =	ssub.s32 s1, s12;
	s20 =	sadd.s32 s11, s10  }
0xd: {  	s31 =	sshrl.u32 s21, $0x3;
	s21 =	simm.s32 $0x800;
	s11 =	simm.s32 $0xE80  }
0xe: {  	s10 =	simm.s32 $0xF00;
	s8 =	sshrl.u32 s8, $0x3;
	s7 =	sshll.u32 s20, $0x4  }
0xf: {  	s23 =	sadd.s32 $0x15200, s9;
	s26 =	smax.u32 s1, $0x1;
	s20 =	simm.s32 $0x1000  }
0x10: {  	s9 =	simm.s32 $0x4;
	[dreg:$0x9] =	wrdreg s31;
	s1 =	simm.s32 $0xA80  }
0x11: {  	s0 =	sadd.s32 s8, s0;
	[dreg:$0x3] =	wrdreg s23;
	s23 =	sor.u32 $0x1C05, s22  }
0x12: {  	s24 =	sadd.s32 s5, s7;
	s25 =	sadd.s32 s6, s7;
	[dreg:$0x8] =	wrdreg s26  }
0x13: {  	s12 =	sadd.s32 $0x100, s7;
	s22 =	simm.s32 $0xC00;
	[dreg:$0x5] =	wrdreg s24  }
0x14: {  	s26 =	simm.s32 $0x2;
	s8 =	simm.s32 $0xD00;
	[dreg:$0x6] =	wrdreg s25  }
0x15: {  	s0 =	sadd.s32 $0x38200, s0;
	s24 =	simm.s32 $0x2F40;
	[dreg:$0x4] =	wrdreg s23  }
0x16: {  	s25 =	simm.s32 $0x1;
	[dreg:$0x7] =	wrdreg s0;
	s0 =	simm.s32 $0x0  }
.LBB2_1:
0x17: {  	[dreg:$0xa] =	wrdreg s0  }
0x18: {  	s13 =	rddreg [dreg:$0x3]  }
0x19: {  	[spmem:s31], [sflag:s23] =	dma.local [hbm:s13], $0x1400  }
0x1a: {  	_ =	swait.ge [sflag:s16], $0x1400  }
0x1b: {  	[sflag:s16] =	ssyncset.done $0x0  }
0x1c: {  	[sflag:s16] =	ssyncadd.s32 $0xFFFFEC00  }
0x1d: {  	[bflag:$0x0] =	sbarrier.arrive $0xFFFF  }
0x1e: {  	s0 =	rddreg [dreg:$0x5]  }
0x1f: {  	[tilespmem:s3], [sflag:$0x3] =	stream.linear.gather [hbm4b:s0+s3], $0x400, $0x38;
	[tilespmem:$0xEE80] =	vst v63  }
0x20: {  	s23 =	rddreg [dreg:$0x6]  }
0x21: {  	[tilespmem:s17], [sflag:$0x3] =	stream.linear.gather [hbm4b:s23+s3], $0x400, $0x38;
	[tilespmem:$0xEE80] =	vst v63  }
0x22: {  	_ =	swait.ge [sflag:s18], $0x400  }
0x23: {  	[sflag:s18] =	ssyncset.done $0x0  }
0x24: {  	[sflag:s18] =	ssyncadd.s32 $0xFFFFFC00  }
0x25: {  	_ =	swait.ge [sflag:s18], $0x400  }
0x26: {  	p0 =	por $0x1, $0x1;
	[sflag:s18] =	ssyncset.done $0x0  }
0x27: {  	s31 =	simm.s32 $0x0;
	s0 =	simm.s32 $0xE00;
	[sflag:s18] =	ssyncadd.s32 $0xFFFFFC00  }
0x28: {  	[tilespmem:s20], [sflag:$0x1] =	stream.indirect.gather [hbm4b:s4+s19], $0x40, s3, s19, $0xb8;
	[tilespmem:$0xEE80] =	vst v63  }
.LBB2_2:
0x29: {  	s13 =	sadd.s32 s31, s7  }
0x2a: {  	s13 =	sadd.s32 $0x80, s13  }
0x2b: {  	s23 =	sadd.s32 s5, s13  }
0x2c: {  	[tilespmem:s21], [sflag:$0x4] =	stream.linear.gather [hbm4b:s23+s3], $0x400, $0x38;
	[tilespmem:$0xEE80] =	vst v63  }
0x2d: {  	s13 =	sadd.s32 s6, s13  }
0x2e: {  	[tilespmem:s22], [sflag:$0x4] =	stream.linear.gather [hbm4b:s13+s3], $0x400, $0x38;
	[tilespmem:$0xEE80] =	vst v63  }
0x2f: {  	s23 =	simm.s32 $0x80  }
0x30: {  	[tilespmem:s24], [sflag:$0x2] =	stream.indirect.gather [hbm4b:s4+s19], $0x40, s23, s19, $0xb8;
	[tilespmem:$0xEE80] =	vst v63  }
0x31: {  	_ =	swait.ge [sflag:s25], $0x1F40  }
0x32: {  	[sflag:s25] =	ssyncset.done $0x0  }
0x33: {  	[sflag:s25] =	ssyncadd.s32 $0xFFFFE0C0  }
0x34: {  	[spmem:s2] =	stream.indirect.scatter.add.f32 [tilespmem:s20], [sflag:$0x5], $0x40, s17, s19, $0xb8;
	[tilespmem:$0xEE80] =	vst v63  }
0x35: {  	_ =	swait.ge [sflag:s16], $0x1F40  }
0x36: {  	[sflag:s16] =	ssyncset.done $0x0  }
0x37: {  	s23 =	simm.s32 $0x100;
	[sflag:s16] =	ssyncadd.s32 $0xFFFFE0C0  }
0x38: {  	[tilespmem:s20], [sflag:$0x1] =	stream.indirect.gather [hbm4b:s4+s19], $0x40, s23, s19, $0xb8;
	[tilespmem:$0xEE80] =	vst v63  }
0x39: {  	_ =	swait.ge [sflag:s26], $0x1F40  }
0x3a: {  	[sflag:s26] =	ssyncset.done $0x0  }
0x3b: {  	s23 =	simm.s32 $0x480;
	[sflag:s26] =	ssyncadd.s32 $0xFFFFE0C0  }
0x3c: {  	[spmem:s2] =	stream.indirect.scatter.add.f32 [tilespmem:s24], [sflag:$0x5], $0x40, s23, s19, $0xb8;
	[tilespmem:$0xEE80] =	vst v63  }
0x3d: {  	_ =	swait.ge [sflag:s16], $0x1F40  }
0x3e: {  	[sflag:s16] =	ssyncset.done $0x0  }
0x3f: {  	s23 =	simm.s32 $0x180;
	[sflag:s16] =	ssyncadd.s32 $0xFFFFE0C0  }
0x40: {  	[tilespmem:s24], [sflag:$0x2] =	stream.indirect.gather [hbm4b:s4+s19], $0x40, s23, s19, $0xb8;
	[tilespmem:$0xEE80] =	vst v63  }
0x41: {  	_ =	swait.ge [sflag:s25], $0x1F40  }
0x42: {  	[sflag:s25] =	ssyncset.done $0x0  }
0x43: {  	s23 =	simm.s32 $0x500;
	[sflag:s25] =	ssyncadd.s32 $0xFFFFE0C0  }
0x44: {  	[spmem:s2] =	stream.indirect.scatter.add.f32 [tilespmem:s20], [sflag:$0x5], $0x40, s23, s19, $0xb8;
	[tilespmem:$0xEE80] =	vst v63  }
0x45: {  	_ =	swait.ge [sflag:s16], $0x1F40  }
0x46: {  	[sflag:s16] =	ssyncset.done $0x0  }
0x47: {  	s23 =	simm.s32 $0x200;
	[sflag:s16] =	ssyncadd.s32 $0xFFFFE0C0  }
0x48: {  	[tilespmem:s20], [sflag:$0x1] =	stream.indirect.gather [hbm4b:s4+s19], $0x40, s23, s19, $0xb8;
	[tilespmem:$0xEE80] =	vst v63  }
0x49: {  	_ =	swait.ge [sflag:s26], $0x1F40  }
0x4a: {  	[sflag:s26] =	ssyncset.done $0x0  }
0x4b: {  	s23 =	simm.s32 $0x580;
	[sflag:s26] =	ssyncadd.s32 $0xFFFFE0C0  }
0x4c: {  	[spmem:s2] =	stream.indirect.scatter.add.f32 [tilespmem:s24], [sflag:$0x5], $0x40, s23, s19, $0xb8;
	[tilespmem:$0xEE80] =	vst v63  }
0x4d: {  	_ =	swait.ge [sflag:s16], $0x1F40  }
0x4e: {  	[sflag:s16] =	ssyncset.done $0x0  }
0x4f: {  	s23 =	simm.s32 $0x280;
	[sflag:s16] =	ssyncadd.s32 $0xFFFFE0C0  }
0x50: {  	[tilespmem:s24], [sflag:$0x2] =	stream.indirect.gather [hbm4b:s4+s19], $0x40, s23, s19, $0xb8;
	[tilespmem:$0xEE80] =	vst v63  }
0x51: {  	_ =	swait.ge [sflag:s25], $0x1F40  }
0x52: {  	[sflag:s25] =	ssyncset.done $0x0  }
0x53: {  	s23 =	simm.s32 $0x600;
	[sflag:s25] =	ssyncadd.s32 $0xFFFFE0C0  }
0x54: {  	[spmem:s2] =	stream.indirect.scatter.add.f32 [tilespmem:s20], [sflag:$0x5], $0x40, s23, s19, $0xb8;
	[tilespmem:$0xEE80] =	vst v63  }
0x55: {  	_ =	swait.ge [sflag:s16], $0x1F40  }
0x56: {  	[sflag:s16] =	ssyncset.done $0x0  }
0x57: {  	s23 =	simm.s32 $0x300;
	[sflag:s16] =	ssyncadd.s32 $0xFFFFE0C0  }
0x58: {  	[tilespmem:s20], [sflag:$0x1] =	stream.indirect.gather [hbm4b:s4+s19], $0x40, s23, s19, $0xb8;
	[tilespmem:$0xEE80] =	vst v63  }
0x59: {  	_ =	swait.ge [sflag:s26], $0x1F40  }
0x5a: {  	[sflag:s26] =	ssyncset.done $0x0  }
0x5b: {  	s23 =	simm.s32 $0x680;
	[sflag:s26] =	ssyncadd.s32 $0xFFFFE0C0  }
0x5c: {  	[spmem:s2] =	stream.indirect.scatter.add.f32 [tilespmem:s24], [sflag:$0x5], $0x40, s23, s19, $0xb8;
	[tilespmem:$0xEE80] =	vst v63  }
0x5d: {  	_ =	swait.ge [sflag:s16], $0x1F40  }
0x5e: {  	[sflag:s16] =	ssyncset.done $0x0  }
0x5f: {  	s23 =	simm.s32 $0x380;
	[sflag:s16] =	ssyncadd.s32 $0xFFFFE0C0  }
0x60: {  	[tilespmem:s24], [sflag:$0x2] =	stream.indirect.gather [hbm4b:s4+s19], $0x40, s23, s19, $0xb8;
	[tilespmem:$0xEE80] =	vst v63  }
0x61: {  	_ =	swait.ge [sflag:s25], $0x1F40  }
0x62: {  	[sflag:s25] =	ssyncset.done $0x0  }
0x63: {  	s23 =	simm.s32 $0x700;
	[sflag:s25] =	ssyncadd.s32 $0xFFFFE0C0  }
0x64: {  	[spmem:s2] =	stream.indirect.scatter.add.f32 [tilespmem:s20], [sflag:$0x5], $0x40, s23, s19, $0xb8;
	[tilespmem:$0xEE80] =	vst v63  }
0x65: {  	_ =	swait.ge [sflag:s16], $0x1F40  }
0x66: {  	[sflag:s16] =	ssyncset.done $0x0  }
0x67: {  	[sflag:s16] =	ssyncadd.s32 $0xFFFFE0C0  }
0x68: {  	_ =	swait.ge [sflag:s9], $0x400  }
0x69: {  	[sflag:s9] =	ssyncset.done $0x0  }
0x6a: {  	[sflag:s9] =	ssyncadd.s32 $0xFFFFFC00  }
0x6b: {  	_ =	swait.ge [sflag:s9], $0x400  }
0x6c: {  	[sflag:s9] =	ssyncset.done $0x0  }
0x6d: {  	[sflag:s9] =	ssyncadd.s32 $0xFFFFFC00  }
0x6e: {  	[tilespmem:s20], [sflag:$0x1] =	stream.indirect.gather [hbm4b:s4+s19], $0x40, s21, s19, $0xb8;
	[tilespmem:$0xEE80] =	vst v63  }
0x6f: {  	_ =	swait.ge [sflag:s26], $0x1F40  }
0x70: {  	[sflag:s26] =	ssyncset.done $0x0  }
0x71: {  	s23 =	simm.s32 $0x780;
	[sflag:s26] =	ssyncadd.s32 $0xFFFFE0C0  }
0x72: {  	[spmem:s2] =	stream.indirect.scatter.add.f32 [tilespmem:s24], [sflag:$0x5], $0x40, s23, s19, $0xb8;
	[tilespmem:$0xEE80] =	vst v63  }
0x73: {  	_ =	swait.ge [sflag:s16], $0x1F40  }
0x74: {  	s13 =	sadd.s32 s31, s12;
	[sflag:s16] =	ssyncset.done $0x0  }
0x75: {  	s23 =	sadd.s32 s5, s13;
	[sflag:s16] =	ssyncadd.s32 $0xFFFFE0C0  }
0x76: {  	[tilespmem:s3], [sflag:$0x3] =	stream.linear.gather [hbm4b:s23+s3], $0x400, $0x38;
	[tilespmem:$0xEE80] =	vst v63  }
0x77: {  	s13 =	sadd.s32 s6, s13  }
0x78: {  	[tilespmem:s17], [sflag:$0x3] =	stream.linear.gather [hbm4b:s13+s3], $0x400, $0x38;
	[tilespmem:$0xEE80] =	vst v63  }
0x79: {  	s23 =	simm.s32 $0x880  }
0x7a: {  	[tilespmem:s24], [sflag:$0x2] =	stream.indirect.gather [hbm4b:s4+s19], $0x40, s23, s19, $0xb8;
	[tilespmem:$0xEE80] =	vst v63  }
0x7b: {  	_ =	swait.ge [sflag:s25], $0x1F40  }
0x7c: {  	[sflag:s25] =	ssyncset.done $0x0  }
0x7d: {  	[sflag:s25] =	ssyncadd.s32 $0xFFFFE0C0  }
0x7e: {  	[spmem:s2] =	stream.indirect.scatter.add.f32 [tilespmem:s20], [sflag:$0x5], $0x40, s22, s19, $0xb8;
	[tilespmem:$0xEE80] =	vst v63  }
0x7f: {  	_ =	swait.ge [sflag:s16], $0x1F40  }
0x80: {  	[sflag:s16] =	ssyncset.done $0x0  }
0x81: {  	s23 =	simm.s32 $0x900;
	[sflag:s16] =	ssyncadd.s32 $0xFFFFE0C0  }
0x82: {  	[tilespmem:s20], [sflag:$0x1] =	stream.indirect.gather [hbm4b:s4+s19], $0x40, s23, s19, $0xb8;
	[tilespmem:$0xEE80] =	vst v63  }
0x83: {  	_ =	swait.ge [sflag:s26], $0x1F40  }
0x84: {  	[sflag:s26] =	ssyncset.done $0x0  }
0x85: {  	s23 =	simm.s32 $0xC80;
	[sflag:s26] =	ssyncadd.s32 $0xFFFFE0C0  }
0x86: {  	[spmem:s2] =	stream.indirect.scatter.add.f32 [tilespmem:s24], [sflag:$0x5], $0x40, s23, s19, $0xb8;
	[tilespmem:$0xEE80] =	vst v63  }
0x87: {  	_ =	swait.ge [sflag:s16], $0x1F40  }
0x88: {  	[sflag:s16] =	ssyncset.done $0x0  }
0x89: {  	s23 =	simm.s32 $0x980;
	[sflag:s16] =	ssyncadd.s32 $0xFFFFE0C0  }
0x8a: {  	[tilespmem:s24], [sflag:$0x2] =	stream.indirect.gather [hbm4b:s4+s19], $0x40, s23, s19, $0xb8;
	[tilespmem:$0xEE80] =	vst v63  }
0x8b: {  	_ =	swait.ge [sflag:s25], $0x1F40  }
0x8c: {  	[sflag:s25] =	ssyncset.done $0x0  }
0x8d: {  	[sflag:s25] =	ssyncadd.s32 $0xFFFFE0C0  }
0x8e: {  	[spmem:s2] =	stream.indirect.scatter.add.f32 [tilespmem:s20], [sflag:$0x5], $0x40, s8, s19, $0xb8;
	[tilespmem:$0xEE80] =	vst v63  }
0x8f: {  	_ =	swait.ge [sflag:s16], $0x1F40  }
0x90: {  	[sflag:s16] =	ssyncset.done $0x0  }
0x91: {  	[sflag:s16] =	ssyncadd.s32 $0xFFFFE0C0  }
0x92: {  	[tilespmem:s20], [sflag:$0x1] =	stream.indirect.gather [hbm4b:s4+s19], $0x40, s28, s19, $0xb8;
	[tilespmem:$0xEE80] =	vst v63  }
0x93: {  	_ =	swait.ge [sflag:s26], $0x1F40  }
0x94: {  	[sflag:s26] =	ssyncset.done $0x0  }
0x95: {  	[sflag:s26] =	ssyncadd.s32 $0xFFFFE0C0  }
0x96: {  	[spmem:s2] =	stream.indirect.scatter.add.f32 [tilespmem:s24], [sflag:$0x5], $0x40, s15, s19, $0xb8;
	[tilespmem:$0xEE80] =	vst v63  }
0x97: {  	_ =	swait.ge [sflag:s16], $0x1F40  }
0x98: {  	[sflag:s16] =	ssyncset.done $0x0  }
0x99: {  	[sflag:s16] =	ssyncadd.s32 $0xFFFFE0C0  }
0x9a: {  	[tilespmem:s24], [sflag:$0x2] =	stream.indirect.gather [hbm4b:s4+s19], $0x40, s1, s19, $0xb8;
	[tilespmem:$0xEE80] =	vst v63  }
0x9b: {  	_ =	swait.ge [sflag:s25], $0x1F40  }
0x9c: {  	[sflag:s25] =	ssyncset.done $0x0  }
0x9d: {  	[sflag:s25] =	ssyncadd.s32 $0xFFFFE0C0  }
0x9e: {  	[spmem:s2] =	stream.indirect.scatter.add.f32 [tilespmem:s20], [sflag:$0x5], $0x40, s0, s19, $0xb8;
	[tilespmem:$0xEE80] =	vst v63  }
0x9f: {  	_ =	swait.ge [sflag:s16], $0x1F40  }
0xa0: {  	[sflag:s16] =	ssyncset.done $0x0  }
0xa1: {  	[sflag:s16] =	ssyncadd.s32 $0xFFFFE0C0  }
0xa2: {  	[tilespmem:s20], [sflag:$0x1] =	stream.indirect.gather [hbm4b:s4+s19], $0x40, s14, s19, $0xb8;
	[tilespmem:$0xEE80] =	vst v63  }
0xa3: {  	_ =	swait.ge [sflag:s26], $0x1F40  }
0xa4: {  	[sflag:s26] =	ssyncset.done $0x0  }
0xa5: {  	[sflag:s26] =	ssyncadd.s32 $0xFFFFE0C0  }
0xa6: {  	[spmem:s2] =	stream.indirect.scatter.add.f32 [tilespmem:s24], [sflag:$0x5], $0x40, s11, s19, $0xb8;
	[tilespmem:$0xEE80] =	vst v63  }
0xa7: {  	_ =	swait.ge [sflag:s16], $0x1F40  }
0xa8: {  	[sflag:s16] =	ssyncset.done $0x0  }
0xa9: {  	[sflag:s16] =	ssyncadd.s32 $0xFFFFE0C0  }
0xaa: {  	[tilespmem:s24], [sflag:$0x2] =	stream.indirect.gather [hbm4b:s4+s19], $0x40, s30, s19, $0xb8;
	[tilespmem:$0xEE80] =	vst v63  }
0xab: {  	_ =	swait.ge [sflag:s25], $0x1F40  }
0xac: {  	[sflag:s25] =	ssyncset.done $0x0  }
0xad: {  	[sflag:s25] =	ssyncadd.s32 $0xFFFFE0C0  }
0xae: {  	[spmem:s2] =	stream.indirect.scatter.add.f32 [tilespmem:s20], [sflag:$0x5], $0x40, s10, s19, $0xb8;
	[tilespmem:$0xEE80] =	vst v63  }
0xaf: {  	_ =	swait.ge [sflag:s16], $0x1F40  }
0xb0: {  	[sflag:s16] =	ssyncset.done $0x0  }
0xb1: {  	[sflag:s16] =	ssyncadd.s32 $0xFFFFE0C0  }
0xb2: {  	_ =	swait.ge [sflag:s18], $0x400  }
0xb3: {  	[sflag:s18] =	ssyncset.done $0x0  }
0xb4: {  	[sflag:s18] =	ssyncadd.s32 $0xFFFFFC00  }
0xb5: {  	_ =	swait.ge [sflag:s18], $0x400  }
0xb6: {  	[sflag:s18] =	ssyncset.done $0x0  }
0xb7: {  	[sflag:s18] =	ssyncadd.s32 $0xFFFFFC00  }
0xb8: {  	[tilespmem:s20], [sflag:$0x1] =	stream.indirect.gather [hbm4b:s4+s19], $0x40, s3, s19, $0xb8;
	[tilespmem:$0xEE80] =	vst v63  }
0xb9: {  	_ =	swait.ge [sflag:s26], $0x1F40  }
0xba: {  	p1 =	por p0, p0;
	[sflag:s26] =	ssyncset.done $0x0  }
.Ltmp0:
0xbb: {  	[sflag:s26] =	ssyncadd.s32 $0xFFFFE0C0;
	(pc) =	sbr.rel @p1 .LBB2_2-.Ltmp0, $4  }
0xbc: {  	[spmem:s2] =	stream.indirect.scatter.add.f32 [tilespmem:s24], [sflag:$0x5], $0x40, s29, s19, $0xb8;
	[tilespmem:$0xEE80] =	vst v63  }
0xbd: {  	_ =	swait.ge [sflag:s16], $0x1F40  }
0xbe: {  	[sflag:s16] =	ssyncset.done $0x0  }
0xbf: {  	p0 =	por $0x0, $0x0;
	s31 =	simm.s32 $0x100;
	[sflag:s16] =	ssyncadd.s32 $0xFFFFE0C0  }
0xc0: {  	s0 =	simm.s32 $0x80  }
0xc1: {  	[tilespmem:s24], [sflag:$0x2] =	stream.indirect.gather [hbm4b:s4+s19], $0x40, s0, s19, $0xb8;
	[tilespmem:$0xEE80] =	vst v63  }
0xc2: {  	_ =	swait.ge [sflag:s25], $0x1F40  }
0xc3: {  	[sflag:s25] =	ssyncset.done $0x0  }
0xc4: {  	[sflag:s25] =	ssyncadd.s32 $0xFFFFE0C0  }
0xc5: {  	[spmem:s2] =	stream.indirect.scatter.add.f32 [tilespmem:s20], [sflag:$0x5], $0x40, s17, s19, $0xb8;
	[tilespmem:$0xEE80] =	vst v63  }
0xc6: {  	_ =	swait.ge [sflag:s16], $0x1F40  }
0xc7: {  	[sflag:s16] =	ssyncset.done $0x0  }
0xc8: {  	s23 =	simm.s32 $0x100;
	[sflag:s16] =	ssyncadd.s32 $0xFFFFE0C0  }
0xc9: {  	[tilespmem:s20], [sflag:$0x1] =	stream.indirect.gather [hbm4b:s4+s19], $0x40, s23, s19, $0xb8;
	[tilespmem:$0xEE80] =	vst v63  }
0xca: {  	_ =	swait.ge [sflag:s26], $0x1F40  }
0xcb: {  	[sflag:s26] =	ssyncset.done $0x0  }
0xcc: {  	s13 =	simm.s32 $0x480;
	[sflag:s26] =	ssyncadd.s32 $0xFFFFE0C0  }
0xcd: {  	[spmem:s2] =	stream.indirect.scatter.add.f32 [tilespmem:s24], [sflag:$0x5], $0x40, s13, s19, $0xb8;
	[tilespmem:$0xEE80] =	vst v63  }
0xce: {  	_ =	swait.ge [sflag:s16], $0x1F40  }
0xcf: {  	[sflag:s16] =	ssyncset.done $0x0  }
0xd0: {  	s23 =	simm.s32 $0x180;
	[sflag:s16] =	ssyncadd.s32 $0xFFFFE0C0  }
0xd1: {  	[tilespmem:s24], [sflag:$0x2] =	stream.indirect.gather [hbm4b:s4+s19], $0x40, s23, s19, $0xb8;
	[tilespmem:$0xEE80] =	vst v63  }
0xd2: {  	_ =	swait.ge [sflag:s25], $0x1F40  }
0xd3: {  	[sflag:s25] =	ssyncset.done $0x0  }
0xd4: {  	s13 =	simm.s32 $0x500;
	[sflag:s25] =	ssyncadd.s32 $0xFFFFE0C0  }
0xd5: {  	[spmem:s2] =	stream.indirect.scatter.add.f32 [tilespmem:s20], [sflag:$0x5], $0x40, s13, s19, $0xb8;
	[tilespmem:$0xEE80] =	vst v63  }
0xd6: {  	_ =	swait.ge [sflag:s16], $0x1F40  }
0xd7: {  	[sflag:s16] =	ssyncset.done $0x0  }
0xd8: {  	s23 =	simm.s32 $0x200;
	[sflag:s16] =	ssyncadd.s32 $0xFFFFE0C0  }
0xd9: {  	[tilespmem:s20], [sflag:$0x1] =	stream.indirect.gather [hbm4b:s4+s19], $0x40, s23, s19, $0xb8;
	[tilespmem:$0xEE80] =	vst v63  }
0xda: {  	_ =	swait.ge [sflag:s26], $0x1F40  }
0xdb: {  	[sflag:s26] =	ssyncset.done $0x0  }
0xdc: {  	s13 =	simm.s32 $0x580;
	[sflag:s26] =	ssyncadd.s32 $0xFFFFE0C0  }
0xdd: {  	[spmem:s2] =	stream.indirect.scatter.add.f32 [tilespmem:s24], [sflag:$0x5], $0x40, s13, s19, $0xb8;
	[tilespmem:$0xEE80] =	vst v63  }
0xde: {  	_ =	swait.ge [sflag:s16], $0x1F40  }
0xdf: {  	[sflag:s16] =	ssyncset.done $0x0  }
0xe0: {  	s23 =	simm.s32 $0x280;
	[sflag:s16] =	ssyncadd.s32 $0xFFFFE0C0  }
0xe1: {  	[tilespmem:s24], [sflag:$0x2] =	stream.indirect.gather [hbm4b:s4+s19], $0x40, s23, s19, $0xb8;
	[tilespmem:$0xEE80] =	vst v63  }
0xe2: {  	_ =	swait.ge [sflag:s25], $0x1F40  }
0xe3: {  	[sflag:s25] =	ssyncset.done $0x0  }
0xe4: {  	s13 =	simm.s32 $0x600;
	[sflag:s25] =	ssyncadd.s32 $0xFFFFE0C0  }
0xe5: {  	[spmem:s2] =	stream.indirect.scatter.add.f32 [tilespmem:s20], [sflag:$0x5], $0x40, s13, s19, $0xb8;
	[tilespmem:$0xEE80] =	vst v63  }
0xe6: {  	_ =	swait.ge [sflag:s16], $0x1F40  }
0xe7: {  	[sflag:s16] =	ssyncset.done $0x0  }
0xe8: {  	s23 =	simm.s32 $0x300;
	[sflag:s16] =	ssyncadd.s32 $0xFFFFE0C0  }
0xe9: {  	[tilespmem:s20], [sflag:$0x1] =	stream.indirect.gather [hbm4b:s4+s19], $0x40, s23, s19, $0xb8;
	[tilespmem:$0xEE80] =	vst v63  }
0xea: {  	_ =	swait.ge [sflag:s26], $0x1F40  }
0xeb: {  	[sflag:s26] =	ssyncset.done $0x0  }
0xec: {  	s13 =	simm.s32 $0x680;
	[sflag:s26] =	ssyncadd.s32 $0xFFFFE0C0  }
0xed: {  	[spmem:s2] =	stream.indirect.scatter.add.f32 [tilespmem:s24], [sflag:$0x5], $0x40, s13, s19, $0xb8;
	[tilespmem:$0xEE80] =	vst v63  }
0xee: {  	_ =	swait.ge [sflag:s16], $0x1F40  }
0xef: {  	[sflag:s16] =	ssyncset.done $0x0  }
0xf0: {  	s23 =	simm.s32 $0x380;
	[sflag:s16] =	ssyncadd.s32 $0xFFFFE0C0  }
0xf1: {  	[tilespmem:s24], [sflag:$0x2] =	stream.indirect.gather [hbm4b:s4+s19], $0x40, s23, s19, $0xb8;
	[tilespmem:$0xEE80] =	vst v63  }
0xf2: {  	_ =	swait.ge [sflag:s25], $0x1F40  }
0xf3: {  	[sflag:s25] =	ssyncset.done $0x0  }
0xf4: {  	s13 =	simm.s32 $0x700;
	[sflag:s25] =	ssyncadd.s32 $0xFFFFE0C0  }
0xf5: {  	[spmem:s2] =	stream.indirect.scatter.add.f32 [tilespmem:s20], [sflag:$0x5], $0x40, s13, s19, $0xb8;
	[tilespmem:$0xEE80] =	vst v63  }
0xf6: {  	_ =	swait.ge [sflag:s16], $0x1F40  }
0xf7: {  	[sflag:s16] =	ssyncset.done $0x0  }
0xf8: {  	[sflag:s16] =	ssyncadd.s32 $0xFFFFE0C0  }
0xf9: {  	_ =	swait.ge [sflag:s26], $0x1F40  }
0xfa: {  	[sflag:s26] =	ssyncset.done $0x0  }
0xfb: {  	s23 =	simm.s32 $0x780;
	[sflag:s26] =	ssyncadd.s32 $0xFFFFE0C0  }
0xfc: {  	[spmem:s2] =	stream.indirect.scatter.add.f32 [tilespmem:s24], [sflag:$0x5], $0x40, s23, s19, $0xb8;
	[tilespmem:$0xEE80] =	vst v63  }
0xfd: {  	_ =	swait.ge [sflag:s16], $0x1F40  }
0xfe: {  	[sflag:s16] =	ssyncset.done $0x0  }
0xff: {  	[sflag:s16] =	ssyncadd.s32 $0xFFFFE0C0  }
0x100: {  	[bflag:$0x0] =	sbarrier.arrive $0xFFFF  }
0x101: {  	s23 =	rddreg [dreg:$0x4]  }
0x102: {  	s13 =	rddreg [dreg:$0x7]  }
0x103: {  	s31 =	rddreg [dreg:$0x9]  }
0x104: {  	[hbm:s13], [sflag:s23] =	dma.local [spmem:s31], $0x1400  }
0x105: {  	_ =	swait.ge [sflag:s16], $0x1400  }
0x106: {  	s13 =	rddreg [dreg:$0xa]  }
0x107: {  	s0 =	sadd.s32 $0x1, s13;
	s13 =	rddreg [dreg:$0x8]  }
0x108: {  	p0 =	sne.s32 s0, s13  }
.Ltmp1:
0x109: {  	_ = 	snop;
	(pc) =	sbr.rel @p0 .LBB2_1-.Ltmp1, $3  }
0x10a: {  	_ =	sdelay $0x1  }
0x10b: {  	[sflag:s16] =	ssyncset.done $0x0  }
0x10c: {  	[sflag:s16] =	ssyncadd.s32 $0xFFFFEC00  }
0x10d: {  	_ =	sfence.sel $0x180000  }
0x10e: {  	[bflag:$0x0] =	sbarrier.arrive $0xFFFF  }
0x10f: {  	_ =	strace $0x9000004D  }
0x110: {  	s0 =	stileid.u32;
	[bflag:$0x2] =	sbarrier.arrive $0xFFFF  }
0x111: {  	p0 =	sne.s32 s0, $0x0;
	s0 =	rddreg [dreg:$0x2]  }
0x112: {  	s0 =	sadd.s32 @!p0 $0x100000, s0  }
0x113: {  	[sflag:s0] =	ssyncadd.tile.s32 @!p0 $0x1;
	_ =	shalt  }
.Lfunc_end2:
_tile_overlayer_lowered:
.L_overlay_start_2:
0x114: {  	(tag) =	ssettag $0x2  }
0x115: {  	s0 =	rddreg [dreg:$0x0];
	s2 =	stileid.u32  }
0x116: {  	s1 =	rddreg [dreg:$0x1];
	p0 =	sne.s32 s2, $0x0  }
0x117: {  	s3 =	rddreg [dreg:$0x2];
	[bflag:$0x3] =	sbarrier.arrive $0xFFFF;
	s2 =	simm.s32 @!p0 $0x1C05  }
0x118: {  	[timem:s3], [sflag:s2] =	dma.local @!p0 [hbm:s0], s1  }
0x119: {  	s0 =	simm.s32 @!p0 $0x5  }
0x11a: {  	_ =	swait.ge @!p0 [sflag:s0], s1  }
0x11b: {  	s1 =	ssub.s32 @!p0 $0x0, s1;
	[sflag:s0] =	ssyncset.done @!p0 $0x0  }
0x11c: {  	[sflag:s0] =	ssyncadd.s32 @!p0 s1  }
0x11d: {  	[bflag:$0x3] =	sbarrier.arrive $0xFFFF  }
0x11e: {  	_ =	shalt  }

// kernel: kernel.7.cloned.1.call-start
scs
__scs_entry_jumppad:
0x0: {  	(pc) =	sbr.rel $0x88, $3  }
0x1: {  	(tag) =	ssettag $0x0;
	lr =	simm.s32 $0x1  }
0x2: {  	[smem:$0x3F9B] =	sst lr;
	_ =	strace $0xD0000000  }
0x3: {  	_ = 	snop  }
0x4: {  	_ = 	snop  }
0x5: {  	_ = 	snop  }
0x6: {  	_ = 	snop  }
0x7: {  	_ = 	snop  }
__scs_overlays_trampoline_lowered:
0x8: {  	[smem:$0x3FAA] =	sst s0  }
0x9: {  	[smem:$0x3FAB] =	sst s1  }
0xa: {  	[smem:$0x3FAC] =	sst s2  }
0xb: {  	[smem:$0x3FAD] =	sst s3  }
0xc: {  	[smem:$0x3FAE] =	sst s4  }
0xd: {  	[smem:$0x3FAF] =	sst s5  }
0xe: {  	[smem:$0x3FB0] =	sst s6  }
0xf: {  	[smem:$0x3FB1] =	sst s7  }
0x10: {  	[smem:$0x3FB2] =	sst s8  }
0x11: {  	[smem:$0x3FB3] =	sst s9;
	s0 =	simm.s32 @!p0 $0x0  }
0x12: {  	s1 =	sld [smem:$0x3F99];
	s0 =	simm.s32 @p0 $0x1  }
0x13: {  	[smem:$0x3FB4] =	sst s0;
	s0 =	simm.s32 @!p1 $0x0  }
0x14: {  	s2 =	sld [smem:$0x3F98];
	s0 =	simm.s32 @p1 $0x1  }
0x15: {  	[smem:$0x3FB5] =	sst s0;
	s0 =	simm.s32 @!p2 $0x0  }
0x16: {  	s3 =	sld [smem:$0x3FDB];
	s0 =	simm.s32 @p2 $0x1  }
0x17: {  	s4 =	simm.s32 $0x1BF5;
	[smem:$0x3FB7] =	sst s0  }
0x18: {  	s0 =	sld [smem:$0x3F9A];
	_ =	swait.ge [sflag:s4], $0x0  }
0x19: {  	s7 =	sld [smem:$0x3F9B]  }
0x1a: {  	s8 =	sadd.s32 $0xFFFFE003, lr  }
0x1b: {  	s9 =	sadd.s32 $0xFFFFFEF7, lr;
	s5 =	simm.s32 $0xFFFFFFFF;
	p2 =	slt.u32 s8, $0xFFFFF086  }
0x1c: {  	p1 =	slt.u32 s9, $0xF7A;
	s5 =	simm.s32 @!p2 $0x0  }
0x1d: {  	s5 =	simm.s32 @p1 $0x1;
	p0 =	seq.s32 s7, s2  }
0x1e: {  	s7 =	smul.u32 @!p0 $0xF7A, s2;
	p2 =	seq.s32 @!p0 s5, $0x0  }
0x1f: {  	s9 =	smul.u32 $0xF7A, s1;
	s8 =	simm.s32 @!p0 $0x1BF5;
	p2 =	por !p2, p0  }
0x20: {  	[sflag:s8] =	ssyncset.s32 @!p0 $0xFFFFF086;
	s6 =	sadd.s32 @!p0 s3, s7;
	s7 =	simm.s32 @!p0 $0x108  }
0x21: {  	s3 =	sadd.s32 s3, s9;
	s6 =	sadd.s32 @!p0 $0x88, s6;
	s7 =	simm.s32 @p2 $0x1082  }
0x22: {  	[simem:s7], [sflag:s8] =	dma.local @!p0 [hbm:s6], $0xF7A  }
0x23: {  	s9 =	sor.u32 $0xD0000000, s2;
	s6 =	simm.s32 $0x108;
	_ =	swait.ge @!p0 [sflag:s8], $0x0  }
0x24: {  	s3 =	sadd.s32 $0x88, s3;
	s6 =	simm.s32 @!p1 $0x1082;
	[sflag:s4] =	ssyncset.s32 $0xFFFFF086  }
0x25: {  	[simem:s6], [sflag:s4] =	dma.local [hbm:s3], $0xF7A  }
0x26: {  	[smem:$0x3F9B] =	sst s1;
	(tag) =	ssettag s2;
	_ =	strace s9  }
0x27: {  	s1 =	sld [smem:$0x3FAB]  }
0x28: {  	s2 =	sld [smem:$0x3FAC]  }
0x29: {  	s4 =	sld [smem:$0x3FAE]  }
0x2a: {  	p0 =	seq.s32 s5, $0x0;
	s5 =	sld [smem:$0x3FAF]  }
0x2b: {  	s6 =	sld [smem:$0x3FB0]  }
0x2c: {  	s7 =	sld [smem:$0x3FB1]  }
0x2d: {  	s3 =	simm.s32 $0x108;
	s8 =	sld [smem:$0x3FB2]  }
0x2e: {  	s3 =	simm.s32 @!p0 $0x1082;
	s9 =	sld [smem:$0x3FB3]  }
0x2f: {  	lr =	sadd.s32 s0, s3;
	s0 =	sld [smem:$0x3FAA]  }
0x30: {  	s3 =	sld [smem:$0x3FAD]  }
0x31: {  	[smem:$0x3FB6] =	sst s10  }
0x32: {  	s10 =	sld [smem:$0x3FB4];
	_ =	sdelay $0x3  }
0x33: {  	p0 =	seq.s32 s10, $0x1;
	s10 =	sld [smem:$0x3FB6];
	_ =	sdelay $0x3  }
0x34: {  	[smem:$0x3FB6] =	sst s10  }
0x35: {  	s10 =	sld [smem:$0x3FB5];
	_ =	sdelay $0x3  }
0x36: {  	p1 =	seq.s32 s10, $0x1;
	s10 =	sld [smem:$0x3FB6];
	_ =	sdelay $0x3  }
0x37: {  	[smem:$0x3FB6] =	sst s10  }
0x38: {  	s10 =	sld [smem:$0x3FB7]  }
0x39: {  	_ = 	snop;
	(pc) =	sbr.ind lr, $3  }
0x3a: {  	_ = 	snop  }
0x3b: {  	_ = 	snop  }
0x3c: {  	p2 =	seq.s32 s10, $0x1;
	s10 =	sld [smem:$0x3FB6]  }
0x3d: {  	_ =	shalt  }
0x3e: {  	_ =	shalt  }
0x3f: {  	_ =	shalt  }
0x40: {  	_ =	shalt  }
0x41: {  	_ =	shalt  }
0x42: {  	_ =	shalt  }
0x43: {  	_ =	shalt  }
0x44: {  	_ =	shalt  }
0x45: {  	_ =	shalt  }
0x46: {  	_ =	shalt  }
0x47: {  	_ =	shalt  }
0x48: {  	_ =	shalt  }
0x49: {  	_ =	shalt  }
0x4a: {  	_ =	shalt  }
0x4b: {  	_ =	shalt  }
0x4c: {  	_ =	shalt  }
0x4d: {  	_ =	shalt  }
0x4e: {  	_ =	shalt  }
0x4f: {  	_ =	shalt  }
0x50: {  	_ =	shalt  }
0x51: {  	_ =	shalt  }
0x52: {  	_ =	shalt  }
0x53: {  	_ =	shalt  }
0x54: {  	_ =	shalt  }
0x55: {  	_ =	shalt  }
0x56: {  	_ =	shalt  }
0x57: {  	_ =	shalt  }
0x58: {  	_ =	shalt  }
0x59: {  	_ =	shalt  }
0x5a: {  	_ =	shalt  }
0x5b: {  	_ =	shalt  }
0x5c: {  	_ =	shalt  }
0x5d: {  	_ =	shalt  }
0x5e: {  	_ =	shalt  }
0x5f: {  	_ =	shalt  }
0x60: {  	_ =	shalt  }
0x61: {  	_ =	shalt  }
0x62: {  	_ =	shalt  }
0x63: {  	_ =	shalt  }
0x64: {  	_ =	shalt  }
0x65: {  	_ =	shalt  }
0x66: {  	_ =	shalt  }
0x67: {  	_ =	shalt  }
0x68: {  	_ =	shalt  }
0x69: {  	_ =	shalt  }
0x6a: {  	_ =	shalt  }
0x6b: {  	_ =	shalt  }
0x6c: {  	_ =	shalt  }
0x6d: {  	_ =	shalt  }
0x6e: {  	_ =	shalt  }
0x6f: {  	_ =	shalt  }
0x70: {  	_ =	shalt  }
0x71: {  	_ =	shalt  }
0x72: {  	_ =	shalt  }
0x73: {  	_ =	shalt  }
0x74: {  	_ =	shalt  }
0x75: {  	_ =	shalt  }
0x76: {  	_ =	shalt  }
0x77: {  	_ =	shalt  }
0x78: {  	_ =	shalt  }
0x79: {  	_ =	shalt  }
0x7a: {  	_ =	shalt  }
0x7b: {  	_ =	shalt  }
0x7c: {  	_ =	shalt  }
0x7d: {  	_ =	shalt  }
0x7e: {  	_ =	shalt  }
0x7f: {  	_ =	shalt  }
0x80: {  	_ =	shalt  }
0x81: {  	_ =	shalt  }
0x82: {  	_ =	shalt  }
0x83: {  	_ =	shalt  }
0x84: {  	_ =	shalt  }
0x85: {  	_ =	shalt  }
0x86: {  	_ =	shalt  }
0x87: {  	_ =	shalt  }
.Lfunc_end0:
.L_simem_size_0:
called_computation_lowered:
.L_overlay_start_0:
0x88: {  	s2 =	sld [smem:$0x3FD9]  }
0x89: {  	s3 =	sld [smem:$0x3FFE];
	_ =	sdelay $0x1  }
0x8a: {  	s1 =	srdreg.scid  }
0x8b: {  	s0 =	sand.u32 $0x1, s1  }
0x8c: {  	s16 =	sshll.u32 s0, $0xA;
	s2 =	sadd.s32 s3, s2  }
0x8d: {  	s2 =	sadd.s32 s2, s16  }
0x8e: {  	[smem:$0x3FC2] =	sst s2  }
0x8f: {  	_ = 	snop  }
0x90: {  	(tm) =	ssettm $0x1  }
0x91: {  	s17 =	sld [smem:$0x3FFB];
	_ =	sdelay $0x3  }
0x92: {  	_ =	strace s17  }
0x93: {  	s2 =	sld [smem:$0x3FFC];
	_ =	sdelay $0x3  }
0x94: {  	_ =	strace s2  }
0x95: {  	s2 =	sld [smem:$0x3FFD];
	_ =	sdelay $0x3  }
0x96: {  	_ =	strace s2  }
0x97: {  	_ =	strace $0x8FFFFFFF  }
0x98: {  	s18 =	sld [smem:$0x3FDB];
	_ =	sdelay $0x1  }
0x99: {  	s19 =	simm.s32 $_scs_section_size  }
0x9a: {  	s4 =	simm.s32 $_size__tile_overlayer_lowered;
	s5 =	simm.s32 $_tile_overlayer_lowered  }
0x9b: {  	s22 =	simm.s32 $0x1BFF;
	s21 =	sshll.u32 s5, $0x1;
	s2 =	sadd.s32 s19, s18  }
0x9c: {  	s6 =	simm.s32 $0x0;
	s20 =	sshll.u32 s4, $0x1;
	s4 =	sadd.s32 s21, s2  }
0x9d: {  	[timem:s6], [sflag:s22] =	dma.local [hbm:s4], s20  }
0x9e: {  	_ =	swait.ge [sflag:s22], s20  }
0x9f: {  	s3 =	ssub.s32 $0x0, s20;
	[sflag:s22] =	ssyncset.done $0x0  }
0xa0: {  	[sflag:s22] =	ssyncadd.s32 s3;
	_ =	sdelay $0x1  }
0xa1: {  	s23 =	simm.s32 $0x1B8B  }
0xa2: {  	_ =	swait.ge [sflag:s23], $0x1  }
0xa3: {  	[sflag:s23] =	ssyncset.done $0x0  }
0xa4: {  	s25 =	simm.s32 $0x1B8E;
	s24 =	sld [smem:$0x3FFE];
	[sflag:s23] =	ssyncadd.s32 $0xFFFFFFFF  }
0xa5: {  	s26 =	simm.s32 $execute0_lowered;
	[smem:$0x3FD2] =	sst s25  }
0xa6: {  	s4 =	sshll.u32 s26, $0x1;
	_ =	strace $0x80000046;
	[dreg:$0x1] =	wrdreg $0xFFFFFFFF  }
0xa7: {  	s28 =	simm.s32 $_size_execute0_lowered;
	s2 =	sadd.s32 s2, s4;
	[dreg:$0x0] =	wrdreg $0x0  }
0xa8: {  	s4 =	sshll.u32 s28, $0x1;
	[dreg:$0x2] =	wrdreg s2  }
0xa9: {  	[dreg:$0x3] =	wrdreg s4  }
0xaa: {  	[dreg:$0x4] =	wrdreg $0xC0  }
0xab: {  	_ =	task [dreg:s6], $0x5FFFF  }
0xac: {  	[dreg:$0x1] =	wrdreg $0xFFFFFFFF  }
0xad: {  	[dreg:$0x0] =	wrdreg $0x60  }
0xae: {  	[dreg:$0x2] =	wrdreg s24  }
0xaf: {  	[dreg:$0x3] =	wrdreg $0x14800  }
0xb0: {  	[dreg:$0x4] =	wrdreg $0x9  }
0xb1: {  	_ =	task.clear_ibuf [dreg:s6], $0x5FFFF;
	_ =	strace $0x90000046  }
0xb2: {  	s29 =	simm.s32 $0x9;
	_ =	strace $0x80000048  }
0xb3: {  	_ =	swait.ge [sflag:s29], $0x1  }
0xb4: {  	[sflag:s29] =	ssyncadd.s32 $0xFFFFFFFF  }
0xb5: {  	_ =	strace $0x90000048  }
0xb6: {  	_ =	sfence  }
0xb7: {  	s30 =	sld [smem:$0x0];
	_ =	sdelay $0x2  }
0xb8: {  	s31 =	sshll.u32 s1, $0xD;
	s1 =	sshrl.u32 s1, $0x2  }
0xb9: {  	s3 =	sand.u32 $0x4000, s31;
	s1 =	sadd.s32 s1, s30  }
0xba: {  	s0 =	sor.u32 s3, s0;
	s1 =	sshll.u32 s1, $0x11  }
0xbb: {  	s0 =	sor.u32 s1, s0  }
0xbc: {  	s0 =	sadd.s32 $0x8F2B, s0  }
0xbd: {  	[sflag:s0] =	ssyncadd.remote.s32 $0x1  }
0xbe: {  	_ =	sfence.sel $0xFFFF  }
0xbf: {  	[dreg:$0x0] =	wrdreg $0xFFFFFFFF;
	(pc) =	sbr.abs _section_cstart, $3  }
0xc0: {  	[dreg:$0x1] =	wrdreg $0xFFFFFFFF  }
0xc1: {  	_ =	task.clear_ibuf [dreg:s6], $0x2FFFF;
	_ =	strace $0x9FFFFFFF  }
0xc2: {  	(tm) =	ssettm $0x7FFFFFFF  }
0xc3: {  	_ =	shalt  }
tec
execute0_lowered:
.L_overlay_start_1:
0x0: {  	(tag) =	ssettag $0x1  }
0x1: {  	s5 =	rddreg [dreg:$0x0];
	s1 =	srdreg.scid  }
0x2: {  	s0 =	stileid.u32;
	s2 =	rddreg [dreg:$0x1];
	s3 =	simm.s32 $0x0  }
0x3: {  	s13 =	simm.s32 $0x7D;
	s14 =	simm.s32 $0x20;
	s15 =	simm.s32 $0x10  }
0x4: {  	s6 =	sand.u32 $0x1, s1;
	s7 =	smul.u32 $0x280, s0;
	s1 =	rddreg [dreg:$0x2]  }
0x5: {  	s16 =	simm.s32 $0x0;
	[smem:$0x7FF] =	sst s3;
	s8 =	smul.u32 $0x500, s0  }
0x6: {  	s31 =	sshll.u32 s0, $0x6;
	s4 =	smul.u32 $0x2800, s6;
	s9 =	sshll.u32 s6, $0x7  }
0x7: {  	_ =	strace $0x80000047;
	s6 =	ssub.s32 $0x2, s6;
	s8 =	sor.u32 s9, s8  }
0x8: {  	s29 =	sshrl.u32 s7, $0x3;
	s30 =	sshrl.u32 s6, $0x1;
	s12 =	sadd.s32 s7, s2  }
0x9: {  	s4 =	sadd.s32 s7, s4;
	s8 =	sshrl.u32 s8, $0x3;
	s9 =	sadd.s32 s29, s5  }
0xa: {  	s11 =	ssub.s32 s6, s30;
	s6 =	sor.u32 $0x1C01, s31;
	s10 =	sadd.s32 s4, s5  }
0xb: {  	s4 =	sadd.s32 $0x6800, s5;
	s8 =	sadd.s32 s8, s5;
	s5 =	sadd.s32 $0x6200, s9  }
0xc: {  	s9 =	smax.u32 s11, $0x1;
	s11 =	simm.s32 $0x1;
	s7 =	sadd.s32 $0x1200, s10  }
0xd: {  	s8 =	sadd.s32 $0x6A00, s8;
	s10 =	sshrl.u32 s12, $0x3;
	s12 =	simm.s32 $0x1400  }
.LBB2_1:
0xe: {  	[spmem:s10], [sflag:s6] =	dma.local [hbm:s5], $0x50  }
0xf: {  	_ =	swait.ge [sflag:s11], $0x50  }
0x10: {  	[sflag:s11] =	ssyncset.done $0x0  }
0x11: {  	[sflag:s11] =	ssyncadd.s32 $0xFFFFFFB0  }
0x12: {  	[tilespmem:s12], [sflag:$0x1] =	stream.linear.gather [hbm4b:s4+s3], $0x7D, $0x38;
	[tilespmem:$0x1700] =	vst v63  }
0x13: {  	_ =	swait.ge [sflag:s11], $0x7D  }
0x14: {  	[sflag:s11] =	ssyncset.done $0x0  }
0x15: {  	[sflag:s11] =	ssyncadd.s32 $0xFFFFFF83  }
0x16: {  	[tilespmem:s3], [sflag:$0x1] =	stream.linear.gather [hbm4b:s7+s3], $0x1400, $0x38;
	[tilespmem:$0x1700] =	vst v63  }
0x17: {  	_ =	swait.ge [sflag:s11], $0x1400  }
0x18: {  	[sflag:s11] =	ssyncset.done $0x0  }
0x19: {  	[sflag:s11] =	ssyncadd.s32 $0xFFFFEC00  }
0x1a: {  	s17 =	simm.s32 $0x0;
	[bflag:$0x0] =	sbarrier.arrive $0xFFFF  }
0x1b: {  	[spmem:s2] =	stream.indirect.scatter.add.f32 [tilespmem:s12], [sflag:$0x1], $0x1, s17, s13, $0xb8;
	[tilespmem:$0x1700] =	vst v63  }
0x1c: {  	_ =	swait.ge [sflag:s11], $0x7D  }
0x1d: {  	s17 =	simm.s32 $0x200;
	[sflag:s11] =	ssyncset.done $0x0  }
.LBB2_2:
0x1e: {  	s18 =	sshra.s32 s17, $0x2;
	[sflag:s11] =	ssyncadd.s32 $0xFFFFFF83;
	p0 =	sne.s32 s17, $0x4E00  }
0x1f: {  	[spmem:s2] =	stream.indirect.scatter.add.f32 [tilespmem:s12], [sflag:$0x1], $0x1, s18, s13, $0xb8;
	[tilespmem:$0x1700] =	vst v63  }
.Ltmp0:
0x20: {  	_ = 	snop;
	(pc) =	sbr.rel @p0 .LBB2_2-.Ltmp0, $4  }
0x21: {  	_ = 	snop  }
0x22: {  	s17 =	sadd.s32 $0x200, s17  }
0x23: {  	_ =	swait.ge [sflag:s11], $0x7D  }
0x24: {  	[sflag:s11] =	ssyncset.done $0x0  }
0x25: {  	s16 =	sadd.s32 $0x1, s16  }
0x26: {  	[sflag:s11] =	ssyncadd.s32 $0xFFFFFF83;
	p0 =	sne.s32 s16, s9  }
.Ltmp1:
0x27: {  	[bflag:$0x0] =	sbarrier.arrive $0xFFFF;
	(pc) =	sbr.rel @p0 .LBB2_1-.Ltmp1, $4  }
0x28: {  	[hbm:s8@s14], [sflag:s6] =	dma.strided [spmem:s10@s15], $0x50, s11, $0x10   }
0x29: {  	_ =	swait.ge [sflag:s11], $0x50  }
0x2a: {  	[sflag:s11] =	ssyncset.done $0x0  }
0x2b: {  	[sflag:s11] =	ssyncadd.s32 $0xFFFFFFB0  }
0x2c: {  	_ =	sfence.sel $0x180000  }
0x2d: {  	[bflag:$0x0] =	sbarrier.arrive $0xFFFF  }
0x2e: {  	p0 =	sne.s32 s0, $0x0;
	_ =	strace $0x90000047  }
0x2f: {  	s0 =	sadd.s32 @!p0 $0x100000, s1;
	[bflag:$0x2] =	sbarrier.arrive $0xFFFF  }
0x30: {  	[sflag:s0] =	ssyncadd.tile.s32 @!p0 $0x1;
	_ =	shalt  }
.Lfunc_end2:
_tile_overlayer_lowered:
.L_overlay_start_2:
0x31: {  	(tag) =	ssettag $0x2  }
0x32: {  	s0 =	rddreg [dreg:$0x0];
	s2 =	stileid.u32  }
0x33: {  	s1 =	rddreg [dreg:$0x1];
	p0 =	sne.s32 s2, $0x0  }
0x34: {  	s3 =	rddreg [dreg:$0x2];
	[bflag:$0x3] =	sbarrier.arrive $0xFFFF;
	s2 =	simm.s32 @!p0 $0x1C01  }
0x35: {  	[timem:s3], [sflag:s2] =	dma.local @!p0 [hbm:s0], s1  }
0x36: {  	s0 =	simm.s32 @!p0 $0x1  }
0x37: {  	_ =	swait.ge @!p0 [sflag:s0], s1  }
0x38: {  	s1 =	ssub.s32 @!p0 $0x0, s1;
	[sflag:s0] =	ssyncset.done @!p0 $0x0  }
0x39: {  	[sflag:s0] =	ssyncadd.s32 @!p0 s1  }
0x3a: {  	[bflag:$0x3] =	sbarrier.arrive $0xFFFF  }
0x3b: {  	_ =	shalt  }

</sc_bundles>
